<compile_context>
chip_gen: v7x
topology: tpu7x:2x2x1
jax: 0.10.2.dev20260603
libtpu: 0.0.44.dev20260713+nightly
codegen_flags: <defaults>
</compile_context>

<pallas_src>
import functools

import jax
import jax.numpy as jnp
from jax import lax
from jax.experimental import pallas as pl
from jax.experimental.pallas import tpu as pltpu
from jax.experimental.pallas import tpu_sc as plsc

EMB_DIM = 32
NC, NS = 2, 16
NW = NC * NS
SUP_ROWS = 16


@functools.lru_cache(maxsize=None)
def _build(n_rows: int, hist: int, vocab: int):
    assert n_rows % (NW * SUP_ROWS) == 0
    rows_w = n_rows // NW
    n_super = rows_w // SUP_ROWS
    assert n_super >= 2 and n_super % 2 == 0

    mesh = plsc.VectorSubcoreMesh(core_axis_name="c", subcore_axis_name="s")

    @functools.partial(
        pl.kernel,
        out_type=jax.ShapeDtypeStruct((n_rows, hist, EMB_DIM), jnp.float32),
        mesh=mesh,
        scratch_types=[
            pltpu.VMEM((rows_w, hist), jnp.int32),
            pltpu.VMEM((2, SUP_ROWS, hist, EMB_DIM), jnp.float32),
            pltpu.SemaphoreType.DMA,
            pltpu.SemaphoreType.DMA,
            pltpu.SemaphoreType.DMA,
        ],
        compiler_params=pltpu.CompilerParams(use_tc_tiling_on_sc=False),
    )
    def emb_gather(x_hbm, w_hbm, out_hbm, idx_v, buf_v, gsem, ssem0, ssem1):
        wid = lax.axis_index("s") * NC + lax.axis_index("c")
        base = wid * rows_w
        pltpu.sync_copy(x_hbm.at[pl.ds(base, rows_w)], idx_v)
        ssems = (ssem0, ssem1)

        def gather_super(sup, slot):
            descs = []
            for j in range(SUP_ROWS):
                descs.append(pltpu.async_copy(
                    w_hbm.at[idx_v.at[sup * SUP_ROWS + j]],
                    buf_v.at[slot, j],
                    gsem))
            for d in descs:
                d.wait()

        def store_super(sup, slot):
            pltpu.async_copy(
                buf_v.at[slot],
                out_hbm.at[pl.ds(base + sup * SUP_ROWS, SUP_ROWS)],
                ssems[slot])

        def wait_store(sup, slot):
            pltpu.make_async_copy(
                buf_v.at[slot],
                out_hbm.at[pl.ds(base + sup * SUP_ROWS, SUP_ROWS)],
                ssems[slot]).wait()

        gather_super(0, 0)
        store_super(0, 0)
        gather_super(1, 1)
        store_super(1, 1)
        wait_store(0, 0)

        def outer(t, carry):
            for s in range(2):
                sup = 2 + 2 * t + s
                gather_super(sup, s)
                store_super(sup, s)
                wait_store(sup - 1, 1 - s)
            return carry

        lax.fori_loop(0, (n_super - 2) // 2, outer, 0)
        wait_store(n_super - 1, 1)

    return emb_gather


def kernel(x, w):
    wl = jnp.pad(w, ((0, 0), (0, 128 - EMB_DIM))).reshape(-1, EMB_DIM)
    xi = x.astype(jnp.int32) * 4
    return _build(xi.shape[0], xi.shape[1], wl.shape[0])(xi, wl)

# --- scband reference (transcript-rebuilt; emitter-appended) ---
"""Pipeline reference for scband-embedding-7894149890224 (READ-ONLY COPY).

The authoritative reference and input builder live on the scoring server;
editing this copy changes nothing except your own understanding.
"""

import jax, jax.numpy as jnp
import numpy as np

TOKEN_SIZE = 1000000
EMB_DIM = 32
PAD_IDX = 0
BATCH = 16384
HIST_LEN = 50


def setup_inputs(seed: int = 0) -> dict:
    key = jax.random.key(seed)
    k_idx, k_w = jax.random.split(key)
    x = jax.random.randint(k_idx, (BATCH, HIST_LEN), 0, TOKEN_SIZE, dtype=jnp.int64 if jax.config.jax_enable_x64 else jnp.int32)
    # xavier_uniform init: a = sqrt(6 / (fan_in + fan_out))
    a = float(np.sqrt(6.0 / (TOKEN_SIZE + EMB_DIM)))
    w = jax.random.uniform(k_w, (TOKEN_SIZE, EMB_DIM), minval=-a, maxval=a, dtype=jnp.float32)
    # zero the padding row
    w = w.at[PAD_IDX].set(0.0)
    return {"x": x, "w": w}


def reference(x, w):
    # Embedding lookup: w[x] -> [BATCH, HIST_LEN, EMB_DIM]
    return jnp.take(w, x, axis=0)

if __name__ == "__main__":
    import jax
    _d = setup_inputs()
    print(jax.jit(kernel)(*tuple(_d.values())))

</pallas_src>

<mosaic_0001>
#map = affine_map<(d0, d1) -> (0, 0)>
#map1 = affine_map<(d0, d1) -> (0, 0, 0)>
module attributes {stable_mosaic.version = 14 : i64} {
  func.func @emb_gather(%arg0: i32, %arg1: i32, %arg2: memref<16384x50xi32, #tpu.memory_space<hbm>>, %arg3: memref<4000000x32xf32, #tpu.memory_space<hbm>>, %arg4: memref<16384x50x32xf32, #tpu.memory_space<hbm>>, %arg5: memref<512x50xi32, #tpu.memory_space<vmem>>, %arg6: memref<2x16x50x32xf32, #tpu.memory_space<vmem>>, %arg7: memref<!tpu.dma_semaphore, #tpu.memory_space<semaphore_mem>>, %arg8: memref<!tpu.dma_semaphore, #tpu.memory_space<semaphore_mem>>, %arg9: memref<!tpu.dma_semaphore, #tpu.memory_space<semaphore_mem>>) attributes {dimension_semantics = [#tpu.dimension_semantics<core_parallel>, #tpu.dimension_semantics<subcore_parallel>], iteration_bounds = array<i64: 2, 16>, scalar_prefetch = 0 : i64, scratch_operands = 5 : i64, tpu.core_type = #tpu.core_type<sc_vector_subcore>, window_params = [{transform_indices = #map}, {transform_indices = #map}, {transform_indices = #map1}]} {
    %mul3A = arith.constant 2 : i32
    %mul3A_0 = arith.muli %arg1, %mul3A : i32
    %add3A = arith.addi %mul3A_0, %arg0 : i32
    %mul3A_1 = arith.constant 512 : i32
    %mul3A_2 = arith.muli %add3A, %mul3A_1 : i32
    "tpu.region"() ({
      %run_scoped3A = tpu.sem_alloc : memref<!tpu.dma_semaphore, #tpu.memory_space<semaphore_mem>>
      %dma_start3A_914 = arith.constant 0 : i32
      %dma_start3A_915 = tpu.memref_slice %arg2[%mul3A_2, %dma_start3A_914] : memref<16384x50xi32, #tpu.memory_space<hbm>> -> memref<512x50xi32, #tpu.memory_space<hbm>>
      %dma_start3A_916 = arith.constant 0 : i32
      %dma_start3A_917 = tpu.memref_slice %arg2[%mul3A_2, %dma_start3A_916] : memref<16384x50xi32, #tpu.memory_space<hbm>> -> memref<512x50xi32, #tpu.memory_space<hbm>>
      tpu.enqueue_dma source(%dma_start3A_917 : memref<512x50xi32, #tpu.memory_space<hbm>>) target(%arg5 : memref<512x50xi32, #tpu.memory_space<vmem>>) target_semaphore(%run_scoped3A : memref<!tpu.dma_semaphore, #tpu.memory_space<semaphore_mem>>)
      %dma_wait3A_918 = arith.constant 0 : i32
      %dma_wait3A_919 = tpu.memref_slice %arg2[%mul3A_2, %dma_wait3A_918] : memref<16384x50xi32, #tpu.memory_space<hbm>> -> memref<512x50xi32, #tpu.memory_space<hbm>>
      %dma_wait3A_920 = arith.constant 0 : i32
      %dma_wait3A_921 = tpu.memref_slice %arg2[%mul3A_2, %dma_wait3A_920] : memref<16384x50xi32, #tpu.memory_space<hbm>> -> memref<512x50xi32, #tpu.memory_space<hbm>>
      tpu.wait_dma2 semaphore(%run_scoped3A : memref<!tpu.dma_semaphore, #tpu.memory_space<semaphore_mem>>) src(%dma_wait3A_921 : memref<512x50xi32, #tpu.memory_space<hbm>>) dst(%arg5 : memref<512x50xi32, #tpu.memory_space<vmem>>)
      tpu.yield
    }) : () -> ()
    %dma_start3A = arith.constant 0 : i32
    %dma_start3A_3 = arith.constant 0 : i32
    %dma_start3A_4 = arith.constant 0 : i32
    %dma_start3A_5 = arith.constant 0 : i32
    %dma_start3A_6 = arith.constant 0 : i32
    %dma_start3A_7 = tpu.memref_slice %arg6[%dma_start3A_3, %dma_start3A_4, %dma_start3A_5, %dma_start3A_6] : memref<2x16x50x32xf32, #tpu.memory_space<vmem>> -> memref<1x1x50x32xf32, #tpu.memory_space<vmem>>
    %dma_start3A_8 = tpu.memref_squeeze %dma_start3A_7 : memref<1x1x50x32xf32, #tpu.memory_space<vmem>> -> memref<50x32xf32, #tpu.memory_space<vmem>>
    %dma_start3A_9 = arith.constant 0 : i32
    %dma_start3A_10 = tpu.memref_slice %arg5[%dma_start3A, %dma_start3A_9] : memref<512x50xi32, #tpu.memory_space<vmem>> -> memref<1x50xi32, #tpu.memory_space<vmem>>
    %dma_start3A_11 = tpu.memref_squeeze %dma_start3A_10 : memref<1x50xi32, #tpu.memory_space<vmem>> -> memref<50xi32, #tpu.memory_space<vmem>>
    %dma_start3A_12 = arith.constant 0 : i32
    %dma_start3A_13 = arith.constant 0 : i32
    %dma_start3A_14 = tpu.memref_slice %arg3[%dma_start3A_12, %dma_start3A_13] : memref<4000000x32xf32, #tpu.memory_space<hbm>> -> memref<4000000x32xf32, #tpu.memory_space<hbm>>
    tpu.enqueue_indirect_dma source(%dma_start3A_14 : memref<4000000x32xf32, #tpu.memory_space<hbm>>) target(%dma_start3A_8 : memref<50x32xf32, #tpu.memory_space<vmem>>) offsets(%dma_start3A_11 : memref<50xi32, #tpu.memory_space<vmem>>) semaphore(%arg7 : memref<!tpu.dma_semaphore, #tpu.memory_space<semaphore_mem>>)
    %dma_start3A_15 = arith.constant 1 : i32
    %dma_start3A_16 = arith.constant 0 : i32
    %dma_start3A_17 = arith.constant 1 : i32
    %dma_start3A_18 = arith.constant 0 : i32
    %dma_start3A_19 = arith.constant 0 : i32
    %dma_start3A_20 = tpu.memref_slice %arg6[%dma_start3A_16, %dma_start3A_17, %dma_start3A_18, %dma_start3A_19] : memref<2x16x50x32xf32, #tpu.memory_space<vmem>> -> memref<1x1x50x32xf32, #tpu.memory_space<vmem>>
    %dma_start3A_21 = tpu.memref_squeeze %dma_start3A_20 : memref<1x1x50x32xf32, #tpu.memory_space<vmem>> -> memref<50x32xf32, #tpu.memory_space<vmem>>
    %dma_start3A_22 = arith.constant 0 : i32
    %dma_start3A_23 = tpu.memref_slice %arg5[%dma_start3A_15, %dma_start3A_22] : memref<512x50xi32, #tpu.memory_space<vmem>> -> memref<1x50xi32, #tpu.memory_space<vmem>>
    %dma_start3A_24 = tpu.memref_squeeze %dma_start3A_23 : memref<1x50xi32, #tpu.memory_space<vmem>> -> memref<50xi32, #tpu.memory_space<vmem>>
    %dma_start3A_25 = arith.constant 0 : i32
    %dma_start3A_26 = arith.constant 0 : i32
    %dma_start3A_27 = tpu.memref_slice %arg3[%dma_start3A_25, %dma_start3A_26] : memref<4000000x32xf32, #tpu.memory_space<hbm>> -> memref<4000000x32xf32, #tpu.memory_space<hbm>>
    tpu.enqueue_indirect_dma source(%dma_start3A_27 : memref<4000000x32xf32, #tpu.memory_space<hbm>>) target(%dma_start3A_21 : memref<50x32xf32, #tpu.memory_space<vmem>>) offsets(%dma_start3A_24 : memref<50xi32, #tpu.memory_space<vmem>>) semaphore(%arg7 : memref<!tpu.dma_semaphore, #tpu.memory_space<semaphore_mem>>)
    %dma_start3A_28 = arith.constant 2 : i32
    %dma_start3A_29 = arith.constant 0 : i32
    %dma_start3A_30 = arith.constant 2 : i32
    %dma_start3A_31 = arith.constant 0 : i32
    %dma_start3A_32 = arith.constant 0 : i32
    %dma_start3A_33 = tpu.memref_slice %arg6[%dma_start3A_29, %dma_start3A_30, %dma_start3A_31, %dma_start3A_32] : memref<2x16x50x32xf32, #tpu.memory_space<vmem>> -> memref<1x1x50x32xf32, #tpu.memory_space<vmem>>
    %dma_start3A_34 = tpu.memref_squeeze %dma_start3A_33 : memref<1x1x50x32xf32, #tpu.memory_space<vmem>> -> memref<50x32xf32, #tpu.memory_space<vmem>>
    %dma_start3A_35 = arith.constant 0 : i32
    %dma_start3A_36 = tpu.memref_slice %arg5[%dma_start3A_28, %dma_start3A_35] : memref<512x50xi32, #tpu.memory_space<vmem>> -> memref<1x50xi32, #tpu.memory_space<vmem>>
    %dma_start3A_37 = tpu.memref_squeeze %dma_start3A_36 : memref<1x50xi32, #tpu.memory_space<vmem>> -> memref<50xi32, #tpu.memory_space<vmem>>
    %dma_start3A_38 = arith.constant 0 : i32
    %dma_start3A_39 = arith.constant 0 : i32
    %dma_start3A_40 = tpu.memref_slice %arg3[%dma_start3A_38, %dma_start3A_39] : memref<4000000x32xf32, #tpu.memory_space<hbm>> -> memref<4000000x32xf32, #tpu.memory_space<hbm>>
    tpu.enqueue_indirect_dma source(%dma_start3A_40 : memref<4000000x32xf32, #tpu.memory_space<hbm>>) target(%dma_start3A_34 : memref<50x32xf32, #tpu.memory_space<vmem>>) offsets(%dma_start3A_37 : memref<50xi32, #tpu.memory_space<vmem>>) semaphore(%arg7 : memref<!tpu.dma_semaphore, #tpu.memory_space<semaphore_mem>>)
    %dma_start3A_41 = arith.constant 3 : i32
    %dma_start3A_42 = arith.constant 0 : i32
    %dma_start3A_43 = arith.constant 3 : i32
    %dma_start3A_44 = arith.constant 0 : i32
    %dma_start3A_45 = arith.constant 0 : i32
    %dma_start3A_46 = tpu.memref_slice %arg6[%dma_start3A_42, %dma_start3A_43, %dma_start3A_44, %dma_start3A_45] : memref<2x16x50x32xf32, #tpu.memory_space<vmem>> -> memref<1x1x50x32xf32, #tpu.memory_space<vmem>>
    %dma_start3A_47 = tpu.memref_squeeze %dma_start3A_46 : memref<1x1x50x32xf32, #tpu.memory_space<vmem>> -> memref<50x32xf32, #tpu.memory_space<vmem>>
    %dma_start3A_48 = arith.constant 0 : i32
    %dma_start3A_49 = tpu.memref_slice %arg5[%dma_start3A_41, %dma_start3A_48] : memref<512x50xi32, #tpu.memory_space<vmem>> -> memref<1x50xi32, #tpu.memory_space<vmem>>
    %dma_start3A_50 = tpu.memref_squeeze %dma_start3A_49 : memref<1x50xi32, #tpu.memory_space<vmem>> -> memref<50xi32, #tpu.memory_space<vmem>>
    %dma_start3A_51 = arith.constant 0 : i32
    %dma_start3A_52 = arith.constant 0 : i32
    %dma_start3A_53 = tpu.memref_slice %arg3[%dma_start3A_51, %dma_start3A_52] : memref<4000000x32xf32, #tpu.memory_space<hbm>> -> memref<4000000x32xf32, #tpu.memory_space<hbm>>
    tpu.enqueue_indirect_dma source(%dma_start3A_53 : memref<4000000x32xf32, #tpu.memory_space<hbm>>) target(%dma_start3A_47 : memref<50x32xf32, #tpu.memory_space<vmem>>) offsets(%dma_start3A_50 : memref<50xi32, #tpu.memory_space<vmem>>) semaphore(%arg7 : memref<!tpu.dma_semaphore, #tpu.memory_space<semaphore_mem>>)
    %dma_start3A_54 = arith.constant 4 : i32
    %dma_start3A_55 = arith.constant 0 : i32
    %dma_start3A_56 = arith.constant 4 : i32
    %dma_start3A_57 = arith.constant 0 : i32
    %dma_start3A_58 = arith.constant 0 : i32
    %dma_start3A_59 = tpu.memref_slice %arg6[%dma_start3A_55, %dma_start3A_56, %dma_start3A_57, %dma_start3A_58] : memref<2x16x50x32xf32, #tpu.memory_space<vmem>> -> memref<1x1x50x32xf32, #tpu.memory_space<vmem>>
    %dma_start3A_60 = tpu.memref_squeeze %dma_start3A_59 : memref<1x1x50x32xf32, #tpu.memory_space<vmem>> -> memref<50x32xf32, #tpu.memory_space<vmem>>
    %dma_start3A_61 = arith.constant 0 : i32
    %dma_start3A_62 = tpu.memref_slice %arg5[%dma_start3A_54, %dma_start3A_61] : memref<512x50xi32, #tpu.memory_space<vmem>> -> memref<1x50xi32, #tpu.memory_space<vmem>>
    %dma_start3A_63 = tpu.memref_squeeze %dma_start3A_62 : memref<1x50xi32, #tpu.memory_space<vmem>> -> memref<50xi32, #tpu.memory_space<vmem>>
    %dma_start3A_64 = arith.constant 0 : i32
    %dma_start3A_65 = arith.constant 0 : i32
    %dma_start3A_66 = tpu.memref_slice %arg3[%dma_start3A_64, %dma_start3A_65] : memref<4000000x32xf32, #tpu.memory_space<hbm>> -> memref<4000000x32xf32, #tpu.memory_space<hbm>>
    tpu.enqueue_indirect_dma source(%dma_start3A_66 : memref<4000000x32xf32, #tpu.memory_space<hbm>>) target(%dma_start3A_60 : memref<50x32xf32, #tpu.memory_space<vmem>>) offsets(%dma_start3A_63 : memref<50xi32, #tpu.memory_space<vmem>>) semaphore(%arg7 : memref<!tpu.dma_semaphore, #tpu.memory_space<semaphore_mem>>)
    %dma_start3A_67 = arith.constant 5 : i32
    %dma_start3A_68 = arith.constant 0 : i32
    %dma_start3A_69 = arith.constant 5 : i32
    %dma_start3A_70 = arith.constant 0 : i32
    %dma_start3A_71 = arith.constant 0 : i32
    %dma_start3A_72 = tpu.memref_slice %arg6[%dma_start3A_68, %dma_start3A_69, %dma_start3A_70, %dma_start3A_71] : memref<2x16x50x32xf32, #tpu.memory_space<vmem>> -> memref<1x1x50x32xf32, #tpu.memory_space<vmem>>
    %dma_start3A_73 = tpu.memref_squeeze %dma_start3A_72 : memref<1x1x50x32xf32, #tpu.memory_space<vmem>> -> memref<50x32xf32, #tpu.memory_space<vmem>>
    %dma_start3A_74 = arith.constant 0 : i32
    %dma_start3A_75 = tpu.memref_slice %arg5[%dma_start3A_67, %dma_start3A_74] : memref<512x50xi32, #tpu.memory_space<vmem>> -> memref<1x50xi32, #tpu.memory_space<vmem>>
    %dma_start3A_76 = tpu.memref_squeeze %dma_start3A_75 : memref<1x50xi32, #tpu.memory_space<vmem>> -> memref<50xi32, #tpu.memory_space<vmem>>
    %dma_start3A_77 = arith.constant 0 : i32
    %dma_start3A_78 = arith.constant 0 : i32
    %dma_start3A_79 = tpu.memref_slice %arg3[%dma_start3A_77, %dma_start3A_78] : memref<4000000x32xf32, #tpu.memory_space<hbm>> -> memref<4000000x32xf32, #tpu.memory_space<hbm>>
    tpu.enqueue_indirect_dma source(%dma_start3A_79 : memref<4000000x32xf32, #tpu.memory_space<hbm>>) target(%dma_start3A_73 : memref<50x32xf32, #tpu.memory_space<vmem>>) offsets(%dma_start3A_76 : memref<50xi32, #tpu.memory_space<vmem>>) semaphore(%arg7 : memref<!tpu.dma_semaphore, #tpu.memory_space<semaphore_mem>>)
    %dma_start3A_80 = arith.constant 6 : i32
    %dma_start3A_81 = arith.constant 0 : i32
    %dma_start3A_82 = arith.constant 6 : i32
    %dma_start3A_83 = arith.constant 0 : i32
    %dma_start3A_84 = arith.constant 0 : i32
    %dma_start3A_85 = tpu.memref_slice %arg6[%dma_start3A_81, %dma_start3A_82, %dma_start3A_83, %dma_start3A_84] : memref<2x16x50x32xf32, #tpu.memory_space<vmem>> -> memref<1x1x50x32xf32, #tpu.memory_space<vmem>>
    %dma_start3A_86 = tpu.memref_squeeze %dma_start3A_85 : memref<1x1x50x32xf32, #tpu.memory_space<vmem>> -> memref<50x32xf32, #tpu.memory_space<vmem>>
    %dma_start3A_87 = arith.constant 0 : i32
    %dma_start3A_88 = tpu.memref_slice %arg5[%dma_start3A_80, %dma_start3A_87] : memref<512x50xi32, #tpu.memory_space<vmem>> -> memref<1x50xi32, #tpu.memory_space<vmem>>
    %dma_start3A_89 = tpu.memref_squeeze %dma_start3A_88 : memref<1x50xi32, #tpu.memory_space<vmem>> -> memref<50xi32, #tpu.memory_space<vmem>>
    %dma_start3A_90 = arith.constant 0 : i32
    %dma_start3A_91 = arith.constant 0 : i32
    %dma_start3A_92 = tpu.memref_slice %arg3[%dma_start3A_90, %dma_start3A_91] : memref<4000000x32xf32, #tpu.memory_space<hbm>> -> memref<4000000x32xf32, #tpu.memory_space<hbm>>
    tpu.enqueue_indirect_dma source(%dma_start3A_92 : memref<4000000x32xf32, #tpu.memory_space<hbm>>) target(%dma_start3A_86 : memref<50x32xf32, #tpu.memory_space<vmem>>) offsets(%dma_start3A_89 : memref<50xi32, #tpu.memory_space<vmem>>) semaphore(%arg7 : memref<!tpu.dma_semaphore, #tpu.memory_space<semaphore_mem>>)
    %dma_start3A_93 = arith.constant 7 : i32
    %dma_start3A_94 = arith.constant 0 : i32
    %dma_start3A_95 = arith.constant 7 : i32
    %dma_start3A_96 = arith.constant 0 : i32
    %dma_start3A_97 = arith.constant 0 : i32
    %dma_start3A_98 = tpu.memref_slice %arg6[%dma_start3A_94, %dma_start3A_95, %dma_start3A_96, %dma_start3A_97] : memref<2x16x50x32xf32, #tpu.memory_space<vmem>> -> memref<1x1x50x32xf32, #tpu.memory_space<vmem>>
    %dma_start3A_99 = tpu.memref_squeeze %dma_start3A_98 : memref<1x1x50x32xf32, #tpu.memory_space<vmem>> -> memref<50x32xf32, #tpu.memory_space<vmem>>
    %dma_start3A_100 = arith.constant 0 : i32
    %dma_start3A_101 = tpu.memref_slice %arg5[%dma_start3A_93, %dma_start3A_100] : memref<512x50xi32, #tpu.memory_space<vmem>> -> memref<1x50xi32, #tpu.memory_space<vmem>>
    %dma_start3A_102 = tpu.memref_squeeze %dma_start3A_101 : memref<1x50xi32, #tpu.memory_space<vmem>> -> memref<50xi32, #tpu.memory_space<vmem>>
    %dma_start3A_103 = arith.constant 0 : i32
    %dma_start3A_104 = arith.constant 0 : i32
    %dma_start3A_105 = tpu.memref_slice %arg3[%dma_start3A_103, %dma_start3A_104] : memref<4000000x32xf32, #tpu.memory_space<hbm>> -> memref<4000000x32xf32, #tpu.memory_space<hbm>>
    tpu.enqueue_indirect_dma source(%dma_start3A_105 : memref<4000000x32xf32, #tpu.memory_space<hbm>>) target(%dma_start3A_99 : memref<50x32xf32, #tpu.memory_space<vmem>>) offsets(%dma_start3A_102 : memref<50xi32, #tpu.memory_space<vmem>>) semaphore(%arg7 : memref<!tpu.dma_semaphore, #tpu.memory_space<semaphore_mem>>)
    %dma_start3A_106 = arith.constant 8 : i32
    %dma_start3A_107 = arith.constant 0 : i32
    %dma_start3A_108 = arith.constant 8 : i32
    %dma_start3A_109 = arith.constant 0 : i32
    %dma_start3A_110 = arith.constant 0 : i32
    %dma_start3A_111 = tpu.memref_slice %arg6[%dma_start3A_107, %dma_start3A_108, %dma_start3A_109, %dma_start3A_110] : memref<2x16x50x32xf32, #tpu.memory_space<vmem>> -> memref<1x1x50x32xf32, #tpu.memory_space<vmem>>
    %dma_start3A_112 = tpu.memref_squeeze %dma_start3A_111 : memref<1x1x50x32xf32, #tpu.memory_space<vmem>> -> memref<50x32xf32, #tpu.memory_space<vmem>>
    %dma_start3A_113 = arith.constant 0 : i32
    %dma_start3A_114 = tpu.memref_slice %arg5[%dma_start3A_106, %dma_start3A_113] : memref<512x50xi32, #tpu.memory_space<vmem>> -> memref<1x50xi32, #tpu.memory_space<vmem>>
    %dma_start3A_115 = tpu.memref_squeeze %dma_start3A_114 : memref<1x50xi32, #tpu.memory_space<vmem>> -> memref<50xi32, #tpu.memory_space<vmem>>
    %dma_start3A_116 = arith.constant 0 : i32
    %dma_start3A_117 = arith.constant 0 : i32
    %dma_start3A_118 = tpu.memref_slice %arg3[%dma_start3A_116, %dma_start3A_117] : memref<4000000x32xf32, #tpu.memory_space<hbm>> -> memref<4000000x32xf32, #tpu.memory_space<hbm>>
    tpu.enqueue_indirect_dma source(%dma_start3A_118 : memref<4000000x32xf32, #tpu.memory_space<hbm>>) target(%dma_start3A_112 : memref<50x32xf32, #tpu.memory_space<vmem>>) offsets(%dma_start3A_115 : memref<50xi32, #tpu.memory_space<vmem>>) semaphore(%arg7 : memref<!tpu.dma_semaphore, #tpu.memory_space<semaphore_mem>>)
    %dma_start3A_119 = arith.constant 9 : i32
    %dma_start3A_120 = arith.constant 0 : i32
    %dma_start3A_121 = arith.constant 9 : i32
    %dma_start3A_122 = arith.constant 0 : i32
    %dma_start3A_123 = arith.constant 0 : i32
    %dma_start3A_124 = tpu.memref_slice %arg6[%dma_start3A_120, %dma_start3A_121, %dma_start3A_122, %dma_start3A_123] : memref<2x16x50x32xf32, #tpu.memory_space<vmem>> -> memref<1x1x50x32xf32, #tpu.memory_space<vmem>>
    %dma_start3A_125 = tpu.memref_squeeze %dma_start3A_124 : memref<1x1x50x32xf32, #tpu.memory_space<vmem>> -> memref<50x32xf32, #tpu.memory_space<vmem>>
    %dma_start3A_126 = arith.constant 0 : i32
    %dma_start3A_127 = tpu.memref_slice %arg5[%dma_start3A_119, %dma_start3A_126] : memref<512x50xi32, #tpu.memory_space<vmem>> -> memref<1x50xi32, #tpu.memory_space<vmem>>
    %dma_start3A_128 = tpu.memref_squeeze %dma_start3A_127 : memref<1x50xi32, #tpu.memory_space<vmem>> -> memref<50xi32, #tpu.memory_space<vmem>>
    %dma_start3A_129 = arith.constant 0 : i32
    %dma_start3A_130 = arith.constant 0 : i32
    %dma_start3A_131 = tpu.memref_slice %arg3[%dma_start3A_129, %dma_start3A_130] : memref<4000000x32xf32, #tpu.memory_space<hbm>> -> memref<4000000x32xf32, #tpu.memory_space<hbm>>
    tpu.enqueue_indirect_dma source(%dma_start3A_131 : memref<4000000x32xf32, #tpu.memory_space<hbm>>) target(%dma_start3A_125 : memref<50x32xf32, #tpu.memory_space<vmem>>) offsets(%dma_start3A_128 : memref<50xi32, #tpu.memory_space<vmem>>) semaphore(%arg7 : memref<!tpu.dma_semaphore, #tpu.memory_space<semaphore_mem>>)
    %dma_start3A_132 = arith.constant 10 : i32
    %dma_start3A_133 = arith.constant 0 : i32
    %dma_start3A_134 = arith.constant 10 : i32
    %dma_start3A_135 = arith.constant 0 : i32
    %dma_start3A_136 = arith.constant 0 : i32
    %dma_start3A_137 = tpu.memref_slice %arg6[%dma_start3A_133, %dma_start3A_134, %dma_start3A_135, %dma_start3A_136] : memref<2x16x50x32xf32, #tpu.memory_space<vmem>> -> memref<1x1x50x32xf32, #tpu.memory_space<vmem>>
    %dma_start3A_138 = tpu.memref_squeeze %dma_start3A_137 : memref<1x1x50x32xf32, #tpu.memory_space<vmem>> -> memref<50x32xf32, #tpu.memory_space<vmem>>
    %dma_start3A_139 = arith.constant 0 : i32
    %dma_start3A_140 = tpu.memref_slice %arg5[%dma_start3A_132, %dma_start3A_139] : memref<512x50xi32, #tpu.memory_space<vmem>> -> memref<1x50xi32, #tpu.memory_space<vmem>>
    %dma_start3A_141 = tpu.memref_squeeze %dma_start3A_140 : memref<1x50xi32, #tpu.memory_space<vmem>> -> memref<50xi32, #tpu.memory_space<vmem>>
    %dma_start3A_142 = arith.constant 0 : i32
    %dma_start3A_143 = arith.constant 0 : i32
    %dma_start3A_144 = tpu.memref_slice %arg3[%dma_start3A_142, %dma_start3A_143] : memref<4000000x32xf32, #tpu.memory_space<hbm>> -> memref<4000000x32xf32, #tpu.memory_space<hbm>>
    tpu.enqueue_indirect_dma source(%dma_start3A_144 : memref<4000000x32xf32, #tpu.memory_space<hbm>>) target(%dma_start3A_138 : memref<50x32xf32, #tpu.memory_space<vmem>>) offsets(%dma_start3A_141 : memref<50xi32, #tpu.memory_space<vmem>>) semaphore(%arg7 : memref<!tpu.dma_semaphore, #tpu.memory_space<semaphore_mem>>)
    %dma_start3A_145 = arith.constant 11 : i32
    %dma_start3A_146 = arith.constant 0 : i32
    %dma_start3A_147 = arith.constant 11 : i32
    %dma_start3A_148 = arith.constant 0 : i32
    %dma_start3A_149 = arith.constant 0 : i32
    %dma_start3A_150 = tpu.memref_slice %arg6[%dma_start3A_146, %dma_start3A_147, %dma_start3A_148, %dma_start3A_149] : memref<2x16x50x32xf32, #tpu.memory_space<vmem>> -> memref<1x1x50x32xf32, #tpu.memory_space<vmem>>
    %dma_start3A_151 = tpu.memref_squeeze %dma_start3A_150 : memref<1x1x50x32xf32, #tpu.memory_space<vmem>> -> memref<50x32xf32, #tpu.memory_space<vmem>>
    %dma_start3A_152 = arith.constant 0 : i32
    %dma_start3A_153 = tpu.memref_slice %arg5[%dma_start3A_145, %dma_start3A_152] : memref<512x50xi32, #tpu.memory_space<vmem>> -> memref<1x50xi32, #tpu.memory_space<vmem>>
    %dma_start3A_154 = tpu.memref_squeeze %dma_start3A_153 : memref<1x50xi32, #tpu.memory_space<vmem>> -> memref<50xi32, #tpu.memory_space<vmem>>
    %dma_start3A_155 = arith.constant 0 : i32
    %dma_start3A_156 = arith.constant 0 : i32
    %dma_start3A_157 = tpu.memref_slice %arg3[%dma_start3A_155, %dma_start3A_156] : memref<4000000x32xf32, #tpu.memory_space<hbm>> -> memref<4000000x32xf32, #tpu.memory_space<hbm>>
    tpu.enqueue_indirect_dma source(%dma_start3A_157 : memref<4000000x32xf32, #tpu.memory_space<hbm>>) target(%dma_start3A_151 : memref<50x32xf32, #tpu.memory_space<vmem>>) offsets(%dma_start3A_154 : memref<50xi32, #tpu.memory_space<vmem>>) semaphore(%arg7 : memref<!tpu.dma_semaphore, #tpu.memory_space<semaphore_mem>>)
    %dma_start3A_158 = arith.constant 12 : i32
    %dma_start3A_159 = arith.constant 0 : i32
    %dma_start3A_160 = arith.constant 12 : i32
    %dma_start3A_161 = arith.constant 0 : i32
    %dma_start3A_162 = arith.constant 0 : i32
    %dma_start3A_163 = tpu.memref_slice %arg6[%dma_start3A_159, %dma_start3A_160, %dma_start3A_161, %dma_start3A_162] : memref<2x16x50x32xf32, #tpu.memory_space<vmem>> -> memref<1x1x50x32xf32, #tpu.memory_space<vmem>>
    %dma_start3A_164 = tpu.memref_squeeze %dma_start3A_163 : memref<1x1x50x32xf32, #tpu.memory_space<vmem>> -> memref<50x32xf32, #tpu.memory_space<vmem>>
    %dma_start3A_165 = arith.constant 0 : i32
    %dma_start3A_166 = tpu.memref_slice %arg5[%dma_start3A_158, %dma_start3A_165] : memref<512x50xi32, #tpu.memory_space<vmem>> -> memref<1x50xi32, #tpu.memory_space<vmem>>
    %dma_start3A_167 = tpu.memref_squeeze %dma_start3A_166 : memref<1x50xi32, #tpu.memory_space<vmem>> -> memref<50xi32, #tpu.memory_space<vmem>>
    %dma_start3A_168 = arith.constant 0 : i32
    %dma_start3A_169 = arith.constant 0 : i32
    %dma_start3A_170 = tpu.memref_slice %arg3[%dma_start3A_168, %dma_start3A_169] : memref<4000000x32xf32, #tpu.memory_space<hbm>> -> memref<4000000x32xf32, #tpu.memory_space<hbm>>
    tpu.enqueue_indirect_dma source(%dma_start3A_170 : memref<4000000x32xf32, #tpu.memory_space<hbm>>) target(%dma_start3A_164 : memref<50x32xf32, #tpu.memory_space<vmem>>) offsets(%dma_start3A_167 : memref<50xi32, #tpu.memory_space<vmem>>) semaphore(%arg7 : memref<!tpu.dma_semaphore, #tpu.memory_space<semaphore_mem>>)
    %dma_start3A_171 = arith.constant 13 : i32
    %dma_start3A_172 = arith.constant 0 : i32
    %dma_start3A_173 = arith.constant 13 : i32
    %dma_start3A_174 = arith.constant 0 : i32
    %dma_start3A_175 = arith.constant 0 : i32
    %dma_start3A_176 = tpu.memref_slice %arg6[%dma_start3A_172, %dma_start3A_173, %dma_start3A_174, %dma_start3A_175] : memref<2x16x50x32xf32, #tpu.memory_space<vmem>> -> memref<1x1x50x32xf32, #tpu.memory_space<vmem>>
    %dma_start3A_177 = tpu.memref_squeeze %dma_start3A_176 : memref<1x1x50x32xf32, #tpu.memory_space<vmem>> -> memref<50x32xf32, #tpu.memory_space<vmem>>
    %dma_start3A_178 = arith.constant 0 : i32
    %dma_start3A_179 = tpu.memref_slice %arg5[%dma_start3A_171, %dma_start3A_178] : memref<512x50xi32, #tpu.memory_space<vmem>> -> memref<1x50xi32, #tpu.memory_space<vmem>>
    %dma_start3A_180 = tpu.memref_squeeze %dma_start3A_179 : memref<1x50xi32, #tpu.memory_space<vmem>> -> memref<50xi32, #tpu.memory_space<vmem>>
    %dma_start3A_181 = arith.constant 0 : i32
    %dma_start3A_182 = arith.constant 0 : i32
    %dma_start3A_183 = tpu.memref_slice %arg3[%dma_start3A_181, %dma_start3A_182] : memref<4000000x32xf32, #tpu.memory_space<hbm>> -> memref<4000000x32xf32, #tpu.memory_space<hbm>>
    tpu.enqueue_indirect_dma source(%dma_start3A_183 : memref<4000000x32xf32, #tpu.memory_space<hbm>>) target(%dma_start3A_177 : memref<50x32xf32, #tpu.memory_space<vmem>>) offsets(%dma_start3A_180 : memref<50xi32, #tpu.memory_space<vmem>>) semaphore(%arg7 : memref<!tpu.dma_semaphore, #tpu.memory_space<semaphore_mem>>)
    %dma_start3A_184 = arith.constant 14 : i32
    %dma_start3A_185 = arith.constant 0 : i32
    %dma_start3A_186 = arith.constant 14 : i32
    %dma_start3A_187 = arith.constant 0 : i32
    %dma_start3A_188 = arith.constant 0 : i32
    %dma_start3A_189 = tpu.memref_slice %arg6[%dma_start3A_185, %dma_start3A_186, %dma_start3A_187, %dma_start3A_188] : memref<2x16x50x32xf32, #tpu.memory_space<vmem>> -> memref<1x1x50x32xf32, #tpu.memory_space<vmem>>
    %dma_start3A_190 = tpu.memref_squeeze %dma_start3A_189 : memref<1x1x50x32xf32, #tpu.memory_space<vmem>> -> memref<50x32xf32, #tpu.memory_space<vmem>>
    %dma_start3A_191 = arith.constant 0 : i32
    %dma_start3A_192 = tpu.memref_slice %arg5[%dma_start3A_184, %dma_start3A_191] : memref<512x50xi32, #tpu.memory_space<vmem>> -> memref<1x50xi32, #tpu.memory_space<vmem>>
    %dma_start3A_193 = tpu.memref_squeeze %dma_start3A_192 : memref<1x50xi32, #tpu.memory_space<vmem>> -> memref<50xi32, #tpu.memory_space<vmem>>
    %dma_start3A_194 = arith.constant 0 : i32
    %dma_start3A_195 = arith.constant 0 : i32
    %dma_start3A_196 = tpu.memref_slice %arg3[%dma_start3A_194, %dma_start3A_195] : memref<4000000x32xf32, #tpu.memory_space<hbm>> -> memref<4000000x32xf32, #tpu.memory_space<hbm>>
    tpu.enqueue_indirect_dma source(%dma_start3A_196 : memref<4000000x32xf32, #tpu.memory_space<hbm>>) target(%dma_start3A_190 : memref<50x32xf32, #tpu.memory_space<vmem>>) offsets(%dma_start3A_193 : memref<50xi32, #tpu.memory_space<vmem>>) semaphore(%arg7 : memref<!tpu.dma_semaphore, #tpu.memory_space<semaphore_mem>>)
    %dma_start3A_197 = arith.constant 15 : i32
    %dma_start3A_198 = arith.constant 0 : i32
    %dma_start3A_199 = arith.constant 15 : i32
    %dma_start3A_200 = arith.constant 0 : i32
    %dma_start3A_201 = arith.constant 0 : i32
    %dma_start3A_202 = tpu.memref_slice %arg6[%dma_start3A_198, %dma_start3A_199, %dma_start3A_200, %dma_start3A_201] : memref<2x16x50x32xf32, #tpu.memory_space<vmem>> -> memref<1x1x50x32xf32, #tpu.memory_space<vmem>>
    %dma_start3A_203 = tpu.memref_squeeze %dma_start3A_202 : memref<1x1x50x32xf32, #tpu.memory_space<vmem>> -> memref<50x32xf32, #tpu.memory_space<vmem>>
    %dma_start3A_204 = arith.constant 0 : i32
    %dma_start3A_205 = tpu.memref_slice %arg5[%dma_start3A_197, %dma_start3A_204] : memref<512x50xi32, #tpu.memory_space<vmem>> -> memref<1x50xi32, #tpu.memory_space<vmem>>
    %dma_start3A_206 = tpu.memref_squeeze %dma_start3A_205 : memref<1x50xi32, #tpu.memory_space<vmem>> -> memref<50xi32, #tpu.memory_space<vmem>>
    %dma_start3A_207 = arith.constant 0 : i32
    %dma_start3A_208 = arith.constant 0 : i32
    %dma_start3A_209 = tpu.memref_slice %arg3[%dma_start3A_207, %dma_start3A_208] : memref<4000000x32xf32, #tpu.memory_space<hbm>> -> memref<4000000x32xf32, #tpu.memory_space<hbm>>
    tpu.enqueue_indirect_dma source(%dma_start3A_209 : memref<4000000x32xf32, #tpu.memory_space<hbm>>) target(%dma_start3A_203 : memref<50x32xf32, #tpu.memory_space<vmem>>) offsets(%dma_start3A_206 : memref<50xi32, #tpu.memory_space<vmem>>) semaphore(%arg7 : memref<!tpu.dma_semaphore, #tpu.memory_space<semaphore_mem>>)
    %dma_wait3A = arith.constant 0 : i32
    %dma_wait3A_210 = arith.constant 0 : i32
    %dma_wait3A_211 = arith.constant 0 : i32
    %dma_wait3A_212 = arith.constant 0 : i32
    %dma_wait3A_213 = arith.constant 0 : i32
    %dma_wait3A_214 = tpu.memref_slice %arg6[%dma_wait3A_210, %dma_wait3A_211, %dma_wait3A_212, %dma_wait3A_213] : memref<2x16x50x32xf32, #tpu.memory_space<vmem>> -> memref<1x1x50x32xf32, #tpu.memory_space<vmem>>
    %dma_wait3A_215 = tpu.memref_squeeze %dma_wait3A_214 : memref<1x1x50x32xf32, #tpu.memory_space<vmem>> -> memref<50x32xf32, #tpu.memory_space<vmem>>
    %dma_wait3A_216 = arith.constant 0 : i32
    %dma_wait3A_217 = tpu.memref_slice %arg5[%dma_wait3A, %dma_wait3A_216] : memref<512x50xi32, #tpu.memory_space<vmem>> -> memref<1x50xi32, #tpu.memory_space<vmem>>
    %dma_wait3A_218 = tpu.memref_squeeze %dma_wait3A_217 : memref<1x50xi32, #tpu.memory_space<vmem>> -> memref<50xi32, #tpu.memory_space<vmem>>
    %dma_wait3A_219 = arith.constant 0 : i32
    %dma_wait3A_220 = arith.constant 0 : i32
    %dma_wait3A_221 = tpu.memref_slice %arg3[%dma_wait3A_219, %dma_wait3A_220] : memref<4000000x32xf32, #tpu.memory_space<hbm>> -> memref<4000000x32xf32, #tpu.memory_space<hbm>>
    tpu.wait_indirect_dma semaphore(%arg7 : memref<!tpu.dma_semaphore, #tpu.memory_space<semaphore_mem>>) src(%dma_wait3A_221 : memref<4000000x32xf32, #tpu.memory_space<hbm>>) dst(%dma_wait3A_215 : memref<50x32xf32, #tpu.memory_space<vmem>>)
    %dma_wait3A_222 = arith.constant 1 : i32
    %dma_wait3A_223 = arith.constant 0 : i32
    %dma_wait3A_224 = arith.constant 1 : i32
    %dma_wait3A_225 = arith.constant 0 : i32
    %dma_wait3A_226 = arith.constant 0 : i32
    %dma_wait3A_227 = tpu.memref_slice %arg6[%dma_wait3A_223, %dma_wait3A_224, %dma_wait3A_225, %dma_wait3A_226] : memref<2x16x50x32xf32, #tpu.memory_space<vmem>> -> memref<1x1x50x32xf32, #tpu.memory_space<vmem>>
    %dma_wait3A_228 = tpu.memref_squeeze %dma_wait3A_227 : memref<1x1x50x32xf32, #tpu.memory_space<vmem>> -> memref<50x32xf32, #tpu.memory_space<vmem>>
    %dma_wait3A_229 = arith.constant 0 : i32
    %dma_wait3A_230 = tpu.memref_slice %arg5[%dma_wait3A_222, %dma_wait3A_229] : memref<512x50xi32, #tpu.memory_space<vmem>> -> memref<1x50xi32, #tpu.memory_space<vmem>>
    %dma_wait3A_231 = tpu.memref_squeeze %dma_wait3A_230 : memref<1x50xi32, #tpu.memory_space<vmem>> -> memref<50xi32, #tpu.memory_space<vmem>>
    %dma_wait3A_232 = arith.constant 0 : i32
    %dma_wait3A_233 = arith.constant 0 : i32
    %dma_wait3A_234 = tpu.memref_slice %arg3[%dma_wait3A_232, %dma_wait3A_233] : memref<4000000x32xf32, #tpu.memory_space<hbm>> -> memref<4000000x32xf32, #tpu.memory_space<hbm>>
    tpu.wait_indirect_dma semaphore(%arg7 : memref<!tpu.dma_semaphore, #tpu.memory_space<semaphore_mem>>) src(%dma_wait3A_234 : memref<4000000x32xf32, #tpu.memory_space<hbm>>) dst(%dma_wait3A_228 : memref<50x32xf32, #tpu.memory_space<vmem>>)
    %dma_wait3A_235 = arith.constant 2 : i32
    %dma_wait3A_236 = arith.constant 0 : i32
    %dma_wait3A_237 = arith.constant 2 : i32
    %dma_wait3A_238 = arith.constant 0 : i32
    %dma_wait3A_239 = arith.constant 0 : i32
    %dma_wait3A_240 = tpu.memref_slice %arg6[%dma_wait3A_236, %dma_wait3A_237, %dma_wait3A_238, %dma_wait3A_239] : memref<2x16x50x32xf32, #tpu.memory_space<vmem>> -> memref<1x1x50x32xf32, #tpu.memory_space<vmem>>
    %dma_wait3A_241 = tpu.memref_squeeze %dma_wait3A_240 : memref<1x1x50x32xf32, #tpu.memory_space<vmem>> -> memref<50x32xf32, #tpu.memory_space<vmem>>
    %dma_wait3A_242 = arith.constant 0 : i32
    %dma_wait3A_243 = tpu.memref_slice %arg5[%dma_wait3A_235, %dma_wait3A_242] : memref<512x50xi32, #tpu.memory_space<vmem>> -> memref<1x50xi32, #tpu.memory_space<vmem>>
    %dma_wait3A_244 = tpu.memref_squeeze %dma_wait3A_243 : memref<1x50xi32, #tpu.memory_space<vmem>> -> memref<50xi32, #tpu.memory_space<vmem>>
    %dma_wait3A_245 = arith.constant 0 : i32
    %dma_wait3A_246 = arith.constant 0 : i32
    %dma_wait3A_247 = tpu.memref_slice %arg3[%dma_wait3A_245, %dma_wait3A_246] : memref<4000000x32xf32, #tpu.memory_space<hbm>> -> memref<4000000x32xf32, #tpu.memory_space<hbm>>
    tpu.wait_indirect_dma semaphore(%arg7 : memref<!tpu.dma_semaphore, #tpu.memory_space<semaphore_mem>>) src(%dma_wait3A_247 : memref<4000000x32xf32, #tpu.memory_space<hbm>>) dst(%dma_wait3A_241 : memref<50x32xf32, #tpu.memory_space<vmem>>)
    %dma_wait3A_248 = arith.constant 3 : i32
    %dma_wait3A_249 = arith.constant 0 : i32
    %dma_wait3A_250 = arith.constant 3 : i32
    %dma_wait3A_251 = arith.constant 0 : i32
    %dma_wait3A_252 = arith.constant 0 : i32
    %dma_wait3A_253 = tpu.memref_slice %arg6[%dma_wait3A_249, %dma_wait3A_250, %dma_wait3A_251, %dma_wait3A_252] : memref<2x16x50x32xf32, #tpu.memory_space<vmem>> -> memref<1x1x50x32xf32, #tpu.memory_space<vmem>>
    %dma_wait3A_254 = tpu.memref_squeeze %dma_wait3A_253 : memref<1x1x50x32xf32, #tpu.memory_space<vmem>> -> memref<50x32xf32, #tpu.memory_space<vmem>>
    %dma_wait3A_255 = arith.constant 0 : i32
    %dma_wait3A_256 = tpu.memref_slice %arg5[%dma_wait3A_248, %dma_wait3A_255] : memref<512x50xi32, #tpu.memory_space<vmem>> -> memref<1x50xi32, #tpu.memory_space<vmem>>
    %dma_wait3A_257 = tpu.memref_squeeze %dma_wait3A_256 : memref<1x50xi32, #tpu.memory_space<vmem>> -> memref<50xi32, #tpu.memory_space<vmem>>
    %dma_wait3A_258 = arith.constant 0 : i32
    %dma_wait3A_259 = arith.constant 0 : i32
    %dma_wait3A_260 = tpu.memref_slice %arg3[%dma_wait3A_258, %dma_wait3A_259] : memref<4000000x32xf32, #tpu.memory_space<hbm>> -> memref<4000000x32xf32, #tpu.memory_space<hbm>>
    tpu.wait_indirect_dma semaphore(%arg7 : memref<!tpu.dma_semaphore, #tpu.memory_space<semaphore_mem>>) src(%dma_wait3A_260 : memref<4000000x32xf32, #tpu.memory_space<hbm>>) dst(%dma_wait3A_254 : memref<50x32xf32, #tpu.memory_space<vmem>>)
    %dma_wait3A_261 = arith.constant 4 : i32
    %dma_wait3A_262 = arith.constant 0 : i32
    %dma_wait3A_263 = arith.constant 4 : i32
    %dma_wait3A_264 = arith.constant 0 : i32
    %dma_wait3A_265 = arith.constant 0 : i32
    %dma_wait3A_266 = tpu.memref_slice %arg6[%dma_wait3A_262, %dma_wait3A_263, %dma_wait3A_264, %dma_wait3A_265] : memref<2x16x50x32xf32, #tpu.memory_space<vmem>> -> memref<1x1x50x32xf32, #tpu.memory_space<vmem>>
    %dma_wait3A_267 = tpu.memref_squeeze %dma_wait3A_266 : memref<1x1x50x32xf32, #tpu.memory_space<vmem>> -> memref<50x32xf32, #tpu.memory_space<vmem>>
    %dma_wait3A_268 = arith.constant 0 : i32
    %dma_wait3A_269 = tpu.memref_slice %arg5[%dma_wait3A_261, %dma_wait3A_268] : memref<512x50xi32, #tpu.memory_space<vmem>> -> memref<1x50xi32, #tpu.memory_space<vmem>>
    %dma_wait3A_270 = tpu.memref_squeeze %dma_wait3A_269 : memref<1x50xi32, #tpu.memory_space<vmem>> -> memref<50xi32, #tpu.memory_space<vmem>>
    %dma_wait3A_271 = arith.constant 0 : i32
    %dma_wait3A_272 = arith.constant 0 : i32
    %dma_wait3A_273 = tpu.memref_slice %arg3[%dma_wait3A_271, %dma_wait3A_272] : memref<4000000x32xf32, #tpu.memory_space<hbm>> -> memref<4000000x32xf32, #tpu.memory_space<hbm>>
    tpu.wait_indirect_dma semaphore(%arg7 : memref<!tpu.dma_semaphore, #tpu.memory_space<semaphore_mem>>) src(%dma_wait3A_273 : memref<4000000x32xf32, #tpu.memory_space<hbm>>) dst(%dma_wait3A_267 : memref<50x32xf32, #tpu.memory_space<vmem>>)
    %dma_wait3A_274 = arith.constant 5 : i32
    %dma_wait3A_275 = arith.constant 0 : i32
    %dma_wait3A_276 = arith.constant 5 : i32
    %dma_wait3A_277 = arith.constant 0 : i32
    %dma_wait3A_278 = arith.constant 0 : i32
    %dma_wait3A_279 = tpu.memref_slice %arg6[%dma_wait3A_275, %dma_wait3A_276, %dma_wait3A_277, %dma_wait3A_278] : memref<2x16x50x32xf32, #tpu.memory_space<vmem>> -> memref<1x1x50x32xf32, #tpu.memory_space<vmem>>
    %dma_wait3A_280 = tpu.memref_squeeze %dma_wait3A_279 : memref<1x1x50x32xf32, #tpu.memory_space<vmem>> -> memref<50x32xf32, #tpu.memory_space<vmem>>
    %dma_wait3A_281 = arith.constant 0 : i32
    %dma_wait3A_282 = tpu.memref_slice %arg5[%dma_wait3A_274, %dma_wait3A_281] : memref<512x50xi32, #tpu.memory_space<vmem>> -> memref<1x50xi32, #tpu.memory_space<vmem>>
    %dma_wait3A_283 = tpu.memref_squeeze %dma_wait3A_282 : memref<1x50xi32, #tpu.memory_space<vmem>> -> memref<50xi32, #tpu.memory_space<vmem>>
    %dma_wait3A_284 = arith.constant 0 : i32
    %dma_wait3A_285 = arith.constant 0 : i32
    %dma_wait3A_286 = tpu.memref_slice %arg3[%dma_wait3A_284, %dma_wait3A_285] : memref<4000000x32xf32, #tpu.memory_space<hbm>> -> memref<4000000x32xf32, #tpu.memory_space<hbm>>
    tpu.wait_indirect_dma semaphore(%arg7 : memref<!tpu.dma_semaphore, #tpu.memory_space<semaphore_mem>>) src(%dma_wait3A_286 : memref<4000000x32xf32, #tpu.memory_space<hbm>>) dst(%dma_wait3A_280 : memref<50x32xf32, #tpu.memory_space<vmem>>)
    %dma_wait3A_287 = arith.constant 6 : i32
    %dma_wait3A_288 = arith.constant 0 : i32
    %dma_wait3A_289 = arith.constant 6 : i32
    %dma_wait3A_290 = arith.constant 0 : i32
    %dma_wait3A_291 = arith.constant 0 : i32
    %dma_wait3A_292 = tpu.memref_slice %arg6[%dma_wait3A_288, %dma_wait3A_289, %dma_wait3A_290, %dma_wait3A_291] : memref<2x16x50x32xf32, #tpu.memory_space<vmem>> -> memref<1x1x50x32xf32, #tpu.memory_space<vmem>>
    %dma_wait3A_293 = tpu.memref_squeeze %dma_wait3A_292 : memref<1x1x50x32xf32, #tpu.memory_space<vmem>> -> memref<50x32xf32, #tpu.memory_space<vmem>>
    %dma_wait3A_294 = arith.constant 0 : i32
    %dma_wait3A_295 = tpu.memref_slice %arg5[%dma_wait3A_287, %dma_wait3A_294] : memref<512x50xi32, #tpu.memory_space<vmem>> -> memref<1x50xi32, #tpu.memory_space<vmem>>
    %dma_wait3A_296 = tpu.memref_squeeze %dma_wait3A_295 : memref<1x50xi32, #tpu.memory_space<vmem>> -> memref<50xi32, #tpu.memory_space<vmem>>
    %dma_wait3A_297 = arith.constant 0 : i32
    %dma_wait3A_298 = arith.constant 0 : i32
    %dma_wait3A_299 = tpu.memref_slice %arg3[%dma_wait3A_297, %dma_wait3A_298] : memref<4000000x32xf32, #tpu.memory_space<hbm>> -> memref<4000000x32xf32, #tpu.memory_space<hbm>>
    tpu.wait_indirect_dma semaphore(%arg7 : memref<!tpu.dma_semaphore, #tpu.memory_space<semaphore_mem>>) src(%dma_wait3A_299 : memref<4000000x32xf32, #tpu.memory_space<hbm>>) dst(%dma_wait3A_293 : memref<50x32xf32, #tpu.memory_space<vmem>>)
    %dma_wait3A_300 = arith.constant 7 : i32
    %dma_wait3A_301 = arith.constant 0 : i32
    %dma_wait3A_302 = arith.constant 7 : i32
    %dma_wait3A_303 = arith.constant 0 : i32
    %dma_wait3A_304 = arith.constant 0 : i32
    %dma_wait3A_305 = tpu.memref_slice %arg6[%dma_wait3A_301, %dma_wait3A_302, %dma_wait3A_303, %dma_wait3A_304] : memref<2x16x50x32xf32, #tpu.memory_space<vmem>> -> memref<1x1x50x32xf32, #tpu.memory_space<vmem>>
    %dma_wait3A_306 = tpu.memref_squeeze %dma_wait3A_305 : memref<1x1x50x32xf32, #tpu.memory_space<vmem>> -> memref<50x32xf32, #tpu.memory_space<vmem>>
    %dma_wait3A_307 = arith.constant 0 : i32
    %dma_wait3A_308 = tpu.memref_slice %arg5[%dma_wait3A_300, %dma_wait3A_307] : memref<512x50xi32, #tpu.memory_space<vmem>> -> memref<1x50xi32, #tpu.memory_space<vmem>>
    %dma_wait3A_309 = tpu.memref_squeeze %dma_wait3A_308 : memref<1x50xi32, #tpu.memory_space<vmem>> -> memref<50xi32, #tpu.memory_space<vmem>>
    %dma_wait3A_310 = arith.constant 0 : i32
    %dma_wait3A_311 = arith.constant 0 : i32
    %dma_wait3A_312 = tpu.memref_slice %arg3[%dma_wait3A_310, %dma_wait3A_311] : memref<4000000x32xf32, #tpu.memory_space<hbm>> -> memref<4000000x32xf32, #tpu.memory_space<hbm>>
    tpu.wait_indirect_dma semaphore(%arg7 : memref<!tpu.dma_semaphore, #tpu.memory_space<semaphore_mem>>) src(%dma_wait3A_312 : memref<4000000x32xf32, #tpu.memory_space<hbm>>) dst(%dma_wait3A_306 : memref<50x32xf32, #tpu.memory_space<vmem>>)
    %dma_wait3A_313 = arith.constant 8 : i32
    %dma_wait3A_314 = arith.constant 0 : i32
    %dma_wait3A_315 = arith.constant 8 : i32
    %dma_wait3A_316 = arith.constant 0 : i32
    %dma_wait3A_317 = arith.constant 0 : i32
    %dma_wait3A_318 = tpu.memref_slice %arg6[%dma_wait3A_314, %dma_wait3A_315, %dma_wait3A_316, %dma_wait3A_317] : memref<2x16x50x32xf32, #tpu.memory_space<vmem>> -> memref<1x1x50x32xf32, #tpu.memory_space<vmem>>
    %dma_wait3A_319 = tpu.memref_squeeze %dma_wait3A_318 : memref<1x1x50x32xf32, #tpu.memory_space<vmem>> -> memref<50x32xf32, #tpu.memory_space<vmem>>
    %dma_wait3A_320 = arith.constant 0 : i32
    %dma_wait3A_321 = tpu.memref_slice %arg5[%dma_wait3A_313, %dma_wait3A_320] : memref<512x50xi32, #tpu.memory_space<vmem>> -> memref<1x50xi32, #tpu.memory_space<vmem>>
    %dma_wait3A_322 = tpu.memref_squeeze %dma_wait3A_321 : memref<1x50xi32, #tpu.memory_space<vmem>> -> memref<50xi32, #tpu.memory_space<vmem>>
    %dma_wait3A_323 = arith.constant 0 : i32
    %dma_wait3A_324 = arith.constant 0 : i32
    %dma_wait3A_325 = tpu.memref_slice %arg3[%dma_wait3A_323, %dma_wait3A_324] : memref<4000000x32xf32, #tpu.memory_space<hbm>> -> memref<4000000x32xf32, #tpu.memory_space<hbm>>
    tpu.wait_indirect_dma semaphore(%arg7 : memref<!tpu.dma_semaphore, #tpu.memory_space<semaphore_mem>>) src(%dma_wait3A_325 : memref<4000000x32xf32, #tpu.memory_space<hbm>>) dst(%dma_wait3A_319 : memref<50x32xf32, #tpu.memory_space<vmem>>)
    %dma_wait3A_326 = arith.constant 9 : i32
    %dma_wait3A_327 = arith.constant 0 : i32
    %dma_wait3A_328 = arith.constant 9 : i32
    %dma_wait3A_329 = arith.constant 0 : i32
    %dma_wait3A_330 = arith.constant 0 : i32
    %dma_wait3A_331 = tpu.memref_slice %arg6[%dma_wait3A_327, %dma_wait3A_328, %dma_wait3A_329, %dma_wait3A_330] : memref<2x16x50x32xf32, #tpu.memory_space<vmem>> -> memref<1x1x50x32xf32, #tpu.memory_space<vmem>>
    %dma_wait3A_332 = tpu.memref_squeeze %dma_wait3A_331 : memref<1x1x50x32xf32, #tpu.memory_space<vmem>> -> memref<50x32xf32, #tpu.memory_space<vmem>>
    %dma_wait3A_333 = arith.constant 0 : i32
    %dma_wait3A_334 = tpu.memref_slice %arg5[%dma_wait3A_326, %dma_wait3A_333] : memref<512x50xi32, #tpu.memory_space<vmem>> -> memref<1x50xi32, #tpu.memory_space<vmem>>
    %dma_wait3A_335 = tpu.memref_squeeze %dma_wait3A_334 : memref<1x50xi32, #tpu.memory_space<vmem>> -> memref<50xi32, #tpu.memory_space<vmem>>
    %dma_wait3A_336 = arith.constant 0 : i32
    %dma_wait3A_337 = arith.constant 0 : i32
    %dma_wait3A_338 = tpu.memref_slice %arg3[%dma_wait3A_336, %dma_wait3A_337] : memref<4000000x32xf32, #tpu.memory_space<hbm>> -> memref<4000000x32xf32, #tpu.memory_space<hbm>>
    tpu.wait_indirect_dma semaphore(%arg7 : memref<!tpu.dma_semaphore, #tpu.memory_space<semaphore_mem>>) src(%dma_wait3A_338 : memref<4000000x32xf32, #tpu.memory_space<hbm>>) dst(%dma_wait3A_332 : memref<50x32xf32, #tpu.memory_space<vmem>>)
    %dma_wait3A_339 = arith.constant 10 : i32
    %dma_wait3A_340 = arith.constant 0 : i32
    %dma_wait3A_341 = arith.constant 10 : i32
    %dma_wait3A_342 = arith.constant 0 : i32
    %dma_wait3A_343 = arith.constant 0 : i32
    %dma_wait3A_344 = tpu.memref_slice %arg6[%dma_wait3A_340, %dma_wait3A_341, %dma_wait3A_342, %dma_wait3A_343] : memref<2x16x50x32xf32, #tpu.memory_space<vmem>> -> memref<1x1x50x32xf32, #tpu.memory_space<vmem>>
    %dma_wait3A_345 = tpu.memref_squeeze %dma_wait3A_344 : memref<1x1x50x32xf32, #tpu.memory_space<vmem>> -> memref<50x32xf32, #tpu.memory_space<vmem>>
    %dma_wait3A_346 = arith.constant 0 : i32
    %dma_wait3A_347 = tpu.memref_slice %arg5[%dma_wait3A_339, %dma_wait3A_346] : memref<512x50xi32, #tpu.memory_space<vmem>> -> memref<1x50xi32, #tpu.memory_space<vmem>>
    %dma_wait3A_348 = tpu.memref_squeeze %dma_wait3A_347 : memref<1x50xi32, #tpu.memory_space<vmem>> -> memref<50xi32, #tpu.memory_space<vmem>>
    %dma_wait3A_349 = arith.constant 0 : i32
    %dma_wait3A_350 = arith.constant 0 : i32
    %dma_wait3A_351 = tpu.memref_slice %arg3[%dma_wait3A_349, %dma_wait3A_350] : memref<4000000x32xf32, #tpu.memory_space<hbm>> -> memref<4000000x32xf32, #tpu.memory_space<hbm>>
    tpu.wait_indirect_dma semaphore(%arg7 : memref<!tpu.dma_semaphore, #tpu.memory_space<semaphore_mem>>) src(%dma_wait3A_351 : memref<4000000x32xf32, #tpu.memory_space<hbm>>) dst(%dma_wait3A_345 : memref<50x32xf32, #tpu.memory_space<vmem>>)
    %dma_wait3A_352 = arith.constant 11 : i32
    %dma_wait3A_353 = arith.constant 0 : i32
    %dma_wait3A_354 = arith.constant 11 : i32
    %dma_wait3A_355 = arith.constant 0 : i32
    %dma_wait3A_356 = arith.constant 0 : i32
    %dma_wait3A_357 = tpu.memref_slice %arg6[%dma_wait3A_353, %dma_wait3A_354, %dma_wait3A_355, %dma_wait3A_356] : memref<2x16x50x32xf32, #tpu.memory_space<vmem>> -> memref<1x1x50x32xf32, #tpu.memory_space<vmem>>
    %dma_wait3A_358 = tpu.memref_squeeze %dma_wait3A_357 : memref<1x1x50x32xf32, #tpu.memory_space<vmem>> -> memref<50x32xf32, #tpu.memory_space<vmem>>
    %dma_wait3A_359 = arith.constant 0 : i32
    %dma_wait3A_360 = tpu.memref_slice %arg5[%dma_wait3A_352, %dma_wait3A_359] : memref<512x50xi32, #tpu.memory_space<vmem>> -> memref<1x50xi32, #tpu.memory_space<vmem>>
    %dma_wait3A_361 = tpu.memref_squeeze %dma_wait3A_360 : memref<1x50xi32, #tpu.memory_space<vmem>> -> memref<50xi32, #tpu.memory_space<vmem>>
    %dma_wait3A_362 = arith.constant 0 : i32
    %dma_wait3A_363 = arith.constant 0 : i32
    %dma_wait3A_364 = tpu.memref_slice %arg3[%dma_wait3A_362, %dma_wait3A_363] : memref<4000000x32xf32, #tpu.memory_space<hbm>> -> memref<4000000x32xf32, #tpu.memory_space<hbm>>
    tpu.wait_indirect_dma semaphore(%arg7 : memref<!tpu.dma_semaphore, #tpu.memory_space<semaphore_mem>>) src(%dma_wait3A_364 : memref<4000000x32xf32, #tpu.memory_space<hbm>>) dst(%dma_wait3A_358 : memref<50x32xf32, #tpu.memory_space<vmem>>)
    %dma_wait3A_365 = arith.constant 12 : i32
    %dma_wait3A_366 = arith.constant 0 : i32
    %dma_wait3A_367 = arith.constant 12 : i32
    %dma_wait3A_368 = arith.constant 0 : i32
    %dma_wait3A_369 = arith.constant 0 : i32
    %dma_wait3A_370 = tpu.memref_slice %arg6[%dma_wait3A_366, %dma_wait3A_367, %dma_wait3A_368, %dma_wait3A_369] : memref<2x16x50x32xf32, #tpu.memory_space<vmem>> -> memref<1x1x50x32xf32, #tpu.memory_space<vmem>>
    %dma_wait3A_371 = tpu.memref_squeeze %dma_wait3A_370 : memref<1x1x50x32xf32, #tpu.memory_space<vmem>> -> memref<50x32xf32, #tpu.memory_space<vmem>>
    %dma_wait3A_372 = arith.constant 0 : i32
    %dma_wait3A_373 = tpu.memref_slice %arg5[%dma_wait3A_365, %dma_wait3A_372] : memref<512x50xi32, #tpu.memory_space<vmem>> -> memref<1x50xi32, #tpu.memory_space<vmem>>
    %dma_wait3A_374 = tpu.memref_squeeze %dma_wait3A_373 : memref<1x50xi32, #tpu.memory_space<vmem>> -> memref<50xi32, #tpu.memory_space<vmem>>
    %dma_wait3A_375 = arith.constant 0 : i32
    %dma_wait3A_376 = arith.constant 0 : i32
    %dma_wait3A_377 = tpu.memref_slice %arg3[%dma_wait3A_375, %dma_wait3A_376] : memref<4000000x32xf32, #tpu.memory_space<hbm>> -> memref<4000000x32xf32, #tpu.memory_space<hbm>>
    tpu.wait_indirect_dma semaphore(%arg7 : memref<!tpu.dma_semaphore, #tpu.memory_space<semaphore_mem>>) src(%dma_wait3A_377 : memref<4000000x32xf32, #tpu.memory_space<hbm>>) dst(%dma_wait3A_371 : memref<50x32xf32, #tpu.memory_space<vmem>>)
    %dma_wait3A_378 = arith.constant 13 : i32
    %dma_wait3A_379 = arith.constant 0 : i32
    %dma_wait3A_380 = arith.constant 13 : i32
    %dma_wait3A_381 = arith.constant 0 : i32
    %dma_wait3A_382 = arith.constant 0 : i32
    %dma_wait3A_383 = tpu.memref_slice %arg6[%dma_wait3A_379, %dma_wait3A_380, %dma_wait3A_381, %dma_wait3A_382] : memref<2x16x50x32xf32, #tpu.memory_space<vmem>> -> memref<1x1x50x32xf32, #tpu.memory_space<vmem>>
    %dma_wait3A_384 = tpu.memref_squeeze %dma_wait3A_383 : memref<1x1x50x32xf32, #tpu.memory_space<vmem>> -> memref<50x32xf32, #tpu.memory_space<vmem>>
    %dma_wait3A_385 = arith.constant 0 : i32
    %dma_wait3A_386 = tpu.memref_slice %arg5[%dma_wait3A_378, %dma_wait3A_385] : memref<512x50xi32, #tpu.memory_space<vmem>> -> memref<1x50xi32, #tpu.memory_space<vmem>>
    %dma_wait3A_387 = tpu.memref_squeeze %dma_wait3A_386 : memref<1x50xi32, #tpu.memory_space<vmem>> -> memref<50xi32, #tpu.memory_space<vmem>>
    %dma_wait3A_388 = arith.constant 0 : i32
    %dma_wait3A_389 = arith.constant 0 : i32
    %dma_wait3A_390 = tpu.memref_slice %arg3[%dma_wait3A_388, %dma_wait3A_389] : memref<4000000x32xf32, #tpu.memory_space<hbm>> -> memref<4000000x32xf32, #tpu.memory_space<hbm>>
    tpu.wait_indirect_dma semaphore(%arg7 : memref<!tpu.dma_semaphore, #tpu.memory_space<semaphore_mem>>) src(%dma_wait3A_390 : memref<4000000x32xf32, #tpu.memory_space<hbm>>) dst(%dma_wait3A_384 : memref<50x32xf32, #tpu.memory_space<vmem>>)
    %dma_wait3A_391 = arith.constant 14 : i32
    %dma_wait3A_392 = arith.constant 0 : i32
    %dma_wait3A_393 = arith.constant 14 : i32
    %dma_wait3A_394 = arith.constant 0 : i32
    %dma_wait3A_395 = arith.constant 0 : i32
    %dma_wait3A_396 = tpu.memref_slice %arg6[%dma_wait3A_392, %dma_wait3A_393, %dma_wait3A_394, %dma_wait3A_395] : memref<2x16x50x32xf32, #tpu.memory_space<vmem>> -> memref<1x1x50x32xf32, #tpu.memory_space<vmem>>
    %dma_wait3A_397 = tpu.memref_squeeze %dma_wait3A_396 : memref<1x1x50x32xf32, #tpu.memory_space<vmem>> -> memref<50x32xf32, #tpu.memory_space<vmem>>
    %dma_wait3A_398 = arith.constant 0 : i32
    %dma_wait3A_399 = tpu.memref_slice %arg5[%dma_wait3A_391, %dma_wait3A_398] : memref<512x50xi32, #tpu.memory_space<vmem>> -> memref<1x50xi32, #tpu.memory_space<vmem>>
    %dma_wait3A_400 = tpu.memref_squeeze %dma_wait3A_399 : memref<1x50xi32, #tpu.memory_space<vmem>> -> memref<50xi32, #tpu.memory_space<vmem>>
    %dma_wait3A_401 = arith.constant 0 : i32
    %dma_wait3A_402 = arith.constant 0 : i32
    %dma_wait3A_403 = tpu.memref_slice %arg3[%dma_wait3A_401, %dma_wait3A_402] : memref<4000000x32xf32, #tpu.memory_space<hbm>> -> memref<4000000x32xf32, #tpu.memory_space<hbm>>
    tpu.wait_indirect_dma semaphore(%arg7 : memref<!tpu.dma_semaphore, #tpu.memory_space<semaphore_mem>>) src(%dma_wait3A_403 : memref<4000000x32xf32, #tpu.memory_space<hbm>>) dst(%dma_wait3A_397 : memref<50x32xf32, #tpu.memory_space<vmem>>)
    %dma_wait3A_404 = arith.constant 15 : i32
    %dma_wait3A_405 = arith.constant 0 : i32
    %dma_wait3A_406 = arith.constant 15 : i32
    %dma_wait3A_407 = arith.constant 0 : i32
    %dma_wait3A_408 = arith.constant 0 : i32
    %dma_wait3A_409 = tpu.memref_slice %arg6[%dma_wait3A_405, %dma_wait3A_406, %dma_wait3A_407, %dma_wait3A_408] : memref<2x16x50x32xf32, #tpu.memory_space<vmem>> -> memref<1x1x50x32xf32, #tpu.memory_space<vmem>>
    %dma_wait3A_410 = tpu.memref_squeeze %dma_wait3A_409 : memref<1x1x50x32xf32, #tpu.memory_space<vmem>> -> memref<50x32xf32, #tpu.memory_space<vmem>>
    %dma_wait3A_411 = arith.constant 0 : i32
    %dma_wait3A_412 = tpu.memref_slice %arg5[%dma_wait3A_404, %dma_wait3A_411] : memref<512x50xi32, #tpu.memory_space<vmem>> -> memref<1x50xi32, #tpu.memory_space<vmem>>
    %dma_wait3A_413 = tpu.memref_squeeze %dma_wait3A_412 : memref<1x50xi32, #tpu.memory_space<vmem>> -> memref<50xi32, #tpu.memory_space<vmem>>
    %dma_wait3A_414 = arith.constant 0 : i32
    %dma_wait3A_415 = arith.constant 0 : i32
    %dma_wait3A_416 = tpu.memref_slice %arg3[%dma_wait3A_414, %dma_wait3A_415] : memref<4000000x32xf32, #tpu.memory_space<hbm>> -> memref<4000000x32xf32, #tpu.memory_space<hbm>>
    tpu.wait_indirect_dma semaphore(%arg7 : memref<!tpu.dma_semaphore, #tpu.memory_space<semaphore_mem>>) src(%dma_wait3A_416 : memref<4000000x32xf32, #tpu.memory_space<hbm>>) dst(%dma_wait3A_410 : memref<50x32xf32, #tpu.memory_space<vmem>>)
    %add3A_417 = arith.constant 0 : i32
    %add3A_418 = arith.addi %mul3A_2, %add3A_417 : i32
    %dma_start3A_419 = arith.constant 0 : i32
    %dma_start3A_420 = arith.constant 0 : i32
    %dma_start3A_421 = arith.constant 0 : i32
    %dma_start3A_422 = arith.constant 0 : i32
    %dma_start3A_423 = tpu.memref_slice %arg6[%dma_start3A_419, %dma_start3A_420, %dma_start3A_421, %dma_start3A_422] : memref<2x16x50x32xf32, #tpu.memory_space<vmem>> -> memref<1x16x50x32xf32, #tpu.memory_space<vmem>>
    %dma_start3A_424 = tpu.memref_squeeze %dma_start3A_423 : memref<1x16x50x32xf32, #tpu.memory_space<vmem>> -> memref<16x50x32xf32, #tpu.memory_space<vmem>>
    %dma_start3A_425 = arith.constant 0 : i32
    %dma_start3A_426 = arith.constant 0 : i32
    %dma_start3A_427 = tpu.memref_slice %arg4[%add3A_418, %dma_start3A_425, %dma_start3A_426] : memref<16384x50x32xf32, #tpu.memory_space<hbm>> -> memref<16x50x32xf32, #tpu.memory_space<hbm>>
    %dma_start3A_428 = arith.constant 0 : i32
    %dma_start3A_429 = arith.constant 0 : i32
    %dma_start3A_430 = tpu.memref_slice %arg4[%add3A_418, %dma_start3A_428, %dma_start3A_429] : memref<16384x50x32xf32, #tpu.memory_space<hbm>> -> memref<16x50x32xf32, #tpu.memory_space<hbm>>
    %dma_start3A_431 = arith.constant 0 : i32
    %dma_start3A_432 = arith.constant 0 : i32
    %dma_start3A_433 = arith.constant 0 : i32
    %dma_start3A_434 = tpu.memref_slice %arg6[%dma_start3A_419, %dma_start3A_431, %dma_start3A_432, %dma_start3A_433] : memref<2x16x50x32xf32, #tpu.memory_space<vmem>> -> memref<1x16x50x32xf32, #tpu.memory_space<vmem>>
    %dma_start3A_435 = tpu.memref_squeeze %dma_start3A_434 : memref<1x16x50x32xf32, #tpu.memory_space<vmem>> -> memref<16x50x32xf32, #tpu.memory_space<vmem>>
    tpu.enqueue_dma source(%dma_start3A_435 : memref<16x50x32xf32, #tpu.memory_space<vmem>>) target(%dma_start3A_430 : memref<16x50x32xf32, #tpu.memory_space<hbm>>) target_semaphore(%arg8 : memref<!tpu.dma_semaphore, #tpu.memory_space<semaphore_mem>>)
    %dma_start3A_436 = arith.constant 16 : i32
    %dma_start3A_437 = arith.constant 1 : i32
    %dma_start3A_438 = arith.constant 0 : i32
    %dma_start3A_439 = arith.constant 0 : i32
    %dma_start3A_440 = arith.constant 0 : i32
    %dma_start3A_441 = tpu.memref_slice %arg6[%dma_start3A_437, %dma_start3A_438, %dma_start3A_439, %dma_start3A_440] : memref<2x16x50x32xf32, #tpu.memory_space<vmem>> -> memref<1x1x50x32xf32, #tpu.memory_space<vmem>>
    %dma_start3A_442 = tpu.memref_squeeze %dma_start3A_441 : memref<1x1x50x32xf32, #tpu.memory_space<vmem>> -> memref<50x32xf32, #tpu.memory_space<vmem>>
    %dma_start3A_443 = arith.constant 0 : i32
    %dma_start3A_444 = tpu.memref_slice %arg5[%dma_start3A_436, %dma_start3A_443] : memref<512x50xi32, #tpu.memory_space<vmem>> -> memref<1x50xi32, #tpu.memory_space<vmem>>
    %dma_start3A_445 = tpu.memref_squeeze %dma_start3A_444 : memref<1x50xi32, #tpu.memory_space<vmem>> -> memref<50xi32, #tpu.memory_space<vmem>>
    %dma_start3A_446 = arith.constant 0 : i32
    %dma_start3A_447 = arith.constant 0 : i32
    %dma_start3A_448 = tpu.memref_slice %arg3[%dma_start3A_446, %dma_start3A_447] : memref<4000000x32xf32, #tpu.memory_space<hbm>> -> memref<4000000x32xf32, #tpu.memory_space<hbm>>
    tpu.enqueue_indirect_dma source(%dma_start3A_448 : memref<4000000x32xf32, #tpu.memory_space<hbm>>) target(%dma_start3A_442 : memref<50x32xf32, #tpu.memory_space<vmem>>) offsets(%dma_start3A_445 : memref<50xi32, #tpu.memory_space<vmem>>) semaphore(%arg7 : memref<!tpu.dma_semaphore, #tpu.memory_space<semaphore_mem>>)
    %dma_start3A_449 = arith.constant 17 : i32
    %dma_start3A_450 = arith.constant 1 : i32
    %dma_start3A_451 = arith.constant 1 : i32
    %dma_start3A_452 = arith.constant 0 : i32
    %dma_start3A_453 = arith.constant 0 : i32
    %dma_start3A_454 = tpu.memref_slice %arg6[%dma_start3A_450, %dma_start3A_451, %dma_start3A_452, %dma_start3A_453] : memref<2x16x50x32xf32, #tpu.memory_space<vmem>> -> memref<1x1x50x32xf32, #tpu.memory_space<vmem>>
    %dma_start3A_455 = tpu.memref_squeeze %dma_start3A_454 : memref<1x1x50x32xf32, #tpu.memory_space<vmem>> -> memref<50x32xf32, #tpu.memory_space<vmem>>
    %dma_start3A_456 = arith.constant 0 : i32
    %dma_start3A_457 = tpu.memref_slice %arg5[%dma_start3A_449, %dma_start3A_456] : memref<512x50xi32, #tpu.memory_space<vmem>> -> memref<1x50xi32, #tpu.memory_space<vmem>>
    %dma_start3A_458 = tpu.memref_squeeze %dma_start3A_457 : memref<1x50xi32, #tpu.memory_space<vmem>> -> memref<50xi32, #tpu.memory_space<vmem>>
    %dma_start3A_459 = arith.constant 0 : i32
    %dma_start3A_460 = arith.constant 0 : i32
    %dma_start3A_461 = tpu.memref_slice %arg3[%dma_start3A_459, %dma_start3A_460] : memref<4000000x32xf32, #tpu.memory_space<hbm>> -> memref<4000000x32xf32, #tpu.memory_space<hbm>>
    tpu.enqueue_indirect_dma source(%dma_start3A_461 : memref<4000000x32xf32, #tpu.memory_space<hbm>>) target(%dma_start3A_455 : memref<50x32xf32, #tpu.memory_space<vmem>>) offsets(%dma_start3A_458 : memref<50xi32, #tpu.memory_space<vmem>>) semaphore(%arg7 : memref<!tpu.dma_semaphore, #tpu.memory_space<semaphore_mem>>)
    %dma_start3A_462 = arith.constant 18 : i32
    %dma_start3A_463 = arith.constant 1 : i32
    %dma_start3A_464 = arith.constant 2 : i32
    %dma_start3A_465 = arith.constant 0 : i32
    %dma_start3A_466 = arith.constant 0 : i32
    %dma_start3A_467 = tpu.memref_slice %arg6[%dma_start3A_463, %dma_start3A_464, %dma_start3A_465, %dma_start3A_466] : memref<2x16x50x32xf32, #tpu.memory_space<vmem>> -> memref<1x1x50x32xf32, #tpu.memory_space<vmem>>
    %dma_start3A_468 = tpu.memref_squeeze %dma_start3A_467 : memref<1x1x50x32xf32, #tpu.memory_space<vmem>> -> memref<50x32xf32, #tpu.memory_space<vmem>>
    %dma_start3A_469 = arith.constant 0 : i32
    %dma_start3A_470 = tpu.memref_slice %arg5[%dma_start3A_462, %dma_start3A_469] : memref<512x50xi32, #tpu.memory_space<vmem>> -> memref<1x50xi32, #tpu.memory_space<vmem>>
    %dma_start3A_471 = tpu.memref_squeeze %dma_start3A_470 : memref<1x50xi32, #tpu.memory_space<vmem>> -> memref<50xi32, #tpu.memory_space<vmem>>
    %dma_start3A_472 = arith.constant 0 : i32
    %dma_start3A_473 = arith.constant 0 : i32
    %dma_start3A_474 = tpu.memref_slice %arg3[%dma_start3A_472, %dma_start3A_473] : memref<4000000x32xf32, #tpu.memory_space<hbm>> -> memref<4000000x32xf32, #tpu.memory_space<hbm>>
    tpu.enqueue_indirect_dma source(%dma_start3A_474 : memref<4000000x32xf32, #tpu.memory_space<hbm>>) target(%dma_start3A_468 : memref<50x32xf32, #tpu.memory_space<vmem>>) offsets(%dma_start3A_471 : memref<50xi32, #tpu.memory_space<vmem>>) semaphore(%arg7 : memref<!tpu.dma_semaphore, #tpu.memory_space<semaphore_mem>>)
    %dma_start3A_475 = arith.constant 19 : i32
    %dma_start3A_476 = arith.constant 1 : i32
    %dma_start3A_477 = arith.constant 3 : i32
    %dma_start3A_478 = arith.constant 0 : i32
    %dma_start3A_479 = arith.constant 0 : i32
    %dma_start3A_480 = tpu.memref_slice %arg6[%dma_start3A_476, %dma_start3A_477, %dma_start3A_478, %dma_start3A_479] : memref<2x16x50x32xf32, #tpu.memory_space<vmem>> -> memref<1x1x50x32xf32, #tpu.memory_space<vmem>>
    %dma_start3A_481 = tpu.memref_squeeze %dma_start3A_480 : memref<1x1x50x32xf32, #tpu.memory_space<vmem>> -> memref<50x32xf32, #tpu.memory_space<vmem>>
    %dma_start3A_482 = arith.constant 0 : i32
    %dma_start3A_483 = tpu.memref_slice %arg5[%dma_start3A_475, %dma_start3A_482] : memref<512x50xi32, #tpu.memory_space<vmem>> -> memref<1x50xi32, #tpu.memory_space<vmem>>
    %dma_start3A_484 = tpu.memref_squeeze %dma_start3A_483 : memref<1x50xi32, #tpu.memory_space<vmem>> -> memref<50xi32, #tpu.memory_space<vmem>>
    %dma_start3A_485 = arith.constant 0 : i32
    %dma_start3A_486 = arith.constant 0 : i32
    %dma_start3A_487 = tpu.memref_slice %arg3[%dma_start3A_485, %dma_start3A_486] : memref<4000000x32xf32, #tpu.memory_space<hbm>> -> memref<4000000x32xf32, #tpu.memory_space<hbm>>
    tpu.enqueue_indirect_dma source(%dma_start3A_487 : memref<4000000x32xf32, #tpu.memory_space<hbm>>) target(%dma_start3A_481 : memref<50x32xf32, #tpu.memory_space<vmem>>) offsets(%dma_start3A_484 : memref<50xi32, #tpu.memory_space<vmem>>) semaphore(%arg7 : memref<!tpu.dma_semaphore, #tpu.memory_space<semaphore_mem>>)
    %dma_start3A_488 = arith.constant 20 : i32
    %dma_start3A_489 = arith.constant 1 : i32
    %dma_start3A_490 = arith.constant 4 : i32
    %dma_start3A_491 = arith.constant 0 : i32
    %dma_start3A_492 = arith.constant 0 : i32
    %dma_start3A_493 = tpu.memref_slice %arg6[%dma_start3A_489, %dma_start3A_490, %dma_start3A_491, %dma_start3A_492] : memref<2x16x50x32xf32, #tpu.memory_space<vmem>> -> memref<1x1x50x32xf32, #tpu.memory_space<vmem>>
    %dma_start3A_494 = tpu.memref_squeeze %dma_start3A_493 : memref<1x1x50x32xf32, #tpu.memory_space<vmem>> -> memref<50x32xf32, #tpu.memory_space<vmem>>
    %dma_start3A_495 = arith.constant 0 : i32
    %dma_start3A_496 = tpu.memref_slice %arg5[%dma_start3A_488, %dma_start3A_495] : memref<512x50xi32, #tpu.memory_space<vmem>> -> memref<1x50xi32, #tpu.memory_space<vmem>>
    %dma_start3A_497 = tpu.memref_squeeze %dma_start3A_496 : memref<1x50xi32, #tpu.memory_space<vmem>> -> memref<50xi32, #tpu.memory_space<vmem>>
    %dma_start3A_498 = arith.constant 0 : i32
    %dma_start3A_499 = arith.constant 0 : i32
    %dma_start3A_500 = tpu.memref_slice %arg3[%dma_start3A_498, %dma_start3A_499] : memref<4000000x32xf32, #tpu.memory_space<hbm>> -> memref<4000000x32xf32, #tpu.memory_space<hbm>>
    tpu.enqueue_indirect_dma source(%dma_start3A_500 : memref<4000000x32xf32, #tpu.memory_space<hbm>>) target(%dma_start3A_494 : memref<50x32xf32, #tpu.memory_space<vmem>>) offsets(%dma_start3A_497 : memref<50xi32, #tpu.memory_space<vmem>>) semaphore(%arg7 : memref<!tpu.dma_semaphore, #tpu.memory_space<semaphore_mem>>)
    %dma_start3A_501 = arith.constant 21 : i32
    %dma_start3A_502 = arith.constant 1 : i32
    %dma_start3A_503 = arith.constant 5 : i32
    %dma_start3A_504 = arith.constant 0 : i32
    %dma_start3A_505 = arith.constant 0 : i32
    %dma_start3A_506 = tpu.memref_slice %arg6[%dma_start3A_502, %dma_start3A_503, %dma_start3A_504, %dma_start3A_505] : memref<2x16x50x32xf32, #tpu.memory_space<vmem>> -> memref<1x1x50x32xf32, #tpu.memory_space<vmem>>
    %dma_start3A_507 = tpu.memref_squeeze %dma_start3A_506 : memref<1x1x50x32xf32, #tpu.memory_space<vmem>> -> memref<50x32xf32, #tpu.memory_space<vmem>>
    %dma_start3A_508 = arith.constant 0 : i32
    %dma_start3A_509 = tpu.memref_slice %arg5[%dma_start3A_501, %dma_start3A_508] : memref<512x50xi32, #tpu.memory_space<vmem>> -> memref<1x50xi32, #tpu.memory_space<vmem>>
    %dma_start3A_510 = tpu.memref_squeeze %dma_start3A_509 : memref<1x50xi32, #tpu.memory_space<vmem>> -> memref<50xi32, #tpu.memory_space<vmem>>
    %dma_start3A_511 = arith.constant 0 : i32
    %dma_start3A_512 = arith.constant 0 : i32
    %dma_start3A_513 = tpu.memref_slice %arg3[%dma_start3A_511, %dma_start3A_512] : memref<4000000x32xf32, #tpu.memory_space<hbm>> -> memref<4000000x32xf32, #tpu.memory_space<hbm>>
    tpu.enqueue_indirect_dma source(%dma_start3A_513 : memref<4000000x32xf32, #tpu.memory_space<hbm>>) target(%dma_start3A_507 : memref<50x32xf32, #tpu.memory_space<vmem>>) offsets(%dma_start3A_510 : memref<50xi32, #tpu.memory_space<vmem>>) semaphore(%arg7 : memref<!tpu.dma_semaphore, #tpu.memory_space<semaphore_mem>>)
    %dma_start3A_514 = arith.constant 22 : i32
    %dma_start3A_515 = arith.constant 1 : i32
    %dma_start3A_516 = arith.constant 6 : i32
    %dma_start3A_517 = arith.constant 0 : i32
    %dma_start3A_518 = arith.constant 0 : i32
    %dma_start3A_519 = tpu.memref_slice %arg6[%dma_start3A_515, %dma_start3A_516, %dma_start3A_517, %dma_start3A_518] : memref<2x16x50x32xf32, #tpu.memory_space<vmem>> -> memref<1x1x50x32xf32, #tpu.memory_space<vmem>>
    %dma_start3A_520 = tpu.memref_squeeze %dma_start3A_519 : memref<1x1x50x32xf32, #tpu.memory_space<vmem>> -> memref<50x32xf32, #tpu.memory_space<vmem>>
    %dma_start3A_521 = arith.constant 0 : i32
    %dma_start3A_522 = tpu.memref_slice %arg5[%dma_start3A_514, %dma_start3A_521] : memref<512x50xi32, #tpu.memory_space<vmem>> -> memref<1x50xi32, #tpu.memory_space<vmem>>
    %dma_start3A_523 = tpu.memref_squeeze %dma_start3A_522 : memref<1x50xi32, #tpu.memory_space<vmem>> -> memref<50xi32, #tpu.memory_space<vmem>>
    %dma_start3A_524 = arith.constant 0 : i32
    %dma_start3A_525 = arith.constant 0 : i32
    %dma_start3A_526 = tpu.memref_slice %arg3[%dma_start3A_524, %dma_start3A_525] : memref<4000000x32xf32, #tpu.memory_space<hbm>> -> memref<4000000x32xf32, #tpu.memory_space<hbm>>
    tpu.enqueue_indirect_dma source(%dma_start3A_526 : memref<4000000x32xf32, #tpu.memory_space<hbm>>) target(%dma_start3A_520 : memref<50x32xf32, #tpu.memory_space<vmem>>) offsets(%dma_start3A_523 : memref<50xi32, #tpu.memory_space<vmem>>) semaphore(%arg7 : memref<!tpu.dma_semaphore, #tpu.memory_space<semaphore_mem>>)
    %dma_start3A_527 = arith.constant 23 : i32
    %dma_start3A_528 = arith.constant 1 : i32
    %dma_start3A_529 = arith.constant 7 : i32
    %dma_start3A_530 = arith.constant 0 : i32
    %dma_start3A_531 = arith.constant 0 : i32
    %dma_start3A_532 = tpu.memref_slice %arg6[%dma_start3A_528, %dma_start3A_529, %dma_start3A_530, %dma_start3A_531] : memref<2x16x50x32xf32, #tpu.memory_space<vmem>> -> memref<1x1x50x32xf32, #tpu.memory_space<vmem>>
    %dma_start3A_533 = tpu.memref_squeeze %dma_start3A_532 : memref<1x1x50x32xf32, #tpu.memory_space<vmem>> -> memref<50x32xf32, #tpu.memory_space<vmem>>
    %dma_start3A_534 = arith.constant 0 : i32
    %dma_start3A_535 = tpu.memref_slice %arg5[%dma_start3A_527, %dma_start3A_534] : memref<512x50xi32, #tpu.memory_space<vmem>> -> memref<1x50xi32, #tpu.memory_space<vmem>>
    %dma_start3A_536 = tpu.memref_squeeze %dma_start3A_535 : memref<1x50xi32, #tpu.memory_space<vmem>> -> memref<50xi32, #tpu.memory_space<vmem>>
    %dma_start3A_537 = arith.constant 0 : i32
    %dma_start3A_538 = arith.constant 0 : i32
    %dma_start3A_539 = tpu.memref_slice %arg3[%dma_start3A_537, %dma_start3A_538] : memref<4000000x32xf32, #tpu.memory_space<hbm>> -> memref<4000000x32xf32, #tpu.memory_space<hbm>>
    tpu.enqueue_indirect_dma source(%dma_start3A_539 : memref<4000000x32xf32, #tpu.memory_space<hbm>>) target(%dma_start3A_533 : memref<50x32xf32, #tpu.memory_space<vmem>>) offsets(%dma_start3A_536 : memref<50xi32, #tpu.memory_space<vmem>>) semaphore(%arg7 : memref<!tpu.dma_semaphore, #tpu.memory_space<semaphore_mem>>)
    %dma_start3A_540 = arith.constant 24 : i32
    %dma_start3A_541 = arith.constant 1 : i32
    %dma_start3A_542 = arith.constant 8 : i32
    %dma_start3A_543 = arith.constant 0 : i32
    %dma_start3A_544 = arith.constant 0 : i32
    %dma_start3A_545 = tpu.memref_slice %arg6[%dma_start3A_541, %dma_start3A_542, %dma_start3A_543, %dma_start3A_544] : memref<2x16x50x32xf32, #tpu.memory_space<vmem>> -> memref<1x1x50x32xf32, #tpu.memory_space<vmem>>
    %dma_start3A_546 = tpu.memref_squeeze %dma_start3A_545 : memref<1x1x50x32xf32, #tpu.memory_space<vmem>> -> memref<50x32xf32, #tpu.memory_space<vmem>>
    %dma_start3A_547 = arith.constant 0 : i32
    %dma_start3A_548 = tpu.memref_slice %arg5[%dma_start3A_540, %dma_start3A_547] : memref<512x50xi32, #tpu.memory_space<vmem>> -> memref<1x50xi32, #tpu.memory_space<vmem>>
    %dma_start3A_549 = tpu.memref_squeeze %dma_start3A_548 : memref<1x50xi32, #tpu.memory_space<vmem>> -> memref<50xi32, #tpu.memory_space<vmem>>
    %dma_start3A_550 = arith.constant 0 : i32
    %dma_start3A_551 = arith.constant 0 : i32
    %dma_start3A_552 = tpu.memref_slice %arg3[%dma_start3A_550, %dma_start3A_551] : memref<4000000x32xf32, #tpu.memory_space<hbm>> -> memref<4000000x32xf32, #tpu.memory_space<hbm>>
    tpu.enqueue_indirect_dma source(%dma_start3A_552 : memref<4000000x32xf32, #tpu.memory_space<hbm>>) target(%dma_start3A_546 : memref<50x32xf32, #tpu.memory_space<vmem>>) offsets(%dma_start3A_549 : memref<50xi32, #tpu.memory_space<vmem>>) semaphore(%arg7 : memref<!tpu.dma_semaphore, #tpu.memory_space<semaphore_mem>>)
    %dma_start3A_553 = arith.constant 25 : i32
    %dma_start3A_554 = arith.constant 1 : i32
    %dma_start3A_555 = arith.constant 9 : i32
    %dma_start3A_556 = arith.constant 0 : i32
    %dma_start3A_557 = arith.constant 0 : i32
    %dma_start3A_558 = tpu.memref_slice %arg6[%dma_start3A_554, %dma_start3A_555, %dma_start3A_556, %dma_start3A_557] : memref<2x16x50x32xf32, #tpu.memory_space<vmem>> -> memref<1x1x50x32xf32, #tpu.memory_space<vmem>>
    %dma_start3A_559 = tpu.memref_squeeze %dma_start3A_558 : memref<1x1x50x32xf32, #tpu.memory_space<vmem>> -> memref<50x32xf32, #tpu.memory_space<vmem>>
    %dma_start3A_560 = arith.constant 0 : i32
    %dma_start3A_561 = tpu.memref_slice %arg5[%dma_start3A_553, %dma_start3A_560] : memref<512x50xi32, #tpu.memory_space<vmem>> -> memref<1x50xi32, #tpu.memory_space<vmem>>
    %dma_start3A_562 = tpu.memref_squeeze %dma_start3A_561 : memref<1x50xi32, #tpu.memory_space<vmem>> -> memref<50xi32, #tpu.memory_space<vmem>>
    %dma_start3A_563 = arith.constant 0 : i32
    %dma_start3A_564 = arith.constant 0 : i32
    %dma_start3A_565 = tpu.memref_slice %arg3[%dma_start3A_563, %dma_start3A_564] : memref<4000000x32xf32, #tpu.memory_space<hbm>> -> memref<4000000x32xf32, #tpu.memory_space<hbm>>
    tpu.enqueue_indirect_dma source(%dma_start3A_565 : memref<4000000x32xf32, #tpu.memory_space<hbm>>) target(%dma_start3A_559 : memref<50x32xf32, #tpu.memory_space<vmem>>) offsets(%dma_start3A_562 : memref<50xi32, #tpu.memory_space<vmem>>) semaphore(%arg7 : memref<!tpu.dma_semaphore, #tpu.memory_space<semaphore_mem>>)
    %dma_start3A_566 = arith.constant 26 : i32
    %dma_start3A_567 = arith.constant 1 : i32
    %dma_start3A_568 = arith.constant 10 : i32
    %dma_start3A_569 = arith.constant 0 : i32
    %dma_start3A_570 = arith.constant 0 : i32
    %dma_start3A_571 = tpu.memref_slice %arg6[%dma_start3A_567, %dma_start3A_568, %dma_start3A_569, %dma_start3A_570] : memref<2x16x50x32xf32, #tpu.memory_space<vmem>> -> memref<1x1x50x32xf32, #tpu.memory_space<vmem>>
    %dma_start3A_572 = tpu.memref_squeeze %dma_start3A_571 : memref<1x1x50x32xf32, #tpu.memory_space<vmem>> -> memref<50x32xf32, #tpu.memory_space<vmem>>
    %dma_start3A_573 = arith.constant 0 : i32
    %dma_start3A_574 = tpu.memref_slice %arg5[%dma_start3A_566, %dma_start3A_573] : memref<512x50xi32, #tpu.memory_space<vmem>> -> memref<1x50xi32, #tpu.memory_space<vmem>>
    %dma_start3A_575 = tpu.memref_squeeze %dma_start3A_574 : memref<1x50xi32, #tpu.memory_space<vmem>> -> memref<50xi32, #tpu.memory_space<vmem>>
    %dma_start3A_576 = arith.constant 0 : i32
    %dma_start3A_577 = arith.constant 0 : i32
    %dma_start3A_578 = tpu.memref_slice %arg3[%dma_start3A_576, %dma_start3A_577] : memref<4000000x32xf32, #tpu.memory_space<hbm>> -> memref<4000000x32xf32, #tpu.memory_space<hbm>>
    tpu.enqueue_indirect_dma source(%dma_start3A_578 : memref<4000000x32xf32, #tpu.memory_space<hbm>>) target(%dma_start3A_572 : memref<50x32xf32, #tpu.memory_space<vmem>>) offsets(%dma_start3A_575 : memref<50xi32, #tpu.memory_space<vmem>>) semaphore(%arg7 : memref<!tpu.dma_semaphore, #tpu.memory_space<semaphore_mem>>)
    %dma_start3A_579 = arith.constant 27 : i32
    %dma_start3A_580 = arith.constant 1 : i32
    %dma_start3A_581 = arith.constant 11 : i32
    %dma_start3A_582 = arith.constant 0 : i32
    %dma_start3A_583 = arith.constant 0 : i32
    %dma_start3A_584 = tpu.memref_slice %arg6[%dma_start3A_580, %dma_start3A_581, %dma_start3A_582, %dma_start3A_583] : memref<2x16x50x32xf32, #tpu.memory_space<vmem>> -> memref<1x1x50x32xf32, #tpu.memory_space<vmem>>
    %dma_start3A_585 = tpu.memref_squeeze %dma_start3A_584 : memref<1x1x50x32xf32, #tpu.memory_space<vmem>> -> memref<50x32xf32, #tpu.memory_space<vmem>>
    %dma_start3A_586 = arith.constant 0 : i32
    %dma_start3A_587 = tpu.memref_slice %arg5[%dma_start3A_579, %dma_start3A_586] : memref<512x50xi32, #tpu.memory_space<vmem>> -> memref<1x50xi32, #tpu.memory_space<vmem>>
    %dma_start3A_588 = tpu.memref_squeeze %dma_start3A_587 : memref<1x50xi32, #tpu.memory_space<vmem>> -> memref<50xi32, #tpu.memory_space<vmem>>
    %dma_start3A_589 = arith.constant 0 : i32
    %dma_start3A_590 = arith.constant 0 : i32
    %dma_start3A_591 = tpu.memref_slice %arg3[%dma_start3A_589, %dma_start3A_590] : memref<4000000x32xf32, #tpu.memory_space<hbm>> -> memref<4000000x32xf32, #tpu.memory_space<hbm>>
    tpu.enqueue_indirect_dma source(%dma_start3A_591 : memref<4000000x32xf32, #tpu.memory_space<hbm>>) target(%dma_start3A_585 : memref<50x32xf32, #tpu.memory_space<vmem>>) offsets(%dma_start3A_588 : memref<50xi32, #tpu.memory_space<vmem>>) semaphore(%arg7 : memref<!tpu.dma_semaphore, #tpu.memory_space<semaphore_mem>>)
    %dma_start3A_592 = arith.constant 28 : i32
    %dma_start3A_593 = arith.constant 1 : i32
    %dma_start3A_594 = arith.constant 12 : i32
    %dma_start3A_595 = arith.constant 0 : i32
    %dma_start3A_596 = arith.constant 0 : i32
    %dma_start3A_597 = tpu.memref_slice %arg6[%dma_start3A_593, %dma_start3A_594, %dma_start3A_595, %dma_start3A_596] : memref<2x16x50x32xf32, #tpu.memory_space<vmem>> -> memref<1x1x50x32xf32, #tpu.memory_space<vmem>>
    %dma_start3A_598 = tpu.memref_squeeze %dma_start3A_597 : memref<1x1x50x32xf32, #tpu.memory_space<vmem>> -> memref<50x32xf32, #tpu.memory_space<vmem>>
    %dma_start3A_599 = arith.constant 0 : i32
    %dma_start3A_600 = tpu.memref_slice %arg5[%dma_start3A_592, %dma_start3A_599] : memref<512x50xi32, #tpu.memory_space<vmem>> -> memref<1x50xi32, #tpu.memory_space<vmem>>
    %dma_start3A_601 = tpu.memref_squeeze %dma_start3A_600 : memref<1x50xi32, #tpu.memory_space<vmem>> -> memref<50xi32, #tpu.memory_space<vmem>>
    %dma_start3A_602 = arith.constant 0 : i32
    %dma_start3A_603 = arith.constant 0 : i32
    %dma_start3A_604 = tpu.memref_slice %arg3[%dma_start3A_602, %dma_start3A_603] : memref<4000000x32xf32, #tpu.memory_space<hbm>> -> memref<4000000x32xf32, #tpu.memory_space<hbm>>
    tpu.enqueue_indirect_dma source(%dma_start3A_604 : memref<4000000x32xf32, #tpu.memory_space<hbm>>) target(%dma_start3A_598 : memref<50x32xf32, #tpu.memory_space<vmem>>) offsets(%dma_start3A_601 : memref<50xi32, #tpu.memory_space<vmem>>) semaphore(%arg7 : memref<!tpu.dma_semaphore, #tpu.memory_space<semaphore_mem>>)
    %dma_start3A_605 = arith.constant 29 : i32
    %dma_start3A_606 = arith.constant 1 : i32
    %dma_start3A_607 = arith.constant 13 : i32
    %dma_start3A_608 = arith.constant 0 : i32
    %dma_start3A_609 = arith.constant 0 : i32
    %dma_start3A_610 = tpu.memref_slice %arg6[%dma_start3A_606, %dma_start3A_607, %dma_start3A_608, %dma_start3A_609] : memref<2x16x50x32xf32, #tpu.memory_space<vmem>> -> memref<1x1x50x32xf32, #tpu.memory_space<vmem>>
    %dma_start3A_611 = tpu.memref_squeeze %dma_start3A_610 : memref<1x1x50x32xf32, #tpu.memory_space<vmem>> -> memref<50x32xf32, #tpu.memory_space<vmem>>
    %dma_start3A_612 = arith.constant 0 : i32
    %dma_start3A_613 = tpu.memref_slice %arg5[%dma_start3A_605, %dma_start3A_612] : memref<512x50xi32, #tpu.memory_space<vmem>> -> memref<1x50xi32, #tpu.memory_space<vmem>>
    %dma_start3A_614 = tpu.memref_squeeze %dma_start3A_613 : memref<1x50xi32, #tpu.memory_space<vmem>> -> memref<50xi32, #tpu.memory_space<vmem>>
    %dma_start3A_615 = arith.constant 0 : i32
    %dma_start3A_616 = arith.constant 0 : i32
    %dma_start3A_617 = tpu.memref_slice %arg3[%dma_start3A_615, %dma_start3A_616] : memref<4000000x32xf32, #tpu.memory_space<hbm>> -> memref<4000000x32xf32, #tpu.memory_space<hbm>>
    tpu.enqueue_indirect_dma source(%dma_start3A_617 : memref<4000000x32xf32, #tpu.memory_space<hbm>>) target(%dma_start3A_611 : memref<50x32xf32, #tpu.memory_space<vmem>>) offsets(%dma_start3A_614 : memref<50xi32, #tpu.memory_space<vmem>>) semaphore(%arg7 : memref<!tpu.dma_semaphore, #tpu.memory_space<semaphore_mem>>)
    %dma_start3A_618 = arith.constant 30 : i32
    %dma_start3A_619 = arith.constant 1 : i32
    %dma_start3A_620 = arith.constant 14 : i32
    %dma_start3A_621 = arith.constant 0 : i32
    %dma_start3A_622 = arith.constant 0 : i32
    %dma_start3A_623 = tpu.memref_slice %arg6[%dma_start3A_619, %dma_start3A_620, %dma_start3A_621, %dma_start3A_622] : memref<2x16x50x32xf32, #tpu.memory_space<vmem>> -> memref<1x1x50x32xf32, #tpu.memory_space<vmem>>
    %dma_start3A_624 = tpu.memref_squeeze %dma_start3A_623 : memref<1x1x50x32xf32, #tpu.memory_space<vmem>> -> memref<50x32xf32, #tpu.memory_space<vmem>>
    %dma_start3A_625 = arith.constant 0 : i32
    %dma_start3A_626 = tpu.memref_slice %arg5[%dma_start3A_618, %dma_start3A_625] : memref<512x50xi32, #tpu.memory_space<vmem>> -> memref<1x50xi32, #tpu.memory_space<vmem>>
    %dma_start3A_627 = tpu.memref_squeeze %dma_start3A_626 : memref<1x50xi32, #tpu.memory_space<vmem>> -> memref<50xi32, #tpu.memory_space<vmem>>
    %dma_start3A_628 = arith.constant 0 : i32
    %dma_start3A_629 = arith.constant 0 : i32
    %dma_start3A_630 = tpu.memref_slice %arg3[%dma_start3A_628, %dma_start3A_629] : memref<4000000x32xf32, #tpu.memory_space<hbm>> -> memref<4000000x32xf32, #tpu.memory_space<hbm>>
    tpu.enqueue_indirect_dma source(%dma_start3A_630 : memref<4000000x32xf32, #tpu.memory_space<hbm>>) target(%dma_start3A_624 : memref<50x32xf32, #tpu.memory_space<vmem>>) offsets(%dma_start3A_627 : memref<50xi32, #tpu.memory_space<vmem>>) semaphore(%arg7 : memref<!tpu.dma_semaphore, #tpu.memory_space<semaphore_mem>>)
    %dma_start3A_631 = arith.constant 31 : i32
    %dma_start3A_632 = arith.constant 1 : i32
    %dma_start3A_633 = arith.constant 15 : i32
    %dma_start3A_634 = arith.constant 0 : i32
    %dma_start3A_635 = arith.constant 0 : i32
    %dma_start3A_636 = tpu.memref_slice %arg6[%dma_start3A_632, %dma_start3A_633, %dma_start3A_634, %dma_start3A_635] : memref<2x16x50x32xf32, #tpu.memory_space<vmem>> -> memref<1x1x50x32xf32, #tpu.memory_space<vmem>>
    %dma_start3A_637 = tpu.memref_squeeze %dma_start3A_636 : memref<1x1x50x32xf32, #tpu.memory_space<vmem>> -> memref<50x32xf32, #tpu.memory_space<vmem>>
    %dma_start3A_638 = arith.constant 0 : i32
    %dma_start3A_639 = tpu.memref_slice %arg5[%dma_start3A_631, %dma_start3A_638] : memref<512x50xi32, #tpu.memory_space<vmem>> -> memref<1x50xi32, #tpu.memory_space<vmem>>
    %dma_start3A_640 = tpu.memref_squeeze %dma_start3A_639 : memref<1x50xi32, #tpu.memory_space<vmem>> -> memref<50xi32, #tpu.memory_space<vmem>>
    %dma_start3A_641 = arith.constant 0 : i32
    %dma_start3A_642 = arith.constant 0 : i32
    %dma_start3A_643 = tpu.memref_slice %arg3[%dma_start3A_641, %dma_start3A_642] : memref<4000000x32xf32, #tpu.memory_space<hbm>> -> memref<4000000x32xf32, #tpu.memory_space<hbm>>
    tpu.enqueue_indirect_dma source(%dma_start3A_643 : memref<4000000x32xf32, #tpu.memory_space<hbm>>) target(%dma_start3A_637 : memref<50x32xf32, #tpu.memory_space<vmem>>) offsets(%dma_start3A_640 : memref<50xi32, #tpu.memory_space<vmem>>) semaphore(%arg7 : memref<!tpu.dma_semaphore, #tpu.memory_space<semaphore_mem>>)
    %dma_wait3A_644 = arith.constant 16 : i32
    %dma_wait3A_645 = arith.constant 1 : i32
    %dma_wait3A_646 = arith.constant 0 : i32
    %dma_wait3A_647 = arith.constant 0 : i32
    %dma_wait3A_648 = arith.constant 0 : i32
    %dma_wait3A_649 = tpu.memref_slice %arg6[%dma_wait3A_645, %dma_wait3A_646, %dma_wait3A_647, %dma_wait3A_648] : memref<2x16x50x32xf32, #tpu.memory_space<vmem>> -> memref<1x1x50x32xf32, #tpu.memory_space<vmem>>
    %dma_wait3A_650 = tpu.memref_squeeze %dma_wait3A_649 : memref<1x1x50x32xf32, #tpu.memory_space<vmem>> -> memref<50x32xf32, #tpu.memory_space<vmem>>
    %dma_wait3A_651 = arith.constant 0 : i32
    %dma_wait3A_652 = tpu.memref_slice %arg5[%dma_wait3A_644, %dma_wait3A_651] : memref<512x50xi32, #tpu.memory_space<vmem>> -> memref<1x50xi32, #tpu.memory_space<vmem>>
    %dma_wait3A_653 = tpu.memref_squeeze %dma_wait3A_652 : memref<1x50xi32, #tpu.memory_space<vmem>> -> memref<50xi32, #tpu.memory_space<vmem>>
    %dma_wait3A_654 = arith.constant 0 : i32
    %dma_wait3A_655 = arith.constant 0 : i32
    %dma_wait3A_656 = tpu.memref_slice %arg3[%dma_wait3A_654, %dma_wait3A_655] : memref<4000000x32xf32, #tpu.memory_space<hbm>> -> memref<4000000x32xf32, #tpu.memory_space<hbm>>
    tpu.wait_indirect_dma semaphore(%arg7 : memref<!tpu.dma_semaphore, #tpu.memory_space<semaphore_mem>>) src(%dma_wait3A_656 : memref<4000000x32xf32, #tpu.memory_space<hbm>>) dst(%dma_wait3A_650 : memref<50x32xf32, #tpu.memory_space<vmem>>)
    %dma_wait3A_657 = arith.constant 17 : i32
    %dma_wait3A_658 = arith.constant 1 : i32
    %dma_wait3A_659 = arith.constant 1 : i32
    %dma_wait3A_660 = arith.constant 0 : i32
    %dma_wait3A_661 = arith.constant 0 : i32
    %dma_wait3A_662 = tpu.memref_slice %arg6[%dma_wait3A_658, %dma_wait3A_659, %dma_wait3A_660, %dma_wait3A_661] : memref<2x16x50x32xf32, #tpu.memory_space<vmem>> -> memref<1x1x50x32xf32, #tpu.memory_space<vmem>>
    %dma_wait3A_663 = tpu.memref_squeeze %dma_wait3A_662 : memref<1x1x50x32xf32, #tpu.memory_space<vmem>> -> memref<50x32xf32, #tpu.memory_space<vmem>>
    %dma_wait3A_664 = arith.constant 0 : i32
    %dma_wait3A_665 = tpu.memref_slice %arg5[%dma_wait3A_657, %dma_wait3A_664] : memref<512x50xi32, #tpu.memory_space<vmem>> -> memref<1x50xi32, #tpu.memory_space<vmem>>
    %dma_wait3A_666 = tpu.memref_squeeze %dma_wait3A_665 : memref<1x50xi32, #tpu.memory_space<vmem>> -> memref<50xi32, #tpu.memory_space<vmem>>
    %dma_wait3A_667 = arith.constant 0 : i32
    %dma_wait3A_668 = arith.constant 0 : i32
    %dma_wait3A_669 = tpu.memref_slice %arg3[%dma_wait3A_667, %dma_wait3A_668] : memref<4000000x32xf32, #tpu.memory_space<hbm>> -> memref<4000000x32xf32, #tpu.memory_space<hbm>>
    tpu.wait_indirect_dma semaphore(%arg7 : memref<!tpu.dma_semaphore, #tpu.memory_space<semaphore_mem>>) src(%dma_wait3A_669 : memref<4000000x32xf32, #tpu.memory_space<hbm>>) dst(%dma_wait3A_663 : memref<50x32xf32, #tpu.memory_space<vmem>>)
    %dma_wait3A_670 = arith.constant 18 : i32
    %dma_wait3A_671 = arith.constant 1 : i32
    %dma_wait3A_672 = arith.constant 2 : i32
    %dma_wait3A_673 = arith.constant 0 : i32
    %dma_wait3A_674 = arith.constant 0 : i32
    %dma_wait3A_675 = tpu.memref_slice %arg6[%dma_wait3A_671, %dma_wait3A_672, %dma_wait3A_673, %dma_wait3A_674] : memref<2x16x50x32xf32, #tpu.memory_space<vmem>> -> memref<1x1x50x32xf32, #tpu.memory_space<vmem>>
    %dma_wait3A_676 = tpu.memref_squeeze %dma_wait3A_675 : memref<1x1x50x32xf32, #tpu.memory_space<vmem>> -> memref<50x32xf32, #tpu.memory_space<vmem>>
    %dma_wait3A_677 = arith.constant 0 : i32
    %dma_wait3A_678 = tpu.memref_slice %arg5[%dma_wait3A_670, %dma_wait3A_677] : memref<512x50xi32, #tpu.memory_space<vmem>> -> memref<1x50xi32, #tpu.memory_space<vmem>>
    %dma_wait3A_679 = tpu.memref_squeeze %dma_wait3A_678 : memref<1x50xi32, #tpu.memory_space<vmem>> -> memref<50xi32, #tpu.memory_space<vmem>>
    %dma_wait3A_680 = arith.constant 0 : i32
    %dma_wait3A_681 = arith.constant 0 : i32
    %dma_wait3A_682 = tpu.memref_slice %arg3[%dma_wait3A_680, %dma_wait3A_681] : memref<4000000x32xf32, #tpu.memory_space<hbm>> -> memref<4000000x32xf32, #tpu.memory_space<hbm>>
    tpu.wait_indirect_dma semaphore(%arg7 : memref<!tpu.dma_semaphore, #tpu.memory_space<semaphore_mem>>) src(%dma_wait3A_682 : memref<4000000x32xf32, #tpu.memory_space<hbm>>) dst(%dma_wait3A_676 : memref<50x32xf32, #tpu.memory_space<vmem>>)
    %dma_wait3A_683 = arith.constant 19 : i32
    %dma_wait3A_684 = arith.constant 1 : i32
    %dma_wait3A_685 = arith.constant 3 : i32
    %dma_wait3A_686 = arith.constant 0 : i32
    %dma_wait3A_687 = arith.constant 0 : i32
    %dma_wait3A_688 = tpu.memref_slice %arg6[%dma_wait3A_684, %dma_wait3A_685, %dma_wait3A_686, %dma_wait3A_687] : memref<2x16x50x32xf32, #tpu.memory_space<vmem>> -> memref<1x1x50x32xf32, #tpu.memory_space<vmem>>
    %dma_wait3A_689 = tpu.memref_squeeze %dma_wait3A_688 : memref<1x1x50x32xf32, #tpu.memory_space<vmem>> -> memref<50x32xf32, #tpu.memory_space<vmem>>
    %dma_wait3A_690 = arith.constant 0 : i32
    %dma_wait3A_691 = tpu.memref_slice %arg5[%dma_wait3A_683, %dma_wait3A_690] : memref<512x50xi32, #tpu.memory_space<vmem>> -> memref<1x50xi32, #tpu.memory_space<vmem>>
    %dma_wait3A_692 = tpu.memref_squeeze %dma_wait3A_691 : memref<1x50xi32, #tpu.memory_space<vmem>> -> memref<50xi32, #tpu.memory_space<vmem>>
    %dma_wait3A_693 = arith.constant 0 : i32
    %dma_wait3A_694 = arith.constant 0 : i32
    %dma_wait3A_695 = tpu.memref_slice %arg3[%dma_wait3A_693, %dma_wait3A_694] : memref<4000000x32xf32, #tpu.memory_space<hbm>> -> memref<4000000x32xf32, #tpu.memory_space<hbm>>
    tpu.wait_indirect_dma semaphore(%arg7 : memref<!tpu.dma_semaphore, #tpu.memory_space<semaphore_mem>>) src(%dma_wait3A_695 : memref<4000000x32xf32, #tpu.memory_space<hbm>>) dst(%dma_wait3A_689 : memref<50x32xf32, #tpu.memory_space<vmem>>)
    %dma_wait3A_696 = arith.constant 20 : i32
    %dma_wait3A_697 = arith.constant 1 : i32
    %dma_wait3A_698 = arith.constant 4 : i32
    %dma_wait3A_699 = arith.constant 0 : i32
    %dma_wait3A_700 = arith.constant 0 : i32
    %dma_wait3A_701 = tpu.memref_slice %arg6[%dma_wait3A_697, %dma_wait3A_698, %dma_wait3A_699, %dma_wait3A_700] : memref<2x16x50x32xf32, #tpu.memory_space<vmem>> -> memref<1x1x50x32xf32, #tpu.memory_space<vmem>>
    %dma_wait3A_702 = tpu.memref_squeeze %dma_wait3A_701 : memref<1x1x50x32xf32, #tpu.memory_space<vmem>> -> memref<50x32xf32, #tpu.memory_space<vmem>>
    %dma_wait3A_703 = arith.constant 0 : i32
    %dma_wait3A_704 = tpu.memref_slice %arg5[%dma_wait3A_696, %dma_wait3A_703] : memref<512x50xi32, #tpu.memory_space<vmem>> -> memref<1x50xi32, #tpu.memory_space<vmem>>
    %dma_wait3A_705 = tpu.memref_squeeze %dma_wait3A_704 : memref<1x50xi32, #tpu.memory_space<vmem>> -> memref<50xi32, #tpu.memory_space<vmem>>
    %dma_wait3A_706 = arith.constant 0 : i32
    %dma_wait3A_707 = arith.constant 0 : i32
    %dma_wait3A_708 = tpu.memref_slice %arg3[%dma_wait3A_706, %dma_wait3A_707] : memref<4000000x32xf32, #tpu.memory_space<hbm>> -> memref<4000000x32xf32, #tpu.memory_space<hbm>>
    tpu.wait_indirect_dma semaphore(%arg7 : memref<!tpu.dma_semaphore, #tpu.memory_space<semaphore_mem>>) src(%dma_wait3A_708 : memref<4000000x32xf32, #tpu.memory_space<hbm>>) dst(%dma_wait3A_702 : memref<50x32xf32, #tpu.memory_space<vmem>>)
    %dma_wait3A_709 = arith.constant 21 : i32
    %dma_wait3A_710 = arith.constant 1 : i32
    %dma_wait3A_711 = arith.constant 5 : i32
    %dma_wait3A_712 = arith.constant 0 : i32
    %dma_wait3A_713 = arith.constant 0 : i32
    %dma_wait3A_714 = tpu.memref_slice %arg6[%dma_wait3A_710, %dma_wait3A_711, %dma_wait3A_712, %dma_wait3A_713] : memref<2x16x50x32xf32, #tpu.memory_space<vmem>> -> memref<1x1x50x32xf32, #tpu.memory_space<vmem>>
    %dma_wait3A_715 = tpu.memref_squeeze %dma_wait3A_714 : memref<1x1x50x32xf32, #tpu.memory_space<vmem>> -> memref<50x32xf32, #tpu.memory_space<vmem>>
    %dma_wait3A_716 = arith.constant 0 : i32
    %dma_wait3A_717 = tpu.memref_slice %arg5[%dma_wait3A_709, %dma_wait3A_716] : memref<512x50xi32, #tpu.memory_space<vmem>> -> memref<1x50xi32, #tpu.memory_space<vmem>>
    %dma_wait3A_718 = tpu.memref_squeeze %dma_wait3A_717 : memref<1x50xi32, #tpu.memory_space<vmem>> -> memref<50xi32, #tpu.memory_space<vmem>>
    %dma_wait3A_719 = arith.constant 0 : i32
    %dma_wait3A_720 = arith.constant 0 : i32
    %dma_wait3A_721 = tpu.memref_slice %arg3[%dma_wait3A_719, %dma_wait3A_720] : memref<4000000x32xf32, #tpu.memory_space<hbm>> -> memref<4000000x32xf32, #tpu.memory_space<hbm>>
    tpu.wait_indirect_dma semaphore(%arg7 : memref<!tpu.dma_semaphore, #tpu.memory_space<semaphore_mem>>) src(%dma_wait3A_721 : memref<4000000x32xf32, #tpu.memory_space<hbm>>) dst(%dma_wait3A_715 : memref<50x32xf32, #tpu.memory_space<vmem>>)
    %dma_wait3A_722 = arith.constant 22 : i32
    %dma_wait3A_723 = arith.constant 1 : i32
    %dma_wait3A_724 = arith.constant 6 : i32
    %dma_wait3A_725 = arith.constant 0 : i32
    %dma_wait3A_726 = arith.constant 0 : i32
    %dma_wait3A_727 = tpu.memref_slice %arg6[%dma_wait3A_723, %dma_wait3A_724, %dma_wait3A_725, %dma_wait3A_726] : memref<2x16x50x32xf32, #tpu.memory_space<vmem>> -> memref<1x1x50x32xf32, #tpu.memory_space<vmem>>
    %dma_wait3A_728 = tpu.memref_squeeze %dma_wait3A_727 : memref<1x1x50x32xf32, #tpu.memory_space<vmem>> -> memref<50x32xf32, #tpu.memory_space<vmem>>
    %dma_wait3A_729 = arith.constant 0 : i32
    %dma_wait3A_730 = tpu.memref_slice %arg5[%dma_wait3A_722, %dma_wait3A_729] : memref<512x50xi32, #tpu.memory_space<vmem>> -> memref<1x50xi32, #tpu.memory_space<vmem>>
    %dma_wait3A_731 = tpu.memref_squeeze %dma_wait3A_730 : memref<1x50xi32, #tpu.memory_space<vmem>> -> memref<50xi32, #tpu.memory_space<vmem>>
    %dma_wait3A_732 = arith.constant 0 : i32
    %dma_wait3A_733 = arith.constant 0 : i32
    %dma_wait3A_734 = tpu.memref_slice %arg3[%dma_wait3A_732, %dma_wait3A_733] : memref<4000000x32xf32, #tpu.memory_space<hbm>> -> memref<4000000x32xf32, #tpu.memory_space<hbm>>
    tpu.wait_indirect_dma semaphore(%arg7 : memref<!tpu.dma_semaphore, #tpu.memory_space<semaphore_mem>>) src(%dma_wait3A_734 : memref<4000000x32xf32, #tpu.memory_space<hbm>>) dst(%dma_wait3A_728 : memref<50x32xf32, #tpu.memory_space<vmem>>)
    %dma_wait3A_735 = arith.constant 23 : i32
    %dma_wait3A_736 = arith.constant 1 : i32
    %dma_wait3A_737 = arith.constant 7 : i32
    %dma_wait3A_738 = arith.constant 0 : i32
    %dma_wait3A_739 = arith.constant 0 : i32
    %dma_wait3A_740 = tpu.memref_slice %arg6[%dma_wait3A_736, %dma_wait3A_737, %dma_wait3A_738, %dma_wait3A_739] : memref<2x16x50x32xf32, #tpu.memory_space<vmem>> -> memref<1x1x50x32xf32, #tpu.memory_space<vmem>>
    %dma_wait3A_741 = tpu.memref_squeeze %dma_wait3A_740 : memref<1x1x50x32xf32, #tpu.memory_space<vmem>> -> memref<50x32xf32, #tpu.memory_space<vmem>>
    %dma_wait3A_742 = arith.constant 0 : i32
    %dma_wait3A_743 = tpu.memref_slice %arg5[%dma_wait3A_735, %dma_wait3A_742] : memref<512x50xi32, #tpu.memory_space<vmem>> -> memref<1x50xi32, #tpu.memory_space<vmem>>
    %dma_wait3A_744 = tpu.memref_squeeze %dma_wait3A_743 : memref<1x50xi32, #tpu.memory_space<vmem>> -> memref<50xi32, #tpu.memory_space<vmem>>
    %dma_wait3A_745 = arith.constant 0 : i32
    %dma_wait3A_746 = arith.constant 0 : i32
    %dma_wait3A_747 = tpu.memref_slice %arg3[%dma_wait3A_745, %dma_wait3A_746] : memref<4000000x32xf32, #tpu.memory_space<hbm>> -> memref<4000000x32xf32, #tpu.memory_space<hbm>>
    tpu.wait_indirect_dma semaphore(%arg7 : memref<!tpu.dma_semaphore, #tpu.memory_space<semaphore_mem>>) src(%dma_wait3A_747 : memref<4000000x32xf32, #tpu.memory_space<hbm>>) dst(%dma_wait3A_741 : memref<50x32xf32, #tpu.memory_space<vmem>>)
    %dma_wait3A_748 = arith.constant 24 : i32
    %dma_wait3A_749 = arith.constant 1 : i32
    %dma_wait3A_750 = arith.constant 8 : i32
    %dma_wait3A_751 = arith.constant 0 : i32
    %dma_wait3A_752 = arith.constant 0 : i32
    %dma_wait3A_753 = tpu.memref_slice %arg6[%dma_wait3A_749, %dma_wait3A_750, %dma_wait3A_751, %dma_wait3A_752] : memref<2x16x50x32xf32, #tpu.memory_space<vmem>> -> memref<1x1x50x32xf32, #tpu.memory_space<vmem>>
    %dma_wait3A_754 = tpu.memref_squeeze %dma_wait3A_753 : memref<1x1x50x32xf32, #tpu.memory_space<vmem>> -> memref<50x32xf32, #tpu.memory_space<vmem>>
    %dma_wait3A_755 = arith.constant 0 : i32
    %dma_wait3A_756 = tpu.memref_slice %arg5[%dma_wait3A_748, %dma_wait3A_755] : memref<512x50xi32, #tpu.memory_space<vmem>> -> memref<1x50xi32, #tpu.memory_space<vmem>>
    %dma_wait3A_757 = tpu.memref_squeeze %dma_wait3A_756 : memref<1x50xi32, #tpu.memory_space<vmem>> -> memref<50xi32, #tpu.memory_space<vmem>>
    %dma_wait3A_758 = arith.constant 0 : i32
    %dma_wait3A_759 = arith.constant 0 : i32
    %dma_wait3A_760 = tpu.memref_slice %arg3[%dma_wait3A_758, %dma_wait3A_759] : memref<4000000x32xf32, #tpu.memory_space<hbm>> -> memref<4000000x32xf32, #tpu.memory_space<hbm>>
    tpu.wait_indirect_dma semaphore(%arg7 : memref<!tpu.dma_semaphore, #tpu.memory_space<semaphore_mem>>) src(%dma_wait3A_760 : memref<4000000x32xf32, #tpu.memory_space<hbm>>) dst(%dma_wait3A_754 : memref<50x32xf32, #tpu.memory_space<vmem>>)
    %dma_wait3A_761 = arith.constant 25 : i32
    %dma_wait3A_762 = arith.constant 1 : i32
    %dma_wait3A_763 = arith.constant 9 : i32
    %dma_wait3A_764 = arith.constant 0 : i32
    %dma_wait3A_765 = arith.constant 0 : i32
    %dma_wait3A_766 = tpu.memref_slice %arg6[%dma_wait3A_762, %dma_wait3A_763, %dma_wait3A_764, %dma_wait3A_765] : memref<2x16x50x32xf32, #tpu.memory_space<vmem>> -> memref<1x1x50x32xf32, #tpu.memory_space<vmem>>
    %dma_wait3A_767 = tpu.memref_squeeze %dma_wait3A_766 : memref<1x1x50x32xf32, #tpu.memory_space<vmem>> -> memref<50x32xf32, #tpu.memory_space<vmem>>
    %dma_wait3A_768 = arith.constant 0 : i32
    %dma_wait3A_769 = tpu.memref_slice %arg5[%dma_wait3A_761, %dma_wait3A_768] : memref<512x50xi32, #tpu.memory_space<vmem>> -> memref<1x50xi32, #tpu.memory_space<vmem>>
    %dma_wait3A_770 = tpu.memref_squeeze %dma_wait3A_769 : memref<1x50xi32, #tpu.memory_space<vmem>> -> memref<50xi32, #tpu.memory_space<vmem>>
    %dma_wait3A_771 = arith.constant 0 : i32
    %dma_wait3A_772 = arith.constant 0 : i32
    %dma_wait3A_773 = tpu.memref_slice %arg3[%dma_wait3A_771, %dma_wait3A_772] : memref<4000000x32xf32, #tpu.memory_space<hbm>> -> memref<4000000x32xf32, #tpu.memory_space<hbm>>
    tpu.wait_indirect_dma semaphore(%arg7 : memref<!tpu.dma_semaphore, #tpu.memory_space<semaphore_mem>>) src(%dma_wait3A_773 : memref<4000000x32xf32, #tpu.memory_space<hbm>>) dst(%dma_wait3A_767 : memref<50x32xf32, #tpu.memory_space<vmem>>)
    %dma_wait3A_774 = arith.constant 26 : i32
    %dma_wait3A_775 = arith.constant 1 : i32
    %dma_wait3A_776 = arith.constant 10 : i32
    %dma_wait3A_777 = arith.constant 0 : i32
    %dma_wait3A_778 = arith.constant 0 : i32
    %dma_wait3A_779 = tpu.memref_slice %arg6[%dma_wait3A_775, %dma_wait3A_776, %dma_wait3A_777, %dma_wait3A_778] : memref<2x16x50x32xf32, #tpu.memory_space<vmem>> -> memref<1x1x50x32xf32, #tpu.memory_space<vmem>>
    %dma_wait3A_780 = tpu.memref_squeeze %dma_wait3A_779 : memref<1x1x50x32xf32, #tpu.memory_space<vmem>> -> memref<50x32xf32, #tpu.memory_space<vmem>>
    %dma_wait3A_781 = arith.constant 0 : i32
    %dma_wait3A_782 = tpu.memref_slice %arg5[%dma_wait3A_774, %dma_wait3A_781] : memref<512x50xi32, #tpu.memory_space<vmem>> -> memref<1x50xi32, #tpu.memory_space<vmem>>
    %dma_wait3A_783 = tpu.memref_squeeze %dma_wait3A_782 : memref<1x50xi32, #tpu.memory_space<vmem>> -> memref<50xi32, #tpu.memory_space<vmem>>
    %dma_wait3A_784 = arith.constant 0 : i32
    %dma_wait3A_785 = arith.constant 0 : i32
    %dma_wait3A_786 = tpu.memref_slice %arg3[%dma_wait3A_784, %dma_wait3A_785] : memref<4000000x32xf32, #tpu.memory_space<hbm>> -> memref<4000000x32xf32, #tpu.memory_space<hbm>>
    tpu.wait_indirect_dma semaphore(%arg7 : memref<!tpu.dma_semaphore, #tpu.memory_space<semaphore_mem>>) src(%dma_wait3A_786 : memref<4000000x32xf32, #tpu.memory_space<hbm>>) dst(%dma_wait3A_780 : memref<50x32xf32, #tpu.memory_space<vmem>>)
    %dma_wait3A_787 = arith.constant 27 : i32
    %dma_wait3A_788 = arith.constant 1 : i32
    %dma_wait3A_789 = arith.constant 11 : i32
    %dma_wait3A_790 = arith.constant 0 : i32
    %dma_wait3A_791 = arith.constant 0 : i32
    %dma_wait3A_792 = tpu.memref_slice %arg6[%dma_wait3A_788, %dma_wait3A_789, %dma_wait3A_790, %dma_wait3A_791] : memref<2x16x50x32xf32, #tpu.memory_space<vmem>> -> memref<1x1x50x32xf32, #tpu.memory_space<vmem>>
    %dma_wait3A_793 = tpu.memref_squeeze %dma_wait3A_792 : memref<1x1x50x32xf32, #tpu.memory_space<vmem>> -> memref<50x32xf32, #tpu.memory_space<vmem>>
    %dma_wait3A_794 = arith.constant 0 : i32
    %dma_wait3A_795 = tpu.memref_slice %arg5[%dma_wait3A_787, %dma_wait3A_794] : memref<512x50xi32, #tpu.memory_space<vmem>> -> memref<1x50xi32, #tpu.memory_space<vmem>>
    %dma_wait3A_796 = tpu.memref_squeeze %dma_wait3A_795 : memref<1x50xi32, #tpu.memory_space<vmem>> -> memref<50xi32, #tpu.memory_space<vmem>>
    %dma_wait3A_797 = arith.constant 0 : i32
    %dma_wait3A_798 = arith.constant 0 : i32
    %dma_wait3A_799 = tpu.memref_slice %arg3[%dma_wait3A_797, %dma_wait3A_798] : memref<4000000x32xf32, #tpu.memory_space<hbm>> -> memref<4000000x32xf32, #tpu.memory_space<hbm>>
    tpu.wait_indirect_dma semaphore(%arg7 : memref<!tpu.dma_semaphore, #tpu.memory_space<semaphore_mem>>) src(%dma_wait3A_799 : memref<4000000x32xf32, #tpu.memory_space<hbm>>) dst(%dma_wait3A_793 : memref<50x32xf32, #tpu.memory_space<vmem>>)
    %dma_wait3A_800 = arith.constant 28 : i32
    %dma_wait3A_801 = arith.constant 1 : i32
    %dma_wait3A_802 = arith.constant 12 : i32
    %dma_wait3A_803 = arith.constant 0 : i32
    %dma_wait3A_804 = arith.constant 0 : i32
    %dma_wait3A_805 = tpu.memref_slice %arg6[%dma_wait3A_801, %dma_wait3A_802, %dma_wait3A_803, %dma_wait3A_804] : memref<2x16x50x32xf32, #tpu.memory_space<vmem>> -> memref<1x1x50x32xf32, #tpu.memory_space<vmem>>
    %dma_wait3A_806 = tpu.memref_squeeze %dma_wait3A_805 : memref<1x1x50x32xf32, #tpu.memory_space<vmem>> -> memref<50x32xf32, #tpu.memory_space<vmem>>
    %dma_wait3A_807 = arith.constant 0 : i32
    %dma_wait3A_808 = tpu.memref_slice %arg5[%dma_wait3A_800, %dma_wait3A_807] : memref<512x50xi32, #tpu.memory_space<vmem>> -> memref<1x50xi32, #tpu.memory_space<vmem>>
    %dma_wait3A_809 = tpu.memref_squeeze %dma_wait3A_808 : memref<1x50xi32, #tpu.memory_space<vmem>> -> memref<50xi32, #tpu.memory_space<vmem>>
    %dma_wait3A_810 = arith.constant 0 : i32
    %dma_wait3A_811 = arith.constant 0 : i32
    %dma_wait3A_812 = tpu.memref_slice %arg3[%dma_wait3A_810, %dma_wait3A_811] : memref<4000000x32xf32, #tpu.memory_space<hbm>> -> memref<4000000x32xf32, #tpu.memory_space<hbm>>
    tpu.wait_indirect_dma semaphore(%arg7 : memref<!tpu.dma_semaphore, #tpu.memory_space<semaphore_mem>>) src(%dma_wait3A_812 : memref<4000000x32xf32, #tpu.memory_space<hbm>>) dst(%dma_wait3A_806 : memref<50x32xf32, #tpu.memory_space<vmem>>)
    %dma_wait3A_813 = arith.constant 29 : i32
    %dma_wait3A_814 = arith.constant 1 : i32
    %dma_wait3A_815 = arith.constant 13 : i32
    %dma_wait3A_816 = arith.constant 0 : i32
    %dma_wait3A_817 = arith.constant 0 : i32
    %dma_wait3A_818 = tpu.memref_slice %arg6[%dma_wait3A_814, %dma_wait3A_815, %dma_wait3A_816, %dma_wait3A_817] : memref<2x16x50x32xf32, #tpu.memory_space<vmem>> -> memref<1x1x50x32xf32, #tpu.memory_space<vmem>>
    %dma_wait3A_819 = tpu.memref_squeeze %dma_wait3A_818 : memref<1x1x50x32xf32, #tpu.memory_space<vmem>> -> memref<50x32xf32, #tpu.memory_space<vmem>>
    %dma_wait3A_820 = arith.constant 0 : i32
    %dma_wait3A_821 = tpu.memref_slice %arg5[%dma_wait3A_813, %dma_wait3A_820] : memref<512x50xi32, #tpu.memory_space<vmem>> -> memref<1x50xi32, #tpu.memory_space<vmem>>
    %dma_wait3A_822 = tpu.memref_squeeze %dma_wait3A_821 : memref<1x50xi32, #tpu.memory_space<vmem>> -> memref<50xi32, #tpu.memory_space<vmem>>
    %dma_wait3A_823 = arith.constant 0 : i32
    %dma_wait3A_824 = arith.constant 0 : i32
    %dma_wait3A_825 = tpu.memref_slice %arg3[%dma_wait3A_823, %dma_wait3A_824] : memref<4000000x32xf32, #tpu.memory_space<hbm>> -> memref<4000000x32xf32, #tpu.memory_space<hbm>>
    tpu.wait_indirect_dma semaphore(%arg7 : memref<!tpu.dma_semaphore, #tpu.memory_space<semaphore_mem>>) src(%dma_wait3A_825 : memref<4000000x32xf32, #tpu.memory_space<hbm>>) dst(%dma_wait3A_819 : memref<50x32xf32, #tpu.memory_space<vmem>>)
    %dma_wait3A_826 = arith.constant 30 : i32
    %dma_wait3A_827 = arith.constant 1 : i32
    %dma_wait3A_828 = arith.constant 14 : i32
    %dma_wait3A_829 = arith.constant 0 : i32
    %dma_wait3A_830 = arith.constant 0 : i32
    %dma_wait3A_831 = tpu.memref_slice %arg6[%dma_wait3A_827, %dma_wait3A_828, %dma_wait3A_829, %dma_wait3A_830] : memref<2x16x50x32xf32, #tpu.memory_space<vmem>> -> memref<1x1x50x32xf32, #tpu.memory_space<vmem>>
    %dma_wait3A_832 = tpu.memref_squeeze %dma_wait3A_831 : memref<1x1x50x32xf32, #tpu.memory_space<vmem>> -> memref<50x32xf32, #tpu.memory_space<vmem>>
    %dma_wait3A_833 = arith.constant 0 : i32
    %dma_wait3A_834 = tpu.memref_slice %arg5[%dma_wait3A_826, %dma_wait3A_833] : memref<512x50xi32, #tpu.memory_space<vmem>> -> memref<1x50xi32, #tpu.memory_space<vmem>>
    %dma_wait3A_835 = tpu.memref_squeeze %dma_wait3A_834 : memref<1x50xi32, #tpu.memory_space<vmem>> -> memref<50xi32, #tpu.memory_space<vmem>>
    %dma_wait3A_836 = arith.constant 0 : i32
    %dma_wait3A_837 = arith.constant 0 : i32
    %dma_wait3A_838 = tpu.memref_slice %arg3[%dma_wait3A_836, %dma_wait3A_837] : memref<4000000x32xf32, #tpu.memory_space<hbm>> -> memref<4000000x32xf32, #tpu.memory_space<hbm>>
    tpu.wait_indirect_dma semaphore(%arg7 : memref<!tpu.dma_semaphore, #tpu.memory_space<semaphore_mem>>) src(%dma_wait3A_838 : memref<4000000x32xf32, #tpu.memory_space<hbm>>) dst(%dma_wait3A_832 : memref<50x32xf32, #tpu.memory_space<vmem>>)
    %dma_wait3A_839 = arith.constant 31 : i32
    %dma_wait3A_840 = arith.constant 1 : i32
    %dma_wait3A_841 = arith.constant 15 : i32
    %dma_wait3A_842 = arith.constant 0 : i32
    %dma_wait3A_843 = arith.constant 0 : i32
    %dma_wait3A_844 = tpu.memref_slice %arg6[%dma_wait3A_840, %dma_wait3A_841, %dma_wait3A_842, %dma_wait3A_843] : memref<2x16x50x32xf32, #tpu.memory_space<vmem>> -> memref<1x1x50x32xf32, #tpu.memory_space<vmem>>
    %dma_wait3A_845 = tpu.memref_squeeze %dma_wait3A_844 : memref<1x1x50x32xf32, #tpu.memory_space<vmem>> -> memref<50x32xf32, #tpu.memory_space<vmem>>
    %dma_wait3A_846 = arith.constant 0 : i32
    %dma_wait3A_847 = tpu.memref_slice %arg5[%dma_wait3A_839, %dma_wait3A_846] : memref<512x50xi32, #tpu.memory_space<vmem>> -> memref<1x50xi32, #tpu.memory_space<vmem>>
    %dma_wait3A_848 = tpu.memref_squeeze %dma_wait3A_847 : memref<1x50xi32, #tpu.memory_space<vmem>> -> memref<50xi32, #tpu.memory_space<vmem>>
    %dma_wait3A_849 = arith.constant 0 : i32
    %dma_wait3A_850 = arith.constant 0 : i32
    %dma_wait3A_851 = tpu.memref_slice %arg3[%dma_wait3A_849, %dma_wait3A_850] : memref<4000000x32xf32, #tpu.memory_space<hbm>> -> memref<4000000x32xf32, #tpu.memory_space<hbm>>
    tpu.wait_indirect_dma semaphore(%arg7 : memref<!tpu.dma_semaphore, #tpu.memory_space<semaphore_mem>>) src(%dma_wait3A_851 : memref<4000000x32xf32, #tpu.memory_space<hbm>>) dst(%dma_wait3A_845 : memref<50x32xf32, #tpu.memory_space<vmem>>)
    %add3A_852 = arith.constant 16 : i32
    %add3A_853 = arith.addi %mul3A_2, %add3A_852 : i32
    %dma_start3A_854 = arith.constant 1 : i32
    %dma_start3A_855 = arith.constant 0 : i32
    %dma_start3A_856 = arith.constant 0 : i32
    %dma_start3A_857 = arith.constant 0 : i32
    %dma_start3A_858 = tpu.memref_slice %arg6[%dma_start3A_854, %dma_start3A_855, %dma_start3A_856, %dma_start3A_857] : memref<2x16x50x32xf32, #tpu.memory_space<vmem>> -> memref<1x16x50x32xf32, #tpu.memory_space<vmem>>
    %dma_start3A_859 = tpu.memref_squeeze %dma_start3A_858 : memref<1x16x50x32xf32, #tpu.memory_space<vmem>> -> memref<16x50x32xf32, #tpu.memory_space<vmem>>
    %dma_start3A_860 = arith.constant 0 : i32
    %dma_start3A_861 = arith.constant 0 : i32
    %dma_start3A_862 = tpu.memref_slice %arg4[%add3A_853, %dma_start3A_860, %dma_start3A_861] : memref<16384x50x32xf32, #tpu.memory_space<hbm>> -> memref<16x50x32xf32, #tpu.memory_space<hbm>>
    %dma_start3A_863 = arith.constant 0 : i32
    %dma_start3A_864 = arith.constant 0 : i32
    %dma_start3A_865 = tpu.memref_slice %arg4[%add3A_853, %dma_start3A_863, %dma_start3A_864] : memref<16384x50x32xf32, #tpu.memory_space<hbm>> -> memref<16x50x32xf32, #tpu.memory_space<hbm>>
    %dma_start3A_866 = arith.constant 0 : i32
    %dma_start3A_867 = arith.constant 0 : i32
    %dma_start3A_868 = arith.constant 0 : i32
    %dma_start3A_869 = tpu.memref_slice %arg6[%dma_start3A_854, %dma_start3A_866, %dma_start3A_867, %dma_start3A_868] : memref<2x16x50x32xf32, #tpu.memory_space<vmem>> -> memref<1x16x50x32xf32, #tpu.memory_space<vmem>>
    %dma_start3A_870 = tpu.memref_squeeze %dma_start3A_869 : memref<1x16x50x32xf32, #tpu.memory_space<vmem>> -> memref<16x50x32xf32, #tpu.memory_space<vmem>>
    tpu.enqueue_dma source(%dma_start3A_870 : memref<16x50x32xf32, #tpu.memory_space<vmem>>) target(%dma_start3A_865 : memref<16x50x32xf32, #tpu.memory_space<hbm>>) target_semaphore(%arg9 : memref<!tpu.dma_semaphore, #tpu.memory_space<semaphore_mem>>)
    %add3A_871 = arith.constant 0 : i32
    %add3A_872 = arith.addi %mul3A_2, %add3A_871 : i32
    %dma_wait3A_873 = arith.constant 0 : i32
    %dma_wait3A_874 = arith.constant 0 : i32
    %dma_wait3A_875 = arith.constant 0 : i32
    %dma_wait3A_876 = arith.constant 0 : i32
    %dma_wait3A_877 = tpu.memref_slice %arg6[%dma_wait3A_873, %dma_wait3A_874, %dma_wait3A_875, %dma_wait3A_876] : memref<2x16x50x32xf32, #tpu.memory_space<vmem>> -> memref<1x16x50x32xf32, #tpu.memory_space<vmem>>
    %dma_wait3A_878 = tpu.memref_squeeze %dma_wait3A_877 : memref<1x16x50x32xf32, #tpu.memory_space<vmem>> -> memref<16x50x32xf32, #tpu.memory_space<vmem>>
    %dma_wait3A_879 = arith.constant 0 : i32
    %dma_wait3A_880 = arith.constant 0 : i32
    %dma_wait3A_881 = tpu.memref_slice %arg4[%add3A_872, %dma_wait3A_879, %dma_wait3A_880] : memref<16384x50x32xf32, #tpu.memory_space<hbm>> -> memref<16x50x32xf32, #tpu.memory_space<hbm>>
    %dma_wait3A_882 = arith.constant 0 : i32
    %dma_wait3A_883 = arith.constant 0 : i32
    %dma_wait3A_884 = tpu.memref_slice %arg4[%add3A_872, %dma_wait3A_882, %dma_wait3A_883] : memref<16384x50x32xf32, #tpu.memory_space<hbm>> -> memref<16x50x32xf32, #tpu.memory_space<hbm>>
    %dma_wait3A_885 = arith.constant 0 : i32
    %dma_wait3A_886 = arith.constant 0 : i32
    %dma_wait3A_887 = arith.constant 0 : i32
    %dma_wait3A_888 = tpu.memref_slice %arg6[%dma_wait3A_873, %dma_wait3A_885, %dma_wait3A_886, %dma_wait3A_887] : memref<2x16x50x32xf32, #tpu.memory_space<vmem>> -> memref<1x16x50x32xf32, #tpu.memory_space<vmem>>
    %dma_wait3A_889 = tpu.memref_squeeze %dma_wait3A_888 : memref<1x16x50x32xf32, #tpu.memory_space<vmem>> -> memref<16x50x32xf32, #tpu.memory_space<vmem>>
    tpu.wait_dma2 semaphore(%arg8 : memref<!tpu.dma_semaphore, #tpu.memory_space<semaphore_mem>>) src(%dma_wait3A_889 : memref<16x50x32xf32, #tpu.memory_space<vmem>>) dst(%dma_wait3A_884 : memref<16x50x32xf32, #tpu.memory_space<hbm>>)
    %scan3A = arith.constant 0 : i32
    %scan3A_890 = arith.constant 0 : i32
    %scan3A_891 = arith.constant 15 : i32
    %scan3A_892 = arith.addi %scan3A_890, %scan3A_891 : i32
    %scan3A_893 = arith.constant 1 : i32
    scf.for %scan3A_914 = %scan3A_890 to %scan3A_892 step %scan3A_893  : i32 {
      %mul3A_915 = arith.constant 2 : i32
      %mul3A_916 = arith.muli %mul3A_915, %scan3A_914 : i32
      %add3A_917 = arith.constant 2 : i32
      %add3A_918 = arith.addi %add3A_917, %mul3A_916 : i32
      %add3A_919 = arith.constant 0 : i32
      %add3A_920 = arith.addi %add3A_918, %add3A_919 : i32
      %mul3A_921 = arith.constant 16 : i32
      %mul3A_922 = arith.muli %add3A_920, %mul3A_921 : i32
      %add3A_923 = arith.constant 0 : i32
      %add3A_924 = arith.addi %mul3A_922, %add3A_923 : i32
      %dma_start3A_925 = arith.constant 0 : i32
      %dma_start3A_926 = arith.constant 0 : i32
      %dma_start3A_927 = arith.constant 0 : i32
      %dma_start3A_928 = arith.constant 0 : i32
      %dma_start3A_929 = tpu.memref_slice %arg6[%dma_start3A_925, %dma_start3A_926, %dma_start3A_927, %dma_start3A_928] : memref<2x16x50x32xf32, #tpu.memory_space<vmem>> -> memref<1x1x50x32xf32, #tpu.memory_space<vmem>>
      %dma_start3A_930 = tpu.memref_squeeze %dma_start3A_929 : memref<1x1x50x32xf32, #tpu.memory_space<vmem>> -> memref<50x32xf32, #tpu.memory_space<vmem>>
      %dma_start3A_931 = arith.constant 0 : i32
      %dma_start3A_932 = tpu.memref_slice %arg5[%add3A_924, %dma_start3A_931] : memref<512x50xi32, #tpu.memory_space<vmem>> -> memref<1x50xi32, #tpu.memory_space<vmem>>
      %dma_start3A_933 = tpu.memref_squeeze %dma_start3A_932 : memref<1x50xi32, #tpu.memory_space<vmem>> -> memref<50xi32, #tpu.memory_space<vmem>>
      %dma_start3A_934 = arith.constant 0 : i32
      %dma_start3A_935 = arith.constant 0 : i32
      %dma_start3A_936 = tpu.memref_slice %arg3[%dma_start3A_934, %dma_start3A_935] : memref<4000000x32xf32, #tpu.memory_space<hbm>> -> memref<4000000x32xf32, #tpu.memory_space<hbm>>
      tpu.enqueue_indirect_dma source(%dma_start3A_936 : memref<4000000x32xf32, #tpu.memory_space<hbm>>) target(%dma_start3A_930 : memref<50x32xf32, #tpu.memory_space<vmem>>) offsets(%dma_start3A_933 : memref<50xi32, #tpu.memory_space<vmem>>) semaphore(%arg7 : memref<!tpu.dma_semaphore, #tpu.memory_space<semaphore_mem>>)
      %mul3A_937 = arith.constant 16 : i32
      %mul3A_938 = arith.muli %add3A_920, %mul3A_937 : i32
      %add3A_939 = arith.constant 1 : i32
      %add3A_940 = arith.addi %mul3A_938, %add3A_939 : i32
      %dma_start3A_941 = arith.constant 0 : i32
      %dma_start3A_942 = arith.constant 1 : i32
      %dma_start3A_943 = arith.constant 0 : i32
      %dma_start3A_944 = arith.constant 0 : i32
      %dma_start3A_945 = tpu.memref_slice %arg6[%dma_start3A_941, %dma_start3A_942, %dma_start3A_943, %dma_start3A_944] : memref<2x16x50x32xf32, #tpu.memory_space<vmem>> -> memref<1x1x50x32xf32, #tpu.memory_space<vmem>>
      %dma_start3A_946 = tpu.memref_squeeze %dma_start3A_945 : memref<1x1x50x32xf32, #tpu.memory_space<vmem>> -> memref<50x32xf32, #tpu.memory_space<vmem>>
      %dma_start3A_947 = arith.constant 0 : i32
      %dma_start3A_948 = tpu.memref_slice %arg5[%add3A_940, %dma_start3A_947] : memref<512x50xi32, #tpu.memory_space<vmem>> -> memref<1x50xi32, #tpu.memory_space<vmem>>
      %dma_start3A_949 = tpu.memref_squeeze %dma_start3A_948 : memref<1x50xi32, #tpu.memory_space<vmem>> -> memref<50xi32, #tpu.memory_space<vmem>>
      %dma_start3A_950 = arith.constant 0 : i32
      %dma_start3A_951 = arith.constant 0 : i32
      %dma_start3A_952 = tpu.memref_slice %arg3[%dma_start3A_950, %dma_start3A_951] : memref<4000000x32xf32, #tpu.memory_space<hbm>> -> memref<4000000x32xf32, #tpu.memory_space<hbm>>
      tpu.enqueue_indirect_dma source(%dma_start3A_952 : memref<4000000x32xf32, #tpu.memory_space<hbm>>) target(%dma_start3A_946 : memref<50x32xf32, #tpu.memory_space<vmem>>) offsets(%dma_start3A_949 : memref<50xi32, #tpu.memory_space<vmem>>) semaphore(%arg7 : memref<!tpu.dma_semaphore, #tpu.memory_space<semaphore_mem>>)
      %mul3A_953 = arith.constant 16 : i32
      %mul3A_954 = arith.muli %add3A_920, %mul3A_953 : i32
      %add3A_955 = arith.constant 2 : i32
      %add3A_956 = arith.addi %mul3A_954, %add3A_955 : i32
      %dma_start3A_957 = arith.constant 0 : i32
      %dma_start3A_958 = arith.constant 2 : i32
      %dma_start3A_959 = arith.constant 0 : i32
      %dma_start3A_960 = arith.constant 0 : i32
      %dma_start3A_961 = tpu.memref_slice %arg6[%dma_start3A_957, %dma_start3A_958, %dma_start3A_959, %dma_start3A_960] : memref<2x16x50x32xf32, #tpu.memory_space<vmem>> -> memref<1x1x50x32xf32, #tpu.memory_space<vmem>>
      %dma_start3A_962 = tpu.memref_squeeze %dma_start3A_961 : memref<1x1x50x32xf32, #tpu.memory_space<vmem>> -> memref<50x32xf32, #tpu.memory_space<vmem>>
      %dma_start3A_963 = arith.constant 0 : i32
      %dma_start3A_964 = tpu.memref_slice %arg5[%add3A_956, %dma_start3A_963] : memref<512x50xi32, #tpu.memory_space<vmem>> -> memref<1x50xi32, #tpu.memory_space<vmem>>
      %dma_start3A_965 = tpu.memref_squeeze %dma_start3A_964 : memref<1x50xi32, #tpu.memory_space<vmem>> -> memref<50xi32, #tpu.memory_space<vmem>>
      %dma_start3A_966 = arith.constant 0 : i32
      %dma_start3A_967 = arith.constant 0 : i32
      %dma_start3A_968 = tpu.memref_slice %arg3[%dma_start3A_966, %dma_start3A_967] : memref<4000000x32xf32, #tpu.memory_space<hbm>> -> memref<4000000x32xf32, #tpu.memory_space<hbm>>
      tpu.enqueue_indirect_dma source(%dma_start3A_968 : memref<4000000x32xf32, #tpu.memory_space<hbm>>) target(%dma_start3A_962 : memref<50x32xf32, #tpu.memory_space<vmem>>) offsets(%dma_start3A_965 : memref<50xi32, #tpu.memory_space<vmem>>) semaphore(%arg7 : memref<!tpu.dma_semaphore, #tpu.memory_space<semaphore_mem>>)
      %mul3A_969 = arith.constant 16 : i32
      %mul3A_970 = arith.muli %add3A_920, %mul3A_969 : i32
      %add3A_971 = arith.constant 3 : i32
      %add3A_972 = arith.addi %mul3A_970, %add3A_971 : i32
      %dma_start3A_973 = arith.constant 0 : i32
      %dma_start3A_974 = arith.constant 3 : i32
      %dma_start3A_975 = arith.constant 0 : i32
      %dma_start3A_976 = arith.constant 0 : i32
      %dma_start3A_977 = tpu.memref_slice %arg6[%dma_start3A_973, %dma_start3A_974, %dma_start3A_975, %dma_start3A_976] : memref<2x16x50x32xf32, #tpu.memory_space<vmem>> -> memref<1x1x50x32xf32, #tpu.memory_space<vmem>>
      %dma_start3A_978 = tpu.memref_squeeze %dma_start3A_977 : memref<1x1x50x32xf32, #tpu.memory_space<vmem>> -> memref<50x32xf32, #tpu.memory_space<vmem>>
      %dma_start3A_979 = arith.constant 0 : i32
      %dma_start3A_980 = tpu.memref_slice %arg5[%add3A_972, %dma_start3A_979] : memref<512x50xi32, #tpu.memory_space<vmem>> -> memref<1x50xi32, #tpu.memory_space<vmem>>
      %dma_start3A_981 = tpu.memref_squeeze %dma_start3A_980 : memref<1x50xi32, #tpu.memory_space<vmem>> -> memref<50xi32, #tpu.memory_space<vmem>>
      %dma_start3A_982 = arith.constant 0 : i32
      %dma_start3A_983 = arith.constant 0 : i32
      %dma_start3A_984 = tpu.memref_slice %arg3[%dma_start3A_982, %dma_start3A_983] : memref<4000000x32xf32, #tpu.memory_space<hbm>> -> memref<4000000x32xf32, #tpu.memory_space<hbm>>
      tpu.enqueue_indirect_dma source(%dma_start3A_984 : memref<4000000x32xf32, #tpu.memory_space<hbm>>) target(%dma_start3A_978 : memref<50x32xf32, #tpu.memory_space<vmem>>) offsets(%dma_start3A_981 : memref<50xi32, #tpu.memory_space<vmem>>) semaphore(%arg7 : memref<!tpu.dma_semaphore, #tpu.memory_space<semaphore_mem>>)
      %mul3A_985 = arith.constant 16 : i32
      %mul3A_986 = arith.muli %add3A_920, %mul3A_985 : i32
      %add3A_987 = arith.constant 4 : i32
      %add3A_988 = arith.addi %mul3A_986, %add3A_987 : i32
      %dma_start3A_989 = arith.constant 0 : i32
      %dma_start3A_990 = arith.constant 4 : i32
      %dma_start3A_991 = arith.constant 0 : i32
      %dma_start3A_992 = arith.constant 0 : i32
      %dma_start3A_993 = tpu.memref_slice %arg6[%dma_start3A_989, %dma_start3A_990, %dma_start3A_991, %dma_start3A_992] : memref<2x16x50x32xf32, #tpu.memory_space<vmem>> -> memref<1x1x50x32xf32, #tpu.memory_space<vmem>>
      %dma_start3A_994 = tpu.memref_squeeze %dma_start3A_993 : memref<1x1x50x32xf32, #tpu.memory_space<vmem>> -> memref<50x32xf32, #tpu.memory_space<vmem>>
      %dma_start3A_995 = arith.constant 0 : i32
      %dma_start3A_996 = tpu.memref_slice %arg5[%add3A_988, %dma_start3A_995] : memref<512x50xi32, #tpu.memory_space<vmem>> -> memref<1x50xi32, #tpu.memory_space<vmem>>
      %dma_start3A_997 = tpu.memref_squeeze %dma_start3A_996 : memref<1x50xi32, #tpu.memory_space<vmem>> -> memref<50xi32, #tpu.memory_space<vmem>>
      %dma_start3A_998 = arith.constant 0 : i32
      %dma_start3A_999 = arith.constant 0 : i32
      %dma_start3A_1000 = tpu.memref_slice %arg3[%dma_start3A_998, %dma_start3A_999] : memref<4000000x32xf32, #tpu.memory_space<hbm>> -> memref<4000000x32xf32, #tpu.memory_space<hbm>>
      tpu.enqueue_indirect_dma source(%dma_start3A_1000 : memref<4000000x32xf32, #tpu.memory_space<hbm>>) target(%dma_start3A_994 : memref<50x32xf32, #tpu.memory_space<vmem>>) offsets(%dma_start3A_997 : memref<50xi32, #tpu.memory_space<vmem>>) semaphore(%arg7 : memref<!tpu.dma_semaphore, #tpu.memory_space<semaphore_mem>>)
      %mul3A_1001 = arith.constant 16 : i32
      %mul3A_1002 = arith.muli %add3A_920, %mul3A_1001 : i32
      %add3A_1003 = arith.constant 5 : i32
      %add3A_1004 = arith.addi %mul3A_1002, %add3A_1003 : i32
      %dma_start3A_1005 = arith.constant 0 : i32
      %dma_start3A_1006 = arith.constant 5 : i32
      %dma_start3A_1007 = arith.constant 0 : i32
      %dma_start3A_1008 = arith.constant 0 : i32
      %dma_start3A_1009 = tpu.memref_slice %arg6[%dma_start3A_1005, %dma_start3A_1006, %dma_start3A_1007, %dma_start3A_1008] : memref<2x16x50x32xf32, #tpu.memory_space<vmem>> -> memref<1x1x50x32xf32, #tpu.memory_space<vmem>>
      %dma_start3A_1010 = tpu.memref_squeeze %dma_start3A_1009 : memref<1x1x50x32xf32, #tpu.memory_space<vmem>> -> memref<50x32xf32, #tpu.memory_space<vmem>>
      %dma_start3A_1011 = arith.constant 0 : i32
      %dma_start3A_1012 = tpu.memref_slice %arg5[%add3A_1004, %dma_start3A_1011] : memref<512x50xi32, #tpu.memory_space<vmem>> -> memref<1x50xi32, #tpu.memory_space<vmem>>
      %dma_start3A_1013 = tpu.memref_squeeze %dma_start3A_1012 : memref<1x50xi32, #tpu.memory_space<vmem>> -> memref<50xi32, #tpu.memory_space<vmem>>
      %dma_start3A_1014 = arith.constant 0 : i32
      %dma_start3A_1015 = arith.constant 0 : i32
      %dma_start3A_1016 = tpu.memref_slice %arg3[%dma_start3A_1014, %dma_start3A_1015] : memref<4000000x32xf32, #tpu.memory_space<hbm>> -> memref<4000000x32xf32, #tpu.memory_space<hbm>>
      tpu.enqueue_indirect_dma source(%dma_start3A_1016 : memref<4000000x32xf32, #tpu.memory_space<hbm>>) target(%dma_start3A_1010 : memref<50x32xf32, #tpu.memory_space<vmem>>) offsets(%dma_start3A_1013 : memref<50xi32, #tpu.memory_space<vmem>>) semaphore(%arg7 : memref<!tpu.dma_semaphore, #tpu.memory_space<semaphore_mem>>)
      %mul3A_1017 = arith.constant 16 : i32
      %mul3A_1018 = arith.muli %add3A_920, %mul3A_1017 : i32
      %add3A_1019 = arith.constant 6 : i32
      %add3A_1020 = arith.addi %mul3A_1018, %add3A_1019 : i32
      %dma_start3A_1021 = arith.constant 0 : i32
      %dma_start3A_1022 = arith.constant 6 : i32
      %dma_start3A_1023 = arith.constant 0 : i32
      %dma_start3A_1024 = arith.constant 0 : i32
      %dma_start3A_1025 = tpu.memref_slice %arg6[%dma_start3A_1021, %dma_start3A_1022, %dma_start3A_1023, %dma_start3A_1024] : memref<2x16x50x32xf32, #tpu.memory_space<vmem>> -> memref<1x1x50x32xf32, #tpu.memory_space<vmem>>
      %dma_start3A_1026 = tpu.memref_squeeze %dma_start3A_1025 : memref<1x1x50x32xf32, #tpu.memory_space<vmem>> -> memref<50x32xf32, #tpu.memory_space<vmem>>
      %dma_start3A_1027 = arith.constant 0 : i32
      %dma_start3A_1028 = tpu.memref_slice %arg5[%add3A_1020, %dma_start3A_1027] : memref<512x50xi32, #tpu.memory_space<vmem>> -> memref<1x50xi32, #tpu.memory_space<vmem>>
      %dma_start3A_1029 = tpu.memref_squeeze %dma_start3A_1028 : memref<1x50xi32, #tpu.memory_space<vmem>> -> memref<50xi32, #tpu.memory_space<vmem>>
      %dma_start3A_1030 = arith.constant 0 : i32
      %dma_start3A_1031 = arith.constant 0 : i32
      %dma_start3A_1032 = tpu.memref_slice %arg3[%dma_start3A_1030, %dma_start3A_1031] : memref<4000000x32xf32, #tpu.memory_space<hbm>> -> memref<4000000x32xf32, #tpu.memory_space<hbm>>
      tpu.enqueue_indirect_dma source(%dma_start3A_1032 : memref<4000000x32xf32, #tpu.memory_space<hbm>>) target(%dma_start3A_1026 : memref<50x32xf32, #tpu.memory_space<vmem>>) offsets(%dma_start3A_1029 : memref<50xi32, #tpu.memory_space<vmem>>) semaphore(%arg7 : memref<!tpu.dma_semaphore, #tpu.memory_space<semaphore_mem>>)
      %mul3A_1033 = arith.constant 16 : i32
      %mul3A_1034 = arith.muli %add3A_920, %mul3A_1033 : i32
      %add3A_1035 = arith.constant 7 : i32
      %add3A_1036 = arith.addi %mul3A_1034, %add3A_1035 : i32
      %dma_start3A_1037 = arith.constant 0 : i32
      %dma_start3A_1038 = arith.constant 7 : i32
      %dma_start3A_1039 = arith.constant 0 : i32
      %dma_start3A_1040 = arith.constant 0 : i32
      %dma_start3A_1041 = tpu.memref_slice %arg6[%dma_start3A_1037, %dma_start3A_1038, %dma_start3A_1039, %dma_start3A_1040] : memref<2x16x50x32xf32, #tpu.memory_space<vmem>> -> memref<1x1x50x32xf32, #tpu.memory_space<vmem>>
      %dma_start3A_1042 = tpu.memref_squeeze %dma_start3A_1041 : memref<1x1x50x32xf32, #tpu.memory_space<vmem>> -> memref<50x32xf32, #tpu.memory_space<vmem>>
      %dma_start3A_1043 = arith.constant 0 : i32
      %dma_start3A_1044 = tpu.memref_slice %arg5[%add3A_1036, %dma_start3A_1043] : memref<512x50xi32, #tpu.memory_space<vmem>> -> memref<1x50xi32, #tpu.memory_space<vmem>>
      %dma_start3A_1045 = tpu.memref_squeeze %dma_start3A_1044 : memref<1x50xi32, #tpu.memory_space<vmem>> -> memref<50xi32, #tpu.memory_space<vmem>>
      %dma_start3A_1046 = arith.constant 0 : i32
      %dma_start3A_1047 = arith.constant 0 : i32
      %dma_start3A_1048 = tpu.memref_slice %arg3[%dma_start3A_1046, %dma_start3A_1047] : memref<4000000x32xf32, #tpu.memory_space<hbm>> -> memref<4000000x32xf32, #tpu.memory_space<hbm>>
      tpu.enqueue_indirect_dma source(%dma_start3A_1048 : memref<4000000x32xf32, #tpu.memory_space<hbm>>) target(%dma_start3A_1042 : memref<50x32xf32, #tpu.memory_space<vmem>>) offsets(%dma_start3A_1045 : memref<50xi32, #tpu.memory_space<vmem>>) semaphore(%arg7 : memref<!tpu.dma_semaphore, #tpu.memory_space<semaphore_mem>>)
      %mul3A_1049 = arith.constant 16 : i32
      %mul3A_1050 = arith.muli %add3A_920, %mul3A_1049 : i32
      %add3A_1051 = arith.constant 8 : i32
      %add3A_1052 = arith.addi %mul3A_1050, %add3A_1051 : i32
      %dma_start3A_1053 = arith.constant 0 : i32
      %dma_start3A_1054 = arith.constant 8 : i32
      %dma_start3A_1055 = arith.constant 0 : i32
      %dma_start3A_1056 = arith.constant 0 : i32
      %dma_start3A_1057 = tpu.memref_slice %arg6[%dma_start3A_1053, %dma_start3A_1054, %dma_start3A_1055, %dma_start3A_1056] : memref<2x16x50x32xf32, #tpu.memory_space<vmem>> -> memref<1x1x50x32xf32, #tpu.memory_space<vmem>>
      %dma_start3A_1058 = tpu.memref_squeeze %dma_start3A_1057 : memref<1x1x50x32xf32, #tpu.memory_space<vmem>> -> memref<50x32xf32, #tpu.memory_space<vmem>>
      %dma_start3A_1059 = arith.constant 0 : i32
      %dma_start3A_1060 = tpu.memref_slice %arg5[%add3A_1052, %dma_start3A_1059] : memref<512x50xi32, #tpu.memory_space<vmem>> -> memref<1x50xi32, #tpu.memory_space<vmem>>
      %dma_start3A_1061 = tpu.memref_squeeze %dma_start3A_1060 : memref<1x50xi32, #tpu.memory_space<vmem>> -> memref<50xi32, #tpu.memory_space<vmem>>
      %dma_start3A_1062 = arith.constant 0 : i32
      %dma_start3A_1063 = arith.constant 0 : i32
      %dma_start3A_1064 = tpu.memref_slice %arg3[%dma_start3A_1062, %dma_start3A_1063] : memref<4000000x32xf32, #tpu.memory_space<hbm>> -> memref<4000000x32xf32, #tpu.memory_space<hbm>>
      tpu.enqueue_indirect_dma source(%dma_start3A_1064 : memref<4000000x32xf32, #tpu.memory_space<hbm>>) target(%dma_start3A_1058 : memref<50x32xf32, #tpu.memory_space<vmem>>) offsets(%dma_start3A_1061 : memref<50xi32, #tpu.memory_space<vmem>>) semaphore(%arg7 : memref<!tpu.dma_semaphore, #tpu.memory_space<semaphore_mem>>)
      %mul3A_1065 = arith.constant 16 : i32
      %mul3A_1066 = arith.muli %add3A_920, %mul3A_1065 : i32
      %add3A_1067 = arith.constant 9 : i32
      %add3A_1068 = arith.addi %mul3A_1066, %add3A_1067 : i32
      %dma_start3A_1069 = arith.constant 0 : i32
      %dma_start3A_1070 = arith.constant 9 : i32
      %dma_start3A_1071 = arith.constant 0 : i32
      %dma_start3A_1072 = arith.constant 0 : i32
      %dma_start3A_1073 = tpu.memref_slice %arg6[%dma_start3A_1069, %dma_start3A_1070, %dma_start3A_1071, %dma_start3A_1072] : memref<2x16x50x32xf32, #tpu.memory_space<vmem>> -> memref<1x1x50x32xf32, #tpu.memory_space<vmem>>
      %dma_start3A_1074 = tpu.memref_squeeze %dma_start3A_1073 : memref<1x1x50x32xf32, #tpu.memory_space<vmem>> -> memref<50x32xf32, #tpu.memory_space<vmem>>
      %dma_start3A_1075 = arith.constant 0 : i32
      %dma_start3A_1076 = tpu.memref_slice %arg5[%add3A_1068, %dma_start3A_1075] : memref<512x50xi32, #tpu.memory_space<vmem>> -> memref<1x50xi32, #tpu.memory_space<vmem>>
      %dma_start3A_1077 = tpu.memref_squeeze %dma_start3A_1076 : memref<1x50xi32, #tpu.memory_space<vmem>> -> memref<50xi32, #tpu.memory_space<vmem>>
      %dma_start3A_1078 = arith.constant 0 : i32
      %dma_start3A_1079 = arith.constant 0 : i32
      %dma_start3A_1080 = tpu.memref_slice %arg3[%dma_start3A_1078, %dma_start3A_1079] : memref<4000000x32xf32, #tpu.memory_space<hbm>> -> memref<4000000x32xf32, #tpu.memory_space<hbm>>
      tpu.enqueue_indirect_dma source(%dma_start3A_1080 : memref<4000000x32xf32, #tpu.memory_space<hbm>>) target(%dma_start3A_1074 : memref<50x32xf32, #tpu.memory_space<vmem>>) offsets(%dma_start3A_1077 : memref<50xi32, #tpu.memory_space<vmem>>) semaphore(%arg7 : memref<!tpu.dma_semaphore, #tpu.memory_space<semaphore_mem>>)
      %mul3A_1081 = arith.constant 16 : i32
      %mul3A_1082 = arith.muli %add3A_920, %mul3A_1081 : i32
      %add3A_1083 = arith.constant 10 : i32
      %add3A_1084 = arith.addi %mul3A_1082, %add3A_1083 : i32
      %dma_start3A_1085 = arith.constant 0 : i32
      %dma_start3A_1086 = arith.constant 10 : i32
      %dma_start3A_1087 = arith.constant 0 : i32
      %dma_start3A_1088 = arith.constant 0 : i32
      %dma_start3A_1089 = tpu.memref_slice %arg6[%dma_start3A_1085, %dma_start3A_1086, %dma_start3A_1087, %dma_start3A_1088] : memref<2x16x50x32xf32, #tpu.memory_space<vmem>> -> memref<1x1x50x32xf32, #tpu.memory_space<vmem>>
      %dma_start3A_1090 = tpu.memref_squeeze %dma_start3A_1089 : memref<1x1x50x32xf32, #tpu.memory_space<vmem>> -> memref<50x32xf32, #tpu.memory_space<vmem>>
      %dma_start3A_1091 = arith.constant 0 : i32
      %dma_start3A_1092 = tpu.memref_slice %arg5[%add3A_1084, %dma_start3A_1091] : memref<512x50xi32, #tpu.memory_space<vmem>> -> memref<1x50xi32, #tpu.memory_space<vmem>>
      %dma_start3A_1093 = tpu.memref_squeeze %dma_start3A_1092 : memref<1x50xi32, #tpu.memory_space<vmem>> -> memref<50xi32, #tpu.memory_space<vmem>>
      %dma_start3A_1094 = arith.constant 0 : i32
      %dma_start3A_1095 = arith.constant 0 : i32
      %dma_start3A_1096 = tpu.memref_slice %arg3[%dma_start3A_1094, %dma_start3A_1095] : memref<4000000x32xf32, #tpu.memory_space<hbm>> -> memref<4000000x32xf32, #tpu.memory_space<hbm>>
      tpu.enqueue_indirect_dma source(%dma_start3A_1096 : memref<4000000x32xf32, #tpu.memory_space<hbm>>) target(%dma_start3A_1090 : memref<50x32xf32, #tpu.memory_space<vmem>>) offsets(%dma_start3A_1093 : memref<50xi32, #tpu.memory_space<vmem>>) semaphore(%arg7 : memref<!tpu.dma_semaphore, #tpu.memory_space<semaphore_mem>>)
      %mul3A_1097 = arith.constant 16 : i32
      %mul3A_1098 = arith.muli %add3A_920, %mul3A_1097 : i32
      %add3A_1099 = arith.constant 11 : i32
      %add3A_1100 = arith.addi %mul3A_1098, %add3A_1099 : i32
      %dma_start3A_1101 = arith.constant 0 : i32
      %dma_start3A_1102 = arith.constant 11 : i32
      %dma_start3A_1103 = arith.constant 0 : i32
      %dma_start3A_1104 = arith.constant 0 : i32
      %dma_start3A_1105 = tpu.memref_slice %arg6[%dma_start3A_1101, %dma_start3A_1102, %dma_start3A_1103, %dma_start3A_1104] : memref<2x16x50x32xf32, #tpu.memory_space<vmem>> -> memref<1x1x50x32xf32, #tpu.memory_space<vmem>>
      %dma_start3A_1106 = tpu.memref_squeeze %dma_start3A_1105 : memref<1x1x50x32xf32, #tpu.memory_space<vmem>> -> memref<50x32xf32, #tpu.memory_space<vmem>>
      %dma_start3A_1107 = arith.constant 0 : i32
      %dma_start3A_1108 = tpu.memref_slice %arg5[%add3A_1100, %dma_start3A_1107] : memref<512x50xi32, #tpu.memory_space<vmem>> -> memref<1x50xi32, #tpu.memory_space<vmem>>
      %dma_start3A_1109 = tpu.memref_squeeze %dma_start3A_1108 : memref<1x50xi32, #tpu.memory_space<vmem>> -> memref<50xi32, #tpu.memory_space<vmem>>
      %dma_start3A_1110 = arith.constant 0 : i32
      %dma_start3A_1111 = arith.constant 0 : i32
      %dma_start3A_1112 = tpu.memref_slice %arg3[%dma_start3A_1110, %dma_start3A_1111] : memref<4000000x32xf32, #tpu.memory_space<hbm>> -> memref<4000000x32xf32, #tpu.memory_space<hbm>>
      tpu.enqueue_indirect_dma source(%dma_start3A_1112 : memref<4000000x32xf32, #tpu.memory_space<hbm>>) target(%dma_start3A_1106 : memref<50x32xf32, #tpu.memory_space<vmem>>) offsets(%dma_start3A_1109 : memref<50xi32, #tpu.memory_space<vmem>>) semaphore(%arg7 : memref<!tpu.dma_semaphore, #tpu.memory_space<semaphore_mem>>)
      %mul3A_1113 = arith.constant 16 : i32
      %mul3A_1114 = arith.muli %add3A_920, %mul3A_1113 : i32
      %add3A_1115 = arith.constant 12 : i32
      %add3A_1116 = arith.addi %mul3A_1114, %add3A_1115 : i32
      %dma_start3A_1117 = arith.constant 0 : i32
      %dma_start3A_1118 = arith.constant 12 : i32
      %dma_start3A_1119 = arith.constant 0 : i32
      %dma_start3A_1120 = arith.constant 0 : i32
      %dma_start3A_1121 = tpu.memref_slice %arg6[%dma_start3A_1117, %dma_start3A_1118, %dma_start3A_1119, %dma_start3A_1120] : memref<2x16x50x32xf32, #tpu.memory_space<vmem>> -> memref<1x1x50x32xf32, #tpu.memory_space<vmem>>
      %dma_start3A_1122 = tpu.memref_squeeze %dma_start3A_1121 : memref<1x1x50x32xf32, #tpu.memory_space<vmem>> -> memref<50x32xf32, #tpu.memory_space<vmem>>
      %dma_start3A_1123 = arith.constant 0 : i32
      %dma_start3A_1124 = tpu.memref_slice %arg5[%add3A_1116, %dma_start3A_1123] : memref<512x50xi32, #tpu.memory_space<vmem>> -> memref<1x50xi32, #tpu.memory_space<vmem>>
      %dma_start3A_1125 = tpu.memref_squeeze %dma_start3A_1124 : memref<1x50xi32, #tpu.memory_space<vmem>> -> memref<50xi32, #tpu.memory_space<vmem>>
      %dma_start3A_1126 = arith.constant 0 : i32
      %dma_start3A_1127 = arith.constant 0 : i32
      %dma_start3A_1128 = tpu.memref_slice %arg3[%dma_start3A_1126, %dma_start3A_1127] : memref<4000000x32xf32, #tpu.memory_space<hbm>> -> memref<4000000x32xf32, #tpu.memory_space<hbm>>
      tpu.enqueue_indirect_dma source(%dma_start3A_1128 : memref<4000000x32xf32, #tpu.memory_space<hbm>>) target(%dma_start3A_1122 : memref<50x32xf32, #tpu.memory_space<vmem>>) offsets(%dma_start3A_1125 : memref<50xi32, #tpu.memory_space<vmem>>) semaphore(%arg7 : memref<!tpu.dma_semaphore, #tpu.memory_space<semaphore_mem>>)
      %mul3A_1129 = arith.constant 16 : i32
      %mul3A_1130 = arith.muli %add3A_920, %mul3A_1129 : i32
      %add3A_1131 = arith.constant 13 : i32
      %add3A_1132 = arith.addi %mul3A_1130, %add3A_1131 : i32
      %dma_start3A_1133 = arith.constant 0 : i32
      %dma_start3A_1134 = arith.constant 13 : i32
      %dma_start3A_1135 = arith.constant 0 : i32
      %dma_start3A_1136 = arith.constant 0 : i32
      %dma_start3A_1137 = tpu.memref_slice %arg6[%dma_start3A_1133, %dma_start3A_1134, %dma_start3A_1135, %dma_start3A_1136] : memref<2x16x50x32xf32, #tpu.memory_space<vmem>> -> memref<1x1x50x32xf32, #tpu.memory_space<vmem>>
      %dma_start3A_1138 = tpu.memref_squeeze %dma_start3A_1137 : memref<1x1x50x32xf32, #tpu.memory_space<vmem>> -> memref<50x32xf32, #tpu.memory_space<vmem>>
      %dma_start3A_1139 = arith.constant 0 : i32
      %dma_start3A_1140 = tpu.memref_slice %arg5[%add3A_1132, %dma_start3A_1139] : memref<512x50xi32, #tpu.memory_space<vmem>> -> memref<1x50xi32, #tpu.memory_space<vmem>>
      %dma_start3A_1141 = tpu.memref_squeeze %dma_start3A_1140 : memref<1x50xi32, #tpu.memory_space<vmem>> -> memref<50xi32, #tpu.memory_space<vmem>>
      %dma_start3A_1142 = arith.constant 0 : i32
      %dma_start3A_1143 = arith.constant 0 : i32
      %dma_start3A_1144 = tpu.memref_slice %arg3[%dma_start3A_1142, %dma_start3A_1143] : memref<4000000x32xf32, #tpu.memory_space<hbm>> -> memref<4000000x32xf32, #tpu.memory_space<hbm>>
      tpu.enqueue_indirect_dma source(%dma_start3A_1144 : memref<4000000x32xf32, #tpu.memory_space<hbm>>) target(%dma_start3A_1138 : memref<50x32xf32, #tpu.memory_space<vmem>>) offsets(%dma_start3A_1141 : memref<50xi32, #tpu.memory_space<vmem>>) semaphore(%arg7 : memref<!tpu.dma_semaphore, #tpu.memory_space<semaphore_mem>>)
      %mul3A_1145 = arith.constant 16 : i32
      %mul3A_1146 = arith.muli %add3A_920, %mul3A_1145 : i32
      %add3A_1147 = arith.constant 14 : i32
      %add3A_1148 = arith.addi %mul3A_1146, %add3A_1147 : i32
      %dma_start3A_1149 = arith.constant 0 : i32
      %dma_start3A_1150 = arith.constant 14 : i32
      %dma_start3A_1151 = arith.constant 0 : i32
      %dma_start3A_1152 = arith.constant 0 : i32
      %dma_start3A_1153 = tpu.memref_slice %arg6[%dma_start3A_1149, %dma_start3A_1150, %dma_start3A_1151, %dma_start3A_1152] : memref<2x16x50x32xf32, #tpu.memory_space<vmem>> -> memref<1x1x50x32xf32, #tpu.memory_space<vmem>>
      %dma_start3A_1154 = tpu.memref_squeeze %dma_start3A_1153 : memref<1x1x50x32xf32, #tpu.memory_space<vmem>> -> memref<50x32xf32, #tpu.memory_space<vmem>>
      %dma_start3A_1155 = arith.constant 0 : i32
      %dma_start3A_1156 = tpu.memref_slice %arg5[%add3A_1148, %dma_start3A_1155] : memref<512x50xi32, #tpu.memory_space<vmem>> -> memref<1x50xi32, #tpu.memory_space<vmem>>
      %dma_start3A_1157 = tpu.memref_squeeze %dma_start3A_1156 : memref<1x50xi32, #tpu.memory_space<vmem>> -> memref<50xi32, #tpu.memory_space<vmem>>
      %dma_start3A_1158 = arith.constant 0 : i32
      %dma_start3A_1159 = arith.constant 0 : i32
      %dma_start3A_1160 = tpu.memref_slice %arg3[%dma_start3A_1158, %dma_start3A_1159] : memref<4000000x32xf32, #tpu.memory_space<hbm>> -> memref<4000000x32xf32, #tpu.memory_space<hbm>>
      tpu.enqueue_indirect_dma source(%dma_start3A_1160 : memref<4000000x32xf32, #tpu.memory_space<hbm>>) target(%dma_start3A_1154 : memref<50x32xf32, #tpu.memory_space<vmem>>) offsets(%dma_start3A_1157 : memref<50xi32, #tpu.memory_space<vmem>>) semaphore(%arg7 : memref<!tpu.dma_semaphore, #tpu.memory_space<semaphore_mem>>)
      %mul3A_1161 = arith.constant 16 : i32
      %mul3A_1162 = arith.muli %add3A_920, %mul3A_1161 : i32
      %add3A_1163 = arith.constant 15 : i32
      %add3A_1164 = arith.addi %mul3A_1162, %add3A_1163 : i32
      %dma_start3A_1165 = arith.constant 0 : i32
      %dma_start3A_1166 = arith.constant 15 : i32
      %dma_start3A_1167 = arith.constant 0 : i32
      %dma_start3A_1168 = arith.constant 0 : i32
      %dma_start3A_1169 = tpu.memref_slice %arg6[%dma_start3A_1165, %dma_start3A_1166, %dma_start3A_1167, %dma_start3A_1168] : memref<2x16x50x32xf32, #tpu.memory_space<vmem>> -> memref<1x1x50x32xf32, #tpu.memory_space<vmem>>
      %dma_start3A_1170 = tpu.memref_squeeze %dma_start3A_1169 : memref<1x1x50x32xf32, #tpu.memory_space<vmem>> -> memref<50x32xf32, #tpu.memory_space<vmem>>
      %dma_start3A_1171 = arith.constant 0 : i32
      %dma_start3A_1172 = tpu.memref_slice %arg5[%add3A_1164, %dma_start3A_1171] : memref<512x50xi32, #tpu.memory_space<vmem>> -> memref<1x50xi32, #tpu.memory_space<vmem>>
      %dma_start3A_1173 = tpu.memref_squeeze %dma_start3A_1172 : memref<1x50xi32, #tpu.memory_space<vmem>> -> memref<50xi32, #tpu.memory_space<vmem>>
      %dma_start3A_1174 = arith.constant 0 : i32
      %dma_start3A_1175 = arith.constant 0 : i32
      %dma_start3A_1176 = tpu.memref_slice %arg3[%dma_start3A_1174, %dma_start3A_1175] : memref<4000000x32xf32, #tpu.memory_space<hbm>> -> memref<4000000x32xf32, #tpu.memory_space<hbm>>
      tpu.enqueue_indirect_dma source(%dma_start3A_1176 : memref<4000000x32xf32, #tpu.memory_space<hbm>>) target(%dma_start3A_1170 : memref<50x32xf32, #tpu.memory_space<vmem>>) offsets(%dma_start3A_1173 : memref<50xi32, #tpu.memory_space<vmem>>) semaphore(%arg7 : memref<!tpu.dma_semaphore, #tpu.memory_space<semaphore_mem>>)
      %dma_wait3A_1177 = arith.constant 0 : i32
      %dma_wait3A_1178 = arith.constant 0 : i32
      %dma_wait3A_1179 = arith.constant 0 : i32
      %dma_wait3A_1180 = arith.constant 0 : i32
      %dma_wait3A_1181 = tpu.memref_slice %arg6[%dma_wait3A_1177, %dma_wait3A_1178, %dma_wait3A_1179, %dma_wait3A_1180] : memref<2x16x50x32xf32, #tpu.memory_space<vmem>> -> memref<1x1x50x32xf32, #tpu.memory_space<vmem>>
      %dma_wait3A_1182 = tpu.memref_squeeze %dma_wait3A_1181 : memref<1x1x50x32xf32, #tpu.memory_space<vmem>> -> memref<50x32xf32, #tpu.memory_space<vmem>>
      %dma_wait3A_1183 = arith.constant 0 : i32
      %dma_wait3A_1184 = tpu.memref_slice %arg5[%add3A_924, %dma_wait3A_1183] : memref<512x50xi32, #tpu.memory_space<vmem>> -> memref<1x50xi32, #tpu.memory_space<vmem>>
      %dma_wait3A_1185 = tpu.memref_squeeze %dma_wait3A_1184 : memref<1x50xi32, #tpu.memory_space<vmem>> -> memref<50xi32, #tpu.memory_space<vmem>>
      %dma_wait3A_1186 = arith.constant 0 : i32
      %dma_wait3A_1187 = arith.constant 0 : i32
      %dma_wait3A_1188 = tpu.memref_slice %arg3[%dma_wait3A_1186, %dma_wait3A_1187] : memref<4000000x32xf32, #tpu.memory_space<hbm>> -> memref<4000000x32xf32, #tpu.memory_space<hbm>>
      tpu.wait_indirect_dma semaphore(%arg7 : memref<!tpu.dma_semaphore, #tpu.memory_space<semaphore_mem>>) src(%dma_wait3A_1188 : memref<4000000x32xf32, #tpu.memory_space<hbm>>) dst(%dma_wait3A_1182 : memref<50x32xf32, #tpu.memory_space<vmem>>)
      %dma_wait3A_1189 = arith.constant 0 : i32
      %dma_wait3A_1190 = arith.constant 1 : i32
      %dma_wait3A_1191 = arith.constant 0 : i32
      %dma_wait3A_1192 = arith.constant 0 : i32
      %dma_wait3A_1193 = tpu.memref_slice %arg6[%dma_wait3A_1189, %dma_wait3A_1190, %dma_wait3A_1191, %dma_wait3A_1192] : memref<2x16x50x32xf32, #tpu.memory_space<vmem>> -> memref<1x1x50x32xf32, #tpu.memory_space<vmem>>
      %dma_wait3A_1194 = tpu.memref_squeeze %dma_wait3A_1193 : memref<1x1x50x32xf32, #tpu.memory_space<vmem>> -> memref<50x32xf32, #tpu.memory_space<vmem>>
      %dma_wait3A_1195 = arith.constant 0 : i32
      %dma_wait3A_1196 = tpu.memref_slice %arg5[%add3A_940, %dma_wait3A_1195] : memref<512x50xi32, #tpu.memory_space<vmem>> -> memref<1x50xi32, #tpu.memory_space<vmem>>
      %dma_wait3A_1197 = tpu.memref_squeeze %dma_wait3A_1196 : memref<1x50xi32, #tpu.memory_space<vmem>> -> memref<50xi32, #tpu.memory_space<vmem>>
      %dma_wait3A_1198 = arith.constant 0 : i32
      %dma_wait3A_1199 = arith.constant 0 : i32
      %dma_wait3A_1200 = tpu.memref_slice %arg3[%dma_wait3A_1198, %dma_wait3A_1199] : memref<4000000x32xf32, #tpu.memory_space<hbm>> -> memref<4000000x32xf32, #tpu.memory_space<hbm>>
      tpu.wait_indirect_dma semaphore(%arg7 : memref<!tpu.dma_semaphore, #tpu.memory_space<semaphore_mem>>) src(%dma_wait3A_1200 : memref<4000000x32xf32, #tpu.memory_space<hbm>>) dst(%dma_wait3A_1194 : memref<50x32xf32, #tpu.memory_space<vmem>>)
      %dma_wait3A_1201 = arith.constant 0 : i32
      %dma_wait3A_1202 = arith.constant 2 : i32
      %dma_wait3A_1203 = arith.constant 0 : i32
      %dma_wait3A_1204 = arith.constant 0 : i32
      %dma_wait3A_1205 = tpu.memref_slice %arg6[%dma_wait3A_1201, %dma_wait3A_1202, %dma_wait3A_1203, %dma_wait3A_1204] : memref<2x16x50x32xf32, #tpu.memory_space<vmem>> -> memref<1x1x50x32xf32, #tpu.memory_space<vmem>>
      %dma_wait3A_1206 = tpu.memref_squeeze %dma_wait3A_1205 : memref<1x1x50x32xf32, #tpu.memory_space<vmem>> -> memref<50x32xf32, #tpu.memory_space<vmem>>
      %dma_wait3A_1207 = arith.constant 0 : i32
      %dma_wait3A_1208 = tpu.memref_slice %arg5[%add3A_956, %dma_wait3A_1207] : memref<512x50xi32, #tpu.memory_space<vmem>> -> memref<1x50xi32, #tpu.memory_space<vmem>>
      %dma_wait3A_1209 = tpu.memref_squeeze %dma_wait3A_1208 : memref<1x50xi32, #tpu.memory_space<vmem>> -> memref<50xi32, #tpu.memory_space<vmem>>
      %dma_wait3A_1210 = arith.constant 0 : i32
      %dma_wait3A_1211 = arith.constant 0 : i32
      %dma_wait3A_1212 = tpu.memref_slice %arg3[%dma_wait3A_1210, %dma_wait3A_1211] : memref<4000000x32xf32, #tpu.memory_space<hbm>> -> memref<4000000x32xf32, #tpu.memory_space<hbm>>
      tpu.wait_indirect_dma semaphore(%arg7 : memref<!tpu.dma_semaphore, #tpu.memory_space<semaphore_mem>>) src(%dma_wait3A_1212 : memref<4000000x32xf32, #tpu.memory_space<hbm>>) dst(%dma_wait3A_1206 : memref<50x32xf32, #tpu.memory_space<vmem>>)
      %dma_wait3A_1213 = arith.constant 0 : i32
      %dma_wait3A_1214 = arith.constant 3 : i32
      %dma_wait3A_1215 = arith.constant 0 : i32
      %dma_wait3A_1216 = arith.constant 0 : i32
      %dma_wait3A_1217 = tpu.memref_slice %arg6[%dma_wait3A_1213, %dma_wait3A_1214, %dma_wait3A_1215, %dma_wait3A_1216] : memref<2x16x50x32xf32, #tpu.memory_space<vmem>> -> memref<1x1x50x32xf32, #tpu.memory_space<vmem>>
      %dma_wait3A_1218 = tpu.memref_squeeze %dma_wait3A_1217 : memref<1x1x50x32xf32, #tpu.memory_space<vmem>> -> memref<50x32xf32, #tpu.memory_space<vmem>>
      %dma_wait3A_1219 = arith.constant 0 : i32
      %dma_wait3A_1220 = tpu.memref_slice %arg5[%add3A_972, %dma_wait3A_1219] : memref<512x50xi32, #tpu.memory_space<vmem>> -> memref<1x50xi32, #tpu.memory_space<vmem>>
      %dma_wait3A_1221 = tpu.memref_squeeze %dma_wait3A_1220 : memref<1x50xi32, #tpu.memory_space<vmem>> -> memref<50xi32, #tpu.memory_space<vmem>>
      %dma_wait3A_1222 = arith.constant 0 : i32
      %dma_wait3A_1223 = arith.constant 0 : i32
      %dma_wait3A_1224 = tpu.memref_slice %arg3[%dma_wait3A_1222, %dma_wait3A_1223] : memref<4000000x32xf32, #tpu.memory_space<hbm>> -> memref<4000000x32xf32, #tpu.memory_space<hbm>>
      tpu.wait_indirect_dma semaphore(%arg7 : memref<!tpu.dma_semaphore, #tpu.memory_space<semaphore_mem>>) src(%dma_wait3A_1224 : memref<4000000x32xf32, #tpu.memory_space<hbm>>) dst(%dma_wait3A_1218 : memref<50x32xf32, #tpu.memory_space<vmem>>)
      %dma_wait3A_1225 = arith.constant 0 : i32
      %dma_wait3A_1226 = arith.constant 4 : i32
      %dma_wait3A_1227 = arith.constant 0 : i32
      %dma_wait3A_1228 = arith.constant 0 : i32
      %dma_wait3A_1229 = tpu.memref_slice %arg6[%dma_wait3A_1225, %dma_wait3A_1226, %dma_wait3A_1227, %dma_wait3A_1228] : memref<2x16x50x32xf32, #tpu.memory_space<vmem>> -> memref<1x1x50x32xf32, #tpu.memory_space<vmem>>
      %dma_wait3A_1230 = tpu.memref_squeeze %dma_wait3A_1229 : memref<1x1x50x32xf32, #tpu.memory_space<vmem>> -> memref<50x32xf32, #tpu.memory_space<vmem>>
      %dma_wait3A_1231 = arith.constant 0 : i32
      %dma_wait3A_1232 = tpu.memref_slice %arg5[%add3A_988, %dma_wait3A_1231] : memref<512x50xi32, #tpu.memory_space<vmem>> -> memref<1x50xi32, #tpu.memory_space<vmem>>
      %dma_wait3A_1233 = tpu.memref_squeeze %dma_wait3A_1232 : memref<1x50xi32, #tpu.memory_space<vmem>> -> memref<50xi32, #tpu.memory_space<vmem>>
      %dma_wait3A_1234 = arith.constant 0 : i32
      %dma_wait3A_1235 = arith.constant 0 : i32
      %dma_wait3A_1236 = tpu.memref_slice %arg3[%dma_wait3A_1234, %dma_wait3A_1235] : memref<4000000x32xf32, #tpu.memory_space<hbm>> -> memref<4000000x32xf32, #tpu.memory_space<hbm>>
      tpu.wait_indirect_dma semaphore(%arg7 : memref<!tpu.dma_semaphore, #tpu.memory_space<semaphore_mem>>) src(%dma_wait3A_1236 : memref<4000000x32xf32, #tpu.memory_space<hbm>>) dst(%dma_wait3A_1230 : memref<50x32xf32, #tpu.memory_space<vmem>>)
      %dma_wait3A_1237 = arith.constant 0 : i32
      %dma_wait3A_1238 = arith.constant 5 : i32
      %dma_wait3A_1239 = arith.constant 0 : i32
      %dma_wait3A_1240 = arith.constant 0 : i32
      %dma_wait3A_1241 = tpu.memref_slice %arg6[%dma_wait3A_1237, %dma_wait3A_1238, %dma_wait3A_1239, %dma_wait3A_1240] : memref<2x16x50x32xf32, #tpu.memory_space<vmem>> -> memref<1x1x50x32xf32, #tpu.memory_space<vmem>>
      %dma_wait3A_1242 = tpu.memref_squeeze %dma_wait3A_1241 : memref<1x1x50x32xf32, #tpu.memory_space<vmem>> -> memref<50x32xf32, #tpu.memory_space<vmem>>
      %dma_wait3A_1243 = arith.constant 0 : i32
      %dma_wait3A_1244 = tpu.memref_slice %arg5[%add3A_1004, %dma_wait3A_1243] : memref<512x50xi32, #tpu.memory_space<vmem>> -> memref<1x50xi32, #tpu.memory_space<vmem>>
      %dma_wait3A_1245 = tpu.memref_squeeze %dma_wait3A_1244 : memref<1x50xi32, #tpu.memory_space<vmem>> -> memref<50xi32, #tpu.memory_space<vmem>>
      %dma_wait3A_1246 = arith.constant 0 : i32
      %dma_wait3A_1247 = arith.constant 0 : i32
      %dma_wait3A_1248 = tpu.memref_slice %arg3[%dma_wait3A_1246, %dma_wait3A_1247] : memref<4000000x32xf32, #tpu.memory_space<hbm>> -> memref<4000000x32xf32, #tpu.memory_space<hbm>>
      tpu.wait_indirect_dma semaphore(%arg7 : memref<!tpu.dma_semaphore, #tpu.memory_space<semaphore_mem>>) src(%dma_wait3A_1248 : memref<4000000x32xf32, #tpu.memory_space<hbm>>) dst(%dma_wait3A_1242 : memref<50x32xf32, #tpu.memory_space<vmem>>)
      %dma_wait3A_1249 = arith.constant 0 : i32
      %dma_wait3A_1250 = arith.constant 6 : i32
      %dma_wait3A_1251 = arith.constant 0 : i32
      %dma_wait3A_1252 = arith.constant 0 : i32
      %dma_wait3A_1253 = tpu.memref_slice %arg6[%dma_wait3A_1249, %dma_wait3A_1250, %dma_wait3A_1251, %dma_wait3A_1252] : memref<2x16x50x32xf32, #tpu.memory_space<vmem>> -> memref<1x1x50x32xf32, #tpu.memory_space<vmem>>
      %dma_wait3A_1254 = tpu.memref_squeeze %dma_wait3A_1253 : memref<1x1x50x32xf32, #tpu.memory_space<vmem>> -> memref<50x32xf32, #tpu.memory_space<vmem>>
      %dma_wait3A_1255 = arith.constant 0 : i32
      %dma_wait3A_1256 = tpu.memref_slice %arg5[%add3A_1020, %dma_wait3A_1255] : memref<512x50xi32, #tpu.memory_space<vmem>> -> memref<1x50xi32, #tpu.memory_space<vmem>>
      %dma_wait3A_1257 = tpu.memref_squeeze %dma_wait3A_1256 : memref<1x50xi32, #tpu.memory_space<vmem>> -> memref<50xi32, #tpu.memory_space<vmem>>
      %dma_wait3A_1258 = arith.constant 0 : i32
      %dma_wait3A_1259 = arith.constant 0 : i32
      %dma_wait3A_1260 = tpu.memref_slice %arg3[%dma_wait3A_1258, %dma_wait3A_1259] : memref<4000000x32xf32, #tpu.memory_space<hbm>> -> memref<4000000x32xf32, #tpu.memory_space<hbm>>
      tpu.wait_indirect_dma semaphore(%arg7 : memref<!tpu.dma_semaphore, #tpu.memory_space<semaphore_mem>>) src(%dma_wait3A_1260 : memref<4000000x32xf32, #tpu.memory_space<hbm>>) dst(%dma_wait3A_1254 : memref<50x32xf32, #tpu.memory_space<vmem>>)
      %dma_wait3A_1261 = arith.constant 0 : i32
      %dma_wait3A_1262 = arith.constant 7 : i32
      %dma_wait3A_1263 = arith.constant 0 : i32
      %dma_wait3A_1264 = arith.constant 0 : i32
      %dma_wait3A_1265 = tpu.memref_slice %arg6[%dma_wait3A_1261, %dma_wait3A_1262, %dma_wait3A_1263, %dma_wait3A_1264] : memref<2x16x50x32xf32, #tpu.memory_space<vmem>> -> memref<1x1x50x32xf32, #tpu.memory_space<vmem>>
      %dma_wait3A_1266 = tpu.memref_squeeze %dma_wait3A_1265 : memref<1x1x50x32xf32, #tpu.memory_space<vmem>> -> memref<50x32xf32, #tpu.memory_space<vmem>>
      %dma_wait3A_1267 = arith.constant 0 : i32
      %dma_wait3A_1268 = tpu.memref_slice %arg5[%add3A_1036, %dma_wait3A_1267] : memref<512x50xi32, #tpu.memory_space<vmem>> -> memref<1x50xi32, #tpu.memory_space<vmem>>
      %dma_wait3A_1269 = tpu.memref_squeeze %dma_wait3A_1268 : memref<1x50xi32, #tpu.memory_space<vmem>> -> memref<50xi32, #tpu.memory_space<vmem>>
      %dma_wait3A_1270 = arith.constant 0 : i32
      %dma_wait3A_1271 = arith.constant 0 : i32
      %dma_wait3A_1272 = tpu.memref_slice %arg3[%dma_wait3A_1270, %dma_wait3A_1271] : memref<4000000x32xf32, #tpu.memory_space<hbm>> -> memref<4000000x32xf32, #tpu.memory_space<hbm>>
      tpu.wait_indirect_dma semaphore(%arg7 : memref<!tpu.dma_semaphore, #tpu.memory_space<semaphore_mem>>) src(%dma_wait3A_1272 : memref<4000000x32xf32, #tpu.memory_space<hbm>>) dst(%dma_wait3A_1266 : memref<50x32xf32, #tpu.memory_space<vmem>>)
      %dma_wait3A_1273 = arith.constant 0 : i32
      %dma_wait3A_1274 = arith.constant 8 : i32
      %dma_wait3A_1275 = arith.constant 0 : i32
      %dma_wait3A_1276 = arith.constant 0 : i32
      %dma_wait3A_1277 = tpu.memref_slice %arg6[%dma_wait3A_1273, %dma_wait3A_1274, %dma_wait3A_1275, %dma_wait3A_1276] : memref<2x16x50x32xf32, #tpu.memory_space<vmem>> -> memref<1x1x50x32xf32, #tpu.memory_space<vmem>>
      %dma_wait3A_1278 = tpu.memref_squeeze %dma_wait3A_1277 : memref<1x1x50x32xf32, #tpu.memory_space<vmem>> -> memref<50x32xf32, #tpu.memory_space<vmem>>
      %dma_wait3A_1279 = arith.constant 0 : i32
      %dma_wait3A_1280 = tpu.memref_slice %arg5[%add3A_1052, %dma_wait3A_1279] : memref<512x50xi32, #tpu.memory_space<vmem>> -> memref<1x50xi32, #tpu.memory_space<vmem>>
      %dma_wait3A_1281 = tpu.memref_squeeze %dma_wait3A_1280 : memref<1x50xi32, #tpu.memory_space<vmem>> -> memref<50xi32, #tpu.memory_space<vmem>>
      %dma_wait3A_1282 = arith.constant 0 : i32
      %dma_wait3A_1283 = arith.constant 0 : i32
      %dma_wait3A_1284 = tpu.memref_slice %arg3[%dma_wait3A_1282, %dma_wait3A_1283] : memref<4000000x32xf32, #tpu.memory_space<hbm>> -> memref<4000000x32xf32, #tpu.memory_space<hbm>>
      tpu.wait_indirect_dma semaphore(%arg7 : memref<!tpu.dma_semaphore, #tpu.memory_space<semaphore_mem>>) src(%dma_wait3A_1284 : memref<4000000x32xf32, #tpu.memory_space<hbm>>) dst(%dma_wait3A_1278 : memref<50x32xf32, #tpu.memory_space<vmem>>)
      %dma_wait3A_1285 = arith.constant 0 : i32
      %dma_wait3A_1286 = arith.constant 9 : i32
      %dma_wait3A_1287 = arith.constant 0 : i32
      %dma_wait3A_1288 = arith.constant 0 : i32
      %dma_wait3A_1289 = tpu.memref_slice %arg6[%dma_wait3A_1285, %dma_wait3A_1286, %dma_wait3A_1287, %dma_wait3A_1288] : memref<2x16x50x32xf32, #tpu.memory_space<vmem>> -> memref<1x1x50x32xf32, #tpu.memory_space<vmem>>
      %dma_wait3A_1290 = tpu.memref_squeeze %dma_wait3A_1289 : memref<1x1x50x32xf32, #tpu.memory_space<vmem>> -> memref<50x32xf32, #tpu.memory_space<vmem>>
      %dma_wait3A_1291 = arith.constant 0 : i32
      %dma_wait3A_1292 = tpu.memref_slice %arg5[%add3A_1068, %dma_wait3A_1291] : memref<512x50xi32, #tpu.memory_space<vmem>> -> memref<1x50xi32, #tpu.memory_space<vmem>>
      %dma_wait3A_1293 = tpu.memref_squeeze %dma_wait3A_1292 : memref<1x50xi32, #tpu.memory_space<vmem>> -> memref<50xi32, #tpu.memory_space<vmem>>
      %dma_wait3A_1294 = arith.constant 0 : i32
      %dma_wait3A_1295 = arith.constant 0 : i32
      %dma_wait3A_1296 = tpu.memref_slice %arg3[%dma_wait3A_1294, %dma_wait3A_1295] : memref<4000000x32xf32, #tpu.memory_space<hbm>> -> memref<4000000x32xf32, #tpu.memory_space<hbm>>
      tpu.wait_indirect_dma semaphore(%arg7 : memref<!tpu.dma_semaphore, #tpu.memory_space<semaphore_mem>>) src(%dma_wait3A_1296 : memref<4000000x32xf32, #tpu.memory_space<hbm>>) dst(%dma_wait3A_1290 : memref<50x32xf32, #tpu.memory_space<vmem>>)
      %dma_wait3A_1297 = arith.constant 0 : i32
      %dma_wait3A_1298 = arith.constant 10 : i32
      %dma_wait3A_1299 = arith.constant 0 : i32
      %dma_wait3A_1300 = arith.constant 0 : i32
      %dma_wait3A_1301 = tpu.memref_slice %arg6[%dma_wait3A_1297, %dma_wait3A_1298, %dma_wait3A_1299, %dma_wait3A_1300] : memref<2x16x50x32xf32, #tpu.memory_space<vmem>> -> memref<1x1x50x32xf32, #tpu.memory_space<vmem>>
      %dma_wait3A_1302 = tpu.memref_squeeze %dma_wait3A_1301 : memref<1x1x50x32xf32, #tpu.memory_space<vmem>> -> memref<50x32xf32, #tpu.memory_space<vmem>>
      %dma_wait3A_1303 = arith.constant 0 : i32
      %dma_wait3A_1304 = tpu.memref_slice %arg5[%add3A_1084, %dma_wait3A_1303] : memref<512x50xi32, #tpu.memory_space<vmem>> -> memref<1x50xi32, #tpu.memory_space<vmem>>
      %dma_wait3A_1305 = tpu.memref_squeeze %dma_wait3A_1304 : memref<1x50xi32, #tpu.memory_space<vmem>> -> memref<50xi32, #tpu.memory_space<vmem>>
      %dma_wait3A_1306 = arith.constant 0 : i32
      %dma_wait3A_1307 = arith.constant 0 : i32
      %dma_wait3A_1308 = tpu.memref_slice %arg3[%dma_wait3A_1306, %dma_wait3A_1307] : memref<4000000x32xf32, #tpu.memory_space<hbm>> -> memref<4000000x32xf32, #tpu.memory_space<hbm>>
      tpu.wait_indirect_dma semaphore(%arg7 : memref<!tpu.dma_semaphore, #tpu.memory_space<semaphore_mem>>) src(%dma_wait3A_1308 : memref<4000000x32xf32, #tpu.memory_space<hbm>>) dst(%dma_wait3A_1302 : memref<50x32xf32, #tpu.memory_space<vmem>>)
      %dma_wait3A_1309 = arith.constant 0 : i32
      %dma_wait3A_1310 = arith.constant 11 : i32
      %dma_wait3A_1311 = arith.constant 0 : i32
      %dma_wait3A_1312 = arith.constant 0 : i32
      %dma_wait3A_1313 = tpu.memref_slice %arg6[%dma_wait3A_1309, %dma_wait3A_1310, %dma_wait3A_1311, %dma_wait3A_1312] : memref<2x16x50x32xf32, #tpu.memory_space<vmem>> -> memref<1x1x50x32xf32, #tpu.memory_space<vmem>>
      %dma_wait3A_1314 = tpu.memref_squeeze %dma_wait3A_1313 : memref<1x1x50x32xf32, #tpu.memory_space<vmem>> -> memref<50x32xf32, #tpu.memory_space<vmem>>
      %dma_wait3A_1315 = arith.constant 0 : i32
      %dma_wait3A_1316 = tpu.memref_slice %arg5[%add3A_1100, %dma_wait3A_1315] : memref<512x50xi32, #tpu.memory_space<vmem>> -> memref<1x50xi32, #tpu.memory_space<vmem>>
      %dma_wait3A_1317 = tpu.memref_squeeze %dma_wait3A_1316 : memref<1x50xi32, #tpu.memory_space<vmem>> -> memref<50xi32, #tpu.memory_space<vmem>>
      %dma_wait3A_1318 = arith.constant 0 : i32
      %dma_wait3A_1319 = arith.constant 0 : i32
      %dma_wait3A_1320 = tpu.memref_slice %arg3[%dma_wait3A_1318, %dma_wait3A_1319] : memref<4000000x32xf32, #tpu.memory_space<hbm>> -> memref<4000000x32xf32, #tpu.memory_space<hbm>>
      tpu.wait_indirect_dma semaphore(%arg7 : memref<!tpu.dma_semaphore, #tpu.memory_space<semaphore_mem>>) src(%dma_wait3A_1320 : memref<4000000x32xf32, #tpu.memory_space<hbm>>) dst(%dma_wait3A_1314 : memref<50x32xf32, #tpu.memory_space<vmem>>)
      %dma_wait3A_1321 = arith.constant 0 : i32
      %dma_wait3A_1322 = arith.constant 12 : i32
      %dma_wait3A_1323 = arith.constant 0 : i32
      %dma_wait3A_1324 = arith.constant 0 : i32
      %dma_wait3A_1325 = tpu.memref_slice %arg6[%dma_wait3A_1321, %dma_wait3A_1322, %dma_wait3A_1323, %dma_wait3A_1324] : memref<2x16x50x32xf32, #tpu.memory_space<vmem>> -> memref<1x1x50x32xf32, #tpu.memory_space<vmem>>
      %dma_wait3A_1326 = tpu.memref_squeeze %dma_wait3A_1325 : memref<1x1x50x32xf32, #tpu.memory_space<vmem>> -> memref<50x32xf32, #tpu.memory_space<vmem>>
      %dma_wait3A_1327 = arith.constant 0 : i32
      %dma_wait3A_1328 = tpu.memref_slice %arg5[%add3A_1116, %dma_wait3A_1327] : memref<512x50xi32, #tpu.memory_space<vmem>> -> memref<1x50xi32, #tpu.memory_space<vmem>>
      %dma_wait3A_1329 = tpu.memref_squeeze %dma_wait3A_1328 : memref<1x50xi32, #tpu.memory_space<vmem>> -> memref<50xi32, #tpu.memory_space<vmem>>
      %dma_wait3A_1330 = arith.constant 0 : i32
      %dma_wait3A_1331 = arith.constant 0 : i32
      %dma_wait3A_1332 = tpu.memref_slice %arg3[%dma_wait3A_1330, %dma_wait3A_1331] : memref<4000000x32xf32, #tpu.memory_space<hbm>> -> memref<4000000x32xf32, #tpu.memory_space<hbm>>
      tpu.wait_indirect_dma semaphore(%arg7 : memref<!tpu.dma_semaphore, #tpu.memory_space<semaphore_mem>>) src(%dma_wait3A_1332 : memref<4000000x32xf32, #tpu.memory_space<hbm>>) dst(%dma_wait3A_1326 : memref<50x32xf32, #tpu.memory_space<vmem>>)
      %dma_wait3A_1333 = arith.constant 0 : i32
      %dma_wait3A_1334 = arith.constant 13 : i32
      %dma_wait3A_1335 = arith.constant 0 : i32
      %dma_wait3A_1336 = arith.constant 0 : i32
      %dma_wait3A_1337 = tpu.memref_slice %arg6[%dma_wait3A_1333, %dma_wait3A_1334, %dma_wait3A_1335, %dma_wait3A_1336] : memref<2x16x50x32xf32, #tpu.memory_space<vmem>> -> memref<1x1x50x32xf32, #tpu.memory_space<vmem>>
      %dma_wait3A_1338 = tpu.memref_squeeze %dma_wait3A_1337 : memref<1x1x50x32xf32, #tpu.memory_space<vmem>> -> memref<50x32xf32, #tpu.memory_space<vmem>>
      %dma_wait3A_1339 = arith.constant 0 : i32
      %dma_wait3A_1340 = tpu.memref_slice %arg5[%add3A_1132, %dma_wait3A_1339] : memref<512x50xi32, #tpu.memory_space<vmem>> -> memref<1x50xi32, #tpu.memory_space<vmem>>
      %dma_wait3A_1341 = tpu.memref_squeeze %dma_wait3A_1340 : memref<1x50xi32, #tpu.memory_space<vmem>> -> memref<50xi32, #tpu.memory_space<vmem>>
      %dma_wait3A_1342 = arith.constant 0 : i32
      %dma_wait3A_1343 = arith.constant 0 : i32
      %dma_wait3A_1344 = tpu.memref_slice %arg3[%dma_wait3A_1342, %dma_wait3A_1343] : memref<4000000x32xf32, #tpu.memory_space<hbm>> -> memref<4000000x32xf32, #tpu.memory_space<hbm>>
      tpu.wait_indirect_dma semaphore(%arg7 : memref<!tpu.dma_semaphore, #tpu.memory_space<semaphore_mem>>) src(%dma_wait3A_1344 : memref<4000000x32xf32, #tpu.memory_space<hbm>>) dst(%dma_wait3A_1338 : memref<50x32xf32, #tpu.memory_space<vmem>>)
      %dma_wait3A_1345 = arith.constant 0 : i32
      %dma_wait3A_1346 = arith.constant 14 : i32
      %dma_wait3A_1347 = arith.constant 0 : i32
      %dma_wait3A_1348 = arith.constant 0 : i32
      %dma_wait3A_1349 = tpu.memref_slice %arg6[%dma_wait3A_1345, %dma_wait3A_1346, %dma_wait3A_1347, %dma_wait3A_1348] : memref<2x16x50x32xf32, #tpu.memory_space<vmem>> -> memref<1x1x50x32xf32, #tpu.memory_space<vmem>>
      %dma_wait3A_1350 = tpu.memref_squeeze %dma_wait3A_1349 : memref<1x1x50x32xf32, #tpu.memory_space<vmem>> -> memref<50x32xf32, #tpu.memory_space<vmem>>
      %dma_wait3A_1351 = arith.constant 0 : i32
      %dma_wait3A_1352 = tpu.memref_slice %arg5[%add3A_1148, %dma_wait3A_1351] : memref<512x50xi32, #tpu.memory_space<vmem>> -> memref<1x50xi32, #tpu.memory_space<vmem>>
      %dma_wait3A_1353 = tpu.memref_squeeze %dma_wait3A_1352 : memref<1x50xi32, #tpu.memory_space<vmem>> -> memref<50xi32, #tpu.memory_space<vmem>>
      %dma_wait3A_1354 = arith.constant 0 : i32
      %dma_wait3A_1355 = arith.constant 0 : i32
      %dma_wait3A_1356 = tpu.memref_slice %arg3[%dma_wait3A_1354, %dma_wait3A_1355] : memref<4000000x32xf32, #tpu.memory_space<hbm>> -> memref<4000000x32xf32, #tpu.memory_space<hbm>>
      tpu.wait_indirect_dma semaphore(%arg7 : memref<!tpu.dma_semaphore, #tpu.memory_space<semaphore_mem>>) src(%dma_wait3A_1356 : memref<4000000x32xf32, #tpu.memory_space<hbm>>) dst(%dma_wait3A_1350 : memref<50x32xf32, #tpu.memory_space<vmem>>)
      %dma_wait3A_1357 = arith.constant 0 : i32
      %dma_wait3A_1358 = arith.constant 15 : i32
      %dma_wait3A_1359 = arith.constant 0 : i32
      %dma_wait3A_1360 = arith.constant 0 : i32
      %dma_wait3A_1361 = tpu.memref_slice %arg6[%dma_wait3A_1357, %dma_wait3A_1358, %dma_wait3A_1359, %dma_wait3A_1360] : memref<2x16x50x32xf32, #tpu.memory_space<vmem>> -> memref<1x1x50x32xf32, #tpu.memory_space<vmem>>
      %dma_wait3A_1362 = tpu.memref_squeeze %dma_wait3A_1361 : memref<1x1x50x32xf32, #tpu.memory_space<vmem>> -> memref<50x32xf32, #tpu.memory_space<vmem>>
      %dma_wait3A_1363 = arith.constant 0 : i32
      %dma_wait3A_1364 = tpu.memref_slice %arg5[%add3A_1164, %dma_wait3A_1363] : memref<512x50xi32, #tpu.memory_space<vmem>> -> memref<1x50xi32, #tpu.memory_space<vmem>>
      %dma_wait3A_1365 = tpu.memref_squeeze %dma_wait3A_1364 : memref<1x50xi32, #tpu.memory_space<vmem>> -> memref<50xi32, #tpu.memory_space<vmem>>
      %dma_wait3A_1366 = arith.constant 0 : i32
      %dma_wait3A_1367 = arith.constant 0 : i32
      %dma_wait3A_1368 = tpu.memref_slice %arg3[%dma_wait3A_1366, %dma_wait3A_1367] : memref<4000000x32xf32, #tpu.memory_space<hbm>> -> memref<4000000x32xf32, #tpu.memory_space<hbm>>
      tpu.wait_indirect_dma semaphore(%arg7 : memref<!tpu.dma_semaphore, #tpu.memory_space<semaphore_mem>>) src(%dma_wait3A_1368 : memref<4000000x32xf32, #tpu.memory_space<hbm>>) dst(%dma_wait3A_1362 : memref<50x32xf32, #tpu.memory_space<vmem>>)
      %mul3A_1369 = arith.constant 16 : i32
      %mul3A_1370 = arith.muli %add3A_920, %mul3A_1369 : i32
      %add3A_1371 = arith.addi %mul3A_2, %mul3A_1370 : i32
      %dma_start3A_1372 = arith.constant 0 : i32
      %dma_start3A_1373 = arith.constant 0 : i32
      %dma_start3A_1374 = arith.constant 0 : i32
      %dma_start3A_1375 = arith.constant 0 : i32
      %dma_start3A_1376 = tpu.memref_slice %arg6[%dma_start3A_1372, %dma_start3A_1373, %dma_start3A_1374, %dma_start3A_1375] : memref<2x16x50x32xf32, #tpu.memory_space<vmem>> -> memref<1x16x50x32xf32, #tpu.memory_space<vmem>>
      %dma_start3A_1377 = tpu.memref_squeeze %dma_start3A_1376 : memref<1x16x50x32xf32, #tpu.memory_space<vmem>> -> memref<16x50x32xf32, #tpu.memory_space<vmem>>
      %dma_start3A_1378 = arith.constant 0 : i32
      %dma_start3A_1379 = arith.constant 0 : i32
      %dma_start3A_1380 = tpu.memref_slice %arg4[%add3A_1371, %dma_start3A_1378, %dma_start3A_1379] : memref<16384x50x32xf32, #tpu.memory_space<hbm>> -> memref<16x50x32xf32, #tpu.memory_space<hbm>>
      %dma_start3A_1381 = arith.constant 0 : i32
      %dma_start3A_1382 = arith.constant 0 : i32
      %dma_start3A_1383 = tpu.memref_slice %arg4[%add3A_1371, %dma_start3A_1381, %dma_start3A_1382] : memref<16384x50x32xf32, #tpu.memory_space<hbm>> -> memref<16x50x32xf32, #tpu.memory_space<hbm>>
      %dma_start3A_1384 = arith.constant 0 : i32
      %dma_start3A_1385 = arith.constant 0 : i32
      %dma_start3A_1386 = arith.constant 0 : i32
      %dma_start3A_1387 = tpu.memref_slice %arg6[%dma_start3A_1372, %dma_start3A_1384, %dma_start3A_1385, %dma_start3A_1386] : memref<2x16x50x32xf32, #tpu.memory_space<vmem>> -> memref<1x16x50x32xf32, #tpu.memory_space<vmem>>
      %dma_start3A_1388 = tpu.memref_squeeze %dma_start3A_1387 : memref<1x16x50x32xf32, #tpu.memory_space<vmem>> -> memref<16x50x32xf32, #tpu.memory_space<vmem>>
      tpu.enqueue_dma source(%dma_start3A_1388 : memref<16x50x32xf32, #tpu.memory_space<vmem>>) target(%dma_start3A_1383 : memref<16x50x32xf32, #tpu.memory_space<hbm>>) target_semaphore(%arg8 : memref<!tpu.dma_semaphore, #tpu.memory_space<semaphore_mem>>)
      %sub3A = arith.constant 1 : i32
      %sub3A_1389 = arith.subi %add3A_920, %sub3A : i32
      %mul3A_1390 = arith.constant 16 : i32
      %mul3A_1391 = arith.muli %sub3A_1389, %mul3A_1390 : i32
      %add3A_1392 = arith.addi %mul3A_2, %mul3A_1391 : i32
      %dma_wait3A_1393 = arith.constant 1 : i32
      %dma_wait3A_1394 = arith.constant 0 : i32
      %dma_wait3A_1395 = arith.constant 0 : i32
      %dma_wait3A_1396 = arith.constant 0 : i32
      %dma_wait3A_1397 = tpu.memref_slice %arg6[%dma_wait3A_1393, %dma_wait3A_1394, %dma_wait3A_1395, %dma_wait3A_1396] : memref<2x16x50x32xf32, #tpu.memory_space<vmem>> -> memref<1x16x50x32xf32, #tpu.memory_space<vmem>>
      %dma_wait3A_1398 = tpu.memref_squeeze %dma_wait3A_1397 : memref<1x16x50x32xf32, #tpu.memory_space<vmem>> -> memref<16x50x32xf32, #tpu.memory_space<vmem>>
      %dma_wait3A_1399 = arith.constant 0 : i32
      %dma_wait3A_1400 = arith.constant 0 : i32
      %dma_wait3A_1401 = tpu.memref_slice %arg4[%add3A_1392, %dma_wait3A_1399, %dma_wait3A_1400] : memref<16384x50x32xf32, #tpu.memory_space<hbm>> -> memref<16x50x32xf32, #tpu.memory_space<hbm>>
      %dma_wait3A_1402 = arith.constant 0 : i32
      %dma_wait3A_1403 = arith.constant 0 : i32
      %dma_wait3A_1404 = tpu.memref_slice %arg4[%add3A_1392, %dma_wait3A_1402, %dma_wait3A_1403] : memref<16384x50x32xf32, #tpu.memory_space<hbm>> -> memref<16x50x32xf32, #tpu.memory_space<hbm>>
      %dma_wait3A_1405 = arith.constant 0 : i32
      %dma_wait3A_1406 = arith.constant 0 : i32
      %dma_wait3A_1407 = arith.constant 0 : i32
      %dma_wait3A_1408 = tpu.memref_slice %arg6[%dma_wait3A_1393, %dma_wait3A_1405, %dma_wait3A_1406, %dma_wait3A_1407] : memref<2x16x50x32xf32, #tpu.memory_space<vmem>> -> memref<1x16x50x32xf32, #tpu.memory_space<vmem>>
      %dma_wait3A_1409 = tpu.memref_squeeze %dma_wait3A_1408 : memref<1x16x50x32xf32, #tpu.memory_space<vmem>> -> memref<16x50x32xf32, #tpu.memory_space<vmem>>
      tpu.wait_dma2 semaphore(%arg9 : memref<!tpu.dma_semaphore, #tpu.memory_space<semaphore_mem>>) src(%dma_wait3A_1409 : memref<16x50x32xf32, #tpu.memory_space<vmem>>) dst(%dma_wait3A_1404 : memref<16x50x32xf32, #tpu.memory_space<hbm>>)
      %mul3A_1410 = arith.constant 2 : i32
      %mul3A_1411 = arith.muli %mul3A_1410, %scan3A_914 : i32
      %add3A_1412 = arith.constant 2 : i32
      %add3A_1413 = arith.addi %add3A_1412, %mul3A_1411 : i32
      %add3A_1414 = arith.constant 1 : i32
      %add3A_1415 = arith.addi %add3A_1413, %add3A_1414 : i32
      %mul3A_1416 = arith.constant 16 : i32
      %mul3A_1417 = arith.muli %add3A_1415, %mul3A_1416 : i32
      %add3A_1418 = arith.constant 0 : i32
      %add3A_1419 = arith.addi %mul3A_1417, %add3A_1418 : i32
      %dma_start3A_1420 = arith.constant 1 : i32
      %dma_start3A_1421 = arith.constant 0 : i32
      %dma_start3A_1422 = arith.constant 0 : i32
      %dma_start3A_1423 = arith.constant 0 : i32
      %dma_start3A_1424 = tpu.memref_slice %arg6[%dma_start3A_1420, %dma_start3A_1421, %dma_start3A_1422, %dma_start3A_1423] : memref<2x16x50x32xf32, #tpu.memory_space<vmem>> -> memref<1x1x50x32xf32, #tpu.memory_space<vmem>>
      %dma_start3A_1425 = tpu.memref_squeeze %dma_start3A_1424 : memref<1x1x50x32xf32, #tpu.memory_space<vmem>> -> memref<50x32xf32, #tpu.memory_space<vmem>>
      %dma_start3A_1426 = arith.constant 0 : i32
      %dma_start3A_1427 = tpu.memref_slice %arg5[%add3A_1419, %dma_start3A_1426] : memref<512x50xi32, #tpu.memory_space<vmem>> -> memref<1x50xi32, #tpu.memory_space<vmem>>
      %dma_start3A_1428 = tpu.memref_squeeze %dma_start3A_1427 : memref<1x50xi32, #tpu.memory_space<vmem>> -> memref<50xi32, #tpu.memory_space<vmem>>
      %dma_start3A_1429 = arith.constant 0 : i32
      %dma_start3A_1430 = arith.constant 0 : i32
      %dma_start3A_1431 = tpu.memref_slice %arg3[%dma_start3A_1429, %dma_start3A_1430] : memref<4000000x32xf32, #tpu.memory_space<hbm>> -> memref<4000000x32xf32, #tpu.memory_space<hbm>>
      tpu.enqueue_indirect_dma source(%dma_start3A_1431 : memref<4000000x32xf32, #tpu.memory_space<hbm>>) target(%dma_start3A_1425 : memref<50x32xf32, #tpu.memory_space<vmem>>) offsets(%dma_start3A_1428 : memref<50xi32, #tpu.memory_space<vmem>>) semaphore(%arg7 : memref<!tpu.dma_semaphore, #tpu.memory_space<semaphore_mem>>)
      %mul3A_1432 = arith.constant 16 : i32
      %mul3A_1433 = arith.muli %add3A_1415, %mul3A_1432 : i32
      %add3A_1434 = arith.constant 1 : i32
      %add3A_1435 = arith.addi %mul3A_1433, %add3A_1434 : i32
      %dma_start3A_1436 = arith.constant 1 : i32
      %dma_start3A_1437 = arith.constant 1 : i32
      %dma_start3A_1438 = arith.constant 0 : i32
      %dma_start3A_1439 = arith.constant 0 : i32
      %dma_start3A_1440 = tpu.memref_slice %arg6[%dma_start3A_1436, %dma_start3A_1437, %dma_start3A_1438, %dma_start3A_1439] : memref<2x16x50x32xf32, #tpu.memory_space<vmem>> -> memref<1x1x50x32xf32, #tpu.memory_space<vmem>>
      %dma_start3A_1441 = tpu.memref_squeeze %dma_start3A_1440 : memref<1x1x50x32xf32, #tpu.memory_space<vmem>> -> memref<50x32xf32, #tpu.memory_space<vmem>>
      %dma_start3A_1442 = arith.constant 0 : i32
      %dma_start3A_1443 = tpu.memref_slice %arg5[%add3A_1435, %dma_start3A_1442] : memref<512x50xi32, #tpu.memory_space<vmem>> -> memref<1x50xi32, #tpu.memory_space<vmem>>
      %dma_start3A_1444 = tpu.memref_squeeze %dma_start3A_1443 : memref<1x50xi32, #tpu.memory_space<vmem>> -> memref<50xi32, #tpu.memory_space<vmem>>
      %dma_start3A_1445 = arith.constant 0 : i32
      %dma_start3A_1446 = arith.constant 0 : i32
      %dma_start3A_1447 = tpu.memref_slice %arg3[%dma_start3A_1445, %dma_start3A_1446] : memref<4000000x32xf32, #tpu.memory_space<hbm>> -> memref<4000000x32xf32, #tpu.memory_space<hbm>>
      tpu.enqueue_indirect_dma source(%dma_start3A_1447 : memref<4000000x32xf32, #tpu.memory_space<hbm>>) target(%dma_start3A_1441 : memref<50x32xf32, #tpu.memory_space<vmem>>) offsets(%dma_start3A_1444 : memref<50xi32, #tpu.memory_space<vmem>>) semaphore(%arg7 : memref<!tpu.dma_semaphore, #tpu.memory_space<semaphore_mem>>)
      %mul3A_1448 = arith.constant 16 : i32
      %mul3A_1449 = arith.muli %add3A_1415, %mul3A_1448 : i32
      %add3A_1450 = arith.constant 2 : i32
      %add3A_1451 = arith.addi %mul3A_1449, %add3A_1450 : i32
      %dma_start3A_1452 = arith.constant 1 : i32
      %dma_start3A_1453 = arith.constant 2 : i32
      %dma_start3A_1454 = arith.constant 0 : i32
      %dma_start3A_1455 = arith.constant 0 : i32
      %dma_start3A_1456 = tpu.memref_slice %arg6[%dma_start3A_1452, %dma_start3A_1453, %dma_start3A_1454, %dma_start3A_1455] : memref<2x16x50x32xf32, #tpu.memory_space<vmem>> -> memref<1x1x50x32xf32, #tpu.memory_space<vmem>>
      %dma_start3A_1457 = tpu.memref_squeeze %dma_start3A_1456 : memref<1x1x50x32xf32, #tpu.memory_space<vmem>> -> memref<50x32xf32, #tpu.memory_space<vmem>>
      %dma_start3A_1458 = arith.constant 0 : i32
      %dma_start3A_1459 = tpu.memref_slice %arg5[%add3A_1451, %dma_start3A_1458] : memref<512x50xi32, #tpu.memory_space<vmem>> -> memref<1x50xi32, #tpu.memory_space<vmem>>
      %dma_start3A_1460 = tpu.memref_squeeze %dma_start3A_1459 : memref<1x50xi32, #tpu.memory_space<vmem>> -> memref<50xi32, #tpu.memory_space<vmem>>
      %dma_start3A_1461 = arith.constant 0 : i32
      %dma_start3A_1462 = arith.constant 0 : i32
      %dma_start3A_1463 = tpu.memref_slice %arg3[%dma_start3A_1461, %dma_start3A_1462] : memref<4000000x32xf32, #tpu.memory_space<hbm>> -> memref<4000000x32xf32, #tpu.memory_space<hbm>>
      tpu.enqueue_indirect_dma source(%dma_start3A_1463 : memref<4000000x32xf32, #tpu.memory_space<hbm>>) target(%dma_start3A_1457 : memref<50x32xf32, #tpu.memory_space<vmem>>) offsets(%dma_start3A_1460 : memref<50xi32, #tpu.memory_space<vmem>>) semaphore(%arg7 : memref<!tpu.dma_semaphore, #tpu.memory_space<semaphore_mem>>)
      %mul3A_1464 = arith.constant 16 : i32
      %mul3A_1465 = arith.muli %add3A_1415, %mul3A_1464 : i32
      %add3A_1466 = arith.constant 3 : i32
      %add3A_1467 = arith.addi %mul3A_1465, %add3A_1466 : i32
      %dma_start3A_1468 = arith.constant 1 : i32
      %dma_start3A_1469 = arith.constant 3 : i32
      %dma_start3A_1470 = arith.constant 0 : i32
      %dma_start3A_1471 = arith.constant 0 : i32
      %dma_start3A_1472 = tpu.memref_slice %arg6[%dma_start3A_1468, %dma_start3A_1469, %dma_start3A_1470, %dma_start3A_1471] : memref<2x16x50x32xf32, #tpu.memory_space<vmem>> -> memref<1x1x50x32xf32, #tpu.memory_space<vmem>>
      %dma_start3A_1473 = tpu.memref_squeeze %dma_start3A_1472 : memref<1x1x50x32xf32, #tpu.memory_space<vmem>> -> memref<50x32xf32, #tpu.memory_space<vmem>>
      %dma_start3A_1474 = arith.constant 0 : i32
      %dma_start3A_1475 = tpu.memref_slice %arg5[%add3A_1467, %dma_start3A_1474] : memref<512x50xi32, #tpu.memory_space<vmem>> -> memref<1x50xi32, #tpu.memory_space<vmem>>
      %dma_start3A_1476 = tpu.memref_squeeze %dma_start3A_1475 : memref<1x50xi32, #tpu.memory_space<vmem>> -> memref<50xi32, #tpu.memory_space<vmem>>
      %dma_start3A_1477 = arith.constant 0 : i32
      %dma_start3A_1478 = arith.constant 0 : i32
      %dma_start3A_1479 = tpu.memref_slice %arg3[%dma_start3A_1477, %dma_start3A_1478] : memref<4000000x32xf32, #tpu.memory_space<hbm>> -> memref<4000000x32xf32, #tpu.memory_space<hbm>>
      tpu.enqueue_indirect_dma source(%dma_start3A_1479 : memref<4000000x32xf32, #tpu.memory_space<hbm>>) target(%dma_start3A_1473 : memref<50x32xf32, #tpu.memory_space<vmem>>) offsets(%dma_start3A_1476 : memref<50xi32, #tpu.memory_space<vmem>>) semaphore(%arg7 : memref<!tpu.dma_semaphore, #tpu.memory_space<semaphore_mem>>)
      %mul3A_1480 = arith.constant 16 : i32
      %mul3A_1481 = arith.muli %add3A_1415, %mul3A_1480 : i32
      %add3A_1482 = arith.constant 4 : i32
      %add3A_1483 = arith.addi %mul3A_1481, %add3A_1482 : i32
      %dma_start3A_1484 = arith.constant 1 : i32
      %dma_start3A_1485 = arith.constant 4 : i32
      %dma_start3A_1486 = arith.constant 0 : i32
      %dma_start3A_1487 = arith.constant 0 : i32
      %dma_start3A_1488 = tpu.memref_slice %arg6[%dma_start3A_1484, %dma_start3A_1485, %dma_start3A_1486, %dma_start3A_1487] : memref<2x16x50x32xf32, #tpu.memory_space<vmem>> -> memref<1x1x50x32xf32, #tpu.memory_space<vmem>>
      %dma_start3A_1489 = tpu.memref_squeeze %dma_start3A_1488 : memref<1x1x50x32xf32, #tpu.memory_space<vmem>> -> memref<50x32xf32, #tpu.memory_space<vmem>>
      %dma_start3A_1490 = arith.constant 0 : i32
      %dma_start3A_1491 = tpu.memref_slice %arg5[%add3A_1483, %dma_start3A_1490] : memref<512x50xi32, #tpu.memory_space<vmem>> -> memref<1x50xi32, #tpu.memory_space<vmem>>
      %dma_start3A_1492 = tpu.memref_squeeze %dma_start3A_1491 : memref<1x50xi32, #tpu.memory_space<vmem>> -> memref<50xi32, #tpu.memory_space<vmem>>
      %dma_start3A_1493 = arith.constant 0 : i32
      %dma_start3A_1494 = arith.constant 0 : i32
      %dma_start3A_1495 = tpu.memref_slice %arg3[%dma_start3A_1493, %dma_start3A_1494] : memref<4000000x32xf32, #tpu.memory_space<hbm>> -> memref<4000000x32xf32, #tpu.memory_space<hbm>>
      tpu.enqueue_indirect_dma source(%dma_start3A_1495 : memref<4000000x32xf32, #tpu.memory_space<hbm>>) target(%dma_start3A_1489 : memref<50x32xf32, #tpu.memory_space<vmem>>) offsets(%dma_start3A_1492 : memref<50xi32, #tpu.memory_space<vmem>>) semaphore(%arg7 : memref<!tpu.dma_semaphore, #tpu.memory_space<semaphore_mem>>)
      %mul3A_1496 = arith.constant 16 : i32
      %mul3A_1497 = arith.muli %add3A_1415, %mul3A_1496 : i32
      %add3A_1498 = arith.constant 5 : i32
      %add3A_1499 = arith.addi %mul3A_1497, %add3A_1498 : i32
      %dma_start3A_1500 = arith.constant 1 : i32
      %dma_start3A_1501 = arith.constant 5 : i32
      %dma_start3A_1502 = arith.constant 0 : i32
      %dma_start3A_1503 = arith.constant 0 : i32
      %dma_start3A_1504 = tpu.memref_slice %arg6[%dma_start3A_1500, %dma_start3A_1501, %dma_start3A_1502, %dma_start3A_1503] : memref<2x16x50x32xf32, #tpu.memory_space<vmem>> -> memref<1x1x50x32xf32, #tpu.memory_space<vmem>>
      %dma_start3A_1505 = tpu.memref_squeeze %dma_start3A_1504 : memref<1x1x50x32xf32, #tpu.memory_space<vmem>> -> memref<50x32xf32, #tpu.memory_space<vmem>>
      %dma_start3A_1506 = arith.constant 0 : i32
      %dma_start3A_1507 = tpu.memref_slice %arg5[%add3A_1499, %dma_start3A_1506] : memref<512x50xi32, #tpu.memory_space<vmem>> -> memref<1x50xi32, #tpu.memory_space<vmem>>
      %dma_start3A_1508 = tpu.memref_squeeze %dma_start3A_1507 : memref<1x50xi32, #tpu.memory_space<vmem>> -> memref<50xi32, #tpu.memory_space<vmem>>
      %dma_start3A_1509 = arith.constant 0 : i32
      %dma_start3A_1510 = arith.constant 0 : i32
      %dma_start3A_1511 = tpu.memref_slice %arg3[%dma_start3A_1509, %dma_start3A_1510] : memref<4000000x32xf32, #tpu.memory_space<hbm>> -> memref<4000000x32xf32, #tpu.memory_space<hbm>>
      tpu.enqueue_indirect_dma source(%dma_start3A_1511 : memref<4000000x32xf32, #tpu.memory_space<hbm>>) target(%dma_start3A_1505 : memref<50x32xf32, #tpu.memory_space<vmem>>) offsets(%dma_start3A_1508 : memref<50xi32, #tpu.memory_space<vmem>>) semaphore(%arg7 : memref<!tpu.dma_semaphore, #tpu.memory_space<semaphore_mem>>)
      %mul3A_1512 = arith.constant 16 : i32
      %mul3A_1513 = arith.muli %add3A_1415, %mul3A_1512 : i32
      %add3A_1514 = arith.constant 6 : i32
      %add3A_1515 = arith.addi %mul3A_1513, %add3A_1514 : i32
      %dma_start3A_1516 = arith.constant 1 : i32
      %dma_start3A_1517 = arith.constant 6 : i32
      %dma_start3A_1518 = arith.constant 0 : i32
      %dma_start3A_1519 = arith.constant 0 : i32
      %dma_start3A_1520 = tpu.memref_slice %arg6[%dma_start3A_1516, %dma_start3A_1517, %dma_start3A_1518, %dma_start3A_1519] : memref<2x16x50x32xf32, #tpu.memory_space<vmem>> -> memref<1x1x50x32xf32, #tpu.memory_space<vmem>>
      %dma_start3A_1521 = tpu.memref_squeeze %dma_start3A_1520 : memref<1x1x50x32xf32, #tpu.memory_space<vmem>> -> memref<50x32xf32, #tpu.memory_space<vmem>>
      %dma_start3A_1522 = arith.constant 0 : i32
      %dma_start3A_1523 = tpu.memref_slice %arg5[%add3A_1515, %dma_start3A_1522] : memref<512x50xi32, #tpu.memory_space<vmem>> -> memref<1x50xi32, #tpu.memory_space<vmem>>
      %dma_start3A_1524 = tpu.memref_squeeze %dma_start3A_1523 : memref<1x50xi32, #tpu.memory_space<vmem>> -> memref<50xi32, #tpu.memory_space<vmem>>
      %dma_start3A_1525 = arith.constant 0 : i32
      %dma_start3A_1526 = arith.constant 0 : i32
      %dma_start3A_1527 = tpu.memref_slice %arg3[%dma_start3A_1525, %dma_start3A_1526] : memref<4000000x32xf32, #tpu.memory_space<hbm>> -> memref<4000000x32xf32, #tpu.memory_space<hbm>>
      tpu.enqueue_indirect_dma source(%dma_start3A_1527 : memref<4000000x32xf32, #tpu.memory_space<hbm>>) target(%dma_start3A_1521 : memref<50x32xf32, #tpu.memory_space<vmem>>) offsets(%dma_start3A_1524 : memref<50xi32, #tpu.memory_space<vmem>>) semaphore(%arg7 : memref<!tpu.dma_semaphore, #tpu.memory_space<semaphore_mem>>)
      %mul3A_1528 = arith.constant 16 : i32
      %mul3A_1529 = arith.muli %add3A_1415, %mul3A_1528 : i32
      %add3A_1530 = arith.constant 7 : i32
      %add3A_1531 = arith.addi %mul3A_1529, %add3A_1530 : i32
      %dma_start3A_1532 = arith.constant 1 : i32
      %dma_start3A_1533 = arith.constant 7 : i32
      %dma_start3A_1534 = arith.constant 0 : i32
      %dma_start3A_1535 = arith.constant 0 : i32
      %dma_start3A_1536 = tpu.memref_slice %arg6[%dma_start3A_1532, %dma_start3A_1533, %dma_start3A_1534, %dma_start3A_1535] : memref<2x16x50x32xf32, #tpu.memory_space<vmem>> -> memref<1x1x50x32xf32, #tpu.memory_space<vmem>>
      %dma_start3A_1537 = tpu.memref_squeeze %dma_start3A_1536 : memref<1x1x50x32xf32, #tpu.memory_space<vmem>> -> memref<50x32xf32, #tpu.memory_space<vmem>>
      %dma_start3A_1538 = arith.constant 0 : i32
      %dma_start3A_1539 = tpu.memref_slice %arg5[%add3A_1531, %dma_start3A_1538] : memref<512x50xi32, #tpu.memory_space<vmem>> -> memref<1x50xi32, #tpu.memory_space<vmem>>
      %dma_start3A_1540 = tpu.memref_squeeze %dma_start3A_1539 : memref<1x50xi32, #tpu.memory_space<vmem>> -> memref<50xi32, #tpu.memory_space<vmem>>
      %dma_start3A_1541 = arith.constant 0 : i32
      %dma_start3A_1542 = arith.constant 0 : i32
      %dma_start3A_1543 = tpu.memref_slice %arg3[%dma_start3A_1541, %dma_start3A_1542] : memref<4000000x32xf32, #tpu.memory_space<hbm>> -> memref<4000000x32xf32, #tpu.memory_space<hbm>>
      tpu.enqueue_indirect_dma source(%dma_start3A_1543 : memref<4000000x32xf32, #tpu.memory_space<hbm>>) target(%dma_start3A_1537 : memref<50x32xf32, #tpu.memory_space<vmem>>) offsets(%dma_start3A_1540 : memref<50xi32, #tpu.memory_space<vmem>>) semaphore(%arg7 : memref<!tpu.dma_semaphore, #tpu.memory_space<semaphore_mem>>)
      %mul3A_1544 = arith.constant 16 : i32
      %mul3A_1545 = arith.muli %add3A_1415, %mul3A_1544 : i32
      %add3A_1546 = arith.constant 8 : i32
      %add3A_1547 = arith.addi %mul3A_1545, %add3A_1546 : i32
      %dma_start3A_1548 = arith.constant 1 : i32
      %dma_start3A_1549 = arith.constant 8 : i32
      %dma_start3A_1550 = arith.constant 0 : i32
      %dma_start3A_1551 = arith.constant 0 : i32
      %dma_start3A_1552 = tpu.memref_slice %arg6[%dma_start3A_1548, %dma_start3A_1549, %dma_start3A_1550, %dma_start3A_1551] : memref<2x16x50x32xf32, #tpu.memory_space<vmem>> -> memref<1x1x50x32xf32, #tpu.memory_space<vmem>>
      %dma_start3A_1553 = tpu.memref_squeeze %dma_start3A_1552 : memref<1x1x50x32xf32, #tpu.memory_space<vmem>> -> memref<50x32xf32, #tpu.memory_space<vmem>>
      %dma_start3A_1554 = arith.constant 0 : i32
      %dma_start3A_1555 = tpu.memref_slice %arg5[%add3A_1547, %dma_start3A_1554] : memref<512x50xi32, #tpu.memory_space<vmem>> -> memref<1x50xi32, #tpu.memory_space<vmem>>
      %dma_start3A_1556 = tpu.memref_squeeze %dma_start3A_1555 : memref<1x50xi32, #tpu.memory_space<vmem>> -> memref<50xi32, #tpu.memory_space<vmem>>
      %dma_start3A_1557 = arith.constant 0 : i32
      %dma_start3A_1558 = arith.constant 0 : i32
      %dma_start3A_1559 = tpu.memref_slice %arg3[%dma_start3A_1557, %dma_start3A_1558] : memref<4000000x32xf32, #tpu.memory_space<hbm>> -> memref<4000000x32xf32, #tpu.memory_space<hbm>>
      tpu.enqueue_indirect_dma source(%dma_start3A_1559 : memref<4000000x32xf32, #tpu.memory_space<hbm>>) target(%dma_start3A_1553 : memref<50x32xf32, #tpu.memory_space<vmem>>) offsets(%dma_start3A_1556 : memref<50xi32, #tpu.memory_space<vmem>>) semaphore(%arg7 : memref<!tpu.dma_semaphore, #tpu.memory_space<semaphore_mem>>)
      %mul3A_1560 = arith.constant 16 : i32
      %mul3A_1561 = arith.muli %add3A_1415, %mul3A_1560 : i32
      %add3A_1562 = arith.constant 9 : i32
      %add3A_1563 = arith.addi %mul3A_1561, %add3A_1562 : i32
      %dma_start3A_1564 = arith.constant 1 : i32
      %dma_start3A_1565 = arith.constant 9 : i32
      %dma_start3A_1566 = arith.constant 0 : i32
      %dma_start3A_1567 = arith.constant 0 : i32
      %dma_start3A_1568 = tpu.memref_slice %arg6[%dma_start3A_1564, %dma_start3A_1565, %dma_start3A_1566, %dma_start3A_1567] : memref<2x16x50x32xf32, #tpu.memory_space<vmem>> -> memref<1x1x50x32xf32, #tpu.memory_space<vmem>>
      %dma_start3A_1569 = tpu.memref_squeeze %dma_start3A_1568 : memref<1x1x50x32xf32, #tpu.memory_space<vmem>> -> memref<50x32xf32, #tpu.memory_space<vmem>>
      %dma_start3A_1570 = arith.constant 0 : i32
      %dma_start3A_1571 = tpu.memref_slice %arg5[%add3A_1563, %dma_start3A_1570] : memref<512x50xi32, #tpu.memory_space<vmem>> -> memref<1x50xi32, #tpu.memory_space<vmem>>
      %dma_start3A_1572 = tpu.memref_squeeze %dma_start3A_1571 : memref<1x50xi32, #tpu.memory_space<vmem>> -> memref<50xi32, #tpu.memory_space<vmem>>
      %dma_start3A_1573 = arith.constant 0 : i32
      %dma_start3A_1574 = arith.constant 0 : i32
      %dma_start3A_1575 = tpu.memref_slice %arg3[%dma_start3A_1573, %dma_start3A_1574] : memref<4000000x32xf32, #tpu.memory_space<hbm>> -> memref<4000000x32xf32, #tpu.memory_space<hbm>>
      tpu.enqueue_indirect_dma source(%dma_start3A_1575 : memref<4000000x32xf32, #tpu.memory_space<hbm>>) target(%dma_start3A_1569 : memref<50x32xf32, #tpu.memory_space<vmem>>) offsets(%dma_start3A_1572 : memref<50xi32, #tpu.memory_space<vmem>>) semaphore(%arg7 : memref<!tpu.dma_semaphore, #tpu.memory_space<semaphore_mem>>)
      %mul3A_1576 = arith.constant 16 : i32
      %mul3A_1577 = arith.muli %add3A_1415, %mul3A_1576 : i32
      %add3A_1578 = arith.constant 10 : i32
      %add3A_1579 = arith.addi %mul3A_1577, %add3A_1578 : i32
      %dma_start3A_1580 = arith.constant 1 : i32
      %dma_start3A_1581 = arith.constant 10 : i32
      %dma_start3A_1582 = arith.constant 0 : i32
      %dma_start3A_1583 = arith.constant 0 : i32
      %dma_start3A_1584 = tpu.memref_slice %arg6[%dma_start3A_1580, %dma_start3A_1581, %dma_start3A_1582, %dma_start3A_1583] : memref<2x16x50x32xf32, #tpu.memory_space<vmem>> -> memref<1x1x50x32xf32, #tpu.memory_space<vmem>>
      %dma_start3A_1585 = tpu.memref_squeeze %dma_start3A_1584 : memref<1x1x50x32xf32, #tpu.memory_space<vmem>> -> memref<50x32xf32, #tpu.memory_space<vmem>>
      %dma_start3A_1586 = arith.constant 0 : i32
      %dma_start3A_1587 = tpu.memref_slice %arg5[%add3A_1579, %dma_start3A_1586] : memref<512x50xi32, #tpu.memory_space<vmem>> -> memref<1x50xi32, #tpu.memory_space<vmem>>
      %dma_start3A_1588 = tpu.memref_squeeze %dma_start3A_1587 : memref<1x50xi32, #tpu.memory_space<vmem>> -> memref<50xi32, #tpu.memory_space<vmem>>
      %dma_start3A_1589 = arith.constant 0 : i32
      %dma_start3A_1590 = arith.constant 0 : i32
      %dma_start3A_1591 = tpu.memref_slice %arg3[%dma_start3A_1589, %dma_start3A_1590] : memref<4000000x32xf32, #tpu.memory_space<hbm>> -> memref<4000000x32xf32, #tpu.memory_space<hbm>>
      tpu.enqueue_indirect_dma source(%dma_start3A_1591 : memref<4000000x32xf32, #tpu.memory_space<hbm>>) target(%dma_start3A_1585 : memref<50x32xf32, #tpu.memory_space<vmem>>) offsets(%dma_start3A_1588 : memref<50xi32, #tpu.memory_space<vmem>>) semaphore(%arg7 : memref<!tpu.dma_semaphore, #tpu.memory_space<semaphore_mem>>)
      %mul3A_1592 = arith.constant 16 : i32
      %mul3A_1593 = arith.muli %add3A_1415, %mul3A_1592 : i32
      %add3A_1594 = arith.constant 11 : i32
      %add3A_1595 = arith.addi %mul3A_1593, %add3A_1594 : i32
      %dma_start3A_1596 = arith.constant 1 : i32
      %dma_start3A_1597 = arith.constant 11 : i32
      %dma_start3A_1598 = arith.constant 0 : i32
      %dma_start3A_1599 = arith.constant 0 : i32
      %dma_start3A_1600 = tpu.memref_slice %arg6[%dma_start3A_1596, %dma_start3A_1597, %dma_start3A_1598, %dma_start3A_1599] : memref<2x16x50x32xf32, #tpu.memory_space<vmem>> -> memref<1x1x50x32xf32, #tpu.memory_space<vmem>>
      %dma_start3A_1601 = tpu.memref_squeeze %dma_start3A_1600 : memref<1x1x50x32xf32, #tpu.memory_space<vmem>> -> memref<50x32xf32, #tpu.memory_space<vmem>>
      %dma_start3A_1602 = arith.constant 0 : i32
      %dma_start3A_1603 = tpu.memref_slice %arg5[%add3A_1595, %dma_start3A_1602] : memref<512x50xi32, #tpu.memory_space<vmem>> -> memref<1x50xi32, #tpu.memory_space<vmem>>
      %dma_start3A_1604 = tpu.memref_squeeze %dma_start3A_1603 : memref<1x50xi32, #tpu.memory_space<vmem>> -> memref<50xi32, #tpu.memory_space<vmem>>
      %dma_start3A_1605 = arith.constant 0 : i32
      %dma_start3A_1606 = arith.constant 0 : i32
      %dma_start3A_1607 = tpu.memref_slice %arg3[%dma_start3A_1605, %dma_start3A_1606] : memref<4000000x32xf32, #tpu.memory_space<hbm>> -> memref<4000000x32xf32, #tpu.memory_space<hbm>>
      tpu.enqueue_indirect_dma source(%dma_start3A_1607 : memref<4000000x32xf32, #tpu.memory_space<hbm>>) target(%dma_start3A_1601 : memref<50x32xf32, #tpu.memory_space<vmem>>) offsets(%dma_start3A_1604 : memref<50xi32, #tpu.memory_space<vmem>>) semaphore(%arg7 : memref<!tpu.dma_semaphore, #tpu.memory_space<semaphore_mem>>)
      %mul3A_1608 = arith.constant 16 : i32
      %mul3A_1609 = arith.muli %add3A_1415, %mul3A_1608 : i32
      %add3A_1610 = arith.constant 12 : i32
      %add3A_1611 = arith.addi %mul3A_1609, %add3A_1610 : i32
      %dma_start3A_1612 = arith.constant 1 : i32
      %dma_start3A_1613 = arith.constant 12 : i32
      %dma_start3A_1614 = arith.constant 0 : i32
      %dma_start3A_1615 = arith.constant 0 : i32
      %dma_start3A_1616 = tpu.memref_slice %arg6[%dma_start3A_1612, %dma_start3A_1613, %dma_start3A_1614, %dma_start3A_1615] : memref<2x16x50x32xf32, #tpu.memory_space<vmem>> -> memref<1x1x50x32xf32, #tpu.memory_space<vmem>>
      %dma_start3A_1617 = tpu.memref_squeeze %dma_start3A_1616 : memref<1x1x50x32xf32, #tpu.memory_space<vmem>> -> memref<50x32xf32, #tpu.memory_space<vmem>>
      %dma_start3A_1618 = arith.constant 0 : i32
      %dma_start3A_1619 = tpu.memref_slice %arg5[%add3A_1611, %dma_start3A_1618] : memref<512x50xi32, #tpu.memory_space<vmem>> -> memref<1x50xi32, #tpu.memory_space<vmem>>
      %dma_start3A_1620 = tpu.memref_squeeze %dma_start3A_1619 : memref<1x50xi32, #tpu.memory_space<vmem>> -> memref<50xi32, #tpu.memory_space<vmem>>
      %dma_start3A_1621 = arith.constant 0 : i32
      %dma_start3A_1622 = arith.constant 0 : i32
      %dma_start3A_1623 = tpu.memref_slice %arg3[%dma_start3A_1621, %dma_start3A_1622] : memref<4000000x32xf32, #tpu.memory_space<hbm>> -> memref<4000000x32xf32, #tpu.memory_space<hbm>>
      tpu.enqueue_indirect_dma source(%dma_start3A_1623 : memref<4000000x32xf32, #tpu.memory_space<hbm>>) target(%dma_start3A_1617 : memref<50x32xf32, #tpu.memory_space<vmem>>) offsets(%dma_start3A_1620 : memref<50xi32, #tpu.memory_space<vmem>>) semaphore(%arg7 : memref<!tpu.dma_semaphore, #tpu.memory_space<semaphore_mem>>)
      %mul3A_1624 = arith.constant 16 : i32
      %mul3A_1625 = arith.muli %add3A_1415, %mul3A_1624 : i32
      %add3A_1626 = arith.constant 13 : i32
      %add3A_1627 = arith.addi %mul3A_1625, %add3A_1626 : i32
      %dma_start3A_1628 = arith.constant 1 : i32
      %dma_start3A_1629 = arith.constant 13 : i32
      %dma_start3A_1630 = arith.constant 0 : i32
      %dma_start3A_1631 = arith.constant 0 : i32
      %dma_start3A_1632 = tpu.memref_slice %arg6[%dma_start3A_1628, %dma_start3A_1629, %dma_start3A_1630, %dma_start3A_1631] : memref<2x16x50x32xf32, #tpu.memory_space<vmem>> -> memref<1x1x50x32xf32, #tpu.memory_space<vmem>>
      %dma_start3A_1633 = tpu.memref_squeeze %dma_start3A_1632 : memref<1x1x50x32xf32, #tpu.memory_space<vmem>> -> memref<50x32xf32, #tpu.memory_space<vmem>>
      %dma_start3A_1634 = arith.constant 0 : i32
      %dma_start3A_1635 = tpu.memref_slice %arg5[%add3A_1627, %dma_start3A_1634] : memref<512x50xi32, #tpu.memory_space<vmem>> -> memref<1x50xi32, #tpu.memory_space<vmem>>
      %dma_start3A_1636 = tpu.memref_squeeze %dma_start3A_1635 : memref<1x50xi32, #tpu.memory_space<vmem>> -> memref<50xi32, #tpu.memory_space<vmem>>
      %dma_start3A_1637 = arith.constant 0 : i32
      %dma_start3A_1638 = arith.constant 0 : i32
      %dma_start3A_1639 = tpu.memref_slice %arg3[%dma_start3A_1637, %dma_start3A_1638] : memref<4000000x32xf32, #tpu.memory_space<hbm>> -> memref<4000000x32xf32, #tpu.memory_space<hbm>>
      tpu.enqueue_indirect_dma source(%dma_start3A_1639 : memref<4000000x32xf32, #tpu.memory_space<hbm>>) target(%dma_start3A_1633 : memref<50x32xf32, #tpu.memory_space<vmem>>) offsets(%dma_start3A_1636 : memref<50xi32, #tpu.memory_space<vmem>>) semaphore(%arg7 : memref<!tpu.dma_semaphore, #tpu.memory_space<semaphore_mem>>)
      %mul3A_1640 = arith.constant 16 : i32
      %mul3A_1641 = arith.muli %add3A_1415, %mul3A_1640 : i32
      %add3A_1642 = arith.constant 14 : i32
      %add3A_1643 = arith.addi %mul3A_1641, %add3A_1642 : i32
      %dma_start3A_1644 = arith.constant 1 : i32
      %dma_start3A_1645 = arith.constant 14 : i32
      %dma_start3A_1646 = arith.constant 0 : i32
      %dma_start3A_1647 = arith.constant 0 : i32
      %dma_start3A_1648 = tpu.memref_slice %arg6[%dma_start3A_1644, %dma_start3A_1645, %dma_start3A_1646, %dma_start3A_1647] : memref<2x16x50x32xf32, #tpu.memory_space<vmem>> -> memref<1x1x50x32xf32, #tpu.memory_space<vmem>>
      %dma_start3A_1649 = tpu.memref_squeeze %dma_start3A_1648 : memref<1x1x50x32xf32, #tpu.memory_space<vmem>> -> memref<50x32xf32, #tpu.memory_space<vmem>>
      %dma_start3A_1650 = arith.constant 0 : i32
      %dma_start3A_1651 = tpu.memref_slice %arg5[%add3A_1643, %dma_start3A_1650] : memref<512x50xi32, #tpu.memory_space<vmem>> -> memref<1x50xi32, #tpu.memory_space<vmem>>
      %dma_start3A_1652 = tpu.memref_squeeze %dma_start3A_1651 : memref<1x50xi32, #tpu.memory_space<vmem>> -> memref<50xi32, #tpu.memory_space<vmem>>
      %dma_start3A_1653 = arith.constant 0 : i32
      %dma_start3A_1654 = arith.constant 0 : i32
      %dma_start3A_1655 = tpu.memref_slice %arg3[%dma_start3A_1653, %dma_start3A_1654] : memref<4000000x32xf32, #tpu.memory_space<hbm>> -> memref<4000000x32xf32, #tpu.memory_space<hbm>>
      tpu.enqueue_indirect_dma source(%dma_start3A_1655 : memref<4000000x32xf32, #tpu.memory_space<hbm>>) target(%dma_start3A_1649 : memref<50x32xf32, #tpu.memory_space<vmem>>) offsets(%dma_start3A_1652 : memref<50xi32, #tpu.memory_space<vmem>>) semaphore(%arg7 : memref<!tpu.dma_semaphore, #tpu.memory_space<semaphore_mem>>)
      %mul3A_1656 = arith.constant 16 : i32
      %mul3A_1657 = arith.muli %add3A_1415, %mul3A_1656 : i32
      %add3A_1658 = arith.constant 15 : i32
      %add3A_1659 = arith.addi %mul3A_1657, %add3A_1658 : i32
      %dma_start3A_1660 = arith.constant 1 : i32
      %dma_start3A_1661 = arith.constant 15 : i32
      %dma_start3A_1662 = arith.constant 0 : i32
      %dma_start3A_1663 = arith.constant 0 : i32
      %dma_start3A_1664 = tpu.memref_slice %arg6[%dma_start3A_1660, %dma_start3A_1661, %dma_start3A_1662, %dma_start3A_1663] : memref<2x16x50x32xf32, #tpu.memory_space<vmem>> -> memref<1x1x50x32xf32, #tpu.memory_space<vmem>>
      %dma_start3A_1665 = tpu.memref_squeeze %dma_start3A_1664 : memref<1x1x50x32xf32, #tpu.memory_space<vmem>> -> memref<50x32xf32, #tpu.memory_space<vmem>>
      %dma_start3A_1666 = arith.constant 0 : i32
      %dma_start3A_1667 = tpu.memref_slice %arg5[%add3A_1659, %dma_start3A_1666] : memref<512x50xi32, #tpu.memory_space<vmem>> -> memref<1x50xi32, #tpu.memory_space<vmem>>
      %dma_start3A_1668 = tpu.memref_squeeze %dma_start3A_1667 : memref<1x50xi32, #tpu.memory_space<vmem>> -> memref<50xi32, #tpu.memory_space<vmem>>
      %dma_start3A_1669 = arith.constant 0 : i32
      %dma_start3A_1670 = arith.constant 0 : i32
      %dma_start3A_1671 = tpu.memref_slice %arg3[%dma_start3A_1669, %dma_start3A_1670] : memref<4000000x32xf32, #tpu.memory_space<hbm>> -> memref<4000000x32xf32, #tpu.memory_space<hbm>>
      tpu.enqueue_indirect_dma source(%dma_start3A_1671 : memref<4000000x32xf32, #tpu.memory_space<hbm>>) target(%dma_start3A_1665 : memref<50x32xf32, #tpu.memory_space<vmem>>) offsets(%dma_start3A_1668 : memref<50xi32, #tpu.memory_space<vmem>>) semaphore(%arg7 : memref<!tpu.dma_semaphore, #tpu.memory_space<semaphore_mem>>)
      %dma_wait3A_1672 = arith.constant 1 : i32
      %dma_wait3A_1673 = arith.constant 0 : i32
      %dma_wait3A_1674 = arith.constant 0 : i32
      %dma_wait3A_1675 = arith.constant 0 : i32
      %dma_wait3A_1676 = tpu.memref_slice %arg6[%dma_wait3A_1672, %dma_wait3A_1673, %dma_wait3A_1674, %dma_wait3A_1675] : memref<2x16x50x32xf32, #tpu.memory_space<vmem>> -> memref<1x1x50x32xf32, #tpu.memory_space<vmem>>
      %dma_wait3A_1677 = tpu.memref_squeeze %dma_wait3A_1676 : memref<1x1x50x32xf32, #tpu.memory_space<vmem>> -> memref<50x32xf32, #tpu.memory_space<vmem>>
      %dma_wait3A_1678 = arith.constant 0 : i32
      %dma_wait3A_1679 = tpu.memref_slice %arg5[%add3A_1419, %dma_wait3A_1678] : memref<512x50xi32, #tpu.memory_space<vmem>> -> memref<1x50xi32, #tpu.memory_space<vmem>>
      %dma_wait3A_1680 = tpu.memref_squeeze %dma_wait3A_1679 : memref<1x50xi32, #tpu.memory_space<vmem>> -> memref<50xi32, #tpu.memory_space<vmem>>
      %dma_wait3A_1681 = arith.constant 0 : i32
      %dma_wait3A_1682 = arith.constant 0 : i32
      %dma_wait3A_1683 = tpu.memref_slice %arg3[%dma_wait3A_1681, %dma_wait3A_1682] : memref<4000000x32xf32, #tpu.memory_space<hbm>> -> memref<4000000x32xf32, #tpu.memory_space<hbm>>
      tpu.wait_indirect_dma semaphore(%arg7 : memref<!tpu.dma_semaphore, #tpu.memory_space<semaphore_mem>>) src(%dma_wait3A_1683 : memref<4000000x32xf32, #tpu.memory_space<hbm>>) dst(%dma_wait3A_1677 : memref<50x32xf32, #tpu.memory_space<vmem>>)
      %dma_wait3A_1684 = arith.constant 1 : i32
      %dma_wait3A_1685 = arith.constant 1 : i32
      %dma_wait3A_1686 = arith.constant 0 : i32
      %dma_wait3A_1687 = arith.constant 0 : i32
      %dma_wait3A_1688 = tpu.memref_slice %arg6[%dma_wait3A_1684, %dma_wait3A_1685, %dma_wait3A_1686, %dma_wait3A_1687] : memref<2x16x50x32xf32, #tpu.memory_space<vmem>> -> memref<1x1x50x32xf32, #tpu.memory_space<vmem>>
      %dma_wait3A_1689 = tpu.memref_squeeze %dma_wait3A_1688 : memref<1x1x50x32xf32, #tpu.memory_space<vmem>> -> memref<50x32xf32, #tpu.memory_space<vmem>>
      %dma_wait3A_1690 = arith.constant 0 : i32
      %dma_wait3A_1691 = tpu.memref_slice %arg5[%add3A_1435, %dma_wait3A_1690] : memref<512x50xi32, #tpu.memory_space<vmem>> -> memref<1x50xi32, #tpu.memory_space<vmem>>
      %dma_wait3A_1692 = tpu.memref_squeeze %dma_wait3A_1691 : memref<1x50xi32, #tpu.memory_space<vmem>> -> memref<50xi32, #tpu.memory_space<vmem>>
      %dma_wait3A_1693 = arith.constant 0 : i32
      %dma_wait3A_1694 = arith.constant 0 : i32
      %dma_wait3A_1695 = tpu.memref_slice %arg3[%dma_wait3A_1693, %dma_wait3A_1694] : memref<4000000x32xf32, #tpu.memory_space<hbm>> -> memref<4000000x32xf32, #tpu.memory_space<hbm>>
      tpu.wait_indirect_dma semaphore(%arg7 : memref<!tpu.dma_semaphore, #tpu.memory_space<semaphore_mem>>) src(%dma_wait3A_1695 : memref<4000000x32xf32, #tpu.memory_space<hbm>>) dst(%dma_wait3A_1689 : memref<50x32xf32, #tpu.memory_space<vmem>>)
      %dma_wait3A_1696 = arith.constant 1 : i32
      %dma_wait3A_1697 = arith.constant 2 : i32
      %dma_wait3A_1698 = arith.constant 0 : i32
      %dma_wait3A_1699 = arith.constant 0 : i32
      %dma_wait3A_1700 = tpu.memref_slice %arg6[%dma_wait3A_1696, %dma_wait3A_1697, %dma_wait3A_1698, %dma_wait3A_1699] : memref<2x16x50x32xf32, #tpu.memory_space<vmem>> -> memref<1x1x50x32xf32, #tpu.memory_space<vmem>>
      %dma_wait3A_1701 = tpu.memref_squeeze %dma_wait3A_1700 : memref<1x1x50x32xf32, #tpu.memory_space<vmem>> -> memref<50x32xf32, #tpu.memory_space<vmem>>
      %dma_wait3A_1702 = arith.constant 0 : i32
      %dma_wait3A_1703 = tpu.memref_slice %arg5[%add3A_1451, %dma_wait3A_1702] : memref<512x50xi32, #tpu.memory_space<vmem>> -> memref<1x50xi32, #tpu.memory_space<vmem>>
      %dma_wait3A_1704 = tpu.memref_squeeze %dma_wait3A_1703 : memref<1x50xi32, #tpu.memory_space<vmem>> -> memref<50xi32, #tpu.memory_space<vmem>>
      %dma_wait3A_1705 = arith.constant 0 : i32
      %dma_wait3A_1706 = arith.constant 0 : i32
      %dma_wait3A_1707 = tpu.memref_slice %arg3[%dma_wait3A_1705, %dma_wait3A_1706] : memref<4000000x32xf32, #tpu.memory_space<hbm>> -> memref<4000000x32xf32, #tpu.memory_space<hbm>>
      tpu.wait_indirect_dma semaphore(%arg7 : memref<!tpu.dma_semaphore, #tpu.memory_space<semaphore_mem>>) src(%dma_wait3A_1707 : memref<4000000x32xf32, #tpu.memory_space<hbm>>) dst(%dma_wait3A_1701 : memref<50x32xf32, #tpu.memory_space<vmem>>)
      %dma_wait3A_1708 = arith.constant 1 : i32
      %dma_wait3A_1709 = arith.constant 3 : i32
      %dma_wait3A_1710 = arith.constant 0 : i32
      %dma_wait3A_1711 = arith.constant 0 : i32
      %dma_wait3A_1712 = tpu.memref_slice %arg6[%dma_wait3A_1708, %dma_wait3A_1709, %dma_wait3A_1710, %dma_wait3A_1711] : memref<2x16x50x32xf32, #tpu.memory_space<vmem>> -> memref<1x1x50x32xf32, #tpu.memory_space<vmem>>
      %dma_wait3A_1713 = tpu.memref_squeeze %dma_wait3A_1712 : memref<1x1x50x32xf32, #tpu.memory_space<vmem>> -> memref<50x32xf32, #tpu.memory_space<vmem>>
      %dma_wait3A_1714 = arith.constant 0 : i32
      %dma_wait3A_1715 = tpu.memref_slice %arg5[%add3A_1467, %dma_wait3A_1714] : memref<512x50xi32, #tpu.memory_space<vmem>> -> memref<1x50xi32, #tpu.memory_space<vmem>>
      %dma_wait3A_1716 = tpu.memref_squeeze %dma_wait3A_1715 : memref<1x50xi32, #tpu.memory_space<vmem>> -> memref<50xi32, #tpu.memory_space<vmem>>
      %dma_wait3A_1717 = arith.constant 0 : i32
      %dma_wait3A_1718 = arith.constant 0 : i32
      %dma_wait3A_1719 = tpu.memref_slice %arg3[%dma_wait3A_1717, %dma_wait3A_1718] : memref<4000000x32xf32, #tpu.memory_space<hbm>> -> memref<4000000x32xf32, #tpu.memory_space<hbm>>
      tpu.wait_indirect_dma semaphore(%arg7 : memref<!tpu.dma_semaphore, #tpu.memory_space<semaphore_mem>>) src(%dma_wait3A_1719 : memref<4000000x32xf32, #tpu.memory_space<hbm>>) dst(%dma_wait3A_1713 : memref<50x32xf32, #tpu.memory_space<vmem>>)
      %dma_wait3A_1720 = arith.constant 1 : i32
      %dma_wait3A_1721 = arith.constant 4 : i32
      %dma_wait3A_1722 = arith.constant 0 : i32
      %dma_wait3A_1723 = arith.constant 0 : i32
      %dma_wait3A_1724 = tpu.memref_slice %arg6[%dma_wait3A_1720, %dma_wait3A_1721, %dma_wait3A_1722, %dma_wait3A_1723] : memref<2x16x50x32xf32, #tpu.memory_space<vmem>> -> memref<1x1x50x32xf32, #tpu.memory_space<vmem>>
      %dma_wait3A_1725 = tpu.memref_squeeze %dma_wait3A_1724 : memref<1x1x50x32xf32, #tpu.memory_space<vmem>> -> memref<50x32xf32, #tpu.memory_space<vmem>>
      %dma_wait3A_1726 = arith.constant 0 : i32
      %dma_wait3A_1727 = tpu.memref_slice %arg5[%add3A_1483, %dma_wait3A_1726] : memref<512x50xi32, #tpu.memory_space<vmem>> -> memref<1x50xi32, #tpu.memory_space<vmem>>
      %dma_wait3A_1728 = tpu.memref_squeeze %dma_wait3A_1727 : memref<1x50xi32, #tpu.memory_space<vmem>> -> memref<50xi32, #tpu.memory_space<vmem>>
      %dma_wait3A_1729 = arith.constant 0 : i32
      %dma_wait3A_1730 = arith.constant 0 : i32
      %dma_wait3A_1731 = tpu.memref_slice %arg3[%dma_wait3A_1729, %dma_wait3A_1730] : memref<4000000x32xf32, #tpu.memory_space<hbm>> -> memref<4000000x32xf32, #tpu.memory_space<hbm>>
      tpu.wait_indirect_dma semaphore(%arg7 : memref<!tpu.dma_semaphore, #tpu.memory_space<semaphore_mem>>) src(%dma_wait3A_1731 : memref<4000000x32xf32, #tpu.memory_space<hbm>>) dst(%dma_wait3A_1725 : memref<50x32xf32, #tpu.memory_space<vmem>>)
      %dma_wait3A_1732 = arith.constant 1 : i32
      %dma_wait3A_1733 = arith.constant 5 : i32
      %dma_wait3A_1734 = arith.constant 0 : i32
      %dma_wait3A_1735 = arith.constant 0 : i32
      %dma_wait3A_1736 = tpu.memref_slice %arg6[%dma_wait3A_1732, %dma_wait3A_1733, %dma_wait3A_1734, %dma_wait3A_1735] : memref<2x16x50x32xf32, #tpu.memory_space<vmem>> -> memref<1x1x50x32xf32, #tpu.memory_space<vmem>>
      %dma_wait3A_1737 = tpu.memref_squeeze %dma_wait3A_1736 : memref<1x1x50x32xf32, #tpu.memory_space<vmem>> -> memref<50x32xf32, #tpu.memory_space<vmem>>
      %dma_wait3A_1738 = arith.constant 0 : i32
      %dma_wait3A_1739 = tpu.memref_slice %arg5[%add3A_1499, %dma_wait3A_1738] : memref<512x50xi32, #tpu.memory_space<vmem>> -> memref<1x50xi32, #tpu.memory_space<vmem>>
      %dma_wait3A_1740 = tpu.memref_squeeze %dma_wait3A_1739 : memref<1x50xi32, #tpu.memory_space<vmem>> -> memref<50xi32, #tpu.memory_space<vmem>>
      %dma_wait3A_1741 = arith.constant 0 : i32
      %dma_wait3A_1742 = arith.constant 0 : i32
      %dma_wait3A_1743 = tpu.memref_slice %arg3[%dma_wait3A_1741, %dma_wait3A_1742] : memref<4000000x32xf32, #tpu.memory_space<hbm>> -> memref<4000000x32xf32, #tpu.memory_space<hbm>>
      tpu.wait_indirect_dma semaphore(%arg7 : memref<!tpu.dma_semaphore, #tpu.memory_space<semaphore_mem>>) src(%dma_wait3A_1743 : memref<4000000x32xf32, #tpu.memory_space<hbm>>) dst(%dma_wait3A_1737 : memref<50x32xf32, #tpu.memory_space<vmem>>)
      %dma_wait3A_1744 = arith.constant 1 : i32
      %dma_wait3A_1745 = arith.constant 6 : i32
      %dma_wait3A_1746 = arith.constant 0 : i32
      %dma_wait3A_1747 = arith.constant 0 : i32
      %dma_wait3A_1748 = tpu.memref_slice %arg6[%dma_wait3A_1744, %dma_wait3A_1745, %dma_wait3A_1746, %dma_wait3A_1747] : memref<2x16x50x32xf32, #tpu.memory_space<vmem>> -> memref<1x1x50x32xf32, #tpu.memory_space<vmem>>
      %dma_wait3A_1749 = tpu.memref_squeeze %dma_wait3A_1748 : memref<1x1x50x32xf32, #tpu.memory_space<vmem>> -> memref<50x32xf32, #tpu.memory_space<vmem>>
      %dma_wait3A_1750 = arith.constant 0 : i32
      %dma_wait3A_1751 = tpu.memref_slice %arg5[%add3A_1515, %dma_wait3A_1750] : memref<512x50xi32, #tpu.memory_space<vmem>> -> memref<1x50xi32, #tpu.memory_space<vmem>>
      %dma_wait3A_1752 = tpu.memref_squeeze %dma_wait3A_1751 : memref<1x50xi32, #tpu.memory_space<vmem>> -> memref<50xi32, #tpu.memory_space<vmem>>
      %dma_wait3A_1753 = arith.constant 0 : i32
      %dma_wait3A_1754 = arith.constant 0 : i32
      %dma_wait3A_1755 = tpu.memref_slice %arg3[%dma_wait3A_1753, %dma_wait3A_1754] : memref<4000000x32xf32, #tpu.memory_space<hbm>> -> memref<4000000x32xf32, #tpu.memory_space<hbm>>
      tpu.wait_indirect_dma semaphore(%arg7 : memref<!tpu.dma_semaphore, #tpu.memory_space<semaphore_mem>>) src(%dma_wait3A_1755 : memref<4000000x32xf32, #tpu.memory_space<hbm>>) dst(%dma_wait3A_1749 : memref<50x32xf32, #tpu.memory_space<vmem>>)
      %dma_wait3A_1756 = arith.constant 1 : i32
      %dma_wait3A_1757 = arith.constant 7 : i32
      %dma_wait3A_1758 = arith.constant 0 : i32
      %dma_wait3A_1759 = arith.constant 0 : i32
      %dma_wait3A_1760 = tpu.memref_slice %arg6[%dma_wait3A_1756, %dma_wait3A_1757, %dma_wait3A_1758, %dma_wait3A_1759] : memref<2x16x50x32xf32, #tpu.memory_space<vmem>> -> memref<1x1x50x32xf32, #tpu.memory_space<vmem>>
      %dma_wait3A_1761 = tpu.memref_squeeze %dma_wait3A_1760 : memref<1x1x50x32xf32, #tpu.memory_space<vmem>> -> memref<50x32xf32, #tpu.memory_space<vmem>>
      %dma_wait3A_1762 = arith.constant 0 : i32
      %dma_wait3A_1763 = tpu.memref_slice %arg5[%add3A_1531, %dma_wait3A_1762] : memref<512x50xi32, #tpu.memory_space<vmem>> -> memref<1x50xi32, #tpu.memory_space<vmem>>
      %dma_wait3A_1764 = tpu.memref_squeeze %dma_wait3A_1763 : memref<1x50xi32, #tpu.memory_space<vmem>> -> memref<50xi32, #tpu.memory_space<vmem>>
      %dma_wait3A_1765 = arith.constant 0 : i32
      %dma_wait3A_1766 = arith.constant 0 : i32
      %dma_wait3A_1767 = tpu.memref_slice %arg3[%dma_wait3A_1765, %dma_wait3A_1766] : memref<4000000x32xf32, #tpu.memory_space<hbm>> -> memref<4000000x32xf32, #tpu.memory_space<hbm>>
      tpu.wait_indirect_dma semaphore(%arg7 : memref<!tpu.dma_semaphore, #tpu.memory_space<semaphore_mem>>) src(%dma_wait3A_1767 : memref<4000000x32xf32, #tpu.memory_space<hbm>>) dst(%dma_wait3A_1761 : memref<50x32xf32, #tpu.memory_space<vmem>>)
      %dma_wait3A_1768 = arith.constant 1 : i32
      %dma_wait3A_1769 = arith.constant 8 : i32
      %dma_wait3A_1770 = arith.constant 0 : i32
      %dma_wait3A_1771 = arith.constant 0 : i32
      %dma_wait3A_1772 = tpu.memref_slice %arg6[%dma_wait3A_1768, %dma_wait3A_1769, %dma_wait3A_1770, %dma_wait3A_1771] : memref<2x16x50x32xf32, #tpu.memory_space<vmem>> -> memref<1x1x50x32xf32, #tpu.memory_space<vmem>>
      %dma_wait3A_1773 = tpu.memref_squeeze %dma_wait3A_1772 : memref<1x1x50x32xf32, #tpu.memory_space<vmem>> -> memref<50x32xf32, #tpu.memory_space<vmem>>
      %dma_wait3A_1774 = arith.constant 0 : i32
      %dma_wait3A_1775 = tpu.memref_slice %arg5[%add3A_1547, %dma_wait3A_1774] : memref<512x50xi32, #tpu.memory_space<vmem>> -> memref<1x50xi32, #tpu.memory_space<vmem>>
      %dma_wait3A_1776 = tpu.memref_squeeze %dma_wait3A_1775 : memref<1x50xi32, #tpu.memory_space<vmem>> -> memref<50xi32, #tpu.memory_space<vmem>>
      %dma_wait3A_1777 = arith.constant 0 : i32
      %dma_wait3A_1778 = arith.constant 0 : i32
      %dma_wait3A_1779 = tpu.memref_slice %arg3[%dma_wait3A_1777, %dma_wait3A_1778] : memref<4000000x32xf32, #tpu.memory_space<hbm>> -> memref<4000000x32xf32, #tpu.memory_space<hbm>>
      tpu.wait_indirect_dma semaphore(%arg7 : memref<!tpu.dma_semaphore, #tpu.memory_space<semaphore_mem>>) src(%dma_wait3A_1779 : memref<4000000x32xf32, #tpu.memory_space<hbm>>) dst(%dma_wait3A_1773 : memref<50x32xf32, #tpu.memory_space<vmem>>)
      %dma_wait3A_1780 = arith.constant 1 : i32
      %dma_wait3A_1781 = arith.constant 9 : i32
      %dma_wait3A_1782 = arith.constant 0 : i32
      %dma_wait3A_1783 = arith.constant 0 : i32
      %dma_wait3A_1784 = tpu.memref_slice %arg6[%dma_wait3A_1780, %dma_wait3A_1781, %dma_wait3A_1782, %dma_wait3A_1783] : memref<2x16x50x32xf32, #tpu.memory_space<vmem>> -> memref<1x1x50x32xf32, #tpu.memory_space<vmem>>
      %dma_wait3A_1785 = tpu.memref_squeeze %dma_wait3A_1784 : memref<1x1x50x32xf32, #tpu.memory_space<vmem>> -> memref<50x32xf32, #tpu.memory_space<vmem>>
      %dma_wait3A_1786 = arith.constant 0 : i32
      %dma_wait3A_1787 = tpu.memref_slice %arg5[%add3A_1563, %dma_wait3A_1786] : memref<512x50xi32, #tpu.memory_space<vmem>> -> memref<1x50xi32, #tpu.memory_space<vmem>>
      %dma_wait3A_1788 = tpu.memref_squeeze %dma_wait3A_1787 : memref<1x50xi32, #tpu.memory_space<vmem>> -> memref<50xi32, #tpu.memory_space<vmem>>
      %dma_wait3A_1789 = arith.constant 0 : i32
      %dma_wait3A_1790 = arith.constant 0 : i32
      %dma_wait3A_1791 = tpu.memref_slice %arg3[%dma_wait3A_1789, %dma_wait3A_1790] : memref<4000000x32xf32, #tpu.memory_space<hbm>> -> memref<4000000x32xf32, #tpu.memory_space<hbm>>
      tpu.wait_indirect_dma semaphore(%arg7 : memref<!tpu.dma_semaphore, #tpu.memory_space<semaphore_mem>>) src(%dma_wait3A_1791 : memref<4000000x32xf32, #tpu.memory_space<hbm>>) dst(%dma_wait3A_1785 : memref<50x32xf32, #tpu.memory_space<vmem>>)
      %dma_wait3A_1792 = arith.constant 1 : i32
      %dma_wait3A_1793 = arith.constant 10 : i32
      %dma_wait3A_1794 = arith.constant 0 : i32
      %dma_wait3A_1795 = arith.constant 0 : i32
      %dma_wait3A_1796 = tpu.memref_slice %arg6[%dma_wait3A_1792, %dma_wait3A_1793, %dma_wait3A_1794, %dma_wait3A_1795] : memref<2x16x50x32xf32, #tpu.memory_space<vmem>> -> memref<1x1x50x32xf32, #tpu.memory_space<vmem>>
      %dma_wait3A_1797 = tpu.memref_squeeze %dma_wait3A_1796 : memref<1x1x50x32xf32, #tpu.memory_space<vmem>> -> memref<50x32xf32, #tpu.memory_space<vmem>>
      %dma_wait3A_1798 = arith.constant 0 : i32
      %dma_wait3A_1799 = tpu.memref_slice %arg5[%add3A_1579, %dma_wait3A_1798] : memref<512x50xi32, #tpu.memory_space<vmem>> -> memref<1x50xi32, #tpu.memory_space<vmem>>
      %dma_wait3A_1800 = tpu.memref_squeeze %dma_wait3A_1799 : memref<1x50xi32, #tpu.memory_space<vmem>> -> memref<50xi32, #tpu.memory_space<vmem>>
      %dma_wait3A_1801 = arith.constant 0 : i32
      %dma_wait3A_1802 = arith.constant 0 : i32
      %dma_wait3A_1803 = tpu.memref_slice %arg3[%dma_wait3A_1801, %dma_wait3A_1802] : memref<4000000x32xf32, #tpu.memory_space<hbm>> -> memref<4000000x32xf32, #tpu.memory_space<hbm>>
      tpu.wait_indirect_dma semaphore(%arg7 : memref<!tpu.dma_semaphore, #tpu.memory_space<semaphore_mem>>) src(%dma_wait3A_1803 : memref<4000000x32xf32, #tpu.memory_space<hbm>>) dst(%dma_wait3A_1797 : memref<50x32xf32, #tpu.memory_space<vmem>>)
      %dma_wait3A_1804 = arith.constant 1 : i32
      %dma_wait3A_1805 = arith.constant 11 : i32
      %dma_wait3A_1806 = arith.constant 0 : i32
      %dma_wait3A_1807 = arith.constant 0 : i32
      %dma_wait3A_1808 = tpu.memref_slice %arg6[%dma_wait3A_1804, %dma_wait3A_1805, %dma_wait3A_1806, %dma_wait3A_1807] : memref<2x16x50x32xf32, #tpu.memory_space<vmem>> -> memref<1x1x50x32xf32, #tpu.memory_space<vmem>>
      %dma_wait3A_1809 = tpu.memref_squeeze %dma_wait3A_1808 : memref<1x1x50x32xf32, #tpu.memory_space<vmem>> -> memref<50x32xf32, #tpu.memory_space<vmem>>
      %dma_wait3A_1810 = arith.constant 0 : i32
      %dma_wait3A_1811 = tpu.memref_slice %arg5[%add3A_1595, %dma_wait3A_1810] : memref<512x50xi32, #tpu.memory_space<vmem>> -> memref<1x50xi32, #tpu.memory_space<vmem>>
      %dma_wait3A_1812 = tpu.memref_squeeze %dma_wait3A_1811 : memref<1x50xi32, #tpu.memory_space<vmem>> -> memref<50xi32, #tpu.memory_space<vmem>>
      %dma_wait3A_1813 = arith.constant 0 : i32
      %dma_wait3A_1814 = arith.constant 0 : i32
      %dma_wait3A_1815 = tpu.memref_slice %arg3[%dma_wait3A_1813, %dma_wait3A_1814] : memref<4000000x32xf32, #tpu.memory_space<hbm>> -> memref<4000000x32xf32, #tpu.memory_space<hbm>>
      tpu.wait_indirect_dma semaphore(%arg7 : memref<!tpu.dma_semaphore, #tpu.memory_space<semaphore_mem>>) src(%dma_wait3A_1815 : memref<4000000x32xf32, #tpu.memory_space<hbm>>) dst(%dma_wait3A_1809 : memref<50x32xf32, #tpu.memory_space<vmem>>)
      %dma_wait3A_1816 = arith.constant 1 : i32
      %dma_wait3A_1817 = arith.constant 12 : i32
      %dma_wait3A_1818 = arith.constant 0 : i32
      %dma_wait3A_1819 = arith.constant 0 : i32
      %dma_wait3A_1820 = tpu.memref_slice %arg6[%dma_wait3A_1816, %dma_wait3A_1817, %dma_wait3A_1818, %dma_wait3A_1819] : memref<2x16x50x32xf32, #tpu.memory_space<vmem>> -> memref<1x1x50x32xf32, #tpu.memory_space<vmem>>
      %dma_wait3A_1821 = tpu.memref_squeeze %dma_wait3A_1820 : memref<1x1x50x32xf32, #tpu.memory_space<vmem>> -> memref<50x32xf32, #tpu.memory_space<vmem>>
      %dma_wait3A_1822 = arith.constant 0 : i32
      %dma_wait3A_1823 = tpu.memref_slice %arg5[%add3A_1611, %dma_wait3A_1822] : memref<512x50xi32, #tpu.memory_space<vmem>> -> memref<1x50xi32, #tpu.memory_space<vmem>>
      %dma_wait3A_1824 = tpu.memref_squeeze %dma_wait3A_1823 : memref<1x50xi32, #tpu.memory_space<vmem>> -> memref<50xi32, #tpu.memory_space<vmem>>
      %dma_wait3A_1825 = arith.constant 0 : i32
      %dma_wait3A_1826 = arith.constant 0 : i32
      %dma_wait3A_1827 = tpu.memref_slice %arg3[%dma_wait3A_1825, %dma_wait3A_1826] : memref<4000000x32xf32, #tpu.memory_space<hbm>> -> memref<4000000x32xf32, #tpu.memory_space<hbm>>
      tpu.wait_indirect_dma semaphore(%arg7 : memref<!tpu.dma_semaphore, #tpu.memory_space<semaphore_mem>>) src(%dma_wait3A_1827 : memref<4000000x32xf32, #tpu.memory_space<hbm>>) dst(%dma_wait3A_1821 : memref<50x32xf32, #tpu.memory_space<vmem>>)
      %dma_wait3A_1828 = arith.constant 1 : i32
      %dma_wait3A_1829 = arith.constant 13 : i32
      %dma_wait3A_1830 = arith.constant 0 : i32
      %dma_wait3A_1831 = arith.constant 0 : i32
      %dma_wait3A_1832 = tpu.memref_slice %arg6[%dma_wait3A_1828, %dma_wait3A_1829, %dma_wait3A_1830, %dma_wait3A_1831] : memref<2x16x50x32xf32, #tpu.memory_space<vmem>> -> memref<1x1x50x32xf32, #tpu.memory_space<vmem>>
      %dma_wait3A_1833 = tpu.memref_squeeze %dma_wait3A_1832 : memref<1x1x50x32xf32, #tpu.memory_space<vmem>> -> memref<50x32xf32, #tpu.memory_space<vmem>>
      %dma_wait3A_1834 = arith.constant 0 : i32
      %dma_wait3A_1835 = tpu.memref_slice %arg5[%add3A_1627, %dma_wait3A_1834] : memref<512x50xi32, #tpu.memory_space<vmem>> -> memref<1x50xi32, #tpu.memory_space<vmem>>
      %dma_wait3A_1836 = tpu.memref_squeeze %dma_wait3A_1835 : memref<1x50xi32, #tpu.memory_space<vmem>> -> memref<50xi32, #tpu.memory_space<vmem>>
      %dma_wait3A_1837 = arith.constant 0 : i32
      %dma_wait3A_1838 = arith.constant 0 : i32
      %dma_wait3A_1839 = tpu.memref_slice %arg3[%dma_wait3A_1837, %dma_wait3A_1838] : memref<4000000x32xf32, #tpu.memory_space<hbm>> -> memref<4000000x32xf32, #tpu.memory_space<hbm>>
      tpu.wait_indirect_dma semaphore(%arg7 : memref<!tpu.dma_semaphore, #tpu.memory_space<semaphore_mem>>) src(%dma_wait3A_1839 : memref<4000000x32xf32, #tpu.memory_space<hbm>>) dst(%dma_wait3A_1833 : memref<50x32xf32, #tpu.memory_space<vmem>>)
      %dma_wait3A_1840 = arith.constant 1 : i32
      %dma_wait3A_1841 = arith.constant 14 : i32
      %dma_wait3A_1842 = arith.constant 0 : i32
      %dma_wait3A_1843 = arith.constant 0 : i32
      %dma_wait3A_1844 = tpu.memref_slice %arg6[%dma_wait3A_1840, %dma_wait3A_1841, %dma_wait3A_1842, %dma_wait3A_1843] : memref<2x16x50x32xf32, #tpu.memory_space<vmem>> -> memref<1x1x50x32xf32, #tpu.memory_space<vmem>>
      %dma_wait3A_1845 = tpu.memref_squeeze %dma_wait3A_1844 : memref<1x1x50x32xf32, #tpu.memory_space<vmem>> -> memref<50x32xf32, #tpu.memory_space<vmem>>
      %dma_wait3A_1846 = arith.constant 0 : i32
      %dma_wait3A_1847 = tpu.memref_slice %arg5[%add3A_1643, %dma_wait3A_1846] : memref<512x50xi32, #tpu.memory_space<vmem>> -> memref<1x50xi32, #tpu.memory_space<vmem>>
      %dma_wait3A_1848 = tpu.memref_squeeze %dma_wait3A_1847 : memref<1x50xi32, #tpu.memory_space<vmem>> -> memref<50xi32, #tpu.memory_space<vmem>>
      %dma_wait3A_1849 = arith.constant 0 : i32
      %dma_wait3A_1850 = arith.constant 0 : i32
      %dma_wait3A_1851 = tpu.memref_slice %arg3[%dma_wait3A_1849, %dma_wait3A_1850] : memref<4000000x32xf32, #tpu.memory_space<hbm>> -> memref<4000000x32xf32, #tpu.memory_space<hbm>>
      tpu.wait_indirect_dma semaphore(%arg7 : memref<!tpu.dma_semaphore, #tpu.memory_space<semaphore_mem>>) src(%dma_wait3A_1851 : memref<4000000x32xf32, #tpu.memory_space<hbm>>) dst(%dma_wait3A_1845 : memref<50x32xf32, #tpu.memory_space<vmem>>)
      %dma_wait3A_1852 = arith.constant 1 : i32
      %dma_wait3A_1853 = arith.constant 15 : i32
      %dma_wait3A_1854 = arith.constant 0 : i32
      %dma_wait3A_1855 = arith.constant 0 : i32
      %dma_wait3A_1856 = tpu.memref_slice %arg6[%dma_wait3A_1852, %dma_wait3A_1853, %dma_wait3A_1854, %dma_wait3A_1855] : memref<2x16x50x32xf32, #tpu.memory_space<vmem>> -> memref<1x1x50x32xf32, #tpu.memory_space<vmem>>
      %dma_wait3A_1857 = tpu.memref_squeeze %dma_wait3A_1856 : memref<1x1x50x32xf32, #tpu.memory_space<vmem>> -> memref<50x32xf32, #tpu.memory_space<vmem>>
      %dma_wait3A_1858 = arith.constant 0 : i32
      %dma_wait3A_1859 = tpu.memref_slice %arg5[%add3A_1659, %dma_wait3A_1858] : memref<512x50xi32, #tpu.memory_space<vmem>> -> memref<1x50xi32, #tpu.memory_space<vmem>>
      %dma_wait3A_1860 = tpu.memref_squeeze %dma_wait3A_1859 : memref<1x50xi32, #tpu.memory_space<vmem>> -> memref<50xi32, #tpu.memory_space<vmem>>
      %dma_wait3A_1861 = arith.constant 0 : i32
      %dma_wait3A_1862 = arith.constant 0 : i32
      %dma_wait3A_1863 = tpu.memref_slice %arg3[%dma_wait3A_1861, %dma_wait3A_1862] : memref<4000000x32xf32, #tpu.memory_space<hbm>> -> memref<4000000x32xf32, #tpu.memory_space<hbm>>
      tpu.wait_indirect_dma semaphore(%arg7 : memref<!tpu.dma_semaphore, #tpu.memory_space<semaphore_mem>>) src(%dma_wait3A_1863 : memref<4000000x32xf32, #tpu.memory_space<hbm>>) dst(%dma_wait3A_1857 : memref<50x32xf32, #tpu.memory_space<vmem>>)
      %mul3A_1864 = arith.constant 16 : i32
      %mul3A_1865 = arith.muli %add3A_1415, %mul3A_1864 : i32
      %add3A_1866 = arith.addi %mul3A_2, %mul3A_1865 : i32
      %dma_start3A_1867 = arith.constant 1 : i32
      %dma_start3A_1868 = arith.constant 0 : i32
      %dma_start3A_1869 = arith.constant 0 : i32
      %dma_start3A_1870 = arith.constant 0 : i32
      %dma_start3A_1871 = tpu.memref_slice %arg6[%dma_start3A_1867, %dma_start3A_1868, %dma_start3A_1869, %dma_start3A_1870] : memref<2x16x50x32xf32, #tpu.memory_space<vmem>> -> memref<1x16x50x32xf32, #tpu.memory_space<vmem>>
      %dma_start3A_1872 = tpu.memref_squeeze %dma_start3A_1871 : memref<1x16x50x32xf32, #tpu.memory_space<vmem>> -> memref<16x50x32xf32, #tpu.memory_space<vmem>>
      %dma_start3A_1873 = arith.constant 0 : i32
      %dma_start3A_1874 = arith.constant 0 : i32
      %dma_start3A_1875 = tpu.memref_slice %arg4[%add3A_1866, %dma_start3A_1873, %dma_start3A_1874] : memref<16384x50x32xf32, #tpu.memory_space<hbm>> -> memref<16x50x32xf32, #tpu.memory_space<hbm>>
      %dma_start3A_1876 = arith.constant 0 : i32
      %dma_start3A_1877 = arith.constant 0 : i32
      %dma_start3A_1878 = tpu.memref_slice %arg4[%add3A_1866, %dma_start3A_1876, %dma_start3A_1877] : memref<16384x50x32xf32, #tpu.memory_space<hbm>> -> memref<16x50x32xf32, #tpu.memory_space<hbm>>
      %dma_start3A_1879 = arith.constant 0 : i32
      %dma_start3A_1880 = arith.constant 0 : i32
      %dma_start3A_1881 = arith.constant 0 : i32
      %dma_start3A_1882 = tpu.memref_slice %arg6[%dma_start3A_1867, %dma_start3A_1879, %dma_start3A_1880, %dma_start3A_1881] : memref<2x16x50x32xf32, #tpu.memory_space<vmem>> -> memref<1x16x50x32xf32, #tpu.memory_space<vmem>>
      %dma_start3A_1883 = tpu.memref_squeeze %dma_start3A_1882 : memref<1x16x50x32xf32, #tpu.memory_space<vmem>> -> memref<16x50x32xf32, #tpu.memory_space<vmem>>
      tpu.enqueue_dma source(%dma_start3A_1883 : memref<16x50x32xf32, #tpu.memory_space<vmem>>) target(%dma_start3A_1878 : memref<16x50x32xf32, #tpu.memory_space<hbm>>) target_semaphore(%arg9 : memref<!tpu.dma_semaphore, #tpu.memory_space<semaphore_mem>>)
      %sub3A_1884 = arith.constant 1 : i32
      %sub3A_1885 = arith.subi %add3A_1415, %sub3A_1884 : i32
      %mul3A_1886 = arith.constant 16 : i32
      %mul3A_1887 = arith.muli %sub3A_1885, %mul3A_1886 : i32
      %add3A_1888 = arith.addi %mul3A_2, %mul3A_1887 : i32
      %dma_wait3A_1889 = arith.constant 0 : i32
      %dma_wait3A_1890 = arith.constant 0 : i32
      %dma_wait3A_1891 = arith.constant 0 : i32
      %dma_wait3A_1892 = arith.constant 0 : i32
      %dma_wait3A_1893 = tpu.memref_slice %arg6[%dma_wait3A_1889, %dma_wait3A_1890, %dma_wait3A_1891, %dma_wait3A_1892] : memref<2x16x50x32xf32, #tpu.memory_space<vmem>> -> memref<1x16x50x32xf32, #tpu.memory_space<vmem>>
      %dma_wait3A_1894 = tpu.memref_squeeze %dma_wait3A_1893 : memref<1x16x50x32xf32, #tpu.memory_space<vmem>> -> memref<16x50x32xf32, #tpu.memory_space<vmem>>
      %dma_wait3A_1895 = arith.constant 0 : i32
      %dma_wait3A_1896 = arith.constant 0 : i32
      %dma_wait3A_1897 = tpu.memref_slice %arg4[%add3A_1888, %dma_wait3A_1895, %dma_wait3A_1896] : memref<16384x50x32xf32, #tpu.memory_space<hbm>> -> memref<16x50x32xf32, #tpu.memory_space<hbm>>
      %dma_wait3A_1898 = arith.constant 0 : i32
      %dma_wait3A_1899 = arith.constant 0 : i32
      %dma_wait3A_1900 = tpu.memref_slice %arg4[%add3A_1888, %dma_wait3A_1898, %dma_wait3A_1899] : memref<16384x50x32xf32, #tpu.memory_space<hbm>> -> memref<16x50x32xf32, #tpu.memory_space<hbm>>
      %dma_wait3A_1901 = arith.constant 0 : i32
      %dma_wait3A_1902 = arith.constant 0 : i32
      %dma_wait3A_1903 = arith.constant 0 : i32
      %dma_wait3A_1904 = tpu.memref_slice %arg6[%dma_wait3A_1889, %dma_wait3A_1901, %dma_wait3A_1902, %dma_wait3A_1903] : memref<2x16x50x32xf32, #tpu.memory_space<vmem>> -> memref<1x16x50x32xf32, #tpu.memory_space<vmem>>
      %dma_wait3A_1905 = tpu.memref_squeeze %dma_wait3A_1904 : memref<1x16x50x32xf32, #tpu.memory_space<vmem>> -> memref<16x50x32xf32, #tpu.memory_space<vmem>>
      tpu.wait_dma2 semaphore(%arg8 : memref<!tpu.dma_semaphore, #tpu.memory_space<semaphore_mem>>) src(%dma_wait3A_1905 : memref<16x50x32xf32, #tpu.memory_space<vmem>>) dst(%dma_wait3A_1900 : memref<16x50x32xf32, #tpu.memory_space<hbm>>)
    }
    %scan3A_894 = arith.constant 15 : i32
    %add3A_895 = arith.constant 496 : i32
    %add3A_896 = arith.addi %mul3A_2, %add3A_895 : i32
    %dma_wait3A_897 = arith.constant 1 : i32
    %dma_wait3A_898 = arith.constant 0 : i32
    %dma_wait3A_899 = arith.constant 0 : i32
    %dma_wait3A_900 = arith.constant 0 : i32
    %dma_wait3A_901 = tpu.memref_slice %arg6[%dma_wait3A_897, %dma_wait3A_898, %dma_wait3A_899, %dma_wait3A_900] : memref<2x16x50x32xf32, #tpu.memory_space<vmem>> -> memref<1x16x50x32xf32, #tpu.memory_space<vmem>>
    %dma_wait3A_902 = tpu.memref_squeeze %dma_wait3A_901 : memref<1x16x50x32xf32, #tpu.memory_space<vmem>> -> memref<16x50x32xf32, #tpu.memory_space<vmem>>
    %dma_wait3A_903 = arith.constant 0 : i32
    %dma_wait3A_904 = arith.constant 0 : i32
    %dma_wait3A_905 = tpu.memref_slice %arg4[%add3A_896, %dma_wait3A_903, %dma_wait3A_904] : memref<16384x50x32xf32, #tpu.memory_space<hbm>> -> memref<16x50x32xf32, #tpu.memory_space<hbm>>
    %dma_wait3A_906 = arith.constant 0 : i32
    %dma_wait3A_907 = arith.constant 0 : i32
    %dma_wait3A_908 = tpu.memref_slice %arg4[%add3A_896, %dma_wait3A_906, %dma_wait3A_907] : memref<16384x50x32xf32, #tpu.memory_space<hbm>> -> memref<16x50x32xf32, #tpu.memory_space<hbm>>
    %dma_wait3A_909 = arith.constant 0 : i32
    %dma_wait3A_910 = arith.constant 0 : i32
    %dma_wait3A_911 = arith.constant 0 : i32
    %dma_wait3A_912 = tpu.memref_slice %arg6[%dma_wait3A_897, %dma_wait3A_909, %dma_wait3A_910, %dma_wait3A_911] : memref<2x16x50x32xf32, #tpu.memory_space<vmem>> -> memref<1x16x50x32xf32, #tpu.memory_space<vmem>>
    %dma_wait3A_913 = tpu.memref_squeeze %dma_wait3A_912 : memref<1x16x50x32xf32, #tpu.memory_space<vmem>> -> memref<16x50x32xf32, #tpu.memory_space<vmem>>
    tpu.wait_dma2 semaphore(%arg9 : memref<!tpu.dma_semaphore, #tpu.memory_space<semaphore_mem>>) src(%dma_wait3A_913 : memref<16x50x32xf32, #tpu.memory_space<vmem>>) dst(%dma_wait3A_908 : memref<16x50x32xf32, #tpu.memory_space<hbm>>)
    return
  }
}

</mosaic_0001>

<sc_bundles>
// kernel: kernel.3.cloned.1.call-start
scs
__scs_entry_jumppad:
0x0: {  	(pc) =	sbr.rel $0x88, $3  }
0x1: {  	(tag) =	ssettag $0x0;
	lr =	simm.s32 $0x1  }
0x2: {  	[smem:$0x3F9F] =	sst lr;
	_ =	strace $0xD0000000  }
0x3: {  	_ = 	snop  }
0x4: {  	_ = 	snop  }
0x5: {  	_ = 	snop  }
0x6: {  	_ = 	snop  }
0x7: {  	_ = 	snop  }
__scs_overlays_trampoline_lowered:
0x8: {  	[smem:$0x3FAE] =	sst s0  }
0x9: {  	[smem:$0x3FAF] =	sst s1  }
0xa: {  	[smem:$0x3FB0] =	sst s2  }
0xb: {  	[smem:$0x3FB1] =	sst s3  }
0xc: {  	[smem:$0x3FB2] =	sst s4  }
0xd: {  	[smem:$0x3FB3] =	sst s5  }
0xe: {  	[smem:$0x3FB4] =	sst s6  }
0xf: {  	[smem:$0x3FB5] =	sst s7  }
0x10: {  	[smem:$0x3FB6] =	sst s8  }
0x11: {  	[smem:$0x3FB7] =	sst s9;
	s0 =	simm.s32 @!p0 $0x0  }
0x12: {  	s1 =	sld [smem:$0x3F9D];
	s0 =	simm.s32 @p0 $0x1  }
0x13: {  	[smem:$0x3FB8] =	sst s0;
	s0 =	simm.s32 @!p1 $0x0  }
0x14: {  	s2 =	sld [smem:$0x3F9C];
	s0 =	simm.s32 @p1 $0x1  }
0x15: {  	[smem:$0x3FB9] =	sst s0;
	s0 =	simm.s32 @!p2 $0x0  }
0x16: {  	s3 =	sld [smem:$0x3FDB];
	s0 =	simm.s32 @p2 $0x1  }
0x17: {  	s4 =	simm.s32 $0x1BF5;
	[smem:$0x3FBB] =	sst s0  }
0x18: {  	s0 =	sld [smem:$0x3F9E];
	_ =	swait.ge [sflag:s4], $0x0  }
0x19: {  	s7 =	sld [smem:$0x3F9F]  }
0x1a: {  	s8 =	sadd.s32 $0xFFFFE003, lr  }
0x1b: {  	s9 =	sadd.s32 $0xFFFFFEF7, lr;
	s5 =	simm.s32 $0xFFFFFFFF;
	p2 =	slt.u32 s8, $0xFFFFF086  }
0x1c: {  	p1 =	slt.u32 s9, $0xF7A;
	s5 =	simm.s32 @!p2 $0x0  }
0x1d: {  	s5 =	simm.s32 @p1 $0x1;
	p0 =	seq.s32 s7, s2  }
0x1e: {  	s7 =	smul.u32 @!p0 $0xF7A, s2;
	p2 =	seq.s32 @!p0 s5, $0x0  }
0x1f: {  	s9 =	smul.u32 $0xF7A, s1;
	s8 =	simm.s32 @!p0 $0x1BF5;
	p2 =	por !p2, p0  }
0x20: {  	[sflag:s8] =	ssyncset.s32 @!p0 $0xFFFFF086;
	s6 =	sadd.s32 @!p0 s3, s7;
	s7 =	simm.s32 @!p0 $0x108  }
0x21: {  	s3 =	sadd.s32 s3, s9;
	s6 =	sadd.s32 @!p0 $0x88, s6;
	s7 =	simm.s32 @p2 $0x1082  }
0x22: {  	[simem:s7], [sflag:s8] =	dma.local @!p0 [hbm:s6], $0xF7A  }
0x23: {  	s9 =	sor.u32 $0xD0000000, s2;
	s6 =	simm.s32 $0x108;
	_ =	swait.ge @!p0 [sflag:s8], $0x0  }
0x24: {  	s3 =	sadd.s32 $0x88, s3;
	s6 =	simm.s32 @!p1 $0x1082;
	[sflag:s4] =	ssyncset.s32 $0xFFFFF086  }
0x25: {  	[simem:s6], [sflag:s4] =	dma.local [hbm:s3], $0xF7A  }
0x26: {  	[smem:$0x3F9F] =	sst s1;
	(tag) =	ssettag s2;
	_ =	strace s9  }
0x27: {  	s1 =	sld [smem:$0x3FAF]  }
0x28: {  	s2 =	sld [smem:$0x3FB0]  }
0x29: {  	s4 =	sld [smem:$0x3FB2]  }
0x2a: {  	p0 =	seq.s32 s5, $0x0;
	s5 =	sld [smem:$0x3FB3]  }
0x2b: {  	s6 =	sld [smem:$0x3FB4]  }
0x2c: {  	s7 =	sld [smem:$0x3FB5]  }
0x2d: {  	s3 =	simm.s32 $0x108;
	s8 =	sld [smem:$0x3FB6]  }
0x2e: {  	s3 =	simm.s32 @!p0 $0x1082;
	s9 =	sld [smem:$0x3FB7]  }
0x2f: {  	lr =	sadd.s32 s0, s3;
	s0 =	sld [smem:$0x3FAE]  }
0x30: {  	s3 =	sld [smem:$0x3FB1]  }
0x31: {  	[smem:$0x3FBA] =	sst s10  }
0x32: {  	s10 =	sld [smem:$0x3FB8];
	_ =	sdelay $0x3  }
0x33: {  	p0 =	seq.s32 s10, $0x1;
	s10 =	sld [smem:$0x3FBA];
	_ =	sdelay $0x3  }
0x34: {  	[smem:$0x3FBA] =	sst s10  }
0x35: {  	s10 =	sld [smem:$0x3FB9];
	_ =	sdelay $0x3  }
0x36: {  	p1 =	seq.s32 s10, $0x1;
	s10 =	sld [smem:$0x3FBA];
	_ =	sdelay $0x3  }
0x37: {  	[smem:$0x3FBA] =	sst s10  }
0x38: {  	s10 =	sld [smem:$0x3FBB]  }
0x39: {  	_ = 	snop;
	(pc) =	sbr.ind lr, $3  }
0x3a: {  	_ = 	snop  }
0x3b: {  	_ = 	snop  }
0x3c: {  	p2 =	seq.s32 s10, $0x1;
	s10 =	sld [smem:$0x3FBA]  }
0x3d: {  	_ =	shalt  }
0x3e: {  	_ =	shalt  }
0x3f: {  	_ =	shalt  }
0x40: {  	_ =	shalt  }
0x41: {  	_ =	shalt  }
0x42: {  	_ =	shalt  }
0x43: {  	_ =	shalt  }
0x44: {  	_ =	shalt  }
0x45: {  	_ =	shalt  }
0x46: {  	_ =	shalt  }
0x47: {  	_ =	shalt  }
0x48: {  	_ =	shalt  }
0x49: {  	_ =	shalt  }
0x4a: {  	_ =	shalt  }
0x4b: {  	_ =	shalt  }
0x4c: {  	_ =	shalt  }
0x4d: {  	_ =	shalt  }
0x4e: {  	_ =	shalt  }
0x4f: {  	_ =	shalt  }
0x50: {  	_ =	shalt  }
0x51: {  	_ =	shalt  }
0x52: {  	_ =	shalt  }
0x53: {  	_ =	shalt  }
0x54: {  	_ =	shalt  }
0x55: {  	_ =	shalt  }
0x56: {  	_ =	shalt  }
0x57: {  	_ =	shalt  }
0x58: {  	_ =	shalt  }
0x59: {  	_ =	shalt  }
0x5a: {  	_ =	shalt  }
0x5b: {  	_ =	shalt  }
0x5c: {  	_ =	shalt  }
0x5d: {  	_ =	shalt  }
0x5e: {  	_ =	shalt  }
0x5f: {  	_ =	shalt  }
0x60: {  	_ =	shalt  }
0x61: {  	_ =	shalt  }
0x62: {  	_ =	shalt  }
0x63: {  	_ =	shalt  }
0x64: {  	_ =	shalt  }
0x65: {  	_ =	shalt  }
0x66: {  	_ =	shalt  }
0x67: {  	_ =	shalt  }
0x68: {  	_ =	shalt  }
0x69: {  	_ =	shalt  }
0x6a: {  	_ =	shalt  }
0x6b: {  	_ =	shalt  }
0x6c: {  	_ =	shalt  }
0x6d: {  	_ =	shalt  }
0x6e: {  	_ =	shalt  }
0x6f: {  	_ =	shalt  }
0x70: {  	_ =	shalt  }
0x71: {  	_ =	shalt  }
0x72: {  	_ =	shalt  }
0x73: {  	_ =	shalt  }
0x74: {  	_ =	shalt  }
0x75: {  	_ =	shalt  }
0x76: {  	_ =	shalt  }
0x77: {  	_ =	shalt  }
0x78: {  	_ =	shalt  }
0x79: {  	_ =	shalt  }
0x7a: {  	_ =	shalt  }
0x7b: {  	_ =	shalt  }
0x7c: {  	_ =	shalt  }
0x7d: {  	_ =	shalt  }
0x7e: {  	_ =	shalt  }
0x7f: {  	_ =	shalt  }
0x80: {  	_ =	shalt  }
0x81: {  	_ =	shalt  }
0x82: {  	_ =	shalt  }
0x83: {  	_ =	shalt  }
0x84: {  	_ =	shalt  }
0x85: {  	_ =	shalt  }
0x86: {  	_ =	shalt  }
0x87: {  	_ =	shalt  }
.Lfunc_end0:
.L_simem_size_0:
called_computation.2_lowered:
.L_overlay_start_0:
0x88: {  	s2 =	sld [smem:$0x3FD9]  }
0x89: {  	s3 =	sld [smem:$0x3FFE];
	_ =	sdelay $0x1  }
0x8a: {  	s1 =	srdreg.scid  }
0x8b: {  	s0 =	sand.u32 $0x1, s1  }
0x8c: {  	s17 =	sshll.u32 s0, $0xA;
	s2 =	sadd.s32 s3, s2  }
0x8d: {  	s2 =	sadd.s32 s2, s17  }
0x8e: {  	[smem:$0x3FC6] =	sst s2  }
0x8f: {  	_ = 	snop  }
0x90: {  	s2 =	sld [smem:$0x3FD0];
	(tm) =	ssettm $0x1  }
0x91: {  	s18 =	sld [smem:$0x3FFB];
	_ =	sdelay $0x3  }
0x92: {  	_ =	strace s18  }
0x93: {  	s3 =	sld [smem:$0x3FFC];
	_ =	sdelay $0x3  }
0x94: {  	_ =	strace s3  }
0x95: {  	s3 =	sld [smem:$0x3FFD];
	_ =	sdelay $0x3  }
0x96: {  	_ =	strace s3  }
0x97: {  	_ =	strace $0x8FFFFFFF  }
0x98: {  	s19 =	sld [smem:$0x3FDB];
	_ =	sdelay $0x1  }
0x99: {  	s4 =	simm.s32 $_scs_section_size  }
0x9a: {  	s5 =	simm.s32 $_size__tile_overlayer_lowered;
	s6 =	simm.s32 $_tile_overlayer_lowered  }
0x9b: {  	s22 =	simm.s32 $0x1BFF;
	s21 =	sshll.u32 s6, $0x1;
	s3 =	sadd.s32 s4, s19  }
0x9c: {  	s7 =	simm.s32 $0x0;
	s20 =	sshll.u32 s5, $0x1;
	s5 =	sadd.s32 s21, s3  }
0x9d: {  	[timem:s7], [sflag:s22] =	dma.local [hbm:s5], s20  }
0x9e: {  	_ =	swait.ge [sflag:s22], s20  }
0x9f: {  	s4 =	ssub.s32 $0x0, s20;
	[sflag:s22] =	ssyncset.done $0x0  }
0xa0: {  	[sflag:s22] =	ssyncadd.s32 s4;
	_ =	sdelay $0x1  }
0xa1: {  	s23 =	simm.s32 $0x1B8B  }
0xa2: {  	_ =	swait.ge [sflag:s23], $0x1  }
0xa3: {  	[sflag:s23] =	ssyncset.done $0x0  }
0xa4: {  	s25 =	simm.s32 $0x1B8E;
	s24 =	sld [smem:$0x3FFE];
	[sflag:s23] =	ssyncadd.s32 $0xFFFFFFFF  }
0xa5: {  	s26 =	simm.s32 $execute0_lowered;
	[smem:$0x3FD2] =	sst s25  }
0xa6: {  	s5 =	sshll.u32 s26, $0x1;
	_ =	strace $0x80000049;
	[dreg:$0x1] =	wrdreg $0xFFFFFFFF  }
0xa7: {  	s28 =	simm.s32 $_size_execute0_lowered;
	s3 =	sadd.s32 s3, s5;
	[dreg:$0x0] =	wrdreg $0x0  }
0xa8: {  	s5 =	sshll.u32 s28, $0x1;
	[dreg:$0x2] =	wrdreg s3  }
0xa9: {  	[dreg:$0x3] =	wrdreg s5  }
0xaa: {  	[dreg:$0x4] =	wrdreg $0xC0  }
0xab: {  	_ =	task [dreg:s7], $0x5FFFF  }
0xac: {  	[dreg:$0x1] =	wrdreg $0xFFFFFFFF  }
0xad: {  	[dreg:$0x0] =	wrdreg $0x60  }
0xae: {  	[dreg:$0x2] =	wrdreg s24  }
0xaf: {  	[dreg:$0x3] =	wrdreg s2  }
0xb0: {  	[dreg:$0x4] =	wrdreg $0x9  }
0xb1: {  	_ =	task.clear_ibuf [dreg:s7], $0x5FFFF;
	_ =	strace $0x90000049  }
0xb2: {  	s29 =	simm.s32 $0x9;
	_ =	strace $0x8000004B  }
0xb3: {  	_ =	swait.ge [sflag:s29], $0x1  }
0xb4: {  	[sflag:s29] =	ssyncadd.s32 $0xFFFFFFFF  }
0xb5: {  	_ =	strace $0x9000004B  }
0xb6: {  	_ =	sfence  }
0xb7: {  	s30 =	sld [smem:$0x0];
	_ =	sdelay $0x2  }
0xb8: {  	s31 =	sshll.u32 s1, $0xD;
	s1 =	sshrl.u32 s1, $0x2  }
0xb9: {  	s3 =	sand.u32 $0x4000, s31;
	s1 =	sadd.s32 s1, s30  }
0xba: {  	s0 =	sor.u32 s3, s0;
	s1 =	sshll.u32 s1, $0x11  }
0xbb: {  	s0 =	sor.u32 s1, s0  }
0xbc: {  	s0 =	sadd.s32 $0x8F2B, s0  }
0xbd: {  	[sflag:s0] =	ssyncadd.remote.s32 $0x1  }
0xbe: {  	_ =	sfence.sel $0xFFFF  }
0xbf: {  	[dreg:$0x0] =	wrdreg $0xFFFFFFFF;
	(pc) =	sbr.abs _section_cstart, $3  }
0xc0: {  	[dreg:$0x1] =	wrdreg $0xFFFFFFFF  }
0xc1: {  	_ =	task.clear_ibuf [dreg:s7], $0x2FFFF;
	_ =	strace $0x9FFFFFFF  }
0xc2: {  	(tm) =	ssettm $0x7FFFFFFF  }
0xc3: {  	_ =	shalt  }
tec
execute0_lowered:
.L_overlay_start_1:
0x0: {  	(tag) =	ssettag $0x1  }
0x1: {  	s0 =	srdreg.scid;
	s1 =	rddreg [dreg:$0x0]  }
0x2: {  	s8 =	stileid.u32;
	s4 =	rddreg [dreg:$0x1];
	s10 =	simm.s32 $0x32  }
0x3: {  	s11 =	simm.s32 $0x7000;
	s31 =	simm.s32 $0x1;
	s14 =	simm.s32 $0xD400  }
0x4: {  	s23 =	simm.s32 $0x2;
	s25 =	simm.s32 $0x3;
	s24 =	simm.s32 $0x7640  }
0x5: {  	s29 =	simm.s32 $0x7C80;
	s0 =	sand.u32 $0x1, s0;
	s2 =	sshll.u32 s8, $0xA  }
0x6: {  	s8 =	smul.u32 $0x32000, s8;
	s3 =	sshll.u32 s0, $0x9;
	s7 =	ssub.s32 $0x2, s0  }
0x7: {  	s0 =	smul.u32 $0x19000, s0;
	s3 =	sor.u32 s3, s2;
	s2 =	simm.s32 $0x0  }
0x8: {  	s9 =	sshrl.u32 s7, $0x1;
	s30 =	sadd.s32 s8, s4;
	s5 =	smul.u32 $0x7, s3  }
0x9: {  	[smem:$0x7FF] =	sst s2;
	s6 =	smul.u32 $0xC8, s3;
	s0 =	sadd.s32 s0, s30  }
0xa: {  	s3 =	sadd.s32 $0xF5F200, s1;
	s28 =	ssub.s32 s7, s9;
	s0 =	sadd.s32 $0x2580, s0  }
0xb: {  	_ =	strace $0x8000004A;
	s4 =	sadd.s32 s4, s6;
	[dreg:$0x7] =	wrdreg s0  }
0xc: {  	s5 =	sadd.s32 s5, s1;
	s1 =	smax.u32 s28, $0x1;
	[dreg:$0x4] =	wrdreg s4  }
0xd: {  	s22 =	simm.s32 $0x82C0;
	s5 =	sadd.s32 $0xF43200, s5;
	[dreg:$0x6] =	wrdreg s1  }
0xe: {  	s26 =	simm.s32 $0x8F40;
	s4 =	sadd.s32 $0xC80, s4;
	[dreg:$0x3] =	wrdreg s5  }
0xf: {  	s18 =	simm.s32 $0x9580;
	s0 =	simm.s32 $0x0;
	[dreg:$0x5] =	wrdreg s4  }
.LBB2_1:
0x10: {  	[dreg:$0x8] =	wrdreg s0  }
0x11: {  	s1 =	rddreg [dreg:$0x3];
	s6 =	simm.s32 $0x4  }
0x12: {  	[tilespmem:s2], [sflag:$0x4] =	stream.linear.gather [hbm4b:s1+s2], $0x7000, $0x38;
	[tilespmem:$0x13800] =	vst v63  }
0x13: {  	_ =	swait.ge [sflag:s6], $0x7000  }
0x14: {  	[sflag:s6] =	ssyncset.done $0x0  }
0x15: {  	[sflag:s6] =	ssyncadd.s32 $0xFFFF9000  }
0x16: {  	[tilespmem:s11], [sflag:$0x1] =	stream.indirect.gather [hbm4b:s3+s10], $0x20, s2, s10, $0xb8;
	[tilespmem:$0x13800] =	vst v63  }
0x17: {  	s7 =	simm.s32 $0x38;
	s12 =	simm.s32 $0x7640  }
0x18: {  	[tilespmem:s12], [sflag:$0x1] =	stream.indirect.gather [hbm4b:s3+s10], $0x20, s7, s10, $0xb8;
	[tilespmem:$0x13800] =	vst v63  }
0x19: {  	s8 =	simm.s32 $0x70;
	s16 =	simm.s32 $0x7C80  }
0x1a: {  	[tilespmem:s16], [sflag:$0x1] =	stream.indirect.gather [hbm4b:s3+s10], $0x20, s8, s10, $0xb8;
	[tilespmem:$0x13800] =	vst v63  }
0x1b: {  	s9 =	simm.s32 $0xA8;
	s20 =	simm.s32 $0x82C0  }
0x1c: {  	[tilespmem:s20], [sflag:$0x1] =	stream.indirect.gather [hbm4b:s3+s10], $0x20, s9, s10, $0xb8;
	[tilespmem:$0x13800] =	vst v63  }
0x1d: {  	s13 =	simm.s32 $0xE0;
	s28 =	simm.s32 $0x8900  }
0x1e: {  	[tilespmem:s28], [sflag:$0x1] =	stream.indirect.gather [hbm4b:s3+s10], $0x20, s13, s10, $0xb8;
	[tilespmem:$0x13800] =	vst v63  }
0x1f: {  	s15 =	simm.s32 $0x118;
	s30 =	simm.s32 $0x8F40  }
0x20: {  	[tilespmem:s30], [sflag:$0x1] =	stream.indirect.gather [hbm4b:s3+s10], $0x20, s15, s10, $0xb8;
	[tilespmem:$0x13800] =	vst v63  }
0x21: {  	s17 =	simm.s32 $0x150;
	s4 =	simm.s32 $0x9580  }
0x22: {  	[tilespmem:s4], [sflag:$0x1] =	stream.indirect.gather [hbm4b:s3+s10], $0x20, s17, s10, $0xb8;
	[tilespmem:$0x13800] =	vst v63  }
0x23: {  	s19 =	simm.s32 $0x188;
	s6 =	simm.s32 $0x9BC0  }
0x24: {  	[tilespmem:s6], [sflag:$0x1] =	stream.indirect.gather [hbm4b:s3+s10], $0x20, s19, s10, $0xb8;
	[tilespmem:$0x13800] =	vst v63  }
0x25: {  	s21 =	simm.s32 $0x1C0;
	s7 =	simm.s32 $0xA200  }
0x26: {  	[tilespmem:s7], [sflag:$0x1] =	stream.indirect.gather [hbm4b:s3+s10], $0x20, s21, s10, $0xb8;
	[tilespmem:$0x13800] =	vst v63  }
0x27: {  	s5 =	simm.s32 $0xA840;
	s1 =	simm.s32 $0x1F8  }
0x28: {  	[tilespmem:s5], [sflag:$0x1] =	stream.indirect.gather [hbm4b:s3+s10], $0x20, s1, s10, $0xb8;
	[tilespmem:$0x13800] =	vst v63  }
0x29: {  	s8 =	simm.s32 $0x230;
	s9 =	simm.s32 $0xAE80  }
0x2a: {  	[tilespmem:s9], [sflag:$0x1] =	stream.indirect.gather [hbm4b:s3+s10], $0x20, s8, s10, $0xb8;
	[tilespmem:$0x13800] =	vst v63  }
0x2b: {  	s13 =	simm.s32 $0x268;
	s8 =	simm.s32 $0xB4C0  }
0x2c: {  	[tilespmem:s8], [sflag:$0x1] =	stream.indirect.gather [hbm4b:s3+s10], $0x20, s13, s10, $0xb8;
	[tilespmem:$0x13800] =	vst v63  }
0x2d: {  	s15 =	simm.s32 $0x2A0;
	s13 =	simm.s32 $0xBB00  }
0x2e: {  	[tilespmem:s13], [sflag:$0x1] =	stream.indirect.gather [hbm4b:s3+s10], $0x20, s15, s10, $0xb8;
	[tilespmem:$0x13800] =	vst v63  }
0x2f: {  	s17 =	simm.s32 $0x2D8;
	s15 =	simm.s32 $0xC140  }
0x30: {  	[tilespmem:s15], [sflag:$0x1] =	stream.indirect.gather [hbm4b:s3+s10], $0x20, s17, s10, $0xb8;
	[tilespmem:$0x13800] =	vst v63  }
0x31: {  	s19 =	simm.s32 $0x310;
	s17 =	simm.s32 $0xC780  }
0x32: {  	[tilespmem:s17], [sflag:$0x1] =	stream.indirect.gather [hbm4b:s3+s10], $0x20, s19, s10, $0xb8;
	[tilespmem:$0x13800] =	vst v63  }
0x33: {  	s21 =	simm.s32 $0x348;
	s19 =	simm.s32 $0xCDC0  }
0x34: {  	[tilespmem:s19], [sflag:$0x1] =	stream.indirect.gather [hbm4b:s3+s10], $0x20, s21, s10, $0xb8;
	[tilespmem:$0x13800] =	vst v63  }
0x35: {  	_ =	swait.ge [sflag:s31], $0x640  }
0x36: {  	[sflag:s31] =	ssyncset.done $0x0  }
0x37: {  	[sflag:s31] =	ssyncadd.s32 $0xFFFFF9C0  }
0x38: {  	_ =	swait.ge [sflag:s31], $0x640  }
0x39: {  	[sflag:s31] =	ssyncset.done $0x0  }
0x3a: {  	[sflag:s31] =	ssyncadd.s32 $0xFFFFF9C0  }
0x3b: {  	_ =	swait.ge [sflag:s31], $0x640  }
0x3c: {  	[sflag:s31] =	ssyncset.done $0x0  }
0x3d: {  	[sflag:s31] =	ssyncadd.s32 $0xFFFFF9C0  }
0x3e: {  	_ =	swait.ge [sflag:s31], $0x640  }
0x3f: {  	[sflag:s31] =	ssyncset.done $0x0  }
0x40: {  	[sflag:s31] =	ssyncadd.s32 $0xFFFFF9C0  }
0x41: {  	_ =	swait.ge [sflag:s31], $0x640  }
0x42: {  	[sflag:s31] =	ssyncset.done $0x0  }
0x43: {  	[sflag:s31] =	ssyncadd.s32 $0xFFFFF9C0  }
0x44: {  	_ =	swait.ge [sflag:s31], $0x640  }
0x45: {  	[sflag:s31] =	ssyncset.done $0x0  }
0x46: {  	[sflag:s31] =	ssyncadd.s32 $0xFFFFF9C0  }
0x47: {  	_ =	swait.ge [sflag:s31], $0x640  }
0x48: {  	[sflag:s31] =	ssyncset.done $0x0  }
0x49: {  	[sflag:s31] =	ssyncadd.s32 $0xFFFFF9C0  }
0x4a: {  	_ =	swait.ge [sflag:s31], $0x640  }
0x4b: {  	[sflag:s31] =	ssyncset.done $0x0  }
0x4c: {  	[sflag:s31] =	ssyncadd.s32 $0xFFFFF9C0  }
0x4d: {  	_ =	swait.ge [sflag:s31], $0x640  }
0x4e: {  	[sflag:s31] =	ssyncset.done $0x0  }
0x4f: {  	[sflag:s31] =	ssyncadd.s32 $0xFFFFF9C0  }
0x50: {  	_ =	swait.ge [sflag:s31], $0x640  }
0x51: {  	[sflag:s31] =	ssyncset.done $0x0  }
0x52: {  	[sflag:s31] =	ssyncadd.s32 $0xFFFFF9C0  }
0x53: {  	_ =	swait.ge [sflag:s31], $0x640  }
0x54: {  	[sflag:s31] =	ssyncset.done $0x0  }
0x55: {  	[sflag:s31] =	ssyncadd.s32 $0xFFFFF9C0  }
0x56: {  	_ =	swait.ge [sflag:s31], $0x640  }
0x57: {  	[sflag:s31] =	ssyncset.done $0x0  }
0x58: {  	[sflag:s31] =	ssyncadd.s32 $0xFFFFF9C0  }
0x59: {  	_ =	swait.ge [sflag:s31], $0x640  }
0x5a: {  	[sflag:s31] =	ssyncset.done $0x0  }
0x5b: {  	[sflag:s31] =	ssyncadd.s32 $0xFFFFF9C0  }
0x5c: {  	_ =	swait.ge [sflag:s31], $0x640  }
0x5d: {  	[sflag:s31] =	ssyncset.done $0x0  }
0x5e: {  	[sflag:s31] =	ssyncadd.s32 $0xFFFFF9C0  }
0x5f: {  	_ =	swait.ge [sflag:s31], $0x640  }
0x60: {  	[sflag:s31] =	ssyncset.done $0x0  }
0x61: {  	[sflag:s31] =	ssyncadd.s32 $0xFFFFF9C0  }
0x62: {  	_ =	swait.ge [sflag:s31], $0x640  }
0x63: {  	[sflag:s31] =	ssyncset.done $0x0  }
0x64: {  	s0 =	rddreg [dreg:$0x4];
	[sflag:s31] =	ssyncadd.s32 $0xFFFFF9C0  }
0x65: {  	[hbm4b:s0+s2] =	stream.linear.scatter [tilespmem:s11], [sflag:$0x2], $0x6400, $0x38;
	[tilespmem:$0x13800] =	vst v63  }
0x66: {  	s21 =	simm.s32 $0x380  }
0x67: {  	[tilespmem:s14], [sflag:$0x1] =	stream.indirect.gather [hbm4b:s3+s10], $0x20, s21, s10, $0xb8;
	[tilespmem:$0x13800] =	vst v63  }
0x68: {  	s1 =	simm.s32 $0x3B8;
	s21 =	simm.s32 $0xDA40  }
0x69: {  	[tilespmem:s21], [sflag:$0x1] =	stream.indirect.gather [hbm4b:s3+s10], $0x20, s1, s10, $0xb8;
	[tilespmem:$0x13800] =	vst v63  }
0x6a: {  	s0 =	simm.s32 $0x3F0;
	s1 =	simm.s32 $0xE080  }
0x6b: {  	[tilespmem:s1], [sflag:$0x1] =	stream.indirect.gather [hbm4b:s3+s10], $0x20, s0, s10, $0xb8;
	[tilespmem:$0x13800] =	vst v63  }
0x6c: {  	s0 =	simm.s32 $0x428;
	s1 =	simm.s32 $0xE6C0  }
0x6d: {  	[tilespmem:s1], [sflag:$0x1] =	stream.indirect.gather [hbm4b:s3+s10], $0x20, s0, s10, $0xb8;
	[tilespmem:$0x13800] =	vst v63  }
0x6e: {  	s0 =	simm.s32 $0x460;
	s1 =	simm.s32 $0xED00  }
0x6f: {  	[tilespmem:s1], [sflag:$0x1] =	stream.indirect.gather [hbm4b:s3+s10], $0x20, s0, s10, $0xb8;
	[tilespmem:$0x13800] =	vst v63  }
0x70: {  	s0 =	simm.s32 $0x498;
	s1 =	simm.s32 $0xF340  }
0x71: {  	[tilespmem:s1], [sflag:$0x1] =	stream.indirect.gather [hbm4b:s3+s10], $0x20, s0, s10, $0xb8;
	[tilespmem:$0x13800] =	vst v63  }
0x72: {  	s0 =	simm.s32 $0x4D0;
	s1 =	simm.s32 $0xF980  }
0x73: {  	[tilespmem:s1], [sflag:$0x1] =	stream.indirect.gather [hbm4b:s3+s10], $0x20, s0, s10, $0xb8;
	[tilespmem:$0x13800] =	vst v63  }
0x74: {  	s0 =	simm.s32 $0x508;
	s1 =	simm.s32 $0xFFC0  }
0x75: {  	[tilespmem:s1], [sflag:$0x1] =	stream.indirect.gather [hbm4b:s3+s10], $0x20, s0, s10, $0xb8;
	[tilespmem:$0x13800] =	vst v63  }
0x76: {  	s0 =	simm.s32 $0x540;
	s1 =	simm.s32 $0x10600  }
0x77: {  	[tilespmem:s1], [sflag:$0x1] =	stream.indirect.gather [hbm4b:s3+s10], $0x20, s0, s10, $0xb8;
	[tilespmem:$0x13800] =	vst v63  }
0x78: {  	s0 =	simm.s32 $0x578;
	s1 =	simm.s32 $0x10C40  }
0x79: {  	[tilespmem:s1], [sflag:$0x1] =	stream.indirect.gather [hbm4b:s3+s10], $0x20, s0, s10, $0xb8;
	[tilespmem:$0x13800] =	vst v63  }
0x7a: {  	s0 =	simm.s32 $0x5B0;
	s1 =	simm.s32 $0x11280  }
0x7b: {  	[tilespmem:s1], [sflag:$0x1] =	stream.indirect.gather [hbm4b:s3+s10], $0x20, s0, s10, $0xb8;
	[tilespmem:$0x13800] =	vst v63  }
0x7c: {  	s0 =	simm.s32 $0x5E8;
	s1 =	simm.s32 $0x118C0  }
0x7d: {  	[tilespmem:s1], [sflag:$0x1] =	stream.indirect.gather [hbm4b:s3+s10], $0x20, s0, s10, $0xb8;
	[tilespmem:$0x13800] =	vst v63  }
0x7e: {  	s0 =	simm.s32 $0x620;
	s1 =	simm.s32 $0x11F00  }
0x7f: {  	[tilespmem:s1], [sflag:$0x1] =	stream.indirect.gather [hbm4b:s3+s10], $0x20, s0, s10, $0xb8;
	[tilespmem:$0x13800] =	vst v63  }
0x80: {  	s0 =	simm.s32 $0x658;
	s1 =	simm.s32 $0x12540  }
0x81: {  	[tilespmem:s1], [sflag:$0x1] =	stream.indirect.gather [hbm4b:s3+s10], $0x20, s0, s10, $0xb8;
	[tilespmem:$0x13800] =	vst v63  }
0x82: {  	s0 =	simm.s32 $0x690;
	s1 =	simm.s32 $0x12B80  }
0x83: {  	[tilespmem:s1], [sflag:$0x1] =	stream.indirect.gather [hbm4b:s3+s10], $0x20, s0, s10, $0xb8;
	[tilespmem:$0x13800] =	vst v63  }
0x84: {  	s0 =	simm.s32 $0x6C8;
	s1 =	simm.s32 $0x131C0  }
0x85: {  	[tilespmem:s1], [sflag:$0x1] =	stream.indirect.gather [hbm4b:s3+s10], $0x20, s0, s10, $0xb8;
	[tilespmem:$0x13800] =	vst v63  }
0x86: {  	_ =	swait.ge [sflag:s31], $0x640  }
0x87: {  	[sflag:s31] =	ssyncset.done $0x0  }
0x88: {  	[sflag:s31] =	ssyncadd.s32 $0xFFFFF9C0  }
0x89: {  	_ =	swait.ge [sflag:s31], $0x640  }
0x8a: {  	[sflag:s31] =	ssyncset.done $0x0  }
0x8b: {  	[sflag:s31] =	ssyncadd.s32 $0xFFFFF9C0  }
0x8c: {  	_ =	swait.ge [sflag:s31], $0x640  }
0x8d: {  	[sflag:s31] =	ssyncset.done $0x0  }
0x8e: {  	[sflag:s31] =	ssyncadd.s32 $0xFFFFF9C0  }
0x8f: {  	_ =	swait.ge [sflag:s31], $0x640  }
0x90: {  	[sflag:s31] =	ssyncset.done $0x0  }
0x91: {  	[sflag:s31] =	ssyncadd.s32 $0xFFFFF9C0  }
0x92: {  	_ =	swait.ge [sflag:s31], $0x640  }
0x93: {  	[sflag:s31] =	ssyncset.done $0x0  }
0x94: {  	[sflag:s31] =	ssyncadd.s32 $0xFFFFF9C0  }
0x95: {  	_ =	swait.ge [sflag:s31], $0x640  }
0x96: {  	[sflag:s31] =	ssyncset.done $0x0  }
0x97: {  	[sflag:s31] =	ssyncadd.s32 $0xFFFFF9C0  }
0x98: {  	_ =	swait.ge [sflag:s31], $0x640  }
0x99: {  	[sflag:s31] =	ssyncset.done $0x0  }
0x9a: {  	[sflag:s31] =	ssyncadd.s32 $0xFFFFF9C0  }
0x9b: {  	_ =	swait.ge [sflag:s31], $0x640  }
0x9c: {  	[sflag:s31] =	ssyncset.done $0x0  }
0x9d: {  	[sflag:s31] =	ssyncadd.s32 $0xFFFFF9C0  }
0x9e: {  	_ =	swait.ge [sflag:s31], $0x640  }
0x9f: {  	[sflag:s31] =	ssyncset.done $0x0  }
0xa0: {  	[sflag:s31] =	ssyncadd.s32 $0xFFFFF9C0  }
0xa1: {  	_ =	swait.ge [sflag:s31], $0x640  }
0xa2: {  	[sflag:s31] =	ssyncset.done $0x0  }
0xa3: {  	[sflag:s31] =	ssyncadd.s32 $0xFFFFF9C0  }
0xa4: {  	_ =	swait.ge [sflag:s31], $0x640  }
0xa5: {  	[sflag:s31] =	ssyncset.done $0x0  }
0xa6: {  	[sflag:s31] =	ssyncadd.s32 $0xFFFFF9C0  }
0xa7: {  	_ =	swait.ge [sflag:s31], $0x640  }
0xa8: {  	[sflag:s31] =	ssyncset.done $0x0  }
0xa9: {  	[sflag:s31] =	ssyncadd.s32 $0xFFFFF9C0  }
0xaa: {  	_ =	swait.ge [sflag:s31], $0x640  }
0xab: {  	[sflag:s31] =	ssyncset.done $0x0  }
0xac: {  	[sflag:s31] =	ssyncadd.s32 $0xFFFFF9C0  }
0xad: {  	_ =	swait.ge [sflag:s31], $0x640  }
0xae: {  	[sflag:s31] =	ssyncset.done $0x0  }
0xaf: {  	[sflag:s31] =	ssyncadd.s32 $0xFFFFF9C0  }
0xb0: {  	_ =	swait.ge [sflag:s31], $0x640  }
0xb1: {  	[sflag:s31] =	ssyncset.done $0x0  }
0xb2: {  	[sflag:s31] =	ssyncadd.s32 $0xFFFFF9C0  }
0xb3: {  	_ =	swait.ge [sflag:s31], $0x640  }
0xb4: {  	[sflag:s31] =	ssyncset.done $0x0  }
0xb5: {  	s0 =	rddreg [dreg:$0x5];
	[sflag:s31] =	ssyncadd.s32 $0xFFFFF9C0  }
0xb6: {  	[hbm4b:s0+s2] =	stream.linear.scatter [tilespmem:s14], [sflag:$0x3], $0x6400, $0x38;
	[tilespmem:$0x13800] =	vst v63  }
0xb7: {  	_ =	swait.ge [sflag:s23], $0x6400  }
0xb8: {  	[sflag:s23] =	ssyncset.done $0x0  }
0xb9: {  	s0 =	simm.s32 $0x700;
	[sflag:s23] =	ssyncadd.s32 $0xFFFF9C00  }
0xba: {  	[tilespmem:s11], [sflag:$0x1] =	stream.indirect.gather [hbm4b:s3+s10], $0x20, s0, s10, $0xb8;
	[tilespmem:$0x13800] =	vst v63  }
0xbb: {  	s0 =	simm.s32 $0x738  }
0xbc: {  	[tilespmem:s12], [sflag:$0x1] =	stream.indirect.gather [hbm4b:s3+s10], $0x20, s0, s10, $0xb8;
	[tilespmem:$0x13800] =	vst v63  }
0xbd: {  	s0 =	simm.s32 $0x770  }
0xbe: {  	[tilespmem:s16], [sflag:$0x1] =	stream.indirect.gather [hbm4b:s3+s10], $0x20, s0, s10, $0xb8;
	[tilespmem:$0x13800] =	vst v63  }
0xbf: {  	s12 =	simm.s32 $0x7A8  }
0xc0: {  	[tilespmem:s20], [sflag:$0x1] =	stream.indirect.gather [hbm4b:s3+s10], $0x20, s12, s10, $0xb8;
	[tilespmem:$0x13800] =	vst v63  }
0xc1: {  	s16 =	simm.s32 $0x7E0  }
0xc2: {  	[tilespmem:s28], [sflag:$0x1] =	stream.indirect.gather [hbm4b:s3+s10], $0x20, s16, s10, $0xb8;
	[tilespmem:$0x13800] =	vst v63  }
0xc3: {  	s20 =	simm.s32 $0x818  }
0xc4: {  	[tilespmem:s30], [sflag:$0x1] =	stream.indirect.gather [hbm4b:s3+s10], $0x20, s20, s10, $0xb8;
	[tilespmem:$0x13800] =	vst v63  }
0xc5: {  	s12 =	simm.s32 $0x850  }
0xc6: {  	[tilespmem:s4], [sflag:$0x1] =	stream.indirect.gather [hbm4b:s3+s10], $0x20, s12, s10, $0xb8;
	[tilespmem:$0x13800] =	vst v63  }
0xc7: {  	s16 =	simm.s32 $0x888  }
0xc8: {  	[tilespmem:s6], [sflag:$0x1] =	stream.indirect.gather [hbm4b:s3+s10], $0x20, s16, s10, $0xb8;
	[tilespmem:$0x13800] =	vst v63  }
0xc9: {  	s20 =	simm.s32 $0x8C0  }
0xca: {  	[tilespmem:s7], [sflag:$0x1] =	stream.indirect.gather [hbm4b:s3+s10], $0x20, s20, s10, $0xb8;
	[tilespmem:$0x13800] =	vst v63  }
0xcb: {  	s12 =	simm.s32 $0x8F8  }
0xcc: {  	[tilespmem:s5], [sflag:$0x1] =	stream.indirect.gather [hbm4b:s3+s10], $0x20, s12, s10, $0xb8;
	[tilespmem:$0x13800] =	vst v63  }
0xcd: {  	s16 =	simm.s32 $0x930  }
0xce: {  	[tilespmem:s9], [sflag:$0x1] =	stream.indirect.gather [hbm4b:s3+s10], $0x20, s16, s10, $0xb8;
	[tilespmem:$0x13800] =	vst v63  }
0xcf: {  	s20 =	simm.s32 $0x968  }
0xd0: {  	[tilespmem:s8], [sflag:$0x1] =	stream.indirect.gather [hbm4b:s3+s10], $0x20, s20, s10, $0xb8;
	[tilespmem:$0x13800] =	vst v63  }
0xd1: {  	s12 =	simm.s32 $0x9A0  }
0xd2: {  	[tilespmem:s13], [sflag:$0x1] =	stream.indirect.gather [hbm4b:s3+s10], $0x20, s12, s10, $0xb8;
	[tilespmem:$0x13800] =	vst v63  }
0xd3: {  	s16 =	simm.s32 $0x9D8  }
0xd4: {  	[tilespmem:s15], [sflag:$0x1] =	stream.indirect.gather [hbm4b:s3+s10], $0x20, s16, s10, $0xb8;
	[tilespmem:$0x13800] =	vst v63  }
0xd5: {  	s20 =	simm.s32 $0xA10  }
0xd6: {  	[tilespmem:s17], [sflag:$0x1] =	stream.indirect.gather [hbm4b:s3+s10], $0x20, s20, s10, $0xb8;
	[tilespmem:$0x13800] =	vst v63  }
0xd7: {  	s12 =	simm.s32 $0xA48  }
0xd8: {  	[tilespmem:s19], [sflag:$0x1] =	stream.indirect.gather [hbm4b:s3+s10], $0x20, s12, s10, $0xb8;
	[tilespmem:$0x13800] =	vst v63  }
0xd9: {  	_ =	swait.ge [sflag:s31], $0x640  }
0xda: {  	[sflag:s31] =	ssyncset.done $0x0  }
0xdb: {  	[sflag:s31] =	ssyncadd.s32 $0xFFFFF9C0  }
0xdc: {  	_ =	swait.ge [sflag:s31], $0x640  }
0xdd: {  	[sflag:s31] =	ssyncset.done $0x0  }
0xde: {  	[sflag:s31] =	ssyncadd.s32 $0xFFFFF9C0  }
0xdf: {  	_ =	swait.ge [sflag:s31], $0x640  }
0xe0: {  	[sflag:s31] =	ssyncset.done $0x0  }
0xe1: {  	[sflag:s31] =	ssyncadd.s32 $0xFFFFF9C0  }
0xe2: {  	_ =	swait.ge [sflag:s31], $0x640  }
0xe3: {  	[sflag:s31] =	ssyncset.done $0x0  }
0xe4: {  	[sflag:s31] =	ssyncadd.s32 $0xFFFFF9C0  }
0xe5: {  	_ =	swait.ge [sflag:s31], $0x640  }
0xe6: {  	[sflag:s31] =	ssyncset.done $0x0  }
0xe7: {  	[sflag:s31] =	ssyncadd.s32 $0xFFFFF9C0  }
0xe8: {  	_ =	swait.ge [sflag:s31], $0x640  }
0xe9: {  	[sflag:s31] =	ssyncset.done $0x0  }
0xea: {  	[sflag:s31] =	ssyncadd.s32 $0xFFFFF9C0  }
0xeb: {  	_ =	swait.ge [sflag:s31], $0x640  }
0xec: {  	[sflag:s31] =	ssyncset.done $0x0  }
0xed: {  	[sflag:s31] =	ssyncadd.s32 $0xFFFFF9C0  }
0xee: {  	_ =	swait.ge [sflag:s31], $0x640  }
0xef: {  	[sflag:s31] =	ssyncset.done $0x0  }
0xf0: {  	[sflag:s31] =	ssyncadd.s32 $0xFFFFF9C0  }
0xf1: {  	_ =	swait.ge [sflag:s31], $0x640  }
0xf2: {  	[sflag:s31] =	ssyncset.done $0x0  }
0xf3: {  	[sflag:s31] =	ssyncadd.s32 $0xFFFFF9C0  }
0xf4: {  	_ =	swait.ge [sflag:s31], $0x640  }
0xf5: {  	[sflag:s31] =	ssyncset.done $0x0  }
0xf6: {  	[sflag:s31] =	ssyncadd.s32 $0xFFFFF9C0  }
0xf7: {  	_ =	swait.ge [sflag:s31], $0x640  }
0xf8: {  	[sflag:s31] =	ssyncset.done $0x0  }
0xf9: {  	[sflag:s31] =	ssyncadd.s32 $0xFFFFF9C0  }
0xfa: {  	_ =	swait.ge [sflag:s31], $0x640  }
0xfb: {  	[sflag:s31] =	ssyncset.done $0x0  }
0xfc: {  	[sflag:s31] =	ssyncadd.s32 $0xFFFFF9C0  }
0xfd: {  	_ =	swait.ge [sflag:s31], $0x640  }
0xfe: {  	[sflag:s31] =	ssyncset.done $0x0  }
0xff: {  	[sflag:s31] =	ssyncadd.s32 $0xFFFFF9C0  }
0x100: {  	_ =	swait.ge [sflag:s31], $0x640  }
0x101: {  	[sflag:s31] =	ssyncset.done $0x0  }
0x102: {  	[sflag:s31] =	ssyncadd.s32 $0xFFFFF9C0  }
0x103: {  	_ =	swait.ge [sflag:s31], $0x640  }
0x104: {  	[sflag:s31] =	ssyncset.done $0x0  }
0x105: {  	[sflag:s31] =	ssyncadd.s32 $0xFFFFF9C0  }
0x106: {  	_ =	swait.ge [sflag:s31], $0x640  }
0x107: {  	[sflag:s31] =	ssyncset.done $0x0;
	s12 =	rddreg [dreg:$0x7]  }
0x108: {  	[sflag:s31] =	ssyncadd.s32 $0xFFFFF9C0;
	s16 =	sadd.s32 $0xFFFFF380, s12  }
0x109: {  	[hbm4b:s16+s2] =	stream.linear.scatter [tilespmem:s11], [sflag:$0x2], $0x6400, $0x38;
	[tilespmem:$0x13800] =	vst v63  }
0x10a: {  	_ =	swait.ge [sflag:s25], $0x6400  }
0x10b: {  	[sflag:s25] =	ssyncset.done $0x0  }
0x10c: {  	s19 =	simm.s32 $0xA80;
	[sflag:s25] =	ssyncadd.s32 $0xFFFF9C00  }
0x10d: {  	[tilespmem:s14], [sflag:$0x1] =	stream.indirect.gather [hbm4b:s3+s10], $0x20, s19, s10, $0xb8;
	[tilespmem:$0x13800] =	vst v63  }
0x10e: {  	s20 =	simm.s32 $0xAB8  }
0x10f: {  	[tilespmem:s21], [sflag:$0x1] =	stream.indirect.gather [hbm4b:s3+s10], $0x20, s20, s10, $0xb8;
	[tilespmem:$0x13800] =	vst v63  }
0x110: {  	s16 =	simm.s32 $0xAF0;
	s20 =	simm.s32 $0xE080  }
0x111: {  	[tilespmem:s20], [sflag:$0x1] =	stream.indirect.gather [hbm4b:s3+s10], $0x20, s16, s10, $0xb8;
	[tilespmem:$0x13800] =	vst v63  }
0x112: {  	s16 =	simm.s32 $0xB28;
	s20 =	simm.s32 $0xE6C0  }
0x113: {  	[tilespmem:s20], [sflag:$0x1] =	stream.indirect.gather [hbm4b:s3+s10], $0x20, s16, s10, $0xb8;
	[tilespmem:$0x13800] =	vst v63  }
0x114: {  	s16 =	simm.s32 $0xB60;
	s20 =	simm.s32 $0xED00  }
0x115: {  	[tilespmem:s20], [sflag:$0x1] =	stream.indirect.gather [hbm4b:s3+s10], $0x20, s16, s10, $0xb8;
	[tilespmem:$0x13800] =	vst v63  }
0x116: {  	s16 =	simm.s32 $0xB98;
	s20 =	simm.s32 $0xF340  }
0x117: {  	[tilespmem:s20], [sflag:$0x1] =	stream.indirect.gather [hbm4b:s3+s10], $0x20, s16, s10, $0xb8;
	[tilespmem:$0x13800] =	vst v63  }
0x118: {  	s16 =	simm.s32 $0xBD0;
	s20 =	simm.s32 $0xF980  }
0x119: {  	[tilespmem:s20], [sflag:$0x1] =	stream.indirect.gather [hbm4b:s3+s10], $0x20, s16, s10, $0xb8;
	[tilespmem:$0x13800] =	vst v63  }
0x11a: {  	s16 =	simm.s32 $0xC08;
	s20 =	simm.s32 $0xFFC0  }
0x11b: {  	[tilespmem:s20], [sflag:$0x1] =	stream.indirect.gather [hbm4b:s3+s10], $0x20, s16, s10, $0xb8;
	[tilespmem:$0x13800] =	vst v63  }
0x11c: {  	s16 =	simm.s32 $0xC40;
	s20 =	simm.s32 $0x10600  }
0x11d: {  	[tilespmem:s20], [sflag:$0x1] =	stream.indirect.gather [hbm4b:s3+s10], $0x20, s16, s10, $0xb8;
	[tilespmem:$0x13800] =	vst v63  }
0x11e: {  	s16 =	simm.s32 $0xC78;
	s20 =	simm.s32 $0x10C40  }
0x11f: {  	[tilespmem:s20], [sflag:$0x1] =	stream.indirect.gather [hbm4b:s3+s10], $0x20, s16, s10, $0xb8;
	[tilespmem:$0x13800] =	vst v63  }
0x120: {  	s16 =	simm.s32 $0xCB0;
	s20 =	simm.s32 $0x11280  }
0x121: {  	[tilespmem:s20], [sflag:$0x1] =	stream.indirect.gather [hbm4b:s3+s10], $0x20, s16, s10, $0xb8;
	[tilespmem:$0x13800] =	vst v63  }
0x122: {  	s16 =	simm.s32 $0xCE8;
	s20 =	simm.s32 $0x118C0  }
0x123: {  	[tilespmem:s20], [sflag:$0x1] =	stream.indirect.gather [hbm4b:s3+s10], $0x20, s16, s10, $0xb8;
	[tilespmem:$0x13800] =	vst v63  }
0x124: {  	s16 =	simm.s32 $0xD20;
	s20 =	simm.s32 $0x11F00  }
0x125: {  	[tilespmem:s20], [sflag:$0x1] =	stream.indirect.gather [hbm4b:s3+s10], $0x20, s16, s10, $0xb8;
	[tilespmem:$0x13800] =	vst v63  }
0x126: {  	s16 =	simm.s32 $0xD58;
	s20 =	simm.s32 $0x12540  }
0x127: {  	[tilespmem:s20], [sflag:$0x1] =	stream.indirect.gather [hbm4b:s3+s10], $0x20, s16, s10, $0xb8;
	[tilespmem:$0x13800] =	vst v63  }
0x128: {  	s16 =	simm.s32 $0xD90;
	s20 =	simm.s32 $0x12B80  }
0x129: {  	[tilespmem:s20], [sflag:$0x1] =	stream.indirect.gather [hbm4b:s3+s10], $0x20, s16, s10, $0xb8;
	[tilespmem:$0x13800] =	vst v63  }
0x12a: {  	s16 =	simm.s32 $0xDC8;
	s20 =	simm.s32 $0x131C0  }
0x12b: {  	[tilespmem:s20], [sflag:$0x1] =	stream.indirect.gather [hbm4b:s3+s10], $0x20, s16, s10, $0xb8;
	[tilespmem:$0x13800] =	vst v63  }
0x12c: {  	_ =	swait.ge [sflag:s31], $0x640  }
0x12d: {  	[sflag:s31] =	ssyncset.done $0x0  }
0x12e: {  	[sflag:s31] =	ssyncadd.s32 $0xFFFFF9C0  }
0x12f: {  	_ =	swait.ge [sflag:s31], $0x640  }
0x130: {  	[sflag:s31] =	ssyncset.done $0x0  }
0x131: {  	[sflag:s31] =	ssyncadd.s32 $0xFFFFF9C0  }
0x132: {  	_ =	swait.ge [sflag:s31], $0x640  }
0x133: {  	[sflag:s31] =	ssyncset.done $0x0  }
0x134: {  	[sflag:s31] =	ssyncadd.s32 $0xFFFFF9C0  }
0x135: {  	_ =	swait.ge [sflag:s31], $0x640  }
0x136: {  	[sflag:s31] =	ssyncset.done $0x0  }
0x137: {  	[sflag:s31] =	ssyncadd.s32 $0xFFFFF9C0  }
0x138: {  	_ =	swait.ge [sflag:s31], $0x640  }
0x139: {  	[sflag:s31] =	ssyncset.done $0x0  }
0x13a: {  	[sflag:s31] =	ssyncadd.s32 $0xFFFFF9C0  }
0x13b: {  	_ =	swait.ge [sflag:s31], $0x640  }
0x13c: {  	[sflag:s31] =	ssyncset.done $0x0  }
0x13d: {  	[sflag:s31] =	ssyncadd.s32 $0xFFFFF9C0  }
0x13e: {  	_ =	swait.ge [sflag:s31], $0x640  }
0x13f: {  	[sflag:s31] =	ssyncset.done $0x0  }
0x140: {  	[sflag:s31] =	ssyncadd.s32 $0xFFFFF9C0  }
0x141: {  	_ =	swait.ge [sflag:s31], $0x640  }
0x142: {  	[sflag:s31] =	ssyncset.done $0x0  }
0x143: {  	[sflag:s31] =	ssyncadd.s32 $0xFFFFF9C0  }
0x144: {  	_ =	swait.ge [sflag:s31], $0x640  }
0x145: {  	[sflag:s31] =	ssyncset.done $0x0  }
0x146: {  	[sflag:s31] =	ssyncadd.s32 $0xFFFFF9C0  }
0x147: {  	_ =	swait.ge [sflag:s31], $0x640  }
0x148: {  	[sflag:s31] =	ssyncset.done $0x0  }
0x149: {  	[sflag:s31] =	ssyncadd.s32 $0xFFFFF9C0  }
0x14a: {  	_ =	swait.ge [sflag:s31], $0x640  }
0x14b: {  	[sflag:s31] =	ssyncset.done $0x0  }
0x14c: {  	[sflag:s31] =	ssyncadd.s32 $0xFFFFF9C0  }
0x14d: {  	_ =	swait.ge [sflag:s31], $0x640  }
0x14e: {  	[sflag:s31] =	ssyncset.done $0x0  }
0x14f: {  	[sflag:s31] =	ssyncadd.s32 $0xFFFFF9C0  }
0x150: {  	_ =	swait.ge [sflag:s31], $0x640  }
0x151: {  	[sflag:s31] =	ssyncset.done $0x0  }
0x152: {  	[sflag:s31] =	ssyncadd.s32 $0xFFFFF9C0  }
0x153: {  	_ =	swait.ge [sflag:s31], $0x640  }
0x154: {  	[sflag:s31] =	ssyncset.done $0x0  }
0x155: {  	[sflag:s31] =	ssyncadd.s32 $0xFFFFF9C0  }
0x156: {  	s1 =	simm.s32 $0x3800;
	_ =	swait.ge [sflag:s31], $0x640  }
0x157: {  	s0 =	simm.s32 $0x8900;
	s30 =	simm.s32 $0x700;
	[sflag:s31] =	ssyncset.done $0x0  }
0x158: {  	s4 =	simm.s32 $0x9BC0;
	s6 =	simm.s32 $0xA200;
	[sflag:s31] =	ssyncadd.s32 $0xFFFFF9C0  }
0x159: {  	s7 =	simm.s32 $0xA840;
	s5 =	simm.s32 $0xAE80;
	_ =	swait.ge [sflag:s31], $0x640  }
0x15a: {  	s9 =	simm.s32 $0xB4C0;
	s8 =	simm.s32 $0xBB00;
	[sflag:s31] =	ssyncset.done $0x0  }
0x15b: {  	s13 =	simm.s32 $0xC140;
	s15 =	simm.s32 $0xC780;
	[sflag:s31] =	ssyncadd.s32 $0xFFFFF9C0  }
0x15c: {  	[hbm4b:s12+s2] =	stream.linear.scatter [tilespmem:s14], [sflag:$0x3], $0x6400, $0x38;
	[tilespmem:$0x13800] =	vst v63  }
0x15d: {  	s17 =	simm.s32 $0xCDC0;
	s28 =	sadd.s32 $0x1900, s12;
	_ =	swait.ge [sflag:s23], $0x6400  }
0x15e: {  	s19 =	simm.s32 $0xDA40;
	s21 =	simm.s32 $0xE080;
	[sflag:s23] =	ssyncset.done $0x0  }
.LBB2_2:
0x15f: {  	s20 =	sadd.s32 $0x700, s30  }
0x160: {  	[sflag:s23] =	ssyncadd.s32 $0xFFFF9C00;
	s12 =	smov.u32 s1;
	s16 =	sadd.s32 $0x1C00, s1  }
0x161: {  	[tilespmem:s11], [sflag:$0x1] =	stream.indirect.gather [hbm4b:s3+s10], $0x20, s20, s10, $0xb8;
	[tilespmem:$0x13800] =	vst v63  }
0x162: {  	p0 =	sne.s32 s1, $0x18800;
	s1 =	sadd.s32 $0x738, s30  }
0x163: {  	[tilespmem:s24], [sflag:$0x1] =	stream.indirect.gather [hbm4b:s3+s10], $0x20, s1, s10, $0xb8;
	[tilespmem:$0x13800] =	vst v63  }
0x164: {  	s1 =	sadd.s32 $0x770, s30  }
0x165: {  	[tilespmem:s29], [sflag:$0x1] =	stream.indirect.gather [hbm4b:s3+s10], $0x20, s1, s10, $0xb8;
	[tilespmem:$0x13800] =	vst v63  }
0x166: {  	s1 =	sadd.s32 $0x7A8, s30  }
0x167: {  	[tilespmem:s22], [sflag:$0x1] =	stream.indirect.gather [hbm4b:s3+s10], $0x20, s1, s10, $0xb8;
	[tilespmem:$0x13800] =	vst v63  }
0x168: {  	s1 =	sadd.s32 $0x7E0, s30  }
0x169: {  	[tilespmem:s0], [sflag:$0x1] =	stream.indirect.gather [hbm4b:s3+s10], $0x20, s1, s10, $0xb8;
	[tilespmem:$0x13800] =	vst v63  }
0x16a: {  	s1 =	sadd.s32 $0x818, s30  }
0x16b: {  	[tilespmem:s26], [sflag:$0x1] =	stream.indirect.gather [hbm4b:s3+s10], $0x20, s1, s10, $0xb8;
	[tilespmem:$0x13800] =	vst v63  }
0x16c: {  	s1 =	sadd.s32 $0x850, s30  }
0x16d: {  	[tilespmem:s18], [sflag:$0x1] =	stream.indirect.gather [hbm4b:s3+s10], $0x20, s1, s10, $0xb8;
	[tilespmem:$0x13800] =	vst v63  }
0x16e: {  	s1 =	sadd.s32 $0x888, s30  }
0x16f: {  	[tilespmem:s4], [sflag:$0x1] =	stream.indirect.gather [hbm4b:s3+s10], $0x20, s1, s10, $0xb8;
	[tilespmem:$0x13800] =	vst v63  }
0x170: {  	s1 =	sadd.s32 $0x8C0, s30  }
0x171: {  	[tilespmem:s6], [sflag:$0x1] =	stream.indirect.gather [hbm4b:s3+s10], $0x20, s1, s10, $0xb8;
	[tilespmem:$0x13800] =	vst v63  }
0x172: {  	s1 =	sadd.s32 $0x8F8, s30  }
0x173: {  	[tilespmem:s7], [sflag:$0x1] =	stream.indirect.gather [hbm4b:s3+s10], $0x20, s1, s10, $0xb8;
	[tilespmem:$0x13800] =	vst v63  }
0x174: {  	s1 =	sadd.s32 $0x930, s30  }
0x175: {  	[tilespmem:s5], [sflag:$0x1] =	stream.indirect.gather [hbm4b:s3+s10], $0x20, s1, s10, $0xb8;
	[tilespmem:$0x13800] =	vst v63  }
0x176: {  	s1 =	sadd.s32 $0x968, s30  }
0x177: {  	[tilespmem:s9], [sflag:$0x1] =	stream.indirect.gather [hbm4b:s3+s10], $0x20, s1, s10, $0xb8;
	[tilespmem:$0x13800] =	vst v63  }
0x178: {  	s1 =	sadd.s32 $0x9A0, s30  }
0x179: {  	[tilespmem:s8], [sflag:$0x1] =	stream.indirect.gather [hbm4b:s3+s10], $0x20, s1, s10, $0xb8;
	[tilespmem:$0x13800] =	vst v63  }
0x17a: {  	s1 =	sadd.s32 $0x9D8, s30  }
0x17b: {  	[tilespmem:s13], [sflag:$0x1] =	stream.indirect.gather [hbm4b:s3+s10], $0x20, s1, s10, $0xb8;
	[tilespmem:$0x13800] =	vst v63  }
0x17c: {  	s1 =	sadd.s32 $0xA10, s30  }
0x17d: {  	[tilespmem:s15], [sflag:$0x1] =	stream.indirect.gather [hbm4b:s3+s10], $0x20, s1, s10, $0xb8;
	[tilespmem:$0x13800] =	vst v63  }
0x17e: {  	s1 =	sadd.s32 $0xA48, s30  }
0x17f: {  	[tilespmem:s17], [sflag:$0x1] =	stream.indirect.gather [hbm4b:s3+s10], $0x20, s1, s10, $0xb8;
	[tilespmem:$0x13800] =	vst v63  }
0x180: {  	_ =	swait.ge [sflag:s31], $0x640  }
0x181: {  	[sflag:s31] =	ssyncset.done $0x0  }
0x182: {  	[sflag:s31] =	ssyncadd.s32 $0xFFFFF9C0  }
0x183: {  	_ =	swait.ge [sflag:s31], $0x640  }
0x184: {  	[sflag:s31] =	ssyncset.done $0x0  }
0x185: {  	[sflag:s31] =	ssyncadd.s32 $0xFFFFF9C0  }
0x186: {  	_ =	swait.ge [sflag:s31], $0x640  }
0x187: {  	[sflag:s31] =	ssyncset.done $0x0  }
0x188: {  	[sflag:s31] =	ssyncadd.s32 $0xFFFFF9C0  }
0x189: {  	_ =	swait.ge [sflag:s31], $0x640  }
0x18a: {  	[sflag:s31] =	ssyncset.done $0x0  }
0x18b: {  	[sflag:s31] =	ssyncadd.s32 $0xFFFFF9C0  }
0x18c: {  	_ =	swait.ge [sflag:s31], $0x640  }
0x18d: {  	[sflag:s31] =	ssyncset.done $0x0  }
0x18e: {  	[sflag:s31] =	ssyncadd.s32 $0xFFFFF9C0  }
0x18f: {  	_ =	swait.ge [sflag:s31], $0x640  }
0x190: {  	[sflag:s31] =	ssyncset.done $0x0  }
0x191: {  	[sflag:s31] =	ssyncadd.s32 $0xFFFFF9C0  }
0x192: {  	_ =	swait.ge [sflag:s31], $0x640  }
0x193: {  	[sflag:s31] =	ssyncset.done $0x0  }
0x194: {  	[sflag:s31] =	ssyncadd.s32 $0xFFFFF9C0  }
0x195: {  	_ =	swait.ge [sflag:s31], $0x640  }
0x196: {  	[sflag:s31] =	ssyncset.done $0x0  }
0x197: {  	[sflag:s31] =	ssyncadd.s32 $0xFFFFF9C0  }
0x198: {  	_ =	swait.ge [sflag:s31], $0x640  }
0x199: {  	[sflag:s31] =	ssyncset.done $0x0  }
0x19a: {  	[sflag:s31] =	ssyncadd.s32 $0xFFFFF9C0  }
0x19b: {  	_ =	swait.ge [sflag:s31], $0x640  }
0x19c: {  	[sflag:s31] =	ssyncset.done $0x0  }
0x19d: {  	[sflag:s31] =	ssyncadd.s32 $0xFFFFF9C0  }
0x19e: {  	_ =	swait.ge [sflag:s31], $0x640  }
0x19f: {  	[sflag:s31] =	ssyncset.done $0x0  }
0x1a0: {  	[sflag:s31] =	ssyncadd.s32 $0xFFFFF9C0  }
0x1a1: {  	_ =	swait.ge [sflag:s31], $0x640  }
0x1a2: {  	[sflag:s31] =	ssyncset.done $0x0  }
0x1a3: {  	[sflag:s31] =	ssyncadd.s32 $0xFFFFF9C0  }
0x1a4: {  	_ =	swait.ge [sflag:s31], $0x640  }
0x1a5: {  	[sflag:s31] =	ssyncset.done $0x0  }
0x1a6: {  	[sflag:s31] =	ssyncadd.s32 $0xFFFFF9C0  }
0x1a7: {  	_ =	swait.ge [sflag:s31], $0x640  }
0x1a8: {  	[sflag:s31] =	ssyncset.done $0x0  }
0x1a9: {  	[sflag:s31] =	ssyncadd.s32 $0xFFFFF9C0  }
0x1aa: {  	_ =	swait.ge [sflag:s31], $0x640  }
0x1ab: {  	[sflag:s31] =	ssyncset.done $0x0  }
0x1ac: {  	[sflag:s31] =	ssyncadd.s32 $0xFFFFF9C0  }
0x1ad: {  	_ =	swait.ge [sflag:s31], $0x640  }
0x1ae: {  	[sflag:s31] =	ssyncset.done $0x0  }
0x1af: {  	s1 =	sadd.s32 $0xFFFFF380, s28;
	[sflag:s31] =	ssyncadd.s32 $0xFFFFF9C0  }
0x1b0: {  	[hbm4b:s1+s2] =	stream.linear.scatter [tilespmem:s11], [sflag:$0x2], $0x6400, $0x38;
	[tilespmem:$0x13800] =	vst v63  }
0x1b1: {  	_ =	swait.ge [sflag:s25], $0x6400  }
0x1b2: {  	[sflag:s25] =	ssyncset.done $0x0  }
0x1b3: {  	s1 =	sadd.s32 $0xA80, s30;
	[sflag:s25] =	ssyncadd.s32 $0xFFFF9C00  }
0x1b4: {  	[tilespmem:s14], [sflag:$0x1] =	stream.indirect.gather [hbm4b:s3+s10], $0x20, s1, s10, $0xb8;
	[tilespmem:$0x13800] =	vst v63  }
0x1b5: {  	s1 =	sadd.s32 $0xAB8, s30  }
0x1b6: {  	[tilespmem:s19], [sflag:$0x1] =	stream.indirect.gather [hbm4b:s3+s10], $0x20, s1, s10, $0xb8;
	[tilespmem:$0x13800] =	vst v63  }
0x1b7: {  	s1 =	sadd.s32 $0xAF0, s30  }
0x1b8: {  	[tilespmem:s21], [sflag:$0x1] =	stream.indirect.gather [hbm4b:s3+s10], $0x20, s1, s10, $0xb8;
	[tilespmem:$0x13800] =	vst v63  }
0x1b9: {  	s20 =	simm.s32 $0xE6C0;
	s1 =	sadd.s32 $0xB28, s30  }
0x1ba: {  	[tilespmem:s20], [sflag:$0x1] =	stream.indirect.gather [hbm4b:s3+s10], $0x20, s1, s10, $0xb8;
	[tilespmem:$0x13800] =	vst v63  }
0x1bb: {  	s1 =	sadd.s32 $0xB60, s30;
	s20 =	simm.s32 $0xED00  }
0x1bc: {  	[tilespmem:s20], [sflag:$0x1] =	stream.indirect.gather [hbm4b:s3+s10], $0x20, s1, s10, $0xb8;
	[tilespmem:$0x13800] =	vst v63  }
0x1bd: {  	s1 =	sadd.s32 $0xB98, s30;
	s20 =	simm.s32 $0xF340  }
0x1be: {  	[tilespmem:s20], [sflag:$0x1] =	stream.indirect.gather [hbm4b:s3+s10], $0x20, s1, s10, $0xb8;
	[tilespmem:$0x13800] =	vst v63  }
0x1bf: {  	s1 =	sadd.s32 $0xBD0, s30;
	s20 =	simm.s32 $0xF980  }
0x1c0: {  	[tilespmem:s20], [sflag:$0x1] =	stream.indirect.gather [hbm4b:s3+s10], $0x20, s1, s10, $0xb8;
	[tilespmem:$0x13800] =	vst v63  }
0x1c1: {  	s1 =	sadd.s32 $0xC08, s30;
	s20 =	simm.s32 $0xFFC0  }
0x1c2: {  	[tilespmem:s20], [sflag:$0x1] =	stream.indirect.gather [hbm4b:s3+s10], $0x20, s1, s10, $0xb8;
	[tilespmem:$0x13800] =	vst v63  }
0x1c3: {  	s1 =	sadd.s32 $0xC40, s30;
	s20 =	simm.s32 $0x10600  }
0x1c4: {  	[tilespmem:s20], [sflag:$0x1] =	stream.indirect.gather [hbm4b:s3+s10], $0x20, s1, s10, $0xb8;
	[tilespmem:$0x13800] =	vst v63  }
0x1c5: {  	s1 =	sadd.s32 $0xC78, s30;
	s20 =	simm.s32 $0x10C40  }
0x1c6: {  	[tilespmem:s20], [sflag:$0x1] =	stream.indirect.gather [hbm4b:s3+s10], $0x20, s1, s10, $0xb8;
	[tilespmem:$0x13800] =	vst v63  }
0x1c7: {  	s1 =	sadd.s32 $0xCB0, s30;
	s20 =	simm.s32 $0x11280  }
0x1c8: {  	[tilespmem:s20], [sflag:$0x1] =	stream.indirect.gather [hbm4b:s3+s10], $0x20, s1, s10, $0xb8;
	[tilespmem:$0x13800] =	vst v63  }
0x1c9: {  	s1 =	sadd.s32 $0xCE8, s30;
	s20 =	simm.s32 $0x118C0  }
0x1ca: {  	[tilespmem:s20], [sflag:$0x1] =	stream.indirect.gather [hbm4b:s3+s10], $0x20, s1, s10, $0xb8;
	[tilespmem:$0x13800] =	vst v63  }
0x1cb: {  	s1 =	sadd.s32 $0xD20, s30;
	s20 =	simm.s32 $0x11F00  }
0x1cc: {  	[tilespmem:s20], [sflag:$0x1] =	stream.indirect.gather [hbm4b:s3+s10], $0x20, s1, s10, $0xb8;
	[tilespmem:$0x13800] =	vst v63  }
0x1cd: {  	s1 =	sadd.s32 $0xD58, s30;
	s20 =	simm.s32 $0x12540  }
0x1ce: {  	[tilespmem:s20], [sflag:$0x1] =	stream.indirect.gather [hbm4b:s3+s10], $0x20, s1, s10, $0xb8;
	[tilespmem:$0x13800] =	vst v63  }
0x1cf: {  	s1 =	sadd.s32 $0xD90, s30;
	s20 =	simm.s32 $0x12B80  }
0x1d0: {  	[tilespmem:s20], [sflag:$0x1] =	stream.indirect.gather [hbm4b:s3+s10], $0x20, s1, s10, $0xb8;
	[tilespmem:$0x13800] =	vst v63  }
0x1d1: {  	s1 =	sadd.s32 $0xDC8, s30;
	s20 =	simm.s32 $0x131C0  }
0x1d2: {  	[tilespmem:s20], [sflag:$0x1] =	stream.indirect.gather [hbm4b:s3+s10], $0x20, s1, s10, $0xb8;
	[tilespmem:$0x13800] =	vst v63  }
0x1d3: {  	_ =	swait.ge [sflag:s31], $0x640  }
0x1d4: {  	[sflag:s31] =	ssyncset.done $0x0  }
0x1d5: {  	[sflag:s31] =	ssyncadd.s32 $0xFFFFF9C0  }
0x1d6: {  	_ =	swait.ge [sflag:s31], $0x640  }
0x1d7: {  	[sflag:s31] =	ssyncset.done $0x0  }
0x1d8: {  	[sflag:s31] =	ssyncadd.s32 $0xFFFFF9C0  }
0x1d9: {  	_ =	swait.ge [sflag:s31], $0x640  }
0x1da: {  	[sflag:s31] =	ssyncset.done $0x0  }
0x1db: {  	[sflag:s31] =	ssyncadd.s32 $0xFFFFF9C0  }
0x1dc: {  	_ =	swait.ge [sflag:s31], $0x640  }
0x1dd: {  	[sflag:s31] =	ssyncset.done $0x0  }
0x1de: {  	[sflag:s31] =	ssyncadd.s32 $0xFFFFF9C0  }
0x1df: {  	_ =	swait.ge [sflag:s31], $0x640  }
0x1e0: {  	[sflag:s31] =	ssyncset.done $0x0  }
0x1e1: {  	[sflag:s31] =	ssyncadd.s32 $0xFFFFF9C0  }
0x1e2: {  	_ =	swait.ge [sflag:s31], $0x640  }
0x1e3: {  	[sflag:s31] =	ssyncset.done $0x0  }
0x1e4: {  	[sflag:s31] =	ssyncadd.s32 $0xFFFFF9C0  }
0x1e5: {  	_ =	swait.ge [sflag:s31], $0x640  }
0x1e6: {  	[sflag:s31] =	ssyncset.done $0x0  }
0x1e7: {  	[sflag:s31] =	ssyncadd.s32 $0xFFFFF9C0  }
0x1e8: {  	_ =	swait.ge [sflag:s31], $0x640  }
0x1e9: {  	[sflag:s31] =	ssyncset.done $0x0  }
0x1ea: {  	[sflag:s31] =	ssyncadd.s32 $0xFFFFF9C0  }
0x1eb: {  	_ =	swait.ge [sflag:s31], $0x640  }
0x1ec: {  	[sflag:s31] =	ssyncset.done $0x0  }
0x1ed: {  	[sflag:s31] =	ssyncadd.s32 $0xFFFFF9C0  }
0x1ee: {  	_ =	swait.ge [sflag:s31], $0x640  }
0x1ef: {  	[sflag:s31] =	ssyncset.done $0x0  }
0x1f0: {  	[sflag:s31] =	ssyncadd.s32 $0xFFFFF9C0  }
0x1f1: {  	_ =	swait.ge [sflag:s31], $0x640  }
0x1f2: {  	[sflag:s31] =	ssyncset.done $0x0  }
0x1f3: {  	[sflag:s31] =	ssyncadd.s32 $0xFFFFF9C0  }
0x1f4: {  	_ =	swait.ge [sflag:s31], $0x640  }
0x1f5: {  	[sflag:s31] =	ssyncset.done $0x0  }
0x1f6: {  	[sflag:s31] =	ssyncadd.s32 $0xFFFFF9C0  }
0x1f7: {  	_ =	swait.ge [sflag:s31], $0x640  }
0x1f8: {  	[sflag:s31] =	ssyncset.done $0x0  }
0x1f9: {  	[sflag:s31] =	ssyncadd.s32 $0xFFFFF9C0  }
0x1fa: {  	_ =	swait.ge [sflag:s31], $0x640  }
0x1fb: {  	[sflag:s31] =	ssyncset.done $0x0  }
0x1fc: {  	[sflag:s31] =	ssyncadd.s32 $0xFFFFF9C0  }
0x1fd: {  	_ =	swait.ge [sflag:s31], $0x640  }
0x1fe: {  	[sflag:s31] =	ssyncset.done $0x0  }
0x1ff: {  	[sflag:s31] =	ssyncadd.s32 $0xFFFFF9C0  }
0x200: {  	_ =	swait.ge [sflag:s31], $0x640  }
.Ltmp0:
0x201: {  	[sflag:s31] =	ssyncset.done $0x0;
	(pc) =	sbr.rel @p0 .LBB2_2-.Ltmp0, $4  }
0x202: {  	[sflag:s31] =	ssyncadd.s32 $0xFFFFF9C0  }
0x203: {  	[hbm4b:s28+s2] =	stream.linear.scatter [tilespmem:s14], [sflag:$0x3], $0x6400, $0x38;
	[tilespmem:$0x13800] =	vst v63  }
0x204: {  	s30 =	sshra.s32 s12, $0x2;
	_ =	swait.ge [sflag:s23], $0x6400  }
0x205: {  	s1 =	smov.u32 s16;
	s28 =	sadd.s32 $0x1900, s28;
	[sflag:s23] =	ssyncset.done $0x0  }
0x206: {  	s1 =	sadd.s32 $0x700, s30;
	[sflag:s23] =	ssyncadd.s32 $0xFFFF9C00  }
0x207: {  	[tilespmem:s11], [sflag:$0x1] =	stream.indirect.gather [hbm4b:s3+s10], $0x20, s1, s10, $0xb8;
	[tilespmem:$0x13800] =	vst v63  }
0x208: {  	s20 =	sadd.s32 $0x738, s30  }
0x209: {  	[tilespmem:s24], [sflag:$0x1] =	stream.indirect.gather [hbm4b:s3+s10], $0x20, s20, s10, $0xb8;
	[tilespmem:$0x13800] =	vst v63  }
0x20a: {  	s12 =	sadd.s32 $0x770, s30  }
0x20b: {  	[tilespmem:s29], [sflag:$0x1] =	stream.indirect.gather [hbm4b:s3+s10], $0x20, s12, s10, $0xb8;
	[tilespmem:$0x13800] =	vst v63  }
0x20c: {  	s16 =	sadd.s32 $0x7A8, s30  }
0x20d: {  	[tilespmem:s22], [sflag:$0x1] =	stream.indirect.gather [hbm4b:s3+s10], $0x20, s16, s10, $0xb8;
	[tilespmem:$0x13800] =	vst v63  }
0x20e: {  	s20 =	sadd.s32 $0x7E0, s30  }
0x20f: {  	[tilespmem:s0], [sflag:$0x1] =	stream.indirect.gather [hbm4b:s3+s10], $0x20, s20, s10, $0xb8;
	[tilespmem:$0x13800] =	vst v63  }
0x210: {  	s12 =	sadd.s32 $0x818, s30  }
0x211: {  	[tilespmem:s26], [sflag:$0x1] =	stream.indirect.gather [hbm4b:s3+s10], $0x20, s12, s10, $0xb8;
	[tilespmem:$0x13800] =	vst v63  }
0x212: {  	s16 =	sadd.s32 $0x850, s30  }
0x213: {  	[tilespmem:s18], [sflag:$0x1] =	stream.indirect.gather [hbm4b:s3+s10], $0x20, s16, s10, $0xb8;
	[tilespmem:$0x13800] =	vst v63  }
0x214: {  	s20 =	sadd.s32 $0x888, s30  }
0x215: {  	[tilespmem:s4], [sflag:$0x1] =	stream.indirect.gather [hbm4b:s3+s10], $0x20, s20, s10, $0xb8;
	[tilespmem:$0x13800] =	vst v63  }
0x216: {  	s0 =	sadd.s32 $0x8C0, s30  }
0x217: {  	[tilespmem:s6], [sflag:$0x1] =	stream.indirect.gather [hbm4b:s3+s10], $0x20, s0, s10, $0xb8;
	[tilespmem:$0x13800] =	vst v63  }
0x218: {  	s4 =	sadd.s32 $0x8F8, s30  }
0x219: {  	[tilespmem:s7], [sflag:$0x1] =	stream.indirect.gather [hbm4b:s3+s10], $0x20, s4, s10, $0xb8;
	[tilespmem:$0x13800] =	vst v63  }
0x21a: {  	s6 =	sadd.s32 $0x930, s30  }
0x21b: {  	[tilespmem:s5], [sflag:$0x1] =	stream.indirect.gather [hbm4b:s3+s10], $0x20, s6, s10, $0xb8;
	[tilespmem:$0x13800] =	vst v63  }
0x21c: {  	s7 =	sadd.s32 $0x968, s30  }
0x21d: {  	[tilespmem:s9], [sflag:$0x1] =	stream.indirect.gather [hbm4b:s3+s10], $0x20, s7, s10, $0xb8;
	[tilespmem:$0x13800] =	vst v63  }
0x21e: {  	s9 =	sadd.s32 $0x9A0, s30  }
0x21f: {  	[tilespmem:s8], [sflag:$0x1] =	stream.indirect.gather [hbm4b:s3+s10], $0x20, s9, s10, $0xb8;
	[tilespmem:$0x13800] =	vst v63  }
0x220: {  	s12 =	sadd.s32 $0x9D8, s30  }
0x221: {  	[tilespmem:s13], [sflag:$0x1] =	stream.indirect.gather [hbm4b:s3+s10], $0x20, s12, s10, $0xb8;
	[tilespmem:$0x13800] =	vst v63  }
0x222: {  	s13 =	sadd.s32 $0xA10, s30  }
0x223: {  	[tilespmem:s15], [sflag:$0x1] =	stream.indirect.gather [hbm4b:s3+s10], $0x20, s13, s10, $0xb8;
	[tilespmem:$0x13800] =	vst v63  }
0x224: {  	s16 =	sadd.s32 $0xA48, s30  }
0x225: {  	[tilespmem:s17], [sflag:$0x1] =	stream.indirect.gather [hbm4b:s3+s10], $0x20, s16, s10, $0xb8;
	[tilespmem:$0x13800] =	vst v63  }
0x226: {  	_ =	swait.ge [sflag:s31], $0x640  }
0x227: {  	[sflag:s31] =	ssyncset.done $0x0  }
0x228: {  	[sflag:s31] =	ssyncadd.s32 $0xFFFFF9C0  }
0x229: {  	_ =	swait.ge [sflag:s31], $0x640  }
0x22a: {  	[sflag:s31] =	ssyncset.done $0x0  }
0x22b: {  	[sflag:s31] =	ssyncadd.s32 $0xFFFFF9C0  }
0x22c: {  	_ =	swait.ge [sflag:s31], $0x640  }
0x22d: {  	[sflag:s31] =	ssyncset.done $0x0  }
0x22e: {  	[sflag:s31] =	ssyncadd.s32 $0xFFFFF9C0  }
0x22f: {  	_ =	swait.ge [sflag:s31], $0x640  }
0x230: {  	[sflag:s31] =	ssyncset.done $0x0  }
0x231: {  	[sflag:s31] =	ssyncadd.s32 $0xFFFFF9C0  }
0x232: {  	_ =	swait.ge [sflag:s31], $0x640  }
0x233: {  	[sflag:s31] =	ssyncset.done $0x0  }
0x234: {  	[sflag:s31] =	ssyncadd.s32 $0xFFFFF9C0  }
0x235: {  	_ =	swait.ge [sflag:s31], $0x640  }
0x236: {  	[sflag:s31] =	ssyncset.done $0x0  }
0x237: {  	[sflag:s31] =	ssyncadd.s32 $0xFFFFF9C0  }
0x238: {  	_ =	swait.ge [sflag:s31], $0x640  }
0x239: {  	[sflag:s31] =	ssyncset.done $0x0  }
0x23a: {  	[sflag:s31] =	ssyncadd.s32 $0xFFFFF9C0  }
0x23b: {  	_ =	swait.ge [sflag:s31], $0x640  }
0x23c: {  	[sflag:s31] =	ssyncset.done $0x0  }
0x23d: {  	[sflag:s31] =	ssyncadd.s32 $0xFFFFF9C0  }
0x23e: {  	_ =	swait.ge [sflag:s31], $0x640  }
0x23f: {  	[sflag:s31] =	ssyncset.done $0x0  }
0x240: {  	[sflag:s31] =	ssyncadd.s32 $0xFFFFF9C0  }
0x241: {  	_ =	swait.ge [sflag:s31], $0x640  }
0x242: {  	[sflag:s31] =	ssyncset.done $0x0  }
0x243: {  	[sflag:s31] =	ssyncadd.s32 $0xFFFFF9C0  }
0x244: {  	_ =	swait.ge [sflag:s31], $0x640  }
0x245: {  	[sflag:s31] =	ssyncset.done $0x0  }
0x246: {  	[sflag:s31] =	ssyncadd.s32 $0xFFFFF9C0  }
0x247: {  	_ =	swait.ge [sflag:s31], $0x640  }
0x248: {  	[sflag:s31] =	ssyncset.done $0x0  }
0x249: {  	[sflag:s31] =	ssyncadd.s32 $0xFFFFF9C0  }
0x24a: {  	_ =	swait.ge [sflag:s31], $0x640  }
0x24b: {  	[sflag:s31] =	ssyncset.done $0x0  }
0x24c: {  	[sflag:s31] =	ssyncadd.s32 $0xFFFFF9C0  }
0x24d: {  	_ =	swait.ge [sflag:s31], $0x640  }
0x24e: {  	[sflag:s31] =	ssyncset.done $0x0  }
0x24f: {  	[sflag:s31] =	ssyncadd.s32 $0xFFFFF9C0  }
0x250: {  	_ =	swait.ge [sflag:s31], $0x640  }
0x251: {  	[sflag:s31] =	ssyncset.done $0x0  }
0x252: {  	[sflag:s31] =	ssyncadd.s32 $0xFFFFF9C0  }
0x253: {  	_ =	swait.ge [sflag:s31], $0x640  }
0x254: {  	[sflag:s31] =	ssyncset.done $0x0  }
0x255: {  	s20 =	sadd.s32 $0xFFFFF380, s28;
	[sflag:s31] =	ssyncadd.s32 $0xFFFFF9C0  }
0x256: {  	[hbm4b:s20+s2] =	stream.linear.scatter [tilespmem:s11], [sflag:$0x2], $0x6400, $0x38;
	[tilespmem:$0x13800] =	vst v63  }
0x257: {  	_ =	swait.ge [sflag:s25], $0x6400  }
0x258: {  	[sflag:s25] =	ssyncset.done $0x0  }
0x259: {  	s0 =	sadd.s32 $0xA80, s30;
	[sflag:s25] =	ssyncadd.s32 $0xFFFF9C00  }
0x25a: {  	[tilespmem:s14], [sflag:$0x1] =	stream.indirect.gather [hbm4b:s3+s10], $0x20, s0, s10, $0xb8;
	[tilespmem:$0x13800] =	vst v63  }
0x25b: {  	s4 =	sadd.s32 $0xAB8, s30  }
0x25c: {  	[tilespmem:s19], [sflag:$0x1] =	stream.indirect.gather [hbm4b:s3+s10], $0x20, s4, s10, $0xb8;
	[tilespmem:$0x13800] =	vst v63  }
0x25d: {  	s5 =	sadd.s32 $0xAF0, s30  }
0x25e: {  	[tilespmem:s21], [sflag:$0x1] =	stream.indirect.gather [hbm4b:s3+s10], $0x20, s5, s10, $0xb8;
	[tilespmem:$0x13800] =	vst v63  }
0x25f: {  	s6 =	sadd.s32 $0xB28, s30;
	s7 =	simm.s32 $0xE6C0  }
0x260: {  	[tilespmem:s7], [sflag:$0x1] =	stream.indirect.gather [hbm4b:s3+s10], $0x20, s6, s10, $0xb8;
	[tilespmem:$0x13800] =	vst v63  }
0x261: {  	s8 =	sadd.s32 $0xB60, s30;
	s9 =	simm.s32 $0xED00  }
0x262: {  	[tilespmem:s9], [sflag:$0x1] =	stream.indirect.gather [hbm4b:s3+s10], $0x20, s8, s10, $0xb8;
	[tilespmem:$0x13800] =	vst v63  }
0x263: {  	s12 =	sadd.s32 $0xB98, s30;
	s13 =	simm.s32 $0xF340  }
0x264: {  	[tilespmem:s13], [sflag:$0x1] =	stream.indirect.gather [hbm4b:s3+s10], $0x20, s12, s10, $0xb8;
	[tilespmem:$0x13800] =	vst v63  }
0x265: {  	s15 =	sadd.s32 $0xBD0, s30;
	s16 =	simm.s32 $0xF980  }
0x266: {  	[tilespmem:s16], [sflag:$0x1] =	stream.indirect.gather [hbm4b:s3+s10], $0x20, s15, s10, $0xb8;
	[tilespmem:$0x13800] =	vst v63  }
0x267: {  	s17 =	sadd.s32 $0xC08, s30;
	s19 =	simm.s32 $0xFFC0  }
0x268: {  	[tilespmem:s19], [sflag:$0x1] =	stream.indirect.gather [hbm4b:s3+s10], $0x20, s17, s10, $0xb8;
	[tilespmem:$0x13800] =	vst v63  }
0x269: {  	s20 =	sadd.s32 $0xC40, s30;
	s21 =	simm.s32 $0x10600  }
0x26a: {  	[tilespmem:s21], [sflag:$0x1] =	stream.indirect.gather [hbm4b:s3+s10], $0x20, s20, s10, $0xb8;
	[tilespmem:$0x13800] =	vst v63  }
0x26b: {  	s4 =	sadd.s32 $0xC78, s30;
	s5 =	simm.s32 $0x10C40  }
0x26c: {  	[tilespmem:s5], [sflag:$0x1] =	stream.indirect.gather [hbm4b:s3+s10], $0x20, s4, s10, $0xb8;
	[tilespmem:$0x13800] =	vst v63  }
0x26d: {  	s6 =	sadd.s32 $0xCB0, s30;
	s7 =	simm.s32 $0x11280  }
0x26e: {  	[tilespmem:s7], [sflag:$0x1] =	stream.indirect.gather [hbm4b:s3+s10], $0x20, s6, s10, $0xb8;
	[tilespmem:$0x13800] =	vst v63  }
0x26f: {  	s8 =	sadd.s32 $0xCE8, s30;
	s9 =	simm.s32 $0x118C0  }
0x270: {  	[tilespmem:s9], [sflag:$0x1] =	stream.indirect.gather [hbm4b:s3+s10], $0x20, s8, s10, $0xb8;
	[tilespmem:$0x13800] =	vst v63  }
0x271: {  	s12 =	sadd.s32 $0xD20, s30;
	s13 =	simm.s32 $0x11F00  }
0x272: {  	[tilespmem:s13], [sflag:$0x1] =	stream.indirect.gather [hbm4b:s3+s10], $0x20, s12, s10, $0xb8;
	[tilespmem:$0x13800] =	vst v63  }
0x273: {  	s15 =	sadd.s32 $0xD58, s30;
	s16 =	simm.s32 $0x12540  }
0x274: {  	[tilespmem:s16], [sflag:$0x1] =	stream.indirect.gather [hbm4b:s3+s10], $0x20, s15, s10, $0xb8;
	[tilespmem:$0x13800] =	vst v63  }
0x275: {  	s17 =	sadd.s32 $0xD90, s30;
	s19 =	simm.s32 $0x12B80  }
0x276: {  	[tilespmem:s19], [sflag:$0x1] =	stream.indirect.gather [hbm4b:s3+s10], $0x20, s17, s10, $0xb8;
	[tilespmem:$0x13800] =	vst v63  }
0x277: {  	s20 =	sadd.s32 $0xDC8, s30;
	s21 =	simm.s32 $0x131C0  }
0x278: {  	[tilespmem:s21], [sflag:$0x1] =	stream.indirect.gather [hbm4b:s3+s10], $0x20, s20, s10, $0xb8;
	[tilespmem:$0x13800] =	vst v63  }
0x279: {  	_ =	swait.ge [sflag:s31], $0x640  }
0x27a: {  	[sflag:s31] =	ssyncset.done $0x0  }
0x27b: {  	[sflag:s31] =	ssyncadd.s32 $0xFFFFF9C0  }
0x27c: {  	_ =	swait.ge [sflag:s31], $0x640  }
0x27d: {  	[sflag:s31] =	ssyncset.done $0x0  }
0x27e: {  	[sflag:s31] =	ssyncadd.s32 $0xFFFFF9C0  }
0x27f: {  	_ =	swait.ge [sflag:s31], $0x640  }
0x280: {  	[sflag:s31] =	ssyncset.done $0x0  }
0x281: {  	[sflag:s31] =	ssyncadd.s32 $0xFFFFF9C0  }
0x282: {  	_ =	swait.ge [sflag:s31], $0x640  }
0x283: {  	[sflag:s31] =	ssyncset.done $0x0  }
0x284: {  	[sflag:s31] =	ssyncadd.s32 $0xFFFFF9C0  }
0x285: {  	_ =	swait.ge [sflag:s31], $0x640  }
0x286: {  	[sflag:s31] =	ssyncset.done $0x0  }
0x287: {  	[sflag:s31] =	ssyncadd.s32 $0xFFFFF9C0  }
0x288: {  	_ =	swait.ge [sflag:s31], $0x640  }
0x289: {  	[sflag:s31] =	ssyncset.done $0x0  }
0x28a: {  	[sflag:s31] =	ssyncadd.s32 $0xFFFFF9C0  }
0x28b: {  	_ =	swait.ge [sflag:s31], $0x640  }
0x28c: {  	[sflag:s31] =	ssyncset.done $0x0  }
0x28d: {  	[sflag:s31] =	ssyncadd.s32 $0xFFFFF9C0  }
0x28e: {  	_ =	swait.ge [sflag:s31], $0x640  }
0x28f: {  	[sflag:s31] =	ssyncset.done $0x0  }
0x290: {  	[sflag:s31] =	ssyncadd.s32 $0xFFFFF9C0  }
0x291: {  	_ =	swait.ge [sflag:s31], $0x640  }
0x292: {  	[sflag:s31] =	ssyncset.done $0x0  }
0x293: {  	[sflag:s31] =	ssyncadd.s32 $0xFFFFF9C0  }
0x294: {  	_ =	swait.ge [sflag:s31], $0x640  }
0x295: {  	[sflag:s31] =	ssyncset.done $0x0  }
0x296: {  	[sflag:s31] =	ssyncadd.s32 $0xFFFFF9C0  }
0x297: {  	_ =	swait.ge [sflag:s31], $0x640  }
0x298: {  	[sflag:s31] =	ssyncset.done $0x0  }
0x299: {  	[sflag:s31] =	ssyncadd.s32 $0xFFFFF9C0  }
0x29a: {  	_ =	swait.ge [sflag:s31], $0x640  }
0x29b: {  	[sflag:s31] =	ssyncset.done $0x0  }
0x29c: {  	[sflag:s31] =	ssyncadd.s32 $0xFFFFF9C0  }
0x29d: {  	_ =	swait.ge [sflag:s31], $0x640  }
0x29e: {  	[sflag:s31] =	ssyncset.done $0x0  }
0x29f: {  	[sflag:s31] =	ssyncadd.s32 $0xFFFFF9C0  }
0x2a0: {  	_ =	swait.ge [sflag:s31], $0x640  }
0x2a1: {  	[sflag:s31] =	ssyncset.done $0x0  }
0x2a2: {  	[sflag:s31] =	ssyncadd.s32 $0xFFFFF9C0  }
0x2a3: {  	_ =	swait.ge [sflag:s31], $0x640  }
0x2a4: {  	[sflag:s31] =	ssyncset.done $0x0  }
0x2a5: {  	[sflag:s31] =	ssyncadd.s32 $0xFFFFF9C0  }
0x2a6: {  	_ =	swait.ge [sflag:s31], $0x640  }
0x2a7: {  	[sflag:s31] =	ssyncset.done $0x0  }
0x2a8: {  	[sflag:s31] =	ssyncadd.s32 $0xFFFFF9C0  }
0x2a9: {  	[hbm4b:s28+s2] =	stream.linear.scatter [tilespmem:s14], [sflag:$0x3], $0x6400, $0x38;
	[tilespmem:$0x13800] =	vst v63  }
0x2aa: {  	_ =	swait.ge [sflag:s23], $0x6400  }
0x2ab: {  	[sflag:s23] =	ssyncset.done $0x0  }
0x2ac: {  	[sflag:s23] =	ssyncadd.s32 $0xFFFF9C00  }
0x2ad: {  	_ =	swait.ge [sflag:s25], $0x6400  }
0x2ae: {  	s28 =	rddreg [dreg:$0x8]  }
0x2af: {  	s30 =	rddreg [dreg:$0x6];
	s0 =	sadd.s32 $0x1, s28  }
0x2b0: {  	p0 =	sne.s32 s0, s30  }
.Ltmp1:
0x2b1: {  	_ = 	snop;
	(pc) =	sbr.rel @p0 .LBB2_1-.Ltmp1, $3  }
0x2b2: {  	_ =	sdelay $0x1  }
0x2b3: {  	[sflag:s25] =	ssyncset.done $0x0  }
0x2b4: {  	[sflag:s25] =	ssyncadd.s32 $0xFFFF9C00  }
0x2b5: {  	_ =	sfence.sel $0x180000  }
0x2b6: {  	[bflag:$0x0] =	sbarrier.arrive $0xFFFF  }
0x2b7: {  	_ =	strace $0x9000004A  }
0x2b8: {  	s0 =	stileid.u32;
	[bflag:$0x2] =	sbarrier.arrive $0xFFFF  }
0x2b9: {  	p0 =	sne.s32 s0, $0x0;
	s0 =	rddreg [dreg:$0x2]  }
0x2ba: {  	s0 =	sadd.s32 @!p0 $0x100000, s0  }
0x2bb: {  	[sflag:s0] =	ssyncadd.tile.s32 @!p0 $0x1;
	_ =	shalt  }
.Lfunc_end2:
_tile_overlayer_lowered:
.L_overlay_start_2:
0x2bc: {  	(tag) =	ssettag $0x2  }
0x2bd: {  	s0 =	rddreg [dreg:$0x0];
	s2 =	stileid.u32  }
0x2be: {  	s1 =	rddreg [dreg:$0x1];
	p0 =	sne.s32 s2, $0x0  }
0x2bf: {  	s3 =	rddreg [dreg:$0x2];
	[bflag:$0x3] =	sbarrier.arrive $0xFFFF;
	s2 =	simm.s32 @!p0 $0x1C04  }
0x2c0: {  	[timem:s3], [sflag:s2] =	dma.local @!p0 [hbm:s0], s1  }
0x2c1: {  	s0 =	simm.s32 @!p0 $0x4  }
0x2c2: {  	_ =	swait.ge @!p0 [sflag:s0], s1  }
0x2c3: {  	s1 =	ssub.s32 @!p0 $0x0, s1;
	[sflag:s0] =	ssyncset.done @!p0 $0x0  }
0x2c4: {  	[sflag:s0] =	ssyncadd.s32 @!p0 s1  }
0x2c5: {  	[bflag:$0x3] =	sbarrier.arrive $0xFFFF  }
0x2c6: {  	_ =	shalt  }

// kernel: sparse-core-data-format-call.1.cloned.1.call-start
scs
called_computation.1_lowered:
.L_overlay_start_0:
0x0: {  	s2 =	sld [smem:$0x3FD9]  }
0x1: {  	s3 =	sld [smem:$0x3FFE];
	_ =	sdelay $0x1  }
0x2: {  	s1 =	srdreg.scid  }
0x3: {  	s0 =	sand.u32 $0x1, s1  }
0x4: {  	s18 =	sshll.u32 s0, $0xA;
	s2 =	sadd.s32 s3, s2  }
0x5: {  	s2 =	sadd.s32 s2, s18  }
0x6: {  	[smem:$0x3FC6] =	sst s2  }
0x7: {  	_ = 	snop  }
0x8: {  	s2 =	sld [smem:$0x3FC8];
	(tm) =	ssettm $0x1  }
0x9: {  	s19 =	sld [smem:$0x3FFB];
	_ =	sdelay $0x3  }
0xa: {  	_ =	strace s19  }
0xb: {  	s3 =	sld [smem:$0x3FFC];
	_ =	sdelay $0x3  }
0xc: {  	_ =	strace s3  }
0xd: {  	s3 =	sld [smem:$0x3FFD];
	_ =	sdelay $0x3  }
0xe: {  	_ =	strace s3  }
0xf: {  	_ =	strace $0x8FFFFFFF  }
0x10: {  	s20 =	sld [smem:$0x3FDB];
	_ =	sdelay $0x1  }
0x11: {  	s4 =	simm.s32 $_scs_section_size  }
0x12: {  	s5 =	simm.s32 $_size__tile_overlayer_lowered;
	s6 =	simm.s32 $_tile_overlayer_lowered  }
0x13: {  	s23 =	simm.s32 $0x1BFF;
	s22 =	sshll.u32 s6, $0x1;
	s3 =	sadd.s32 s4, s20  }
0x14: {  	s7 =	simm.s32 $0x0;
	s21 =	sshll.u32 s5, $0x1;
	s5 =	sadd.s32 s22, s3  }
0x15: {  	[timem:s7], [sflag:s23] =	dma.local [hbm:s5], s21  }
0x16: {  	_ =	swait.ge [sflag:s23], s21  }
0x17: {  	s4 =	ssub.s32 $0x0, s21;
	[sflag:s23] =	ssyncset.done $0x0  }
0x18: {  	[sflag:s23] =	ssyncadd.s32 s4;
	_ =	sdelay $0x1  }
0x19: {  	s24 =	simm.s32 $0x1B8B  }
0x1a: {  	_ =	swait.ge [sflag:s24], $0x1  }
0x1b: {  	[sflag:s24] =	ssyncset.done $0x0  }
0x1c: {  	s26 =	simm.s32 $0x1B8E;
	s25 =	sld [smem:$0x3FFE];
	[sflag:s24] =	ssyncadd.s32 $0xFFFFFFFF  }
0x1d: {  	s27 =	simm.s32 $execute0_lowered;
	[smem:$0x3FD2] =	sst s26  }
0x1e: {  	s5 =	sshll.u32 s27, $0x1;
	_ =	strace $0x80000046;
	[dreg:$0x1] =	wrdreg $0xFFFFFFFF  }
0x1f: {  	s28 =	simm.s32 $_size_execute0_lowered;
	s3 =	sadd.s32 s3, s5;
	[dreg:$0x0] =	wrdreg $0x0  }
0x20: {  	s5 =	sshll.u32 s28, $0x1;
	[dreg:$0x2] =	wrdreg s3  }
0x21: {  	[dreg:$0x3] =	wrdreg s5  }
0x22: {  	[dreg:$0x4] =	wrdreg $0xC0  }
0x23: {  	_ =	task [dreg:s7], $0x5FFFF  }
0x24: {  	[dreg:$0x1] =	wrdreg $0xFFFFFFFF  }
0x25: {  	[dreg:$0x0] =	wrdreg $0x60  }
0x26: {  	[dreg:$0x2] =	wrdreg s2  }
0x27: {  	[dreg:$0x3] =	wrdreg s25  }
0x28: {  	[dreg:$0x4] =	wrdreg $0x9  }
0x29: {  	_ =	task.clear_ibuf [dreg:s7], $0x5FFFF;
	_ =	strace $0x90000046  }
0x2a: {  	s29 =	simm.s32 $0x9;
	_ =	strace $0x80000048  }
0x2b: {  	_ =	swait.ge [sflag:s29], $0x1  }
0x2c: {  	[sflag:s29] =	ssyncadd.s32 $0xFFFFFFFF  }
0x2d: {  	_ =	strace $0x90000048  }
0x2e: {  	_ =	sfence  }
0x2f: {  	s30 =	sld [smem:$0x0];
	_ =	sdelay $0x2  }
0x30: {  	s31 =	sshll.u32 s1, $0xD;
	s1 =	sshrl.u32 s1, $0x2  }
0x31: {  	s3 =	sand.u32 $0x4000, s31;
	s1 =	sadd.s32 s1, s30  }
0x32: {  	s0 =	sor.u32 s3, s0;
	s1 =	sshll.u32 s1, $0x11  }
0x33: {  	s0 =	sor.u32 s1, s0  }
0x34: {  	s0 =	sadd.s32 $0x8F2B, s0  }
0x35: {  	[sflag:s0] =	ssyncadd.remote.s32 $0x1  }
0x36: {  	_ =	sfence.sel $0xFFFF  }
0x37: {  	[dreg:$0x0] =	wrdreg $0xFFFFFFFF;
	(pc) =	sbr.abs _section_cstart, $3  }
0x38: {  	[dreg:$0x1] =	wrdreg $0xFFFFFFFF  }
0x39: {  	_ =	task.clear_ibuf [dreg:s7], $0x2FFFF;
	_ =	strace $0x9FFFFFFF  }
0x3a: {  	(tm) =	ssettm $0x7FFFFFFF  }
0x3b: {  	_ =	shalt  }
tec
execute0_lowered:
.L_overlay_start_1:
0x0: {  	(tag) =	ssettag $0x1  }
0x1: {  	s0 =	srdreg.scid;
	s2 =	rddreg [dreg:$0x0]  }
0x2: {  	s5 =	rddreg [dreg:$0x1];
	s1 =	stileid.u32  }
0x3: {  	s4 =	simm.s32 $0x1;
	s6 =	simm.s32 $0x2;
	s15 =	simm.s32 $0x0  }
0x4: {  	p0 =	por $0x0, $0x0;
	s8 =	simm.s32 $0x80;
	s0 =	sshll.u32 s0, $0x4  }
0x5: {  	s14 =	simm.s32 $0x0;
	s9 =	simm.s32 $0x0;
	s3 =	sand.u32 $0x10, s0  }
.Ltmp0:
0x6: {  	s10 =	simm.s32 $0x0;
	s3 =	sor.u32 s1, s3;
	(pc) =	sbr.rel .LBB1_1-.Ltmp0, $4  }
0x7: {  	s0 =	rddreg [dreg:$0x2];
	_ =	strace $0x80000047;
	s3 =	sshll.u32 s3, $0x7  }
0x8: {  	s12 =	simm.s32 $0x0;
	[sflag:s4] =	ssyncpa.u1 $0x0;
	s7 =	ssub.s32 $0xF4200, s3  }
0x9: {  	s13 =	simm.s32 $0x0;
	[sflag:s6] =	ssyncpa.u1 $0x0;
	s6 =	sshrl.u32 s7, $0xC  }
0xa: {  	s5 =	sadd.s32 $0xE00, s5;
	s11 =	smov.u32 s3;
	s7 =	sadd.s32 $0x2, s6  }
.LBB1_5:
0xb: {  	p1 =	slt.u32 s13, $0x2  }
0xc: {  	s17 =	smov.u32 s15;
	p2 =	sgt.s32 @!p1 s15, $0xF41C0;
	s16 =	sshra.s32 @!p1 s15, $0x1F  }
0xd: {  	p3 =	sgt.s32 @!p1 s14, $0x60;
	s18 =	sshra.s32 @!p1 s14, $0x1F;
	p2 =	por !p2, p1  }
0xe: {  	s15 =	sand.u32 @!p1 s16, s15;
	p3 =	por !p3, p1;
	s16 =	smov.u32 s14  }
0xf: {  	s14 =	sand.u32 @!p1 s18, s14;
	s17 =	simm.s32 @p2 $0xF41C0;
	s16 =	simm.s32 @p3 $0x60  }
0x10: {  	s15 =	ssub.s32 @!p1 s17, s15;
	s14 =	ssub.s32 @!p1 s16, s14  }
0x11: {  	s18 =	smov.u32 s12;
	s16 =	sadd.s32 @!p1 $0xFFF0BE40, s15;
	s17 =	sadd.s32 @!p1 $0xFFFFFFA0, s14  }
0x12: {  	s15 =	ssub.s32 @!p1 $0xF4240, s15;
	p2 =	sgt.s32 @!p1 s16, $0x7F;
	p3 =	sgt.s32 @!p1 s17, $0x1F  }
0x13: {  	s14 =	ssub.s32 @!p1 $0x80, s14;
	p2 =	por !p2, p1;
	p3 =	por !p3, p1  }
0x14: {  	s16 =	sadd.s32 $0x1000, s11;
	s15 =	simm.s32 @!p2 $0x0;
	s14 =	simm.s32 @!p3 $0x0  }
0x15: {  	p2 =	sgt.s32 s16, $0xF423F;
	s14 =	smul.u32 @!p1 s14, s15;
	s15 =	sadd.s32 $0x20, s12  }
0x16: {  	s18 =	smov.u32 @p2 s15  }
0x17: {  	s16 =	smov.u32 @p2 s3;
	p2 =	sgt.s32 s18, $0x1F  }
0x18: {  	s18 =	simm.s32 @p2 $0x0;
	p2 =	sne.s32 s13, s7  }
.Ltmp1:
0x19: {  	p0 =	por !p0, !p0;
	s17 =	simm.s32 @!p1 $0x2;
	(pc) =	sbr.rel @!p2 .LBB1_6-.Ltmp1, $4  }
0x1a: {  	s15 =	smov.u32 s9;
	s9 =	smov.u32 s11;
	s14 =	sand.u32 @!p1 $0x3FFFFFFF, s14  }
0x1b: {  	s11 =	smov.u32 s16;
	_ =	swait.ge @!p1 [sflag:s17], s14;
	s19 =	ssub.s32 @!p1 $0x0, s14  }
0x1c: {  	s14 =	smov.u32 s10;
	s13 =	sadd.s32 $0x1, s13;
	[sflag:s17] =	ssyncset.done @!p1 $0x0  }
0x1d: {  	s10 =	smov.u32 s12;
	s12 =	smov.u32 s18;
	[sflag:s17] =	ssyncadd.s32 @!p1 s19  }
.LBB1_1:
0x1e: {  	p1 =	sgt.u32 s13, s6  }
0x1f: {  	s16 =	sshrl.u32 @!p1 s12, $0x3  }
0x20: {  	s17 =	sshll.u32 @!p1 s11, $0x3;
	s16 =	smul.u32 @!p1 $0x7A1400, s16  }
0x21: {  	s18 =	sshll.u32 @!p1 s12, $0x7;
	s17 =	sand.u32 @!p1 $0xFFFFFC00, s17  }
0x22: {  	s16 =	sadd.s32 @!p1 s16, s17;
	s17 =	sand.u32 @!p1 $0x380, s18  }
0x23: {  	s18 =	sand.u32 @!p1 $0x7F, s11;
	s16 =	sor.u32 @!p1 s17, s16  }
0x24: {  	s17 =	sor.u32 @!p1 s18, s16  }
0x25: {  	s18 =	smulhi.u32 @!p1 $0x218D6287, s17;
	_ =	sdelay $0x1  }
0x26: {  	s16 =	smulhi.u32 @!p1 $0x218D6287, s16;
	s18 =	sshrl.u32 @!p1 s18, $0x11  }
0x27: {  	s18 =	smul.u32 @!p1 $0xF4280, s18  }
0x28: {  	s19 =	sxor.u32 @!p1 $0xFFFFFFFF, s13;
	s16 =	sshrl.u32 @!p1 s16, $0x11  }
0x29: {  	s19 =	sshll.u32 @!p1 s19, $0xC;
	s16 =	sand.u32 @!p1 $0x1F, s16;
	s17 =	ssub.s32 @!p1 s17, s18  }
0x2a: {  	s16 =	smul.u32 @!p1 $0x1E850, s16;
	s18 =	sshrl.u32 @!p1 s17, $0x3;
	s17 =	sand.u32 @!p1 $0x7, s17  }
0x2b: {  	s19 =	sand.u32 @!p1 $0x1000, s19;
	s18 =	sadd.s32 @!p1 s2, s18;
	s17 =	sshll.u32 @!p1 s17, $0x12  }
0x2c: {  	s16 =	sadd.s32 @!p1 s16, s18;
	s17 =	sor.u32 @!p1 $0x400, s17;
	s18 =	simm.s32 @!p1 $0x7A1400  }
0x2d: {  	[tilespmem:s19], [sflag:$0x1] =	stream.strided.gather @!p1 [hbm4b:s16+s17], $0x1000, s18, s17, $0x38;
	[tilespmem:$0x4100] =	vst v63  }
0x2e: {  	p1 =	seq.s32 s13, $0x0  }
0x2f: {  	p2 =	sge.u32 @!p1 s13, s7  }
0x30: {  	p1 =	por p1, p2  }
.Ltmp2:
0x31: {  	_ = 	snop;
	(pc) =	sbr.rel @p1 .LBB1_5-.Ltmp2, $1  }
0x32: {  	_ =	sdelay $0x3  }
0x33: {  	s16 =	simm.s32 $0x1  }
0x34: {  	_ =	swait.ge [sflag:s4], $0x1000;
	s16 =	simm.s32 @!p0 $0x0  }
0x35: {  	[sflag:s4] =	ssyncset.done $0x0;
	s17 =	sshll.u32 s16, $0xC  }
0x36: {  	[sflag:s4] =	ssyncadd.s32 $0xFFFFF000;
	s17 =	sor.u32 $0x40, s17  }
0x37: {  	s16 =	smul.u32 $0x4200, s16;
	v0 =	vld [tilespmem:s17+$0x30]  }
0x38: {  	v1 =	vld [tilespmem:s17+$0xFFFFFFD0]  }
0x39: {  	s16 =	sshrl.u32 s16, $0x2;
	v5 =	vld [tilespmem:s17+$0xFFFFFFE0]  }
0x3a: {  	v6 =	vld [tilespmem:s17+$0xFFFFFFF0];
	s19 =	sor.u32 $0x2000, s16  }
0x3b: {  	s31 =	sand.u32 $0x1, s13;
	v4 =	vld [tilespmem:s17+$0x0];
	s18 =	sadd.s32 $0x0, s19  }
0x3c: {  	v3 =	vld [tilespmem:s17+$0x10];
	s16 =	smul.u32 $0x4200, s31;
	[tilespmem:s18+$0xE70 ss:$0x21] =	vst.msk $0xffff, v0  }
0x3d: {  	v2 =	vld [tilespmem:s17+$0x20];
	[tilespmem:s18+$0x210 ss:$0x21] =	vst.msk $0xffff, v1  }
0x3e: {  	s16 =	sshrl.u32 s16, $0x2;
	v1 =	vld [tilespmem:s17+$0xFFFFFFC0];
	[tilespmem:s18+$0x420 ss:$0x21] =	vst.msk $0xffff, v5;
	s17 =	sadd.s32 $0x80, s17  }
0x3f: {  	s20 =	simm.s32 $0x4;
	s21 =	simm.s32 $0x8;
	s16 =	sor.u32 $0x2000, s16;
	[tilespmem:s18+$0x630 ss:$0x21] =	vst.msk $0xffff, v6;
	v0 =	vld [tilespmem:s17+$0x30]  }
.LBB1_3:
0x40: {  	p1 =	sne.s32 s21, $0x7C;
	v5 =	vld [tilespmem:s17+$0xFFFFFFD0];
	[tilespmem:s18+$0x840 ss:$0x21] =	vst.msk $0xffff, v4  }
0x41: {  	v6 =	vld [tilespmem:s17+$0xFFFFFFE0];
	[tilespmem:s18+$0xA50 ss:$0x21] =	vst.msk $0xffff, v3  }
0x42: {  	s22 =	sshra.s32 s20, $0x2;
	s20 =	smov.u32 s21;
	v7 =	vld [tilespmem:s17+$0xFFFFFFF0];
	[tilespmem:s18+$0xC60 ss:$0x21] =	vst.msk $0xffff, v2  }
.Ltmp3:
0x43: {  	v4 =	vld [tilespmem:s17+$0x0];
	[tilespmem:s18+$0x0 ss:$0x21] =	vst.msk $0xffff, v1;
	s18 =	sadd.s32 s22, s19;
	(pc) =	sbr.rel @p1 .LBB1_3-.Ltmp3, $4  }
0x44: {  	v3 =	vld [tilespmem:s17+$0x10];
	[tilespmem:s18+$0xE70 ss:$0x21] =	vst.msk $0xffff, v0  }
0x45: {  	[tilespmem:s18+$0x210 ss:$0x21] =	vst.msk $0xffff, v5;
	v2 =	vld [tilespmem:s17+$0x20]  }
0x46: {  	v1 =	vld [tilespmem:s17+$0xFFFFFFC0];
	[tilespmem:s18+$0x420 ss:$0x21] =	vst.msk $0xffff, v6;
	s17 =	sadd.s32 $0x80, s17  }
0x47: {  	s21 =	sadd.s32 $0x4, s21;
	v0 =	vld [tilespmem:s17+$0x30];
	[tilespmem:s18+$0x630 ss:$0x21] =	vst.msk $0xffff, v7  }
0x48: {  	s21 =	sshll.u32 s9, $0x7;
	s22 =	sshll.u32 s10, $0x3;
	s20 =	sshra.s32 s20, $0x2  }
0x49: {  	p1 =	sgt.s32 s9, $0xF41C0;
	s30 =	sshra.s32 s9, $0x1F;
	s25 =	sshra.s32 s10, $0x1F  }
0x4a: {  	v5 =	vld [tilespmem:s17+$0xFFFFFFD0];
	s28 =	sshrl.u32 s10, $0x3;
	s23 =	sand.u32 $0xFFFFFC00, s21;
	s22 =	sand.u32 $0xFFFFFC00, s22  }
0x4b: {  	[tilespmem:s18+$0x840 ss:$0x21] =	vst.msk $0xffff, v4;
	v58 =	vld [tilespmem:s17+$0xFFFFFFE0];
	s21 =	sand.u32 $0x380, s21;
	s19 =	sadd.s32 s20, s19;
	s22 =	sadd.s32 s22, s23  }
0x4c: {  	v59 =	vld [tilespmem:s17+$0xFFFFFFF0];
	[tilespmem:s18+$0xA50 ss:$0x21] =	vst.msk $0xffff, v3;
	s29 =	sor.u32 s21, s22;
	s21 =	smov.u32 s9;
	s22 =	sand.u32 s30, s9  }
0x4d: {  	v60 =	vld [tilespmem:s17+$0x0];
	[tilespmem:s18+$0xC60 ss:$0x21] =	vst.msk $0xffff, v2;
	s30 =	sand.u32 $0x7, s10;
	s20 =	sshrl.u32 s29, $0x7;
	s21 =	simm.s32 @!p1 $0xF41C0  }
0x4e: {  	v61 =	vld [tilespmem:s17+$0x10];
	[tilespmem:s18+$0x0 ss:$0x21] =	vst.msk $0xffff, v1;
	p1 =	sgt.s32 s10, $0x60;
	s24 =	ssub.s32 s21, s22;
	s21 =	smov.u32 s10  }
0x4f: {  	v62 =	vld [tilespmem:s17+$0x20];
	[tilespmem:s19+$0xE70 ss:$0x21] =	vst.msk $0xffff, v0;
	s31 =	smulhi.u32 $0x218DEF5, s20;
	s22 =	sand.u32 s25, s10;
	s21 =	simm.s32 @!p1 $0x60  }
0x50: {  	v63 =	vld [tilespmem:s17+$0xFFFFFFC0];
	[tilespmem:s19+$0x210 ss:$0x21] =	vst.msk $0xffff, v5;
	s26 =	sadd.s32 $0xFFF0BE40, s24;
	s17 =	ssub.s32 $0xF4240, s24;
	s21 =	ssub.s32 s21, s22  }
0x51: {  	[tilespmem:s19+$0x420 ss:$0x21] =	vst.msk $0xffff, v58;
	s23 =	sshrl.u32 s31, $0xD;
	p1 =	sgt.s32 s26, $0x7F;
	s27 =	sadd.s32 $0xFFFFFFA0, s21  }
0x52: {  	[tilespmem:s19+$0x630 ss:$0x21] =	vst.msk $0xffff, v59;
	s23 =	smul.u32 $0xF4240, s23;
	s18 =	ssub.s32 $0x80, s21;
	p2 =	sgt.s32 s27, $0x1F  }
.Ltmp4:
0x53: {  	[tilespmem:s19+$0x840 ss:$0x21] =	vst.msk $0xffff, v60;
	s17 =	simm.s32 @p1 $0x0;
	s18 =	simm.s32 @p2 $0x0;
	(pc) =	sbr.rel .LBB1_5-.Ltmp4, $4  }
0x54: {  	s29 =	sand.u32 $0xF, s28;
	[tilespmem:s19+$0xA50 ss:$0x21] =	vst.msk $0xffff, v61;
	s20 =	ssub.s32 s20, s23;
	s17 =	smul.u32 s18, s17  }
0x55: {  	[tilespmem:s19+$0xC60 ss:$0x21] =	vst.msk $0xffff, v62;
	s21 =	sshll.u32 s30, $0x12;
	s20 =	sshll.u32 s20, $0x4;
	s18 =	sadd.s32 s5, s29  }
0x56: {  	[tilespmem:s19+$0x0 ss:$0x21] =	vst.msk $0xffff, v63;
	s31 =	sor.u32 $0x20, s21;
	s18 =	sadd.s32 s20, s18;
	s17 =	sand.u32 $0x3FFFFFFF, s17  }
0x57: {  	[hbm4b:s18+s31] =	stream.strided.scatter [tilespmem:s16], [sflag:$0x2], s17, s8, s31, $0x10;
	[tilespmem:$0x4100] =	vst v63  }
.LBB1_6:
0x58: {  	_ =	sfence.sel $0x180000  }
0x59: {  	s2 =	simm.s32 $0x1;
	[bflag:$0x0] =	sbarrier.arrive $0xFFFF  }
0x5a: {  	s31 =	simm.s32 $0x2;
	[sflag:s2] =	ssyncpa.u1 $0x1  }
0x5b: {  	[sflag:s31] =	ssyncpa.u1 $0x1  }
0x5c: {  	p0 =	sne.s32 s1, $0x0;
	_ =	strace $0x90000047  }
0x5d: {  	s0 =	sadd.s32 @!p0 $0x100000, s0;
	[bflag:$0x2] =	sbarrier.arrive $0xFFFF  }
0x5e: {  	[sflag:s0] =	ssyncadd.tile.s32 @!p0 $0x1;
	_ =	shalt  }
.Lfunc_end1:
_tile_overlayer_lowered:
.L_overlay_start_2:
0x5f: {  	(tag) =	ssettag $0x2  }
0x60: {  	s0 =	rddreg [dreg:$0x0];
	s2 =	stileid.u32  }
0x61: {  	s1 =	rddreg [dreg:$0x1];
	p0 =	sne.s32 s2, $0x0  }
0x62: {  	s3 =	rddreg [dreg:$0x2];
	[bflag:$0x3] =	sbarrier.arrive $0xFFFF;
	s2 =	simm.s32 @!p0 $0x1C01  }
0x63: {  	[timem:s3], [sflag:s2] =	dma.local @!p0 [hbm:s0], s1  }
0x64: {  	s0 =	simm.s32 @!p0 $0x1  }
0x65: {  	_ =	swait.ge @!p0 [sflag:s0], s1  }
0x66: {  	s1 =	ssub.s32 @!p0 $0x0, s1;
	[sflag:s0] =	ssyncset.done @!p0 $0x0  }
0x67: {  	[sflag:s0] =	ssyncadd.s32 @!p0 s1  }
0x68: {  	[bflag:$0x3] =	sbarrier.arrive $0xFFFF  }
0x69: {  	_ =	shalt  }

// kernel: sparse-core-data-format-call.cloned.1.call-start
scs
called_computation_lowered:
.L_overlay_start_0:
0x0: {  	s2 =	sld [smem:$0x3FD9]  }
0x1: {  	s3 =	sld [smem:$0x3FFE];
	_ =	sdelay $0x1  }
0x2: {  	s1 =	srdreg.scid  }
0x3: {  	s0 =	sand.u32 $0x1, s1  }
0x4: {  	s18 =	sshll.u32 s0, $0xA;
	s2 =	sadd.s32 s3, s2  }
0x5: {  	s2 =	sadd.s32 s2, s18  }
0x6: {  	[smem:$0x3FC6] =	sst s2  }
0x7: {  	_ = 	snop  }
0x8: {  	s2 =	sld [smem:$0x3FD0];
	(tm) =	ssettm $0x1  }
0x9: {  	s19 =	sld [smem:$0x3FFB];
	_ =	sdelay $0x3  }
0xa: {  	_ =	strace s19  }
0xb: {  	s3 =	sld [smem:$0x3FFC];
	_ =	sdelay $0x3  }
0xc: {  	_ =	strace s3  }
0xd: {  	s3 =	sld [smem:$0x3FFD];
	_ =	sdelay $0x3  }
0xe: {  	_ =	strace s3  }
0xf: {  	_ =	strace $0x8FFFFFFF  }
0x10: {  	s20 =	sld [smem:$0x3FDB];
	_ =	sdelay $0x1  }
0x11: {  	s4 =	simm.s32 $_scs_section_size  }
0x12: {  	s5 =	simm.s32 $_size__tile_overlayer_lowered;
	s6 =	simm.s32 $_tile_overlayer_lowered  }
0x13: {  	s23 =	simm.s32 $0x1BFF;
	s22 =	sshll.u32 s6, $0x1;
	s3 =	sadd.s32 s4, s20  }
0x14: {  	s7 =	simm.s32 $0x0;
	s21 =	sshll.u32 s5, $0x1;
	s5 =	sadd.s32 s22, s3  }
0x15: {  	[timem:s7], [sflag:s23] =	dma.local [hbm:s5], s21  }
0x16: {  	_ =	swait.ge [sflag:s23], s21  }
0x17: {  	s4 =	ssub.s32 $0x0, s21;
	[sflag:s23] =	ssyncset.done $0x0  }
0x18: {  	[sflag:s23] =	ssyncadd.s32 s4;
	_ =	sdelay $0x1  }
0x19: {  	s24 =	simm.s32 $0x1B8B  }
0x1a: {  	_ =	swait.ge [sflag:s24], $0x1  }
0x1b: {  	[sflag:s24] =	ssyncset.done $0x0  }
0x1c: {  	s26 =	simm.s32 $0x1B8E;
	s25 =	sld [smem:$0x3FFE];
	[sflag:s24] =	ssyncadd.s32 $0xFFFFFFFF  }
0x1d: {  	s27 =	simm.s32 $execute0_lowered;
	[smem:$0x3FD2] =	sst s26  }
0x1e: {  	s5 =	sshll.u32 s27, $0x1;
	_ =	strace $0x8000004C;
	[dreg:$0x1] =	wrdreg $0xFFFFFFFF  }
0x1f: {  	s28 =	simm.s32 $_size_execute0_lowered;
	s3 =	sadd.s32 s3, s5;
	[dreg:$0x0] =	wrdreg $0x0  }
0x20: {  	s5 =	sshll.u32 s28, $0x1;
	[dreg:$0x2] =	wrdreg s3  }
0x21: {  	[dreg:$0x3] =	wrdreg s5  }
0x22: {  	[dreg:$0x4] =	wrdreg $0xC0  }
0x23: {  	_ =	task [dreg:s7], $0x5FFFF  }
0x24: {  	[dreg:$0x1] =	wrdreg $0xFFFFFFFF  }
0x25: {  	[dreg:$0x0] =	wrdreg $0x60  }
0x26: {  	[dreg:$0x2] =	wrdreg s25  }
0x27: {  	[dreg:$0x3] =	wrdreg s2  }
0x28: {  	[dreg:$0x4] =	wrdreg $0x9  }
0x29: {  	_ =	task.clear_ibuf [dreg:s7], $0x5FFFF;
	_ =	strace $0x9000004C  }
0x2a: {  	s29 =	simm.s32 $0x9;
	_ =	strace $0x8000004E  }
0x2b: {  	_ =	swait.ge [sflag:s29], $0x1  }
0x2c: {  	[sflag:s29] =	ssyncadd.s32 $0xFFFFFFFF  }
0x2d: {  	_ =	strace $0x9000004E  }
0x2e: {  	_ =	sfence  }
0x2f: {  	s30 =	sld [smem:$0x0];
	_ =	sdelay $0x2  }
0x30: {  	s31 =	sshll.u32 s1, $0xD;
	s1 =	sshrl.u32 s1, $0x2  }
0x31: {  	s3 =	sand.u32 $0x4000, s31;
	s1 =	sadd.s32 s1, s30  }
0x32: {  	s0 =	sor.u32 s3, s0;
	s1 =	sshll.u32 s1, $0x11  }
0x33: {  	s0 =	sor.u32 s1, s0  }
0x34: {  	s0 =	sadd.s32 $0x8F2B, s0  }
0x35: {  	[sflag:s0] =	ssyncadd.remote.s32 $0x1  }
0x36: {  	_ =	sfence.sel $0xFFFF  }
0x37: {  	[dreg:$0x0] =	wrdreg $0xFFFFFFFF;
	(pc) =	sbr.abs _section_cstart, $3  }
0x38: {  	[dreg:$0x1] =	wrdreg $0xFFFFFFFF  }
0x39: {  	_ =	task.clear_ibuf [dreg:s7], $0x2FFFF;
	_ =	strace $0x9FFFFFFF  }
0x3a: {  	(tm) =	ssettm $0x7FFFFFFF  }
0x3b: {  	_ =	shalt  }
tec
execute0_lowered:
.L_overlay_start_1:
0x0: {  	(tag) =	ssettag $0x1  }
0x1: {  	s0 =	srdreg.scid  }
0x2: {  	s1 =	sshll.u32 s0, $0x4  }
0x3: {  	s0 =	stileid.u32;
	s1 =	sand.u32 $0x10, s1  }
0x4: {  	s1 =	sor.u32 s0, s1  }
0x5: {  	s6 =	rddreg [dreg:$0x0];
	s4 =	simm.s32 $0x1;
	s2 =	sshll.u32 s1, $0x7  }
0x6: {  	s7 =	simm.s32 $0x2;
	s12 =	simm.s32 $0x0;
	s1 =	ssub.s32 $0x4000, s2  }
0x7: {  	s8 =	simm.s32 $0x20000;
	s13 =	simm.s32 $0x0;
	s3 =	sand.u32 $0xF80, s1  }
0x8: {  	s9 =	simm.s32 $0x0;
	s5 =	sshrl.u32 s1, $0xC;
	p0 =	sne.s32 s3, $0x0  }
.Ltmp0:
0x9: {  	s1 =	rddreg [dreg:$0x2];
	s4 =	simm.s32 @!p0 $0x0;
	(pc) =	sbr.rel .LBB1_1-.Ltmp0, $4  }
0xa: {  	s11 =	simm.s32 $0x0;
	s3 =	rddreg [dreg:$0x1];
	s5 =	sadd.s32 s4, s5  }
0xb: {  	_ =	strace $0x8000004D;
	s4 =	simm.s32 $0x1;
	s5 =	smul.u32 $0x32, s5  }
0xc: {  	s6 =	sadd.s32 $0xE00, s6;
	s10 =	smov.u32 s2;
	[sflag:s4] =	ssyncpa.u1 $0x0  }
0xd: {  	p0 =	por $0x0, $0x0;
	[sflag:s7] =	ssyncpa.u1 $0x0;
	s7 =	sor.u32 $0x1, s5  }
.LBB1_4:
0xe: {  	s16 =	sshll.u32 s13, $0x3;
	s17 =	sand.u32 $0x78, s13  }
0xf: {  	s30 =	sand.u32 $0xF800, s13;
	s12 =	sshll.u32 s12, $0x10;
	s16 =	sand.u32 $0x3C00, s16  }
0x10: {  	s31 =	sand.u32 $0x7, s13;
	s16 =	sor.u32 s17, s16;
	s17 =	sadd.s32 s3, s30  }
0x11: {  	s13 =	sshll.u32 s31, $0x12;
	s16 =	sshrl.u32 s16, $0x3;
	s12 =	sadd.s32 s12, s17  }
0x12: {  	[tilespmem:s15+$0x0 ss:$0x81] =	vst.msk $0xffff, v0;
	s13 =	sor.u32 $0x400, s13;
	s12 =	sadd.s32 s16, s12  }
0x13: {  	[hbm4b:s12+s13] =	stream.strided.scatter [tilespmem:s14], [sflag:$0x2], $0x1000, s8, s13, $0x20;
	[tilespmem:$0x4040] =	vst v63  }
.LBB1_5:
0x14: {  	s14 =	sadd.s32 $0x1, s9  }
0x15: {  	s12 =	sadd.s32 $0x1000, s10;
	s16 =	smov.u32 s10;
	p2 =	sgt.s32 s14, $0x31  }
0x16: {  	s16 =	smov.u32 @p2 s12  }
0x17: {  	s14 =	simm.s32 @p2 $0x0;
	p2 =	sgt.s32 s16, $0x3FFF  }
0x18: {  	s16 =	smov.u32 @p2 s2;
	p2 =	sne.s32 s11, s7  }
.Ltmp1:
0x19: {  	p1 =	slt.u32 s11, $0x2;
	(pc) =	sbr.rel @!p2 .LBB1_6-.Ltmp1, $4  }
0x1a: {  	s15 =	simm.s32 @!p1 $0x2  }
0x1b: {  	s13 =	smov.u32 s10;
	p0 =	por !p0, !p0;
	_ =	swait.ge @!p1 [sflag:s15], $0x1000  }
0x1c: {  	s12 =	smov.u32 s9;
	[sflag:s15] =	ssyncset.done @!p1 $0x0;
	s9 =	smov.u32 s14  }
0x1d: {  	s11 =	sadd.s32 $0x1, s11;
	[sflag:s15] =	ssyncadd.s32 @!p1 $0xFFFFF000;
	s10 =	smov.u32 s16  }
.LBB1_1:
0x1e: {  	p1 =	sge.u32 s11, s5  }
0x1f: {  	s14 =	sand.u32 @!p1 $0x1FFFFFF, s9  }
0x20: {  	s15 =	smulhi.u32 @!p1 $0x4924925, s14;
	_ =	sdelay $0x1  }
0x21: {  	s15 =	smul.u32 @!p1 $0x38, s15  }
0x22: {  	s16 =	sxor.u32 @!p1 $0xFFFFFFFF, s11;
	s17 =	smul.u32 @!p1 $0x380, s10  }
0x23: {  	s31 =	sadd.s32 $0xFFFFFFFF, s11;
	s16 =	sshll.u32 @!p1 s16, $0xC;
	s14 =	ssub.s32 @!p1 s14, s15  }
0x24: {  	s15 =	sand.u32 @!p1 $0x1000, s16;
	s16 =	sadd.s32 @!p1 s6, s17;
	s14 =	sshll.u32 @!p1 s14, $0x4  }
0x25: {  	s17 =	simm.s32 @!p1 $0x1C00;
	s14 =	sadd.s32 @!p1 s14, s16;
	s16 =	simm.s32 @!p1 $0x20  }
0x26: {  	[tilespmem:s15], [sflag:$0x1] =	stream.strided.gather @!p1 [hbm4b:s14+s16], $0x1000, s17, s16, $0x38;
	[tilespmem:$0x4040] =	vst v63  }
0x27: {  	p1 =	sge.u32 s31, s5  }
.Ltmp2:
0x28: {  	_ = 	snop;
	(pc) =	sbr.rel @p1 .LBB1_5-.Ltmp2, $1  }
0x29: {  	_ =	sdelay $0x3  }
0x2a: {  	s14 =	simm.s32 $0x1  }
0x2b: {  	_ =	swait.ge [sflag:s4], $0x1000;
	s14 =	simm.s32 @!p0 $0x0  }
0x2c: {  	[sflag:s4] =	ssyncset.done $0x0;
	s15 =	sshll.u32 s14, $0xC  }
0x2d: {  	[sflag:s4] =	ssyncadd.s32 $0xFFFFF000;
	s18 =	sor.u32 $0x10, s15  }
0x2e: {  	s14 =	smul.u32 $0x4080, s14;
	v1 =	vld [tilespmem:s18+$0x0]  }
0x2f: {  	s30 =	sand.u32 $0x1, s11;
	v0 =	vld [tilespmem:s18+$0xFFFFFFF0]  }
0x30: {  	s15 =	smul.u32 $0x4080, s30;
	s14 =	sshrl.u32 s14, $0x2  }
0x31: {  	s16 =	sor.u32 $0x2000, s14  }
0x32: {  	s31 =	sshrl.u32 s15, $0x2;
	s15 =	sadd.s32 $0x0, s16  }
0x33: {  	s17 =	simm.s32 $0x4;
	s18 =	sadd.s32 $0x20, s18;
	s14 =	sor.u32 $0x2000, s31;
	[tilespmem:s15+$0x810 ss:$0x81] =	vst.msk $0xffff, v1  }
.LBB1_3:
0x34: {  	v1 =	vld [tilespmem:s18+$0x0];
	p1 =	sne.s32 s17, $0x1FC;
	[tilespmem:s15+$0x0 ss:$0x81] =	vst.msk $0xffff, v0;
	s15 =	smov.u32 s17;
	s17 =	sadd.s32 $0x4, s17  }
.Ltmp3:
0x35: {  	v0 =	vld [tilespmem:s18+$0xFFFFFFF0];
	(pc) =	sbr.rel @p1 .LBB1_3-.Ltmp3, $4  }
0x36: {  	_ = 	snop  }
0x37: {  	s15 =	sshra.s32 s15, $0x2  }
0x38: {  	s15 =	sadd.s32 s15, s16  }
0x39: {  	s18 =	sadd.s32 $0x20, s18;
	[tilespmem:s15+$0x810 ss:$0x81] =	vst.msk $0xffff, v1  }
.Ltmp4:
0x3a: {  	_ = 	snop;
	(pc) =	sbr.rel .LBB1_4-.Ltmp4, $1  }
0x3b: {  	_ =	sdelay $0x3  }
.LBB1_6:
0x3c: {  	_ =	sfence.sel $0x180000  }
0x3d: {  	s2 =	simm.s32 $0x1;
	[bflag:$0x0] =	sbarrier.arrive $0xFFFF  }
0x3e: {  	s31 =	simm.s32 $0x2;
	[sflag:s2] =	ssyncpa.u1 $0x1  }
0x3f: {  	[sflag:s31] =	ssyncpa.u1 $0x1  }
0x40: {  	p0 =	sne.s32 s0, $0x0;
	_ =	strace $0x9000004D  }
0x41: {  	s0 =	sadd.s32 @!p0 $0x100000, s1;
	[bflag:$0x2] =	sbarrier.arrive $0xFFFF  }
0x42: {  	[sflag:s0] =	ssyncadd.tile.s32 @!p0 $0x1;
	_ =	shalt  }
.Lfunc_end1:
_tile_overlayer_lowered:
.L_overlay_start_2:
0x43: {  	(tag) =	ssettag $0x2  }
0x44: {  	s0 =	rddreg [dreg:$0x0];
	s2 =	stileid.u32  }
0x45: {  	s1 =	rddreg [dreg:$0x1];
	p0 =	sne.s32 s2, $0x0  }
0x46: {  	s3 =	rddreg [dreg:$0x2];
	[bflag:$0x3] =	sbarrier.arrive $0xFFFF;
	s2 =	simm.s32 @!p0 $0x1C01  }
0x47: {  	[timem:s3], [sflag:s2] =	dma.local @!p0 [hbm:s0], s1  }
0x48: {  	s0 =	simm.s32 @!p0 $0x1  }
0x49: {  	_ =	swait.ge @!p0 [sflag:s0], s1  }
0x4a: {  	s1 =	ssub.s32 @!p0 $0x0, s1;
	[sflag:s0] =	ssyncset.done @!p0 $0x0  }
0x4b: {  	[sflag:s0] =	ssyncadd.s32 @!p0 s1  }
0x4c: {  	[bflag:$0x3] =	sbarrier.arrive $0xFFFF  }
0x4d: {  	_ =	shalt  }

</sc_bundles>
